<compile_context>
chip_gen: v7x
topology: tpu7x:2x2x1
jax: 0.10.2.dev20260603
libtpu: 0.0.44.dev20260713+nightly
codegen_flags: <defaults>
</compile_context>

<pallas_src>
import functools

import jax
import jax.numpy as jnp
from jax import lax
from jax.experimental import pallas as pl
from jax.experimental.pallas import tpu as pltpu
from jax.experimental.pallas import tpu_sc as plsc

U_DIM = 64
NT = 3
VBLK = 32768
RBLK = VBLK // 128


def _tc_project(tblT, wT):
    D, V = tblT.shape
    nblk = pl.cdiv(V, VBLK)

    def body(t_ref, w_ref, o0_ref, o1_ref, o2_ref):
        p = lax.dot_general(w_ref[...], t_ref[...], (((1,), (0,)), ((), ())),
                            preferred_element_type=jnp.float32)
        o0_ref[...] = p[0:1, :].reshape(RBLK, 128)
        o1_ref[...] = p[1:2, :].reshape(RBLK, 128)
        o2_ref[...] = p[2:3, :].reshape(RBLK, 128)

    osd = jax.ShapeDtypeStruct((nblk * RBLK, 128), jnp.float32)
    ospec = pl.BlockSpec((RBLK, 128), lambda g: (g, 0))
    return pl.pallas_call(
        body,
        grid=(nblk,),
        in_specs=[
            pl.BlockSpec((D, VBLK), lambda g: (0, g)),
            pl.BlockSpec((NT, D), lambda g: (0, 0)),
        ],
        out_specs=(ospec, ospec, ospec),
        out_shape=(osd, osd, osd),
    )(tblT, wT)


def _sc_gather(p3, ids):
    B = ids.shape[0]
    info = plsc.get_sparse_core_info()
    NC, NS = info.num_cores, info.num_subcores
    NW = NC * NS
    bpw = B // NW
    nchunk = bpw // 16
    mesh = plsc.VectorSubcoreMesh(core_axis_name="c", subcore_axis_name="s")
    osd = jax.ShapeDtypeStruct((B,), jnp.float32)

    nq = 4
    qs = bpw // nq
    qchunk = qs // 16

    @functools.partial(
        pl.kernel,
        mesh=mesh,
        compiler_params=pltpu.CompilerParams(use_tc_tiling_on_sc=True,
                                             needs_layout_passes=False),
        out_type=(osd,) * NT,
        scratch_types=[
            pltpu.VMEM((bpw,), jnp.int32),
            pltpu.VMEM((bpw,), jnp.int32),
            pltpu.VMEM((bpw,), jnp.int32),
            pltpu.VMEM((qs,), jnp.float32),
            pltpu.VMEM((qs, 128), jnp.float32),
            pltpu.VMEM((qs, 128), jnp.float32),
            pltpu.SemaphoreType.DMA,
            pltpu.SemaphoreType.DMA,
        ],
    )
    def gather_k(p0, p1, p2, id_hbm, e0, e1, e2,
                 ids_v, row_v, lane_v, val_v, rows_a, rows_b, sem_a, sem_b):
        wid = lax.axis_index("s") * NC + lax.axis_index("c")
        base = wid * bpw
        pltpu.sync_copy(id_hbm.at[pl.ds(base, bpw)], ids_v)
        for j in range(nchunk):
            ids16 = ids_v[pl.ds(16 * j, 16)]
            row_v[pl.ds(16 * j, 16)] = ids16 >> 7
            lane_v[pl.ds(16 * j, 16)] = ids16 & 127
        tasks = ((p0, e0), (p1, e1), (p2, e2))
        seq = [(t, q) for t in range(NT) for q in range(nq)]
        bufs = ((rows_a, sem_a), (rows_b, sem_b))

        def fire(k):
            t, q = seq[k]
            buf, sem = bufs[k % 2]
            return pltpu.async_copy(
                tasks[t][0].at[row_v.at[pl.ds(q * qs, qs)]], buf, sem)

        pending = [fire(0), fire(1)]
        for k, (t, q) in enumerate(seq):
            pending[k % 2].wait()
            buf, _ = bufs[k % 2]
            for j in range(qchunk):
                r16 = lax.iota(jnp.int32, 16) + 16 * j
                vals = plsc.load_gather(
                    buf, [r16, lane_v[pl.ds(q * qs + 16 * j, 16)]])
                val_v[pl.ds(16 * j, 16)] = vals
            pltpu.sync_copy(val_v, tasks[t][1].at[pl.ds(base + q * qs, qs)])
            if k + 2 < len(seq):
                pending[k % 2] = fire(k + 2)

    return gather_k(p3[0], p3[1], p3[2], ids)


def _tc_combine(eu, ei, uf, W_ufT, b_uf, W_finalT, b_finalT):
    B, ufd = uf.shape
    blk = 2048
    espec = pl.BlockSpec((blk // 128, 128), lambda i: (i, 0))

    def body(eu0_ref, eu1_ref, eu2_ref, ei0_ref, ei1_ref, ei2_ref,
             uf_ref, wufT_ref, buf_ref, wfT_ref, bfT_ref, out_ref):
        rows = [
            (u_ref[...] + i_ref[...]).reshape(1, blk)
            for u_ref, i_ref in ((eu0_ref, ei0_ref), (eu1_ref, ei1_ref),
                                 (eu2_ref, ei2_ref))
        ]
        emb = jnp.concatenate(rows, axis=0)
        tT = lax.dot_general(wufT_ref[...], uf_ref[...],
                             (((1,), (1,)), ((), ())),
                             preferred_element_type=jnp.float32) + buf_ref[...]
        emb += jnp.dot(wfT_ref[...][:, U_DIM:2 * U_DIM], tT,
                       preferred_element_type=jnp.float32)
        out_ref[...] = emb + bfT_ref[...]

    outT = pl.pallas_call(
        body,
        grid=(B // blk,),
        in_specs=[
            espec, espec, espec, espec, espec, espec,
            pl.BlockSpec((blk, ufd), lambda i: (i, 0)),
            pl.BlockSpec((U_DIM, ufd), lambda i: (0, 0)),
            pl.BlockSpec((U_DIM, 1), lambda i: (0, 0)),
            pl.BlockSpec((NT, 3 * U_DIM), lambda i: (0, 0)),
            pl.BlockSpec((NT, 1), lambda i: (0, 0)),
        ],
        out_specs=pl.BlockSpec((NT, blk), lambda i: (0, i)),
        out_shape=jax.ShapeDtypeStruct((NT, B), jnp.float32),
    )(eu[0].reshape(128, -1), eu[1].reshape(128, -1), eu[2].reshape(128, -1),
      ei[0].reshape(128, -1), ei[1].reshape(128, -1), ei[2].reshape(128, -1),
      uf, W_ufT, b_uf, W_finalT, b_finalT)
    return outT.T


def kernel(user_id, user_features, item_id, user_table, item_table,
           W_uf, b_uf, W_final, b_final):
    uid = user_id.astype(jnp.int32)
    iid = item_id.astype(jnp.int32)
    pi = _tc_project(item_table.T, W_final[2 * U_DIM:, :].T)
    ei = _sc_gather(pi, iid)
    pu = _tc_project(user_table.T, W_final[0:U_DIM, :].T)
    eu = _sc_gather(pu, uid)
    return _tc_combine(eu, ei, user_features, W_uf.T,
                       b_uf.reshape(-1, 1), W_final.T,
                       b_final.reshape(-1, 1))

# --- scband reference (transcript-rebuilt; emitter-appended) ---
"""Pipeline reference for scband-multi-task-estimator-3582002725510 (READ-ONLY COPY).

The authoritative reference and input builder live on the scoring server;
editing this copy changes nothing except your own understanding.
"""

import jax, jax.numpy as jnp
import numpy as np

B = 16384
USER_VOCAB = 1000000
ITEM_VOCAB = 100000
U_DIM = 64
I_DIM = 64
UF_DIM = 128
NUM_TASKS = 3

def setup_inputs(seed: int = 0) -> dict:
    key = jax.random.key(seed)
    ks = jax.random.split(key, 9)
    user_id = jax.random.randint(ks[0], (B,), 0, USER_VOCAB)
    item_id = jax.random.randint(ks[1], (B,), 0, ITEM_VOCAB)
    user_features = jax.random.normal(ks[2], (B, UF_DIM), dtype=jnp.float32)
    user_table = jax.random.normal(ks[3], (USER_VOCAB, U_DIM), dtype=jnp.float32) * 0.02
    item_table = jax.random.normal(ks[4], (ITEM_VOCAB, I_DIM), dtype=jnp.float32) * 0.02
    W_uf = jax.random.normal(ks[5], (UF_DIM, U_DIM), dtype=jnp.float32) * (1.0 / np.sqrt(UF_DIM))
    b_uf = jnp.zeros((U_DIM,), dtype=jnp.float32)
    # NOTE: the concat produces 2*U_DIM + I_DIM features (user_emb, transformed user_features, item_emb)
    W_final = jax.random.normal(ks[6], (2 * U_DIM + I_DIM, NUM_TASKS), dtype=jnp.float32) * (1.0 / np.sqrt(2 * U_DIM + I_DIM))
    b_final = jnp.zeros((NUM_TASKS,), dtype=jnp.float32)
    return {"user_id": user_id, "user_features": user_features, "item_id": item_id,
            "user_table": user_table, "item_table": item_table,
            "W_uf": W_uf, "b_uf": b_uf, "W_final": W_final, "b_final": b_final}

def reference(user_id, user_features, item_id, user_table, item_table, W_uf, b_uf, W_final, b_final):
    user_embedding = jnp.take(user_table, user_id, axis=0)
    item_embedding = jnp.take(item_table, item_id, axis=0)
    user_features_transformed = user_features @ W_uf + b_uf
    combined_features = jnp.concatenate([user_embedding, user_features_transformed, item_embedding], axis=1)
    output = combined_features @ W_final + b_final
    return output

if __name__ == "__main__":
    import jax
    _d = setup_inputs()
    print(jax.jit(kernel)(*tuple(_d.values())))

</pallas_src>

<mosaic_0001>
#map = affine_map<(d0, d1) -> (0, 0)>
#map1 = affine_map<(d0, d1) -> (0)>
module attributes {stable_mosaic.version = 14 : i64} {
  func.func @gather_k(%arg0: i32, %arg1: i32, %arg2: memref<7936x128xf32, #tpu.memory_space<hbm>>, %arg3: memref<7936x128xf32, #tpu.memory_space<hbm>>, %arg4: memref<7936x128xf32, #tpu.memory_space<hbm>>, %arg5: memref<16384xi32, #tpu.memory_space<hbm>>, %arg6: memref<16384xf32, #tpu.memory_space<hbm>>, %arg7: memref<16384xf32, #tpu.memory_space<hbm>>, %arg8: memref<16384xf32, #tpu.memory_space<hbm>>, %arg9: memref<512xi32, #tpu.memory_space<vmem>>, %arg10: memref<512xi32, #tpu.memory_space<vmem>>, %arg11: memref<512xi32, #tpu.memory_space<vmem>>, %arg12: memref<128xf32, #tpu.memory_space<vmem>>, %arg13: memref<128x128xf32, #tpu.memory_space<vmem>>, %arg14: memref<128x128xf32, #tpu.memory_space<vmem>>, %arg15: memref<!tpu.dma_semaphore, #tpu.memory_space<semaphore_mem>>, %arg16: memref<!tpu.dma_semaphore, #tpu.memory_space<semaphore_mem>>) attributes {dimension_semantics = [#tpu.dimension_semantics<core_parallel>, #tpu.dimension_semantics<subcore_parallel>], iteration_bounds = array<i64: 2, 16>, scalar_prefetch = 0 : i64, scratch_operands = 8 : i64, tpu.core_type = #tpu.core_type<sc_vector_subcore>, window_params = [{transform_indices = #map}, {transform_indices = #map}, {transform_indices = #map}, {transform_indices = #map1}, {transform_indices = #map1}, {transform_indices = #map1}, {transform_indices = #map1}]} {
    %mul3A = arith.constant 2 : i32
    %mul3A_0 = arith.muli %arg1, %mul3A : i32
    %add3A = arith.addi %mul3A_0, %arg0 : i32
    %mul3A_1 = arith.constant 512 : i32
    %mul3A_2 = arith.muli %add3A, %mul3A_1 : i32
    "tpu.region"() ({
      %run_scoped3A = tpu.sem_alloc : memref<!tpu.dma_semaphore, #tpu.memory_space<semaphore_mem>>
      %dma_start3A_1387 = tpu.memref_slice %arg5[%mul3A_2] : memref<16384xi32, #tpu.memory_space<hbm>> -> memref<512xi32, #tpu.memory_space<hbm>>
      %dma_start3A_1388 = tpu.memref_slice %arg5[%mul3A_2] : memref<16384xi32, #tpu.memory_space<hbm>> -> memref<512xi32, #tpu.memory_space<hbm>>
      tpu.enqueue_dma source(%dma_start3A_1388 : memref<512xi32, #tpu.memory_space<hbm>>) target(%arg9 : memref<512xi32, #tpu.memory_space<vmem>>) target_semaphore(%run_scoped3A : memref<!tpu.dma_semaphore, #tpu.memory_space<semaphore_mem>>)
      %dma_wait3A_1389 = tpu.memref_slice %arg5[%mul3A_2] : memref<16384xi32, #tpu.memory_space<hbm>> -> memref<512xi32, #tpu.memory_space<hbm>>
      %dma_wait3A_1390 = tpu.memref_slice %arg5[%mul3A_2] : memref<16384xi32, #tpu.memory_space<hbm>> -> memref<512xi32, #tpu.memory_space<hbm>>
      tpu.wait_dma2 semaphore(%run_scoped3A : memref<!tpu.dma_semaphore, #tpu.memory_space<semaphore_mem>>) src(%dma_wait3A_1390 : memref<512xi32, #tpu.memory_space<hbm>>) dst(%arg9 : memref<512xi32, #tpu.memory_space<vmem>>)
      tpu.yield
    }) : () -> ()
    %get3A = arith.constant 0 : index
    %get3A_3 = tpu.vector_load %arg9[%get3A] {strides = array<i32>} : memref<512xi32, #tpu.memory_space<vmem>>, vector<16xi32>,
    %shift_right_arithmetic3A = arith.constant 7 : i32
    %shift_right_arithmetic3A_4 = vector.broadcast %shift_right_arithmetic3A : i32 to vector<16xi32>
    %shift_right_arithmetic3A_5 = arith.shrsi %get3A_3, %shift_right_arithmetic3A_4 : vector<16xi32>
    %swap3A = arith.constant 0 : index
    %swap3A_6 = tpu.vector_load %arg10[%swap3A] {strides = array<i32>} : memref<512xi32, #tpu.memory_space<vmem>>, vector<16xi32>,
    tpu.vector_store %arg10[%swap3A], %shift_right_arithmetic3A_5 {strides = array<i32>} : memref<512xi32, #tpu.memory_space<vmem>>, vector<16xi32>,
    %and3A = arith.constant 127 : i32
    %and3A_7 = vector.broadcast %and3A : i32 to vector<16xi32>
    %and3A_8 = arith.andi %get3A_3, %and3A_7 : vector<16xi32>
    %swap3A_9 = arith.constant 0 : index
    %swap3A_10 = tpu.vector_load %arg11[%swap3A_9] {strides = array<i32>} : memref<512xi32, #tpu.memory_space<vmem>>, vector<16xi32>,
    tpu.vector_store %arg11[%swap3A_9], %and3A_8 {strides = array<i32>} : memref<512xi32, #tpu.memory_space<vmem>>, vector<16xi32>,
    %get3A_11 = arith.constant 16 : index
    %get3A_12 = tpu.vector_load %arg9[%get3A_11] {strides = array<i32>} : memref<512xi32, #tpu.memory_space<vmem>>, vector<16xi32>,
    %shift_right_arithmetic3A_13 = arith.constant 7 : i32
    %shift_right_arithmetic3A_14 = vector.broadcast %shift_right_arithmetic3A_13 : i32 to vector<16xi32>
    %shift_right_arithmetic3A_15 = arith.shrsi %get3A_12, %shift_right_arithmetic3A_14 : vector<16xi32>
    %swap3A_16 = arith.constant 16 : index
    %swap3A_17 = tpu.vector_load %arg10[%swap3A_16] {strides = array<i32>} : memref<512xi32, #tpu.memory_space<vmem>>, vector<16xi32>,
    tpu.vector_store %arg10[%swap3A_16], %shift_right_arithmetic3A_15 {strides = array<i32>} : memref<512xi32, #tpu.memory_space<vmem>>, vector<16xi32>,
    %and3A_18 = arith.constant 127 : i32
    %and3A_19 = vector.broadcast %and3A_18 : i32 to vector<16xi32>
    %and3A_20 = arith.andi %get3A_12, %and3A_19 : vector<16xi32>
    %swap3A_21 = arith.constant 16 : index
    %swap3A_22 = tpu.vector_load %arg11[%swap3A_21] {strides = array<i32>} : memref<512xi32, #tpu.memory_space<vmem>>, vector<16xi32>,
    tpu.vector_store %arg11[%swap3A_21], %and3A_20 {strides = array<i32>} : memref<512xi32, #tpu.memory_space<vmem>>, vector<16xi32>,
    %get3A_23 = arith.constant 32 : index
    %get3A_24 = tpu.vector_load %arg9[%get3A_23] {strides = array<i32>} : memref<512xi32, #tpu.memory_space<vmem>>, vector<16xi32>,
    %shift_right_arithmetic3A_25 = arith.constant 7 : i32
    %shift_right_arithmetic3A_26 = vector.broadcast %shift_right_arithmetic3A_25 : i32 to vector<16xi32>
    %shift_right_arithmetic3A_27 = arith.shrsi %get3A_24, %shift_right_arithmetic3A_26 : vector<16xi32>
    %swap3A_28 = arith.constant 32 : index
    %swap3A_29 = tpu.vector_load %arg10[%swap3A_28] {strides = array<i32>} : memref<512xi32, #tpu.memory_space<vmem>>, vector<16xi32>,
    tpu.vector_store %arg10[%swap3A_28], %shift_right_arithmetic3A_27 {strides = array<i32>} : memref<512xi32, #tpu.memory_space<vmem>>, vector<16xi32>,
    %and3A_30 = arith.constant 127 : i32
    %and3A_31 = vector.broadcast %and3A_30 : i32 to vector<16xi32>
    %and3A_32 = arith.andi %get3A_24, %and3A_31 : vector<16xi32>
    %swap3A_33 = arith.constant 32 : index
    %swap3A_34 = tpu.vector_load %arg11[%swap3A_33] {strides = array<i32>} : memref<512xi32, #tpu.memory_space<vmem>>, vector<16xi32>,
    tpu.vector_store %arg11[%swap3A_33], %and3A_32 {strides = array<i32>} : memref<512xi32, #tpu.memory_space<vmem>>, vector<16xi32>,
    %get3A_35 = arith.constant 48 : index
    %get3A_36 = tpu.vector_load %arg9[%get3A_35] {strides = array<i32>} : memref<512xi32, #tpu.memory_space<vmem>>, vector<16xi32>,
    %shift_right_arithmetic3A_37 = arith.constant 7 : i32
    %shift_right_arithmetic3A_38 = vector.broadcast %shift_right_arithmetic3A_37 : i32 to vector<16xi32>
    %shift_right_arithmetic3A_39 = arith.shrsi %get3A_36, %shift_right_arithmetic3A_38 : vector<16xi32>
    %swap3A_40 = arith.constant 48 : index
    %swap3A_41 = tpu.vector_load %arg10[%swap3A_40] {strides = array<i32>} : memref<512xi32, #tpu.memory_space<vmem>>, vector<16xi32>,
    tpu.vector_store %arg10[%swap3A_40], %shift_right_arithmetic3A_39 {strides = array<i32>} : memref<512xi32, #tpu.memory_space<vmem>>, vector<16xi32>,
    %and3A_42 = arith.constant 127 : i32
    %and3A_43 = vector.broadcast %and3A_42 : i32 to vector<16xi32>
    %and3A_44 = arith.andi %get3A_36, %and3A_43 : vector<16xi32>
    %swap3A_45 = arith.constant 48 : index
    %swap3A_46 = tpu.vector_load %arg11[%swap3A_45] {strides = array<i32>} : memref<512xi32, #tpu.memory_space<vmem>>, vector<16xi32>,
    tpu.vector_store %arg11[%swap3A_45], %and3A_44 {strides = array<i32>} : memref<512xi32, #tpu.memory_space<vmem>>, vector<16xi32>,
    %get3A_47 = arith.constant 64 : index
    %get3A_48 = tpu.vector_load %arg9[%get3A_47] {strides = array<i32>} : memref<512xi32, #tpu.memory_space<vmem>>, vector<16xi32>,
    %shift_right_arithmetic3A_49 = arith.constant 7 : i32
    %shift_right_arithmetic3A_50 = vector.broadcast %shift_right_arithmetic3A_49 : i32 to vector<16xi32>
    %shift_right_arithmetic3A_51 = arith.shrsi %get3A_48, %shift_right_arithmetic3A_50 : vector<16xi32>
    %swap3A_52 = arith.constant 64 : index
    %swap3A_53 = tpu.vector_load %arg10[%swap3A_52] {strides = array<i32>} : memref<512xi32, #tpu.memory_space<vmem>>, vector<16xi32>,
    tpu.vector_store %arg10[%swap3A_52], %shift_right_arithmetic3A_51 {strides = array<i32>} : memref<512xi32, #tpu.memory_space<vmem>>, vector<16xi32>,
    %and3A_54 = arith.constant 127 : i32
    %and3A_55 = vector.broadcast %and3A_54 : i32 to vector<16xi32>
    %and3A_56 = arith.andi %get3A_48, %and3A_55 : vector<16xi32>
    %swap3A_57 = arith.constant 64 : index
    %swap3A_58 = tpu.vector_load %arg11[%swap3A_57] {strides = array<i32>} : memref<512xi32, #tpu.memory_space<vmem>>, vector<16xi32>,
    tpu.vector_store %arg11[%swap3A_57], %and3A_56 {strides = array<i32>} : memref<512xi32, #tpu.memory_space<vmem>>, vector<16xi32>,
    %get3A_59 = arith.constant 80 : index
    %get3A_60 = tpu.vector_load %arg9[%get3A_59] {strides = array<i32>} : memref<512xi32, #tpu.memory_space<vmem>>, vector<16xi32>,
    %shift_right_arithmetic3A_61 = arith.constant 7 : i32
    %shift_right_arithmetic3A_62 = vector.broadcast %shift_right_arithmetic3A_61 : i32 to vector<16xi32>
    %shift_right_arithmetic3A_63 = arith.shrsi %get3A_60, %shift_right_arithmetic3A_62 : vector<16xi32>
    %swap3A_64 = arith.constant 80 : index
    %swap3A_65 = tpu.vector_load %arg10[%swap3A_64] {strides = array<i32>} : memref<512xi32, #tpu.memory_space<vmem>>, vector<16xi32>,
    tpu.vector_store %arg10[%swap3A_64], %shift_right_arithmetic3A_63 {strides = array<i32>} : memref<512xi32, #tpu.memory_space<vmem>>, vector<16xi32>,
    %and3A_66 = arith.constant 127 : i32
    %and3A_67 = vector.broadcast %and3A_66 : i32 to vector<16xi32>
    %and3A_68 = arith.andi %get3A_60, %and3A_67 : vector<16xi32>
    %swap3A_69 = arith.constant 80 : index
    %swap3A_70 = tpu.vector_load %arg11[%swap3A_69] {strides = array<i32>} : memref<512xi32, #tpu.memory_space<vmem>>, vector<16xi32>,
    tpu.vector_store %arg11[%swap3A_69], %and3A_68 {strides = array<i32>} : memref<512xi32, #tpu.memory_space<vmem>>, vector<16xi32>,
    %get3A_71 = arith.constant 96 : index
    %get3A_72 = tpu.vector_load %arg9[%get3A_71] {strides = array<i32>} : memref<512xi32, #tpu.memory_space<vmem>>, vector<16xi32>,
    %shift_right_arithmetic3A_73 = arith.constant 7 : i32
    %shift_right_arithmetic3A_74 = vector.broadcast %shift_right_arithmetic3A_73 : i32 to vector<16xi32>
    %shift_right_arithmetic3A_75 = arith.shrsi %get3A_72, %shift_right_arithmetic3A_74 : vector<16xi32>
    %swap3A_76 = arith.constant 96 : index
    %swap3A_77 = tpu.vector_load %arg10[%swap3A_76] {strides = array<i32>} : memref<512xi32, #tpu.memory_space<vmem>>, vector<16xi32>,
    tpu.vector_store %arg10[%swap3A_76], %shift_right_arithmetic3A_75 {strides = array<i32>} : memref<512xi32, #tpu.memory_space<vmem>>, vector<16xi32>,
    %and3A_78 = arith.constant 127 : i32
    %and3A_79 = vector.broadcast %and3A_78 : i32 to vector<16xi32>
    %and3A_80 = arith.andi %get3A_72, %and3A_79 : vector<16xi32>
    %swap3A_81 = arith.constant 96 : index
    %swap3A_82 = tpu.vector_load %arg11[%swap3A_81] {strides = array<i32>} : memref<512xi32, #tpu.memory_space<vmem>>, vector<16xi32>,
    tpu.vector_store %arg11[%swap3A_81], %and3A_80 {strides = array<i32>} : memref<512xi32, #tpu.memory_space<vmem>>, vector<16xi32>,
    %get3A_83 = arith.constant 112 : index
    %get3A_84 = tpu.vector_load %arg9[%get3A_83] {strides = array<i32>} : memref<512xi32, #tpu.memory_space<vmem>>, vector<16xi32>,
    %shift_right_arithmetic3A_85 = arith.constant 7 : i32
    %shift_right_arithmetic3A_86 = vector.broadcast %shift_right_arithmetic3A_85 : i32 to vector<16xi32>
    %shift_right_arithmetic3A_87 = arith.shrsi %get3A_84, %shift_right_arithmetic3A_86 : vector<16xi32>
    %swap3A_88 = arith.constant 112 : index
    %swap3A_89 = tpu.vector_load %arg10[%swap3A_88] {strides = array<i32>} : memref<512xi32, #tpu.memory_space<vmem>>, vector<16xi32>,
    tpu.vector_store %arg10[%swap3A_88], %shift_right_arithmetic3A_87 {strides = array<i32>} : memref<512xi32, #tpu.memory_space<vmem>>, vector<16xi32>,
    %and3A_90 = arith.constant 127 : i32
    %and3A_91 = vector.broadcast %and3A_90 : i32 to vector<16xi32>
    %and3A_92 = arith.andi %get3A_84, %and3A_91 : vector<16xi32>
    %swap3A_93 = arith.constant 112 : index
    %swap3A_94 = tpu.vector_load %arg11[%swap3A_93] {strides = array<i32>} : memref<512xi32, #tpu.memory_space<vmem>>, vector<16xi32>,
    tpu.vector_store %arg11[%swap3A_93], %and3A_92 {strides = array<i32>} : memref<512xi32, #tpu.memory_space<vmem>>, vector<16xi32>,
    %get3A_95 = arith.constant 128 : index
    %get3A_96 = tpu.vector_load %arg9[%get3A_95] {strides = array<i32>} : memref<512xi32, #tpu.memory_space<vmem>>, vector<16xi32>,
    %shift_right_arithmetic3A_97 = arith.constant 7 : i32
    %shift_right_arithmetic3A_98 = vector.broadcast %shift_right_arithmetic3A_97 : i32 to vector<16xi32>
    %shift_right_arithmetic3A_99 = arith.shrsi %get3A_96, %shift_right_arithmetic3A_98 : vector<16xi32>
    %swap3A_100 = arith.constant 128 : index
    %swap3A_101 = tpu.vector_load %arg10[%swap3A_100] {strides = array<i32>} : memref<512xi32, #tpu.memory_space<vmem>>, vector<16xi32>,
    tpu.vector_store %arg10[%swap3A_100], %shift_right_arithmetic3A_99 {strides = array<i32>} : memref<512xi32, #tpu.memory_space<vmem>>, vector<16xi32>,
    %and3A_102 = arith.constant 127 : i32
    %and3A_103 = vector.broadcast %and3A_102 : i32 to vector<16xi32>
    %and3A_104 = arith.andi %get3A_96, %and3A_103 : vector<16xi32>
    %swap3A_105 = arith.constant 128 : index
    %swap3A_106 = tpu.vector_load %arg11[%swap3A_105] {strides = array<i32>} : memref<512xi32, #tpu.memory_space<vmem>>, vector<16xi32>,
    tpu.vector_store %arg11[%swap3A_105], %and3A_104 {strides = array<i32>} : memref<512xi32, #tpu.memory_space<vmem>>, vector<16xi32>,
    %get3A_107 = arith.constant 144 : index
    %get3A_108 = tpu.vector_load %arg9[%get3A_107] {strides = array<i32>} : memref<512xi32, #tpu.memory_space<vmem>>, vector<16xi32>,
    %shift_right_arithmetic3A_109 = arith.constant 7 : i32
    %shift_right_arithmetic3A_110 = vector.broadcast %shift_right_arithmetic3A_109 : i32 to vector<16xi32>
    %shift_right_arithmetic3A_111 = arith.shrsi %get3A_108, %shift_right_arithmetic3A_110 : vector<16xi32>
    %swap3A_112 = arith.constant 144 : index
    %swap3A_113 = tpu.vector_load %arg10[%swap3A_112] {strides = array<i32>} : memref<512xi32, #tpu.memory_space<vmem>>, vector<16xi32>,
    tpu.vector_store %arg10[%swap3A_112], %shift_right_arithmetic3A_111 {strides = array<i32>} : memref<512xi32, #tpu.memory_space<vmem>>, vector<16xi32>,
    %and3A_114 = arith.constant 127 : i32
    %and3A_115 = vector.broadcast %and3A_114 : i32 to vector<16xi32>
    %and3A_116 = arith.andi %get3A_108, %and3A_115 : vector<16xi32>
    %swap3A_117 = arith.constant 144 : index
    %swap3A_118 = tpu.vector_load %arg11[%swap3A_117] {strides = array<i32>} : memref<512xi32, #tpu.memory_space<vmem>>, vector<16xi32>,
    tpu.vector_store %arg11[%swap3A_117], %and3A_116 {strides = array<i32>} : memref<512xi32, #tpu.memory_space<vmem>>, vector<16xi32>,
    %get3A_119 = arith.constant 160 : index
    %get3A_120 = tpu.vector_load %arg9[%get3A_119] {strides = array<i32>} : memref<512xi32, #tpu.memory_space<vmem>>, vector<16xi32>,
    %shift_right_arithmetic3A_121 = arith.constant 7 : i32
    %shift_right_arithmetic3A_122 = vector.broadcast %shift_right_arithmetic3A_121 : i32 to vector<16xi32>
    %shift_right_arithmetic3A_123 = arith.shrsi %get3A_120, %shift_right_arithmetic3A_122 : vector<16xi32>
    %swap3A_124 = arith.constant 160 : index
    %swap3A_125 = tpu.vector_load %arg10[%swap3A_124] {strides = array<i32>} : memref<512xi32, #tpu.memory_space<vmem>>, vector<16xi32>,
    tpu.vector_store %arg10[%swap3A_124], %shift_right_arithmetic3A_123 {strides = array<i32>} : memref<512xi32, #tpu.memory_space<vmem>>, vector<16xi32>,
    %and3A_126 = arith.constant 127 : i32
    %and3A_127 = vector.broadcast %and3A_126 : i32 to vector<16xi32>
    %and3A_128 = arith.andi %get3A_120, %and3A_127 : vector<16xi32>
    %swap3A_129 = arith.constant 160 : index
    %swap3A_130 = tpu.vector_load %arg11[%swap3A_129] {strides = array<i32>} : memref<512xi32, #tpu.memory_space<vmem>>, vector<16xi32>,
    tpu.vector_store %arg11[%swap3A_129], %and3A_128 {strides = array<i32>} : memref<512xi32, #tpu.memory_space<vmem>>, vector<16xi32>,
    %get3A_131 = arith.constant 176 : index
    %get3A_132 = tpu.vector_load %arg9[%get3A_131] {strides = array<i32>} : memref<512xi32, #tpu.memory_space<vmem>>, vector<16xi32>,
    %shift_right_arithmetic3A_133 = arith.constant 7 : i32
    %shift_right_arithmetic3A_134 = vector.broadcast %shift_right_arithmetic3A_133 : i32 to vector<16xi32>
    %shift_right_arithmetic3A_135 = arith.shrsi %get3A_132, %shift_right_arithmetic3A_134 : vector<16xi32>
    %swap3A_136 = arith.constant 176 : index
    %swap3A_137 = tpu.vector_load %arg10[%swap3A_136] {strides = array<i32>} : memref<512xi32, #tpu.memory_space<vmem>>, vector<16xi32>,
    tpu.vector_store %arg10[%swap3A_136], %shift_right_arithmetic3A_135 {strides = array<i32>} : memref<512xi32, #tpu.memory_space<vmem>>, vector<16xi32>,
    %and3A_138 = arith.constant 127 : i32
    %and3A_139 = vector.broadcast %and3A_138 : i32 to vector<16xi32>
    %and3A_140 = arith.andi %get3A_132, %and3A_139 : vector<16xi32>
    %swap3A_141 = arith.constant 176 : index
    %swap3A_142 = tpu.vector_load %arg11[%swap3A_141] {strides = array<i32>} : memref<512xi32, #tpu.memory_space<vmem>>, vector<16xi32>,
    tpu.vector_store %arg11[%swap3A_141], %and3A_140 {strides = array<i32>} : memref<512xi32, #tpu.memory_space<vmem>>, vector<16xi32>,
    %get3A_143 = arith.constant 192 : index
    %get3A_144 = tpu.vector_load %arg9[%get3A_143] {strides = array<i32>} : memref<512xi32, #tpu.memory_space<vmem>>, vector<16xi32>,
    %shift_right_arithmetic3A_145 = arith.constant 7 : i32
    %shift_right_arithmetic3A_146 = vector.broadcast %shift_right_arithmetic3A_145 : i32 to vector<16xi32>
    %shift_right_arithmetic3A_147 = arith.shrsi %get3A_144, %shift_right_arithmetic3A_146 : vector<16xi32>
    %swap3A_148 = arith.constant 192 : index
    %swap3A_149 = tpu.vector_load %arg10[%swap3A_148] {strides = array<i32>} : memref<512xi32, #tpu.memory_space<vmem>>, vector<16xi32>,
    tpu.vector_store %arg10[%swap3A_148], %shift_right_arithmetic3A_147 {strides = array<i32>} : memref<512xi32, #tpu.memory_space<vmem>>, vector<16xi32>,
    %and3A_150 = arith.constant 127 : i32
    %and3A_151 = vector.broadcast %and3A_150 : i32 to vector<16xi32>
    %and3A_152 = arith.andi %get3A_144, %and3A_151 : vector<16xi32>
    %swap3A_153 = arith.constant 192 : index
    %swap3A_154 = tpu.vector_load %arg11[%swap3A_153] {strides = array<i32>} : memref<512xi32, #tpu.memory_space<vmem>>, vector<16xi32>,
    tpu.vector_store %arg11[%swap3A_153], %and3A_152 {strides = array<i32>} : memref<512xi32, #tpu.memory_space<vmem>>, vector<16xi32>,
    %get3A_155 = arith.constant 208 : index
    %get3A_156 = tpu.vector_load %arg9[%get3A_155] {strides = array<i32>} : memref<512xi32, #tpu.memory_space<vmem>>, vector<16xi32>,
    %shift_right_arithmetic3A_157 = arith.constant 7 : i32
    %shift_right_arithmetic3A_158 = vector.broadcast %shift_right_arithmetic3A_157 : i32 to vector<16xi32>
    %shift_right_arithmetic3A_159 = arith.shrsi %get3A_156, %shift_right_arithmetic3A_158 : vector<16xi32>
    %swap3A_160 = arith.constant 208 : index
    %swap3A_161 = tpu.vector_load %arg10[%swap3A_160] {strides = array<i32>} : memref<512xi32, #tpu.memory_space<vmem>>, vector<16xi32>,
    tpu.vector_store %arg10[%swap3A_160], %shift_right_arithmetic3A_159 {strides = array<i32>} : memref<512xi32, #tpu.memory_space<vmem>>, vector<16xi32>,
    %and3A_162 = arith.constant 127 : i32
    %and3A_163 = vector.broadcast %and3A_162 : i32 to vector<16xi32>
    %and3A_164 = arith.andi %get3A_156, %and3A_163 : vector<16xi32>
    %swap3A_165 = arith.constant 208 : index
    %swap3A_166 = tpu.vector_load %arg11[%swap3A_165] {strides = array<i32>} : memref<512xi32, #tpu.memory_space<vmem>>, vector<16xi32>,
    tpu.vector_store %arg11[%swap3A_165], %and3A_164 {strides = array<i32>} : memref<512xi32, #tpu.memory_space<vmem>>, vector<16xi32>,
    %get3A_167 = arith.constant 224 : index
    %get3A_168 = tpu.vector_load %arg9[%get3A_167] {strides = array<i32>} : memref<512xi32, #tpu.memory_space<vmem>>, vector<16xi32>,
    %shift_right_arithmetic3A_169 = arith.constant 7 : i32
    %shift_right_arithmetic3A_170 = vector.broadcast %shift_right_arithmetic3A_169 : i32 to vector<16xi32>
    %shift_right_arithmetic3A_171 = arith.shrsi %get3A_168, %shift_right_arithmetic3A_170 : vector<16xi32>
    %swap3A_172 = arith.constant 224 : index
    %swap3A_173 = tpu.vector_load %arg10[%swap3A_172] {strides = array<i32>} : memref<512xi32, #tpu.memory_space<vmem>>, vector<16xi32>,
    tpu.vector_store %arg10[%swap3A_172], %shift_right_arithmetic3A_171 {strides = array<i32>} : memref<512xi32, #tpu.memory_space<vmem>>, vector<16xi32>,
    %and3A_174 = arith.constant 127 : i32
    %and3A_175 = vector.broadcast %and3A_174 : i32 to vector<16xi32>
    %and3A_176 = arith.andi %get3A_168, %and3A_175 : vector<16xi32>
    %swap3A_177 = arith.constant 224 : index
    %swap3A_178 = tpu.vector_load %arg11[%swap3A_177] {strides = array<i32>} : memref<512xi32, #tpu.memory_space<vmem>>, vector<16xi32>,
    tpu.vector_store %arg11[%swap3A_177], %and3A_176 {strides = array<i32>} : memref<512xi32, #tpu.memory_space<vmem>>, vector<16xi32>,
    %get3A_179 = arith.constant 240 : index
    %get3A_180 = tpu.vector_load %arg9[%get3A_179] {strides = array<i32>} : memref<512xi32, #tpu.memory_space<vmem>>, vector<16xi32>,
    %shift_right_arithmetic3A_181 = arith.constant 7 : i32
    %shift_right_arithmetic3A_182 = vector.broadcast %shift_right_arithmetic3A_181 : i32 to vector<16xi32>
    %shift_right_arithmetic3A_183 = arith.shrsi %get3A_180, %shift_right_arithmetic3A_182 : vector<16xi32>
    %swap3A_184 = arith.constant 240 : index
    %swap3A_185 = tpu.vector_load %arg10[%swap3A_184] {strides = array<i32>} : memref<512xi32, #tpu.memory_space<vmem>>, vector<16xi32>,
    tpu.vector_store %arg10[%swap3A_184], %shift_right_arithmetic3A_183 {strides = array<i32>} : memref<512xi32, #tpu.memory_space<vmem>>, vector<16xi32>,
    %and3A_186 = arith.constant 127 : i32
    %and3A_187 = vector.broadcast %and3A_186 : i32 to vector<16xi32>
    %and3A_188 = arith.andi %get3A_180, %and3A_187 : vector<16xi32>
    %swap3A_189 = arith.constant 240 : index
    %swap3A_190 = tpu.vector_load %arg11[%swap3A_189] {strides = array<i32>} : memref<512xi32, #tpu.memory_space<vmem>>, vector<16xi32>,
    tpu.vector_store %arg11[%swap3A_189], %and3A_188 {strides = array<i32>} : memref<512xi32, #tpu.memory_space<vmem>>, vector<16xi32>,
    %get3A_191 = arith.constant 256 : index
    %get3A_192 = tpu.vector_load %arg9[%get3A_191] {strides = array<i32>} : memref<512xi32, #tpu.memory_space<vmem>>, vector<16xi32>,
    %shift_right_arithmetic3A_193 = arith.constant 7 : i32
    %shift_right_arithmetic3A_194 = vector.broadcast %shift_right_arithmetic3A_193 : i32 to vector<16xi32>
    %shift_right_arithmetic3A_195 = arith.shrsi %get3A_192, %shift_right_arithmetic3A_194 : vector<16xi32>
    %swap3A_196 = arith.constant 256 : index
    %swap3A_197 = tpu.vector_load %arg10[%swap3A_196] {strides = array<i32>} : memref<512xi32, #tpu.memory_space<vmem>>, vector<16xi32>,
    tpu.vector_store %arg10[%swap3A_196], %shift_right_arithmetic3A_195 {strides = array<i32>} : memref<512xi32, #tpu.memory_space<vmem>>, vector<16xi32>,
    %and3A_198 = arith.constant 127 : i32
    %and3A_199 = vector.broadcast %and3A_198 : i32 to vector<16xi32>
    %and3A_200 = arith.andi %get3A_192, %and3A_199 : vector<16xi32>
    %swap3A_201 = arith.constant 256 : index
    %swap3A_202 = tpu.vector_load %arg11[%swap3A_201] {strides = array<i32>} : memref<512xi32, #tpu.memory_space<vmem>>, vector<16xi32>,
    tpu.vector_store %arg11[%swap3A_201], %and3A_200 {strides = array<i32>} : memref<512xi32, #tpu.memory_space<vmem>>, vector<16xi32>,
    %get3A_203 = arith.constant 272 : index
    %get3A_204 = tpu.vector_load %arg9[%get3A_203] {strides = array<i32>} : memref<512xi32, #tpu.memory_space<vmem>>, vector<16xi32>,
    %shift_right_arithmetic3A_205 = arith.constant 7 : i32
    %shift_right_arithmetic3A_206 = vector.broadcast %shift_right_arithmetic3A_205 : i32 to vector<16xi32>
    %shift_right_arithmetic3A_207 = arith.shrsi %get3A_204, %shift_right_arithmetic3A_206 : vector<16xi32>
    %swap3A_208 = arith.constant 272 : index
    %swap3A_209 = tpu.vector_load %arg10[%swap3A_208] {strides = array<i32>} : memref<512xi32, #tpu.memory_space<vmem>>, vector<16xi32>,
    tpu.vector_store %arg10[%swap3A_208], %shift_right_arithmetic3A_207 {strides = array<i32>} : memref<512xi32, #tpu.memory_space<vmem>>, vector<16xi32>,
    %and3A_210 = arith.constant 127 : i32
    %and3A_211 = vector.broadcast %and3A_210 : i32 to vector<16xi32>
    %and3A_212 = arith.andi %get3A_204, %and3A_211 : vector<16xi32>
    %swap3A_213 = arith.constant 272 : index
    %swap3A_214 = tpu.vector_load %arg11[%swap3A_213] {strides = array<i32>} : memref<512xi32, #tpu.memory_space<vmem>>, vector<16xi32>,
    tpu.vector_store %arg11[%swap3A_213], %and3A_212 {strides = array<i32>} : memref<512xi32, #tpu.memory_space<vmem>>, vector<16xi32>,
    %get3A_215 = arith.constant 288 : index
    %get3A_216 = tpu.vector_load %arg9[%get3A_215] {strides = array<i32>} : memref<512xi32, #tpu.memory_space<vmem>>, vector<16xi32>,
    %shift_right_arithmetic3A_217 = arith.constant 7 : i32
    %shift_right_arithmetic3A_218 = vector.broadcast %shift_right_arithmetic3A_217 : i32 to vector<16xi32>
    %shift_right_arithmetic3A_219 = arith.shrsi %get3A_216, %shift_right_arithmetic3A_218 : vector<16xi32>
    %swap3A_220 = arith.constant 288 : index
    %swap3A_221 = tpu.vector_load %arg10[%swap3A_220] {strides = array<i32>} : memref<512xi32, #tpu.memory_space<vmem>>, vector<16xi32>,
    tpu.vector_store %arg10[%swap3A_220], %shift_right_arithmetic3A_219 {strides = array<i32>} : memref<512xi32, #tpu.memory_space<vmem>>, vector<16xi32>,
    %and3A_222 = arith.constant 127 : i32
    %and3A_223 = vector.broadcast %and3A_222 : i32 to vector<16xi32>
    %and3A_224 = arith.andi %get3A_216, %and3A_223 : vector<16xi32>
    %swap3A_225 = arith.constant 288 : index
    %swap3A_226 = tpu.vector_load %arg11[%swap3A_225] {strides = array<i32>} : memref<512xi32, #tpu.memory_space<vmem>>, vector<16xi32>,
    tpu.vector_store %arg11[%swap3A_225], %and3A_224 {strides = array<i32>} : memref<512xi32, #tpu.memory_space<vmem>>, vector<16xi32>,
    %get3A_227 = arith.constant 304 : index
    %get3A_228 = tpu.vector_load %arg9[%get3A_227] {strides = array<i32>} : memref<512xi32, #tpu.memory_space<vmem>>, vector<16xi32>,
    %shift_right_arithmetic3A_229 = arith.constant 7 : i32
    %shift_right_arithmetic3A_230 = vector.broadcast %shift_right_arithmetic3A_229 : i32 to vector<16xi32>
    %shift_right_arithmetic3A_231 = arith.shrsi %get3A_228, %shift_right_arithmetic3A_230 : vector<16xi32>
    %swap3A_232 = arith.constant 304 : index
    %swap3A_233 = tpu.vector_load %arg10[%swap3A_232] {strides = array<i32>} : memref<512xi32, #tpu.memory_space<vmem>>, vector<16xi32>,
    tpu.vector_store %arg10[%swap3A_232], %shift_right_arithmetic3A_231 {strides = array<i32>} : memref<512xi32, #tpu.memory_space<vmem>>, vector<16xi32>,
    %and3A_234 = arith.constant 127 : i32
    %and3A_235 = vector.broadcast %and3A_234 : i32 to vector<16xi32>
    %and3A_236 = arith.andi %get3A_228, %and3A_235 : vector<16xi32>
    %swap3A_237 = arith.constant 304 : index
    %swap3A_238 = tpu.vector_load %arg11[%swap3A_237] {strides = array<i32>} : memref<512xi32, #tpu.memory_space<vmem>>, vector<16xi32>,
    tpu.vector_store %arg11[%swap3A_237], %and3A_236 {strides = array<i32>} : memref<512xi32, #tpu.memory_space<vmem>>, vector<16xi32>,
    %get3A_239 = arith.constant 320 : index
    %get3A_240 = tpu.vector_load %arg9[%get3A_239] {strides = array<i32>} : memref<512xi32, #tpu.memory_space<vmem>>, vector<16xi32>,
    %shift_right_arithmetic3A_241 = arith.constant 7 : i32
    %shift_right_arithmetic3A_242 = vector.broadcast %shift_right_arithmetic3A_241 : i32 to vector<16xi32>
    %shift_right_arithmetic3A_243 = arith.shrsi %get3A_240, %shift_right_arithmetic3A_242 : vector<16xi32>
    %swap3A_244 = arith.constant 320 : index
    %swap3A_245 = tpu.vector_load %arg10[%swap3A_244] {strides = array<i32>} : memref<512xi32, #tpu.memory_space<vmem>>, vector<16xi32>,
    tpu.vector_store %arg10[%swap3A_244], %shift_right_arithmetic3A_243 {strides = array<i32>} : memref<512xi32, #tpu.memory_space<vmem>>, vector<16xi32>,
    %and3A_246 = arith.constant 127 : i32
    %and3A_247 = vector.broadcast %and3A_246 : i32 to vector<16xi32>
    %and3A_248 = arith.andi %get3A_240, %and3A_247 : vector<16xi32>
    %swap3A_249 = arith.constant 320 : index
    %swap3A_250 = tpu.vector_load %arg11[%swap3A_249] {strides = array<i32>} : memref<512xi32, #tpu.memory_space<vmem>>, vector<16xi32>,
    tpu.vector_store %arg11[%swap3A_249], %and3A_248 {strides = array<i32>} : memref<512xi32, #tpu.memory_space<vmem>>, vector<16xi32>,
    %get3A_251 = arith.constant 336 : index
    %get3A_252 = tpu.vector_load %arg9[%get3A_251] {strides = array<i32>} : memref<512xi32, #tpu.memory_space<vmem>>, vector<16xi32>,
    %shift_right_arithmetic3A_253 = arith.constant 7 : i32
    %shift_right_arithmetic3A_254 = vector.broadcast %shift_right_arithmetic3A_253 : i32 to vector<16xi32>
    %shift_right_arithmetic3A_255 = arith.shrsi %get3A_252, %shift_right_arithmetic3A_254 : vector<16xi32>
    %swap3A_256 = arith.constant 336 : index
    %swap3A_257 = tpu.vector_load %arg10[%swap3A_256] {strides = array<i32>} : memref<512xi32, #tpu.memory_space<vmem>>, vector<16xi32>,
    tpu.vector_store %arg10[%swap3A_256], %shift_right_arithmetic3A_255 {strides = array<i32>} : memref<512xi32, #tpu.memory_space<vmem>>, vector<16xi32>,
    %and3A_258 = arith.constant 127 : i32
    %and3A_259 = vector.broadcast %and3A_258 : i32 to vector<16xi32>
    %and3A_260 = arith.andi %get3A_252, %and3A_259 : vector<16xi32>
    %swap3A_261 = arith.constant 336 : index
    %swap3A_262 = tpu.vector_load %arg11[%swap3A_261] {strides = array<i32>} : memref<512xi32, #tpu.memory_space<vmem>>, vector<16xi32>,
    tpu.vector_store %arg11[%swap3A_261], %and3A_260 {strides = array<i32>} : memref<512xi32, #tpu.memory_space<vmem>>, vector<16xi32>,
    %get3A_263 = arith.constant 352 : index
    %get3A_264 = tpu.vector_load %arg9[%get3A_263] {strides = array<i32>} : memref<512xi32, #tpu.memory_space<vmem>>, vector<16xi32>,
    %shift_right_arithmetic3A_265 = arith.constant 7 : i32
    %shift_right_arithmetic3A_266 = vector.broadcast %shift_right_arithmetic3A_265 : i32 to vector<16xi32>
    %shift_right_arithmetic3A_267 = arith.shrsi %get3A_264, %shift_right_arithmetic3A_266 : vector<16xi32>
    %swap3A_268 = arith.constant 352 : index
    %swap3A_269 = tpu.vector_load %arg10[%swap3A_268] {strides = array<i32>} : memref<512xi32, #tpu.memory_space<vmem>>, vector<16xi32>,
    tpu.vector_store %arg10[%swap3A_268], %shift_right_arithmetic3A_267 {strides = array<i32>} : memref<512xi32, #tpu.memory_space<vmem>>, vector<16xi32>,
    %and3A_270 = arith.constant 127 : i32
    %and3A_271 = vector.broadcast %and3A_270 : i32 to vector<16xi32>
    %and3A_272 = arith.andi %get3A_264, %and3A_271 : vector<16xi32>
    %swap3A_273 = arith.constant 352 : index
    %swap3A_274 = tpu.vector_load %arg11[%swap3A_273] {strides = array<i32>} : memref<512xi32, #tpu.memory_space<vmem>>, vector<16xi32>,
    tpu.vector_store %arg11[%swap3A_273], %and3A_272 {strides = array<i32>} : memref<512xi32, #tpu.memory_space<vmem>>, vector<16xi32>,
    %get3A_275 = arith.constant 368 : index
    %get3A_276 = tpu.vector_load %arg9[%get3A_275] {strides = array<i32>} : memref<512xi32, #tpu.memory_space<vmem>>, vector<16xi32>,
    %shift_right_arithmetic3A_277 = arith.constant 7 : i32
    %shift_right_arithmetic3A_278 = vector.broadcast %shift_right_arithmetic3A_277 : i32 to vector<16xi32>
    %shift_right_arithmetic3A_279 = arith.shrsi %get3A_276, %shift_right_arithmetic3A_278 : vector<16xi32>
    %swap3A_280 = arith.constant 368 : index
    %swap3A_281 = tpu.vector_load %arg10[%swap3A_280] {strides = array<i32>} : memref<512xi32, #tpu.memory_space<vmem>>, vector<16xi32>,
    tpu.vector_store %arg10[%swap3A_280], %shift_right_arithmetic3A_279 {strides = array<i32>} : memref<512xi32, #tpu.memory_space<vmem>>, vector<16xi32>,
    %and3A_282 = arith.constant 127 : i32
    %and3A_283 = vector.broadcast %and3A_282 : i32 to vector<16xi32>
    %and3A_284 = arith.andi %get3A_276, %and3A_283 : vector<16xi32>
    %swap3A_285 = arith.constant 368 : index
    %swap3A_286 = tpu.vector_load %arg11[%swap3A_285] {strides = array<i32>} : memref<512xi32, #tpu.memory_space<vmem>>, vector<16xi32>,
    tpu.vector_store %arg11[%swap3A_285], %and3A_284 {strides = array<i32>} : memref<512xi32, #tpu.memory_space<vmem>>, vector<16xi32>,
    %get3A_287 = arith.constant 384 : index
    %get3A_288 = tpu.vector_load %arg9[%get3A_287] {strides = array<i32>} : memref<512xi32, #tpu.memory_space<vmem>>, vector<16xi32>,
    %shift_right_arithmetic3A_289 = arith.constant 7 : i32
    %shift_right_arithmetic3A_290 = vector.broadcast %shift_right_arithmetic3A_289 : i32 to vector<16xi32>
    %shift_right_arithmetic3A_291 = arith.shrsi %get3A_288, %shift_right_arithmetic3A_290 : vector<16xi32>
    %swap3A_292 = arith.constant 384 : index
    %swap3A_293 = tpu.vector_load %arg10[%swap3A_292] {strides = array<i32>} : memref<512xi32, #tpu.memory_space<vmem>>, vector<16xi32>,
    tpu.vector_store %arg10[%swap3A_292], %shift_right_arithmetic3A_291 {strides = array<i32>} : memref<512xi32, #tpu.memory_space<vmem>>, vector<16xi32>,
    %and3A_294 = arith.constant 127 : i32
    %and3A_295 = vector.broadcast %and3A_294 : i32 to vector<16xi32>
    %and3A_296 = arith.andi %get3A_288, %and3A_295 : vector<16xi32>
    %swap3A_297 = arith.constant 384 : index
    %swap3A_298 = tpu.vector_load %arg11[%swap3A_297] {strides = array<i32>} : memref<512xi32, #tpu.memory_space<vmem>>, vector<16xi32>,
    tpu.vector_store %arg11[%swap3A_297], %and3A_296 {strides = array<i32>} : memref<512xi32, #tpu.memory_space<vmem>>, vector<16xi32>,
    %get3A_299 = arith.constant 400 : index
    %get3A_300 = tpu.vector_load %arg9[%get3A_299] {strides = array<i32>} : memref<512xi32, #tpu.memory_space<vmem>>, vector<16xi32>,
    %shift_right_arithmetic3A_301 = arith.constant 7 : i32
    %shift_right_arithmetic3A_302 = vector.broadcast %shift_right_arithmetic3A_301 : i32 to vector<16xi32>
    %shift_right_arithmetic3A_303 = arith.shrsi %get3A_300, %shift_right_arithmetic3A_302 : vector<16xi32>
    %swap3A_304 = arith.constant 400 : index
    %swap3A_305 = tpu.vector_load %arg10[%swap3A_304] {strides = array<i32>} : memref<512xi32, #tpu.memory_space<vmem>>, vector<16xi32>,
    tpu.vector_store %arg10[%swap3A_304], %shift_right_arithmetic3A_303 {strides = array<i32>} : memref<512xi32, #tpu.memory_space<vmem>>, vector<16xi32>,
    %and3A_306 = arith.constant 127 : i32
    %and3A_307 = vector.broadcast %and3A_306 : i32 to vector<16xi32>
    %and3A_308 = arith.andi %get3A_300, %and3A_307 : vector<16xi32>
    %swap3A_309 = arith.constant 400 : index
    %swap3A_310 = tpu.vector_load %arg11[%swap3A_309] {strides = array<i32>} : memref<512xi32, #tpu.memory_space<vmem>>, vector<16xi32>,
    tpu.vector_store %arg11[%swap3A_309], %and3A_308 {strides = array<i32>} : memref<512xi32, #tpu.memory_space<vmem>>, vector<16xi32>,
    %get3A_311 = arith.constant 416 : index
    %get3A_312 = tpu.vector_load %arg9[%get3A_311] {strides = array<i32>} : memref<512xi32, #tpu.memory_space<vmem>>, vector<16xi32>,
    %shift_right_arithmetic3A_313 = arith.constant 7 : i32
    %shift_right_arithmetic3A_314 = vector.broadcast %shift_right_arithmetic3A_313 : i32 to vector<16xi32>
    %shift_right_arithmetic3A_315 = arith.shrsi %get3A_312, %shift_right_arithmetic3A_314 : vector<16xi32>
    %swap3A_316 = arith.constant 416 : index
    %swap3A_317 = tpu.vector_load %arg10[%swap3A_316] {strides = array<i32>} : memref<512xi32, #tpu.memory_space<vmem>>, vector<16xi32>,
    tpu.vector_store %arg10[%swap3A_316], %shift_right_arithmetic3A_315 {strides = array<i32>} : memref<512xi32, #tpu.memory_space<vmem>>, vector<16xi32>,
    %and3A_318 = arith.constant 127 : i32
    %and3A_319 = vector.broadcast %and3A_318 : i32 to vector<16xi32>
    %and3A_320 = arith.andi %get3A_312, %and3A_319 : vector<16xi32>
    %swap3A_321 = arith.constant 416 : index
    %swap3A_322 = tpu.vector_load %arg11[%swap3A_321] {strides = array<i32>} : memref<512xi32, #tpu.memory_space<vmem>>, vector<16xi32>,
    tpu.vector_store %arg11[%swap3A_321], %and3A_320 {strides = array<i32>} : memref<512xi32, #tpu.memory_space<vmem>>, vector<16xi32>,
    %get3A_323 = arith.constant 432 : index
    %get3A_324 = tpu.vector_load %arg9[%get3A_323] {strides = array<i32>} : memref<512xi32, #tpu.memory_space<vmem>>, vector<16xi32>,
    %shift_right_arithmetic3A_325 = arith.constant 7 : i32
    %shift_right_arithmetic3A_326 = vector.broadcast %shift_right_arithmetic3A_325 : i32 to vector<16xi32>
    %shift_right_arithmetic3A_327 = arith.shrsi %get3A_324, %shift_right_arithmetic3A_326 : vector<16xi32>
    %swap3A_328 = arith.constant 432 : index
    %swap3A_329 = tpu.vector_load %arg10[%swap3A_328] {strides = array<i32>} : memref<512xi32, #tpu.memory_space<vmem>>, vector<16xi32>,
    tpu.vector_store %arg10[%swap3A_328], %shift_right_arithmetic3A_327 {strides = array<i32>} : memref<512xi32, #tpu.memory_space<vmem>>, vector<16xi32>,
    %and3A_330 = arith.constant 127 : i32
    %and3A_331 = vector.broadcast %and3A_330 : i32 to vector<16xi32>
    %and3A_332 = arith.andi %get3A_324, %and3A_331 : vector<16xi32>
    %swap3A_333 = arith.constant 432 : index
    %swap3A_334 = tpu.vector_load %arg11[%swap3A_333] {strides = array<i32>} : memref<512xi32, #tpu.memory_space<vmem>>, vector<16xi32>,
    tpu.vector_store %arg11[%swap3A_333], %and3A_332 {strides = array<i32>} : memref<512xi32, #tpu.memory_space<vmem>>, vector<16xi32>,
    %get3A_335 = arith.constant 448 : index
    %get3A_336 = tpu.vector_load %arg9[%get3A_335] {strides = array<i32>} : memref<512xi32, #tpu.memory_space<vmem>>, vector<16xi32>,
    %shift_right_arithmetic3A_337 = arith.constant 7 : i32
    %shift_right_arithmetic3A_338 = vector.broadcast %shift_right_arithmetic3A_337 : i32 to vector<16xi32>
    %shift_right_arithmetic3A_339 = arith.shrsi %get3A_336, %shift_right_arithmetic3A_338 : vector<16xi32>
    %swap3A_340 = arith.constant 448 : index
    %swap3A_341 = tpu.vector_load %arg10[%swap3A_340] {strides = array<i32>} : memref<512xi32, #tpu.memory_space<vmem>>, vector<16xi32>,
    tpu.vector_store %arg10[%swap3A_340], %shift_right_arithmetic3A_339 {strides = array<i32>} : memref<512xi32, #tpu.memory_space<vmem>>, vector<16xi32>,
    %and3A_342 = arith.constant 127 : i32
    %and3A_343 = vector.broadcast %and3A_342 : i32 to vector<16xi32>
    %and3A_344 = arith.andi %get3A_336, %and3A_343 : vector<16xi32>
    %swap3A_345 = arith.constant 448 : index
    %swap3A_346 = tpu.vector_load %arg11[%swap3A_345] {strides = array<i32>} : memref<512xi32, #tpu.memory_space<vmem>>, vector<16xi32>,
    tpu.vector_store %arg11[%swap3A_345], %and3A_344 {strides = array<i32>} : memref<512xi32, #tpu.memory_space<vmem>>, vector<16xi32>,
    %get3A_347 = arith.constant 464 : index
    %get3A_348 = tpu.vector_load %arg9[%get3A_347] {strides = array<i32>} : memref<512xi32, #tpu.memory_space<vmem>>, vector<16xi32>,
    %shift_right_arithmetic3A_349 = arith.constant 7 : i32
    %shift_right_arithmetic3A_350 = vector.broadcast %shift_right_arithmetic3A_349 : i32 to vector<16xi32>
    %shift_right_arithmetic3A_351 = arith.shrsi %get3A_348, %shift_right_arithmetic3A_350 : vector<16xi32>
    %swap3A_352 = arith.constant 464 : index
    %swap3A_353 = tpu.vector_load %arg10[%swap3A_352] {strides = array<i32>} : memref<512xi32, #tpu.memory_space<vmem>>, vector<16xi32>,
    tpu.vector_store %arg10[%swap3A_352], %shift_right_arithmetic3A_351 {strides = array<i32>} : memref<512xi32, #tpu.memory_space<vmem>>, vector<16xi32>,
    %and3A_354 = arith.constant 127 : i32
    %and3A_355 = vector.broadcast %and3A_354 : i32 to vector<16xi32>
    %and3A_356 = arith.andi %get3A_348, %and3A_355 : vector<16xi32>
    %swap3A_357 = arith.constant 464 : index
    %swap3A_358 = tpu.vector_load %arg11[%swap3A_357] {strides = array<i32>} : memref<512xi32, #tpu.memory_space<vmem>>, vector<16xi32>,
    tpu.vector_store %arg11[%swap3A_357], %and3A_356 {strides = array<i32>} : memref<512xi32, #tpu.memory_space<vmem>>, vector<16xi32>,
    %get3A_359 = arith.constant 480 : index
    %get3A_360 = tpu.vector_load %arg9[%get3A_359] {strides = array<i32>} : memref<512xi32, #tpu.memory_space<vmem>>, vector<16xi32>,
    %shift_right_arithmetic3A_361 = arith.constant 7 : i32
    %shift_right_arithmetic3A_362 = vector.broadcast %shift_right_arithmetic3A_361 : i32 to vector<16xi32>
    %shift_right_arithmetic3A_363 = arith.shrsi %get3A_360, %shift_right_arithmetic3A_362 : vector<16xi32>
    %swap3A_364 = arith.constant 480 : index
    %swap3A_365 = tpu.vector_load %arg10[%swap3A_364] {strides = array<i32>} : memref<512xi32, #tpu.memory_space<vmem>>, vector<16xi32>,
    tpu.vector_store %arg10[%swap3A_364], %shift_right_arithmetic3A_363 {strides = array<i32>} : memref<512xi32, #tpu.memory_space<vmem>>, vector<16xi32>,
    %and3A_366 = arith.constant 127 : i32
    %and3A_367 = vector.broadcast %and3A_366 : i32 to vector<16xi32>
    %and3A_368 = arith.andi %get3A_360, %and3A_367 : vector<16xi32>
    %swap3A_369 = arith.constant 480 : index
    %swap3A_370 = tpu.vector_load %arg11[%swap3A_369] {strides = array<i32>} : memref<512xi32, #tpu.memory_space<vmem>>, vector<16xi32>,
    tpu.vector_store %arg11[%swap3A_369], %and3A_368 {strides = array<i32>} : memref<512xi32, #tpu.memory_space<vmem>>, vector<16xi32>,
    %get3A_371 = arith.constant 496 : index
    %get3A_372 = tpu.vector_load %arg9[%get3A_371] {strides = array<i32>} : memref<512xi32, #tpu.memory_space<vmem>>, vector<16xi32>,
    %shift_right_arithmetic3A_373 = arith.constant 7 : i32
    %shift_right_arithmetic3A_374 = vector.broadcast %shift_right_arithmetic3A_373 : i32 to vector<16xi32>
    %shift_right_arithmetic3A_375 = arith.shrsi %get3A_372, %shift_right_arithmetic3A_374 : vector<16xi32>
    %swap3A_376 = arith.constant 496 : index
    %swap3A_377 = tpu.vector_load %arg10[%swap3A_376] {strides = array<i32>} : memref<512xi32, #tpu.memory_space<vmem>>, vector<16xi32>,
    tpu.vector_store %arg10[%swap3A_376], %shift_right_arithmetic3A_375 {strides = array<i32>} : memref<512xi32, #tpu.memory_space<vmem>>, vector<16xi32>,
    %and3A_378 = arith.constant 127 : i32
    %and3A_379 = vector.broadcast %and3A_378 : i32 to vector<16xi32>
    %and3A_380 = arith.andi %get3A_372, %and3A_379 : vector<16xi32>
    %swap3A_381 = arith.constant 496 : index
    %swap3A_382 = tpu.vector_load %arg11[%swap3A_381] {strides = array<i32>} : memref<512xi32, #tpu.memory_space<vmem>>, vector<16xi32>,
    tpu.vector_store %arg11[%swap3A_381], %and3A_380 {strides = array<i32>} : memref<512xi32, #tpu.memory_space<vmem>>, vector<16xi32>,
    %dma_start3A = arith.constant 0 : i32
    %dma_start3A_383 = tpu.memref_slice %arg10[%dma_start3A] : memref<512xi32, #tpu.memory_space<vmem>> -> memref<128xi32, #tpu.memory_space<vmem>>
    %dma_start3A_384 = arith.constant 0 : i32
    %dma_start3A_385 = arith.constant 0 : i32
    %dma_start3A_386 = tpu.memref_slice %arg2[%dma_start3A_384, %dma_start3A_385] : memref<7936x128xf32, #tpu.memory_space<hbm>> -> memref<7936x128xf32, #tpu.memory_space<hbm>>
    tpu.enqueue_indirect_dma source(%dma_start3A_386 : memref<7936x128xf32, #tpu.memory_space<hbm>>) target(%arg13 : memref<128x128xf32, #tpu.memory_space<vmem>>) offsets(%dma_start3A_383 : memref<128xi32, #tpu.memory_space<vmem>>) semaphore(%arg15 : memref<!tpu.dma_semaphore, #tpu.memory_space<semaphore_mem>>)
    %dma_start3A_387 = arith.constant 128 : i32
    %dma_start3A_388 = tpu.memref_slice %arg10[%dma_start3A_387] : memref<512xi32, #tpu.memory_space<vmem>> -> memref<128xi32, #tpu.memory_space<vmem>>
    %dma_start3A_389 = arith.constant 0 : i32
    %dma_start3A_390 = arith.constant 0 : i32
    %dma_start3A_391 = tpu.memref_slice %arg2[%dma_start3A_389, %dma_start3A_390] : memref<7936x128xf32, #tpu.memory_space<hbm>> -> memref<7936x128xf32, #tpu.memory_space<hbm>>
    tpu.enqueue_indirect_dma source(%dma_start3A_391 : memref<7936x128xf32, #tpu.memory_space<hbm>>) target(%arg14 : memref<128x128xf32, #tpu.memory_space<vmem>>) offsets(%dma_start3A_388 : memref<128xi32, #tpu.memory_space<vmem>>) semaphore(%arg16 : memref<!tpu.dma_semaphore, #tpu.memory_space<semaphore_mem>>)
    %dma_wait3A = arith.constant 0 : i32
    %dma_wait3A_392 = tpu.memref_slice %arg10[%dma_wait3A] : memref<512xi32, #tpu.memory_space<vmem>> -> memref<128xi32, #tpu.memory_space<vmem>>
    %dma_wait3A_393 = arith.constant 0 : i32
    %dma_wait3A_394 = arith.constant 0 : i32
    %dma_wait3A_395 = tpu.memref_slice %arg2[%dma_wait3A_393, %dma_wait3A_394] : memref<7936x128xf32, #tpu.memory_space<hbm>> -> memref<7936x128xf32, #tpu.memory_space<hbm>>
    tpu.wait_indirect_dma semaphore(%arg15 : memref<!tpu.dma_semaphore, #tpu.memory_space<semaphore_mem>>) src(%dma_wait3A_395 : memref<7936x128xf32, #tpu.memory_space<hbm>>) dst(%arg13 : memref<128x128xf32, #tpu.memory_space<vmem>>)
    %iota3A = tpu.iota {dimensions = array<i32: 0>} : vector<16xi32>
    %add3A_396 = arith.constant 0 : i32
    %add3A_397 = vector.broadcast %add3A_396 : i32 to vector<16xi32>
    %add3A_398 = arith.addi %iota3A, %add3A_397 : vector<16xi32>
    %get3A_399 = arith.constant 0 : index
    %get3A_400 = tpu.vector_load %arg11[%get3A_399] {strides = array<i32>} : memref<512xi32, #tpu.memory_space<vmem>>, vector<16xi32>,
    %gather3A = tpu.vector_load_idx %arg13[%add3A_398, %get3A_400] : memref<128x128xf32, #tpu.memory_space<vmem>>[vector<16xi32>, vector<16xi32>], vector<16xf32>,
    %swap3A_401 = arith.constant 0 : index
    %swap3A_402 = tpu.vector_load %arg12[%swap3A_401] {strides = array<i32>} : memref<128xf32, #tpu.memory_space<vmem>>, vector<16xf32>,
    tpu.vector_store %arg12[%swap3A_401], %gather3A {strides = array<i32>} : memref<128xf32, #tpu.memory_space<vmem>>, vector<16xf32>,
    %iota3A_403 = tpu.iota {dimensions = array<i32: 0>} : vector<16xi32>
    %add3A_404 = arith.constant 16 : i32
    %add3A_405 = vector.broadcast %add3A_404 : i32 to vector<16xi32>
    %add3A_406 = arith.addi %iota3A_403, %add3A_405 : vector<16xi32>
    %get3A_407 = arith.constant 16 : index
    %get3A_408 = tpu.vector_load %arg11[%get3A_407] {strides = array<i32>} : memref<512xi32, #tpu.memory_space<vmem>>, vector<16xi32>,
    %gather3A_409 = tpu.vector_load_idx %arg13[%add3A_406, %get3A_408] : memref<128x128xf32, #tpu.memory_space<vmem>>[vector<16xi32>, vector<16xi32>], vector<16xf32>,
    %swap3A_410 = arith.constant 16 : index
    %swap3A_411 = tpu.vector_load %arg12[%swap3A_410] {strides = array<i32>} : memref<128xf32, #tpu.memory_space<vmem>>, vector<16xf32>,
    tpu.vector_store %arg12[%swap3A_410], %gather3A_409 {strides = array<i32>} : memref<128xf32, #tpu.memory_space<vmem>>, vector<16xf32>,
    %iota3A_412 = tpu.iota {dimensions = array<i32: 0>} : vector<16xi32>
    %add3A_413 = arith.constant 32 : i32
    %add3A_414 = vector.broadcast %add3A_413 : i32 to vector<16xi32>
    %add3A_415 = arith.addi %iota3A_412, %add3A_414 : vector<16xi32>
    %get3A_416 = arith.constant 32 : index
    %get3A_417 = tpu.vector_load %arg11[%get3A_416] {strides = array<i32>} : memref<512xi32, #tpu.memory_space<vmem>>, vector<16xi32>,
    %gather3A_418 = tpu.vector_load_idx %arg13[%add3A_415, %get3A_417] : memref<128x128xf32, #tpu.memory_space<vmem>>[vector<16xi32>, vector<16xi32>], vector<16xf32>,
    %swap3A_419 = arith.constant 32 : index
    %swap3A_420 = tpu.vector_load %arg12[%swap3A_419] {strides = array<i32>} : memref<128xf32, #tpu.memory_space<vmem>>, vector<16xf32>,
    tpu.vector_store %arg12[%swap3A_419], %gather3A_418 {strides = array<i32>} : memref<128xf32, #tpu.memory_space<vmem>>, vector<16xf32>,
    %iota3A_421 = tpu.iota {dimensions = array<i32: 0>} : vector<16xi32>
    %add3A_422 = arith.constant 48 : i32
    %add3A_423 = vector.broadcast %add3A_422 : i32 to vector<16xi32>
    %add3A_424 = arith.addi %iota3A_421, %add3A_423 : vector<16xi32>
    %get3A_425 = arith.constant 48 : index
    %get3A_426 = tpu.vector_load %arg11[%get3A_425] {strides = array<i32>} : memref<512xi32, #tpu.memory_space<vmem>>, vector<16xi32>,
    %gather3A_427 = tpu.vector_load_idx %arg13[%add3A_424, %get3A_426] : memref<128x128xf32, #tpu.memory_space<vmem>>[vector<16xi32>, vector<16xi32>], vector<16xf32>,
    %swap3A_428 = arith.constant 48 : index
    %swap3A_429 = tpu.vector_load %arg12[%swap3A_428] {strides = array<i32>} : memref<128xf32, #tpu.memory_space<vmem>>, vector<16xf32>,
    tpu.vector_store %arg12[%swap3A_428], %gather3A_427 {strides = array<i32>} : memref<128xf32, #tpu.memory_space<vmem>>, vector<16xf32>,
    %iota3A_430 = tpu.iota {dimensions = array<i32: 0>} : vector<16xi32>
    %add3A_431 = arith.constant 64 : i32
    %add3A_432 = vector.broadcast %add3A_431 : i32 to vector<16xi32>
    %add3A_433 = arith.addi %iota3A_430, %add3A_432 : vector<16xi32>
    %get3A_434 = arith.constant 64 : index
    %get3A_435 = tpu.vector_load %arg11[%get3A_434] {strides = array<i32>} : memref<512xi32, #tpu.memory_space<vmem>>, vector<16xi32>,
    %gather3A_436 = tpu.vector_load_idx %arg13[%add3A_433, %get3A_435] : memref<128x128xf32, #tpu.memory_space<vmem>>[vector<16xi32>, vector<16xi32>], vector<16xf32>,
    %swap3A_437 = arith.constant 64 : index
    %swap3A_438 = tpu.vector_load %arg12[%swap3A_437] {strides = array<i32>} : memref<128xf32, #tpu.memory_space<vmem>>, vector<16xf32>,
    tpu.vector_store %arg12[%swap3A_437], %gather3A_436 {strides = array<i32>} : memref<128xf32, #tpu.memory_space<vmem>>, vector<16xf32>,
    %iota3A_439 = tpu.iota {dimensions = array<i32: 0>} : vector<16xi32>
    %add3A_440 = arith.constant 80 : i32
    %add3A_441 = vector.broadcast %add3A_440 : i32 to vector<16xi32>
    %add3A_442 = arith.addi %iota3A_439, %add3A_441 : vector<16xi32>
    %get3A_443 = arith.constant 80 : index
    %get3A_444 = tpu.vector_load %arg11[%get3A_443] {strides = array<i32>} : memref<512xi32, #tpu.memory_space<vmem>>, vector<16xi32>,
    %gather3A_445 = tpu.vector_load_idx %arg13[%add3A_442, %get3A_444] : memref<128x128xf32, #tpu.memory_space<vmem>>[vector<16xi32>, vector<16xi32>], vector<16xf32>,
    %swap3A_446 = arith.constant 80 : index
    %swap3A_447 = tpu.vector_load %arg12[%swap3A_446] {strides = array<i32>} : memref<128xf32, #tpu.memory_space<vmem>>, vector<16xf32>,
    tpu.vector_store %arg12[%swap3A_446], %gather3A_445 {strides = array<i32>} : memref<128xf32, #tpu.memory_space<vmem>>, vector<16xf32>,
    %iota3A_448 = tpu.iota {dimensions = array<i32: 0>} : vector<16xi32>
    %add3A_449 = arith.constant 96 : i32
    %add3A_450 = vector.broadcast %add3A_449 : i32 to vector<16xi32>
    %add3A_451 = arith.addi %iota3A_448, %add3A_450 : vector<16xi32>
    %get3A_452 = arith.constant 96 : index
    %get3A_453 = tpu.vector_load %arg11[%get3A_452] {strides = array<i32>} : memref<512xi32, #tpu.memory_space<vmem>>, vector<16xi32>,
    %gather3A_454 = tpu.vector_load_idx %arg13[%add3A_451, %get3A_453] : memref<128x128xf32, #tpu.memory_space<vmem>>[vector<16xi32>, vector<16xi32>], vector<16xf32>,
    %swap3A_455 = arith.constant 96 : index
    %swap3A_456 = tpu.vector_load %arg12[%swap3A_455] {strides = array<i32>} : memref<128xf32, #tpu.memory_space<vmem>>, vector<16xf32>,
    tpu.vector_store %arg12[%swap3A_455], %gather3A_454 {strides = array<i32>} : memref<128xf32, #tpu.memory_space<vmem>>, vector<16xf32>,
    %iota3A_457 = tpu.iota {dimensions = array<i32: 0>} : vector<16xi32>
    %add3A_458 = arith.constant 112 : i32
    %add3A_459 = vector.broadcast %add3A_458 : i32 to vector<16xi32>
    %add3A_460 = arith.addi %iota3A_457, %add3A_459 : vector<16xi32>
    %get3A_461 = arith.constant 112 : index
    %get3A_462 = tpu.vector_load %arg11[%get3A_461] {strides = array<i32>} : memref<512xi32, #tpu.memory_space<vmem>>, vector<16xi32>,
    %gather3A_463 = tpu.vector_load_idx %arg13[%add3A_460, %get3A_462] : memref<128x128xf32, #tpu.memory_space<vmem>>[vector<16xi32>, vector<16xi32>], vector<16xf32>,
    %swap3A_464 = arith.constant 112 : index
    %swap3A_465 = tpu.vector_load %arg12[%swap3A_464] {strides = array<i32>} : memref<128xf32, #tpu.memory_space<vmem>>, vector<16xf32>,
    tpu.vector_store %arg12[%swap3A_464], %gather3A_463 {strides = array<i32>} : memref<128xf32, #tpu.memory_space<vmem>>, vector<16xf32>,
    %add3A_466 = arith.constant 0 : i32
    %add3A_467 = arith.addi %mul3A_2, %add3A_466 : i32
    "tpu.region"() ({
      %run_scoped3A = tpu.sem_alloc : memref<!tpu.dma_semaphore, #tpu.memory_space<semaphore_mem>>
      %dma_start3A_1387 = tpu.memref_slice %arg6[%add3A_467] : memref<16384xf32, #tpu.memory_space<hbm>> -> memref<128xf32, #tpu.memory_space<hbm>>
      %dma_start3A_1388 = tpu.memref_slice %arg6[%add3A_467] : memref<16384xf32, #tpu.memory_space<hbm>> -> memref<128xf32, #tpu.memory_space<hbm>>
      tpu.enqueue_dma source(%arg12 : memref<128xf32, #tpu.memory_space<vmem>>) target(%dma_start3A_1388 : memref<128xf32, #tpu.memory_space<hbm>>) target_semaphore(%run_scoped3A : memref<!tpu.dma_semaphore, #tpu.memory_space<semaphore_mem>>)
      %dma_wait3A_1389 = tpu.memref_slice %arg6[%add3A_467] : memref<16384xf32, #tpu.memory_space<hbm>> -> memref<128xf32, #tpu.memory_space<hbm>>
      %dma_wait3A_1390 = tpu.memref_slice %arg6[%add3A_467] : memref<16384xf32, #tpu.memory_space<hbm>> -> memref<128xf32, #tpu.memory_space<hbm>>
      tpu.wait_dma2 semaphore(%run_scoped3A : memref<!tpu.dma_semaphore, #tpu.memory_space<semaphore_mem>>) src(%arg12 : memref<128xf32, #tpu.memory_space<vmem>>) dst(%dma_wait3A_1390 : memref<128xf32, #tpu.memory_space<hbm>>)
      tpu.yield
    }) : () -> ()
    %dma_start3A_468 = arith.constant 256 : i32
    %dma_start3A_469 = tpu.memref_slice %arg10[%dma_start3A_468] : memref<512xi32, #tpu.memory_space<vmem>> -> memref<128xi32, #tpu.memory_space<vmem>>
    %dma_start3A_470 = arith.constant 0 : i32
    %dma_start3A_471 = arith.constant 0 : i32
    %dma_start3A_472 = tpu.memref_slice %arg2[%dma_start3A_470, %dma_start3A_471] : memref<7936x128xf32, #tpu.memory_space<hbm>> -> memref<7936x128xf32, #tpu.memory_space<hbm>>
    tpu.enqueue_indirect_dma source(%dma_start3A_472 : memref<7936x128xf32, #tpu.memory_space<hbm>>) target(%arg13 : memref<128x128xf32, #tpu.memory_space<vmem>>) offsets(%dma_start3A_469 : memref<128xi32, #tpu.memory_space<vmem>>) semaphore(%arg15 : memref<!tpu.dma_semaphore, #tpu.memory_space<semaphore_mem>>)
    %dma_wait3A_473 = arith.constant 128 : i32
    %dma_wait3A_474 = tpu.memref_slice %arg10[%dma_wait3A_473] : memref<512xi32, #tpu.memory_space<vmem>> -> memref<128xi32, #tpu.memory_space<vmem>>
    %dma_wait3A_475 = arith.constant 0 : i32
    %dma_wait3A_476 = arith.constant 0 : i32
    %dma_wait3A_477 = tpu.memref_slice %arg2[%dma_wait3A_475, %dma_wait3A_476] : memref<7936x128xf32, #tpu.memory_space<hbm>> -> memref<7936x128xf32, #tpu.memory_space<hbm>>
    tpu.wait_indirect_dma semaphore(%arg16 : memref<!tpu.dma_semaphore, #tpu.memory_space<semaphore_mem>>) src(%dma_wait3A_477 : memref<7936x128xf32, #tpu.memory_space<hbm>>) dst(%arg14 : memref<128x128xf32, #tpu.memory_space<vmem>>)
    %iota3A_478 = tpu.iota {dimensions = array<i32: 0>} : vector<16xi32>
    %add3A_479 = arith.constant 0 : i32
    %add3A_480 = vector.broadcast %add3A_479 : i32 to vector<16xi32>
    %add3A_481 = arith.addi %iota3A_478, %add3A_480 : vector<16xi32>
    %get3A_482 = arith.constant 128 : index
    %get3A_483 = tpu.vector_load %arg11[%get3A_482] {strides = array<i32>} : memref<512xi32, #tpu.memory_space<vmem>>, vector<16xi32>,
    %gather3A_484 = tpu.vector_load_idx %arg14[%add3A_481, %get3A_483] : memref<128x128xf32, #tpu.memory_space<vmem>>[vector<16xi32>, vector<16xi32>], vector<16xf32>,
    %swap3A_485 = arith.constant 0 : index
    %swap3A_486 = tpu.vector_load %arg12[%swap3A_485] {strides = array<i32>} : memref<128xf32, #tpu.memory_space<vmem>>, vector<16xf32>,
    tpu.vector_store %arg12[%swap3A_485], %gather3A_484 {strides = array<i32>} : memref<128xf32, #tpu.memory_space<vmem>>, vector<16xf32>,
    %iota3A_487 = tpu.iota {dimensions = array<i32: 0>} : vector<16xi32>
    %add3A_488 = arith.constant 16 : i32
    %add3A_489 = vector.broadcast %add3A_488 : i32 to vector<16xi32>
    %add3A_490 = arith.addi %iota3A_487, %add3A_489 : vector<16xi32>
    %get3A_491 = arith.constant 144 : index
    %get3A_492 = tpu.vector_load %arg11[%get3A_491] {strides = array<i32>} : memref<512xi32, #tpu.memory_space<vmem>>, vector<16xi32>,
    %gather3A_493 = tpu.vector_load_idx %arg14[%add3A_490, %get3A_492] : memref<128x128xf32, #tpu.memory_space<vmem>>[vector<16xi32>, vector<16xi32>], vector<16xf32>,
    %swap3A_494 = arith.constant 16 : index
    %swap3A_495 = tpu.vector_load %arg12[%swap3A_494] {strides = array<i32>} : memref<128xf32, #tpu.memory_space<vmem>>, vector<16xf32>,
    tpu.vector_store %arg12[%swap3A_494], %gather3A_493 {strides = array<i32>} : memref<128xf32, #tpu.memory_space<vmem>>, vector<16xf32>,
    %iota3A_496 = tpu.iota {dimensions = array<i32: 0>} : vector<16xi32>
    %add3A_497 = arith.constant 32 : i32
    %add3A_498 = vector.broadcast %add3A_497 : i32 to vector<16xi32>
    %add3A_499 = arith.addi %iota3A_496, %add3A_498 : vector<16xi32>
    %get3A_500 = arith.constant 160 : index
    %get3A_501 = tpu.vector_load %arg11[%get3A_500] {strides = array<i32>} : memref<512xi32, #tpu.memory_space<vmem>>, vector<16xi32>,
    %gather3A_502 = tpu.vector_load_idx %arg14[%add3A_499, %get3A_501] : memref<128x128xf32, #tpu.memory_space<vmem>>[vector<16xi32>, vector<16xi32>], vector<16xf32>,
    %swap3A_503 = arith.constant 32 : index
    %swap3A_504 = tpu.vector_load %arg12[%swap3A_503] {strides = array<i32>} : memref<128xf32, #tpu.memory_space<vmem>>, vector<16xf32>,
    tpu.vector_store %arg12[%swap3A_503], %gather3A_502 {strides = array<i32>} : memref<128xf32, #tpu.memory_space<vmem>>, vector<16xf32>,
    %iota3A_505 = tpu.iota {dimensions = array<i32: 0>} : vector<16xi32>
    %add3A_506 = arith.constant 48 : i32
    %add3A_507 = vector.broadcast %add3A_506 : i32 to vector<16xi32>
    %add3A_508 = arith.addi %iota3A_505, %add3A_507 : vector<16xi32>
    %get3A_509 = arith.constant 176 : index
    %get3A_510 = tpu.vector_load %arg11[%get3A_509] {strides = array<i32>} : memref<512xi32, #tpu.memory_space<vmem>>, vector<16xi32>,
    %gather3A_511 = tpu.vector_load_idx %arg14[%add3A_508, %get3A_510] : memref<128x128xf32, #tpu.memory_space<vmem>>[vector<16xi32>, vector<16xi32>], vector<16xf32>,
    %swap3A_512 = arith.constant 48 : index
    %swap3A_513 = tpu.vector_load %arg12[%swap3A_512] {strides = array<i32>} : memref<128xf32, #tpu.memory_space<vmem>>, vector<16xf32>,
    tpu.vector_store %arg12[%swap3A_512], %gather3A_511 {strides = array<i32>} : memref<128xf32, #tpu.memory_space<vmem>>, vector<16xf32>,
    %iota3A_514 = tpu.iota {dimensions = array<i32: 0>} : vector<16xi32>
    %add3A_515 = arith.constant 64 : i32
    %add3A_516 = vector.broadcast %add3A_515 : i32 to vector<16xi32>
    %add3A_517 = arith.addi %iota3A_514, %add3A_516 : vector<16xi32>
    %get3A_518 = arith.constant 192 : index
    %get3A_519 = tpu.vector_load %arg11[%get3A_518] {strides = array<i32>} : memref<512xi32, #tpu.memory_space<vmem>>, vector<16xi32>,
    %gather3A_520 = tpu.vector_load_idx %arg14[%add3A_517, %get3A_519] : memref<128x128xf32, #tpu.memory_space<vmem>>[vector<16xi32>, vector<16xi32>], vector<16xf32>,
    %swap3A_521 = arith.constant 64 : index
    %swap3A_522 = tpu.vector_load %arg12[%swap3A_521] {strides = array<i32>} : memref<128xf32, #tpu.memory_space<vmem>>, vector<16xf32>,
    tpu.vector_store %arg12[%swap3A_521], %gather3A_520 {strides = array<i32>} : memref<128xf32, #tpu.memory_space<vmem>>, vector<16xf32>,
    %iota3A_523 = tpu.iota {dimensions = array<i32: 0>} : vector<16xi32>
    %add3A_524 = arith.constant 80 : i32
    %add3A_525 = vector.broadcast %add3A_524 : i32 to vector<16xi32>
    %add3A_526 = arith.addi %iota3A_523, %add3A_525 : vector<16xi32>
    %get3A_527 = arith.constant 208 : index
    %get3A_528 = tpu.vector_load %arg11[%get3A_527] {strides = array<i32>} : memref<512xi32, #tpu.memory_space<vmem>>, vector<16xi32>,
    %gather3A_529 = tpu.vector_load_idx %arg14[%add3A_526, %get3A_528] : memref<128x128xf32, #tpu.memory_space<vmem>>[vector<16xi32>, vector<16xi32>], vector<16xf32>,
    %swap3A_530 = arith.constant 80 : index
    %swap3A_531 = tpu.vector_load %arg12[%swap3A_530] {strides = array<i32>} : memref<128xf32, #tpu.memory_space<vmem>>, vector<16xf32>,
    tpu.vector_store %arg12[%swap3A_530], %gather3A_529 {strides = array<i32>} : memref<128xf32, #tpu.memory_space<vmem>>, vector<16xf32>,
    %iota3A_532 = tpu.iota {dimensions = array<i32: 0>} : vector<16xi32>
    %add3A_533 = arith.constant 96 : i32
    %add3A_534 = vector.broadcast %add3A_533 : i32 to vector<16xi32>
    %add3A_535 = arith.addi %iota3A_532, %add3A_534 : vector<16xi32>
    %get3A_536 = arith.constant 224 : index
    %get3A_537 = tpu.vector_load %arg11[%get3A_536] {strides = array<i32>} : memref<512xi32, #tpu.memory_space<vmem>>, vector<16xi32>,
    %gather3A_538 = tpu.vector_load_idx %arg14[%add3A_535, %get3A_537] : memref<128x128xf32, #tpu.memory_space<vmem>>[vector<16xi32>, vector<16xi32>], vector<16xf32>,
    %swap3A_539 = arith.constant 96 : index
    %swap3A_540 = tpu.vector_load %arg12[%swap3A_539] {strides = array<i32>} : memref<128xf32, #tpu.memory_space<vmem>>, vector<16xf32>,
    tpu.vector_store %arg12[%swap3A_539], %gather3A_538 {strides = array<i32>} : memref<128xf32, #tpu.memory_space<vmem>>, vector<16xf32>,
    %iota3A_541 = tpu.iota {dimensions = array<i32: 0>} : vector<16xi32>
    %add3A_542 = arith.constant 112 : i32
    %add3A_543 = vector.broadcast %add3A_542 : i32 to vector<16xi32>
    %add3A_544 = arith.addi %iota3A_541, %add3A_543 : vector<16xi32>
    %get3A_545 = arith.constant 240 : index
    %get3A_546 = tpu.vector_load %arg11[%get3A_545] {strides = array<i32>} : memref<512xi32, #tpu.memory_space<vmem>>, vector<16xi32>,
    %gather3A_547 = tpu.vector_load_idx %arg14[%add3A_544, %get3A_546] : memref<128x128xf32, #tpu.memory_space<vmem>>[vector<16xi32>, vector<16xi32>], vector<16xf32>,
    %swap3A_548 = arith.constant 112 : index
    %swap3A_549 = tpu.vector_load %arg12[%swap3A_548] {strides = array<i32>} : memref<128xf32, #tpu.memory_space<vmem>>, vector<16xf32>,
    tpu.vector_store %arg12[%swap3A_548], %gather3A_547 {strides = array<i32>} : memref<128xf32, #tpu.memory_space<vmem>>, vector<16xf32>,
    %add3A_550 = arith.constant 128 : i32
    %add3A_551 = arith.addi %mul3A_2, %add3A_550 : i32
    "tpu.region"() ({
      %run_scoped3A = tpu.sem_alloc : memref<!tpu.dma_semaphore, #tpu.memory_space<semaphore_mem>>
      %dma_start3A_1387 = tpu.memref_slice %arg6[%add3A_551] : memref<16384xf32, #tpu.memory_space<hbm>> -> memref<128xf32, #tpu.memory_space<hbm>>
      %dma_start3A_1388 = tpu.memref_slice %arg6[%add3A_551] : memref<16384xf32, #tpu.memory_space<hbm>> -> memref<128xf32, #tpu.memory_space<hbm>>
      tpu.enqueue_dma source(%arg12 : memref<128xf32, #tpu.memory_space<vmem>>) target(%dma_start3A_1388 : memref<128xf32, #tpu.memory_space<hbm>>) target_semaphore(%run_scoped3A : memref<!tpu.dma_semaphore, #tpu.memory_space<semaphore_mem>>)
      %dma_wait3A_1389 = tpu.memref_slice %arg6[%add3A_551] : memref<16384xf32, #tpu.memory_space<hbm>> -> memref<128xf32, #tpu.memory_space<hbm>>
      %dma_wait3A_1390 = tpu.memref_slice %arg6[%add3A_551] : memref<16384xf32, #tpu.memory_space<hbm>> -> memref<128xf32, #tpu.memory_space<hbm>>
      tpu.wait_dma2 semaphore(%run_scoped3A : memref<!tpu.dma_semaphore, #tpu.memory_space<semaphore_mem>>) src(%arg12 : memref<128xf32, #tpu.memory_space<vmem>>) dst(%dma_wait3A_1390 : memref<128xf32, #tpu.memory_space<hbm>>)
      tpu.yield
    }) : () -> ()
    %dma_start3A_552 = arith.constant 384 : i32
    %dma_start3A_553 = tpu.memref_slice %arg10[%dma_start3A_552] : memref<512xi32, #tpu.memory_space<vmem>> -> memref<128xi32, #tpu.memory_space<vmem>>
    %dma_start3A_554 = arith.constant 0 : i32
    %dma_start3A_555 = arith.constant 0 : i32
    %dma_start3A_556 = tpu.memref_slice %arg2[%dma_start3A_554, %dma_start3A_555] : memref<7936x128xf32, #tpu.memory_space<hbm>> -> memref<7936x128xf32, #tpu.memory_space<hbm>>
    tpu.enqueue_indirect_dma source(%dma_start3A_556 : memref<7936x128xf32, #tpu.memory_space<hbm>>) target(%arg14 : memref<128x128xf32, #tpu.memory_space<vmem>>) offsets(%dma_start3A_553 : memref<128xi32, #tpu.memory_space<vmem>>) semaphore(%arg16 : memref<!tpu.dma_semaphore, #tpu.memory_space<semaphore_mem>>)
    %dma_wait3A_557 = arith.constant 256 : i32
    %dma_wait3A_558 = tpu.memref_slice %arg10[%dma_wait3A_557] : memref<512xi32, #tpu.memory_space<vmem>> -> memref<128xi32, #tpu.memory_space<vmem>>
    %dma_wait3A_559 = arith.constant 0 : i32
    %dma_wait3A_560 = arith.constant 0 : i32
    %dma_wait3A_561 = tpu.memref_slice %arg2[%dma_wait3A_559, %dma_wait3A_560] : memref<7936x128xf32, #tpu.memory_space<hbm>> -> memref<7936x128xf32, #tpu.memory_space<hbm>>
    tpu.wait_indirect_dma semaphore(%arg15 : memref<!tpu.dma_semaphore, #tpu.memory_space<semaphore_mem>>) src(%dma_wait3A_561 : memref<7936x128xf32, #tpu.memory_space<hbm>>) dst(%arg13 : memref<128x128xf32, #tpu.memory_space<vmem>>)
    %iota3A_562 = tpu.iota {dimensions = array<i32: 0>} : vector<16xi32>
    %add3A_563 = arith.constant 0 : i32
    %add3A_564 = vector.broadcast %add3A_563 : i32 to vector<16xi32>
    %add3A_565 = arith.addi %iota3A_562, %add3A_564 : vector<16xi32>
    %get3A_566 = arith.constant 256 : index
    %get3A_567 = tpu.vector_load %arg11[%get3A_566] {strides = array<i32>} : memref<512xi32, #tpu.memory_space<vmem>>, vector<16xi32>,
    %gather3A_568 = tpu.vector_load_idx %arg13[%add3A_565, %get3A_567] : memref<128x128xf32, #tpu.memory_space<vmem>>[vector<16xi32>, vector<16xi32>], vector<16xf32>,
    %swap3A_569 = arith.constant 0 : index
    %swap3A_570 = tpu.vector_load %arg12[%swap3A_569] {strides = array<i32>} : memref<128xf32, #tpu.memory_space<vmem>>, vector<16xf32>,
    tpu.vector_store %arg12[%swap3A_569], %gather3A_568 {strides = array<i32>} : memref<128xf32, #tpu.memory_space<vmem>>, vector<16xf32>,
    %iota3A_571 = tpu.iota {dimensions = array<i32: 0>} : vector<16xi32>
    %add3A_572 = arith.constant 16 : i32
    %add3A_573 = vector.broadcast %add3A_572 : i32 to vector<16xi32>
    %add3A_574 = arith.addi %iota3A_571, %add3A_573 : vector<16xi32>
    %get3A_575 = arith.constant 272 : index
    %get3A_576 = tpu.vector_load %arg11[%get3A_575] {strides = array<i32>} : memref<512xi32, #tpu.memory_space<vmem>>, vector<16xi32>,
    %gather3A_577 = tpu.vector_load_idx %arg13[%add3A_574, %get3A_576] : memref<128x128xf32, #tpu.memory_space<vmem>>[vector<16xi32>, vector<16xi32>], vector<16xf32>,
    %swap3A_578 = arith.constant 16 : index
    %swap3A_579 = tpu.vector_load %arg12[%swap3A_578] {strides = array<i32>} : memref<128xf32, #tpu.memory_space<vmem>>, vector<16xf32>,
    tpu.vector_store %arg12[%swap3A_578], %gather3A_577 {strides = array<i32>} : memref<128xf32, #tpu.memory_space<vmem>>, vector<16xf32>,
    %iota3A_580 = tpu.iota {dimensions = array<i32: 0>} : vector<16xi32>
    %add3A_581 = arith.constant 32 : i32
    %add3A_582 = vector.broadcast %add3A_581 : i32 to vector<16xi32>
    %add3A_583 = arith.addi %iota3A_580, %add3A_582 : vector<16xi32>
    %get3A_584 = arith.constant 288 : index
    %get3A_585 = tpu.vector_load %arg11[%get3A_584] {strides = array<i32>} : memref<512xi32, #tpu.memory_space<vmem>>, vector<16xi32>,
    %gather3A_586 = tpu.vector_load_idx %arg13[%add3A_583, %get3A_585] : memref<128x128xf32, #tpu.memory_space<vmem>>[vector<16xi32>, vector<16xi32>], vector<16xf32>,
    %swap3A_587 = arith.constant 32 : index
    %swap3A_588 = tpu.vector_load %arg12[%swap3A_587] {strides = array<i32>} : memref<128xf32, #tpu.memory_space<vmem>>, vector<16xf32>,
    tpu.vector_store %arg12[%swap3A_587], %gather3A_586 {strides = array<i32>} : memref<128xf32, #tpu.memory_space<vmem>>, vector<16xf32>,
    %iota3A_589 = tpu.iota {dimensions = array<i32: 0>} : vector<16xi32>
    %add3A_590 = arith.constant 48 : i32
    %add3A_591 = vector.broadcast %add3A_590 : i32 to vector<16xi32>
    %add3A_592 = arith.addi %iota3A_589, %add3A_591 : vector<16xi32>
    %get3A_593 = arith.constant 304 : index
    %get3A_594 = tpu.vector_load %arg11[%get3A_593] {strides = array<i32>} : memref<512xi32, #tpu.memory_space<vmem>>, vector<16xi32>,
    %gather3A_595 = tpu.vector_load_idx %arg13[%add3A_592, %get3A_594] : memref<128x128xf32, #tpu.memory_space<vmem>>[vector<16xi32>, vector<16xi32>], vector<16xf32>,
    %swap3A_596 = arith.constant 48 : index
    %swap3A_597 = tpu.vector_load %arg12[%swap3A_596] {strides = array<i32>} : memref<128xf32, #tpu.memory_space<vmem>>, vector<16xf32>,
    tpu.vector_store %arg12[%swap3A_596], %gather3A_595 {strides = array<i32>} : memref<128xf32, #tpu.memory_space<vmem>>, vector<16xf32>,
    %iota3A_598 = tpu.iota {dimensions = array<i32: 0>} : vector<16xi32>
    %add3A_599 = arith.constant 64 : i32
    %add3A_600 = vector.broadcast %add3A_599 : i32 to vector<16xi32>
    %add3A_601 = arith.addi %iota3A_598, %add3A_600 : vector<16xi32>
    %get3A_602 = arith.constant 320 : index
    %get3A_603 = tpu.vector_load %arg11[%get3A_602] {strides = array<i32>} : memref<512xi32, #tpu.memory_space<vmem>>, vector<16xi32>,
    %gather3A_604 = tpu.vector_load_idx %arg13[%add3A_601, %get3A_603] : memref<128x128xf32, #tpu.memory_space<vmem>>[vector<16xi32>, vector<16xi32>], vector<16xf32>,
    %swap3A_605 = arith.constant 64 : index
    %swap3A_606 = tpu.vector_load %arg12[%swap3A_605] {strides = array<i32>} : memref<128xf32, #tpu.memory_space<vmem>>, vector<16xf32>,
    tpu.vector_store %arg12[%swap3A_605], %gather3A_604 {strides = array<i32>} : memref<128xf32, #tpu.memory_space<vmem>>, vector<16xf32>,
    %iota3A_607 = tpu.iota {dimensions = array<i32: 0>} : vector<16xi32>
    %add3A_608 = arith.constant 80 : i32
    %add3A_609 = vector.broadcast %add3A_608 : i32 to vector<16xi32>
    %add3A_610 = arith.addi %iota3A_607, %add3A_609 : vector<16xi32>
    %get3A_611 = arith.constant 336 : index
    %get3A_612 = tpu.vector_load %arg11[%get3A_611] {strides = array<i32>} : memref<512xi32, #tpu.memory_space<vmem>>, vector<16xi32>,
    %gather3A_613 = tpu.vector_load_idx %arg13[%add3A_610, %get3A_612] : memref<128x128xf32, #tpu.memory_space<vmem>>[vector<16xi32>, vector<16xi32>], vector<16xf32>,
    %swap3A_614 = arith.constant 80 : index
    %swap3A_615 = tpu.vector_load %arg12[%swap3A_614] {strides = array<i32>} : memref<128xf32, #tpu.memory_space<vmem>>, vector<16xf32>,
    tpu.vector_store %arg12[%swap3A_614], %gather3A_613 {strides = array<i32>} : memref<128xf32, #tpu.memory_space<vmem>>, vector<16xf32>,
    %iota3A_616 = tpu.iota {dimensions = array<i32: 0>} : vector<16xi32>
    %add3A_617 = arith.constant 96 : i32
    %add3A_618 = vector.broadcast %add3A_617 : i32 to vector<16xi32>
    %add3A_619 = arith.addi %iota3A_616, %add3A_618 : vector<16xi32>
    %get3A_620 = arith.constant 352 : index
    %get3A_621 = tpu.vector_load %arg11[%get3A_620] {strides = array<i32>} : memref<512xi32, #tpu.memory_space<vmem>>, vector<16xi32>,
    %gather3A_622 = tpu.vector_load_idx %arg13[%add3A_619, %get3A_621] : memref<128x128xf32, #tpu.memory_space<vmem>>[vector<16xi32>, vector<16xi32>], vector<16xf32>,
    %swap3A_623 = arith.constant 96 : index
    %swap3A_624 = tpu.vector_load %arg12[%swap3A_623] {strides = array<i32>} : memref<128xf32, #tpu.memory_space<vmem>>, vector<16xf32>,
    tpu.vector_store %arg12[%swap3A_623], %gather3A_622 {strides = array<i32>} : memref<128xf32, #tpu.memory_space<vmem>>, vector<16xf32>,
    %iota3A_625 = tpu.iota {dimensions = array<i32: 0>} : vector<16xi32>
    %add3A_626 = arith.constant 112 : i32
    %add3A_627 = vector.broadcast %add3A_626 : i32 to vector<16xi32>
    %add3A_628 = arith.addi %iota3A_625, %add3A_627 : vector<16xi32>
    %get3A_629 = arith.constant 368 : index
    %get3A_630 = tpu.vector_load %arg11[%get3A_629] {strides = array<i32>} : memref<512xi32, #tpu.memory_space<vmem>>, vector<16xi32>,
    %gather3A_631 = tpu.vector_load_idx %arg13[%add3A_628, %get3A_630] : memref<128x128xf32, #tpu.memory_space<vmem>>[vector<16xi32>, vector<16xi32>], vector<16xf32>,
    %swap3A_632 = arith.constant 112 : index
    %swap3A_633 = tpu.vector_load %arg12[%swap3A_632] {strides = array<i32>} : memref<128xf32, #tpu.memory_space<vmem>>, vector<16xf32>,
    tpu.vector_store %arg12[%swap3A_632], %gather3A_631 {strides = array<i32>} : memref<128xf32, #tpu.memory_space<vmem>>, vector<16xf32>,
    %add3A_634 = arith.constant 256 : i32
    %add3A_635 = arith.addi %mul3A_2, %add3A_634 : i32
    "tpu.region"() ({
      %run_scoped3A = tpu.sem_alloc : memref<!tpu.dma_semaphore, #tpu.memory_space<semaphore_mem>>
      %dma_start3A_1387 = tpu.memref_slice %arg6[%add3A_635] : memref<16384xf32, #tpu.memory_space<hbm>> -> memref<128xf32, #tpu.memory_space<hbm>>
      %dma_start3A_1388 = tpu.memref_slice %arg6[%add3A_635] : memref<16384xf32, #tpu.memory_space<hbm>> -> memref<128xf32, #tpu.memory_space<hbm>>
      tpu.enqueue_dma source(%arg12 : memref<128xf32, #tpu.memory_space<vmem>>) target(%dma_start3A_1388 : memref<128xf32, #tpu.memory_space<hbm>>) target_semaphore(%run_scoped3A : memref<!tpu.dma_semaphore, #tpu.memory_space<semaphore_mem>>)
      %dma_wait3A_1389 = tpu.memref_slice %arg6[%add3A_635] : memref<16384xf32, #tpu.memory_space<hbm>> -> memref<128xf32, #tpu.memory_space<hbm>>
      %dma_wait3A_1390 = tpu.memref_slice %arg6[%add3A_635] : memref<16384xf32, #tpu.memory_space<hbm>> -> memref<128xf32, #tpu.memory_space<hbm>>
      tpu.wait_dma2 semaphore(%run_scoped3A : memref<!tpu.dma_semaphore, #tpu.memory_space<semaphore_mem>>) src(%arg12 : memref<128xf32, #tpu.memory_space<vmem>>) dst(%dma_wait3A_1390 : memref<128xf32, #tpu.memory_space<hbm>>)
      tpu.yield
    }) : () -> ()
    %dma_start3A_636 = arith.constant 0 : i32
    %dma_start3A_637 = tpu.memref_slice %arg10[%dma_start3A_636] : memref<512xi32, #tpu.memory_space<vmem>> -> memref<128xi32, #tpu.memory_space<vmem>>
    %dma_start3A_638 = arith.constant 0 : i32
    %dma_start3A_639 = arith.constant 0 : i32
    %dma_start3A_640 = tpu.memref_slice %arg3[%dma_start3A_638, %dma_start3A_639] : memref<7936x128xf32, #tpu.memory_space<hbm>> -> memref<7936x128xf32, #tpu.memory_space<hbm>>
    tpu.enqueue_indirect_dma source(%dma_start3A_640 : memref<7936x128xf32, #tpu.memory_space<hbm>>) target(%arg13 : memref<128x128xf32, #tpu.memory_space<vmem>>) offsets(%dma_start3A_637 : memref<128xi32, #tpu.memory_space<vmem>>) semaphore(%arg15 : memref<!tpu.dma_semaphore, #tpu.memory_space<semaphore_mem>>)
    %dma_wait3A_641 = arith.constant 384 : i32
    %dma_wait3A_642 = tpu.memref_slice %arg10[%dma_wait3A_641] : memref<512xi32, #tpu.memory_space<vmem>> -> memref<128xi32, #tpu.memory_space<vmem>>
    %dma_wait3A_643 = arith.constant 0 : i32
    %dma_wait3A_644 = arith.constant 0 : i32
    %dma_wait3A_645 = tpu.memref_slice %arg2[%dma_wait3A_643, %dma_wait3A_644] : memref<7936x128xf32, #tpu.memory_space<hbm>> -> memref<7936x128xf32, #tpu.memory_space<hbm>>
    tpu.wait_indirect_dma semaphore(%arg16 : memref<!tpu.dma_semaphore, #tpu.memory_space<semaphore_mem>>) src(%dma_wait3A_645 : memref<7936x128xf32, #tpu.memory_space<hbm>>) dst(%arg14 : memref<128x128xf32, #tpu.memory_space<vmem>>)
    %iota3A_646 = tpu.iota {dimensions = array<i32: 0>} : vector<16xi32>
    %add3A_647 = arith.constant 0 : i32
    %add3A_648 = vector.broadcast %add3A_647 : i32 to vector<16xi32>
    %add3A_649 = arith.addi %iota3A_646, %add3A_648 : vector<16xi32>
    %get3A_650 = arith.constant 384 : index
    %get3A_651 = tpu.vector_load %arg11[%get3A_650] {strides = array<i32>} : memref<512xi32, #tpu.memory_space<vmem>>, vector<16xi32>,
    %gather3A_652 = tpu.vector_load_idx %arg14[%add3A_649, %get3A_651] : memref<128x128xf32, #tpu.memory_space<vmem>>[vector<16xi32>, vector<16xi32>], vector<16xf32>,
    %swap3A_653 = arith.constant 0 : index
    %swap3A_654 = tpu.vector_load %arg12[%swap3A_653] {strides = array<i32>} : memref<128xf32, #tpu.memory_space<vmem>>, vector<16xf32>,
    tpu.vector_store %arg12[%swap3A_653], %gather3A_652 {strides = array<i32>} : memref<128xf32, #tpu.memory_space<vmem>>, vector<16xf32>,
    %iota3A_655 = tpu.iota {dimensions = array<i32: 0>} : vector<16xi32>
    %add3A_656 = arith.constant 16 : i32
    %add3A_657 = vector.broadcast %add3A_656 : i32 to vector<16xi32>
    %add3A_658 = arith.addi %iota3A_655, %add3A_657 : vector<16xi32>
    %get3A_659 = arith.constant 400 : index
    %get3A_660 = tpu.vector_load %arg11[%get3A_659] {strides = array<i32>} : memref<512xi32, #tpu.memory_space<vmem>>, vector<16xi32>,
    %gather3A_661 = tpu.vector_load_idx %arg14[%add3A_658, %get3A_660] : memref<128x128xf32, #tpu.memory_space<vmem>>[vector<16xi32>, vector<16xi32>], vector<16xf32>,
    %swap3A_662 = arith.constant 16 : index
    %swap3A_663 = tpu.vector_load %arg12[%swap3A_662] {strides = array<i32>} : memref<128xf32, #tpu.memory_space<vmem>>, vector<16xf32>,
    tpu.vector_store %arg12[%swap3A_662], %gather3A_661 {strides = array<i32>} : memref<128xf32, #tpu.memory_space<vmem>>, vector<16xf32>,
    %iota3A_664 = tpu.iota {dimensions = array<i32: 0>} : vector<16xi32>
    %add3A_665 = arith.constant 32 : i32
    %add3A_666 = vector.broadcast %add3A_665 : i32 to vector<16xi32>
    %add3A_667 = arith.addi %iota3A_664, %add3A_666 : vector<16xi32>
    %get3A_668 = arith.constant 416 : index
    %get3A_669 = tpu.vector_load %arg11[%get3A_668] {strides = array<i32>} : memref<512xi32, #tpu.memory_space<vmem>>, vector<16xi32>,
    %gather3A_670 = tpu.vector_load_idx %arg14[%add3A_667, %get3A_669] : memref<128x128xf32, #tpu.memory_space<vmem>>[vector<16xi32>, vector<16xi32>], vector<16xf32>,
    %swap3A_671 = arith.constant 32 : index
    %swap3A_672 = tpu.vector_load %arg12[%swap3A_671] {strides = array<i32>} : memref<128xf32, #tpu.memory_space<vmem>>, vector<16xf32>,
    tpu.vector_store %arg12[%swap3A_671], %gather3A_670 {strides = array<i32>} : memref<128xf32, #tpu.memory_space<vmem>>, vector<16xf32>,
    %iota3A_673 = tpu.iota {dimensions = array<i32: 0>} : vector<16xi32>
    %add3A_674 = arith.constant 48 : i32
    %add3A_675 = vector.broadcast %add3A_674 : i32 to vector<16xi32>
    %add3A_676 = arith.addi %iota3A_673, %add3A_675 : vector<16xi32>
    %get3A_677 = arith.constant 432 : index
    %get3A_678 = tpu.vector_load %arg11[%get3A_677] {strides = array<i32>} : memref<512xi32, #tpu.memory_space<vmem>>, vector<16xi32>,
    %gather3A_679 = tpu.vector_load_idx %arg14[%add3A_676, %get3A_678] : memref<128x128xf32, #tpu.memory_space<vmem>>[vector<16xi32>, vector<16xi32>], vector<16xf32>,
    %swap3A_680 = arith.constant 48 : index
    %swap3A_681 = tpu.vector_load %arg12[%swap3A_680] {strides = array<i32>} : memref<128xf32, #tpu.memory_space<vmem>>, vector<16xf32>,
    tpu.vector_store %arg12[%swap3A_680], %gather3A_679 {strides = array<i32>} : memref<128xf32, #tpu.memory_space<vmem>>, vector<16xf32>,
    %iota3A_682 = tpu.iota {dimensions = array<i32: 0>} : vector<16xi32>
    %add3A_683 = arith.constant 64 : i32
    %add3A_684 = vector.broadcast %add3A_683 : i32 to vector<16xi32>
    %add3A_685 = arith.addi %iota3A_682, %add3A_684 : vector<16xi32>
    %get3A_686 = arith.constant 448 : index
    %get3A_687 = tpu.vector_load %arg11[%get3A_686] {strides = array<i32>} : memref<512xi32, #tpu.memory_space<vmem>>, vector<16xi32>,
    %gather3A_688 = tpu.vector_load_idx %arg14[%add3A_685, %get3A_687] : memref<128x128xf32, #tpu.memory_space<vmem>>[vector<16xi32>, vector<16xi32>], vector<16xf32>,
    %swap3A_689 = arith.constant 64 : index
    %swap3A_690 = tpu.vector_load %arg12[%swap3A_689] {strides = array<i32>} : memref<128xf32, #tpu.memory_space<vmem>>, vector<16xf32>,
    tpu.vector_store %arg12[%swap3A_689], %gather3A_688 {strides = array<i32>} : memref<128xf32, #tpu.memory_space<vmem>>, vector<16xf32>,
    %iota3A_691 = tpu.iota {dimensions = array<i32: 0>} : vector<16xi32>
    %add3A_692 = arith.constant 80 : i32
    %add3A_693 = vector.broadcast %add3A_692 : i32 to vector<16xi32>
    %add3A_694 = arith.addi %iota3A_691, %add3A_693 : vector<16xi32>
    %get3A_695 = arith.constant 464 : index
    %get3A_696 = tpu.vector_load %arg11[%get3A_695] {strides = array<i32>} : memref<512xi32, #tpu.memory_space<vmem>>, vector<16xi32>,
    %gather3A_697 = tpu.vector_load_idx %arg14[%add3A_694, %get3A_696] : memref<128x128xf32, #tpu.memory_space<vmem>>[vector<16xi32>, vector<16xi32>], vector<16xf32>,
    %swap3A_698 = arith.constant 80 : index
    %swap3A_699 = tpu.vector_load %arg12[%swap3A_698] {strides = array<i32>} : memref<128xf32, #tpu.memory_space<vmem>>, vector<16xf32>,
    tpu.vector_store %arg12[%swap3A_698], %gather3A_697 {strides = array<i32>} : memref<128xf32, #tpu.memory_space<vmem>>, vector<16xf32>,
    %iota3A_700 = tpu.iota {dimensions = array<i32: 0>} : vector<16xi32>
    %add3A_701 = arith.constant 96 : i32
    %add3A_702 = vector.broadcast %add3A_701 : i32 to vector<16xi32>
    %add3A_703 = arith.addi %iota3A_700, %add3A_702 : vector<16xi32>
    %get3A_704 = arith.constant 480 : index
    %get3A_705 = tpu.vector_load %arg11[%get3A_704] {strides = array<i32>} : memref<512xi32, #tpu.memory_space<vmem>>, vector<16xi32>,
    %gather3A_706 = tpu.vector_load_idx %arg14[%add3A_703, %get3A_705] : memref<128x128xf32, #tpu.memory_space<vmem>>[vector<16xi32>, vector<16xi32>], vector<16xf32>,
    %swap3A_707 = arith.constant 96 : index
    %swap3A_708 = tpu.vector_load %arg12[%swap3A_707] {strides = array<i32>} : memref<128xf32, #tpu.memory_space<vmem>>, vector<16xf32>,
    tpu.vector_store %arg12[%swap3A_707], %gather3A_706 {strides = array<i32>} : memref<128xf32, #tpu.memory_space<vmem>>, vector<16xf32>,
    %iota3A_709 = tpu.iota {dimensions = array<i32: 0>} : vector<16xi32>
    %add3A_710 = arith.constant 112 : i32
    %add3A_711 = vector.broadcast %add3A_710 : i32 to vector<16xi32>
    %add3A_712 = arith.addi %iota3A_709, %add3A_711 : vector<16xi32>
    %get3A_713 = arith.constant 496 : index
    %get3A_714 = tpu.vector_load %arg11[%get3A_713] {strides = array<i32>} : memref<512xi32, #tpu.memory_space<vmem>>, vector<16xi32>,
    %gather3A_715 = tpu.vector_load_idx %arg14[%add3A_712, %get3A_714] : memref<128x128xf32, #tpu.memory_space<vmem>>[vector<16xi32>, vector<16xi32>], vector<16xf32>,
    %swap3A_716 = arith.constant 112 : index
    %swap3A_717 = tpu.vector_load %arg12[%swap3A_716] {strides = array<i32>} : memref<128xf32, #tpu.memory_space<vmem>>, vector<16xf32>,
    tpu.vector_store %arg12[%swap3A_716], %gather3A_715 {strides = array<i32>} : memref<128xf32, #tpu.memory_space<vmem>>, vector<16xf32>,
    %add3A_718 = arith.constant 384 : i32
    %add3A_719 = arith.addi %mul3A_2, %add3A_718 : i32
    "tpu.region"() ({
      %run_scoped3A = tpu.sem_alloc : memref<!tpu.dma_semaphore, #tpu.memory_space<semaphore_mem>>
      %dma_start3A_1387 = tpu.memref_slice %arg6[%add3A_719] : memref<16384xf32, #tpu.memory_space<hbm>> -> memref<128xf32, #tpu.memory_space<hbm>>
      %dma_start3A_1388 = tpu.memref_slice %arg6[%add3A_719] : memref<16384xf32, #tpu.memory_space<hbm>> -> memref<128xf32, #tpu.memory_space<hbm>>
      tpu.enqueue_dma source(%arg12 : memref<128xf32, #tpu.memory_space<vmem>>) target(%dma_start3A_1388 : memref<128xf32, #tpu.memory_space<hbm>>) target_semaphore(%run_scoped3A : memref<!tpu.dma_semaphore, #tpu.memory_space<semaphore_mem>>)
      %dma_wait3A_1389 = tpu.memref_slice %arg6[%add3A_719] : memref<16384xf32, #tpu.memory_space<hbm>> -> memref<128xf32, #tpu.memory_space<hbm>>
      %dma_wait3A_1390 = tpu.memref_slice %arg6[%add3A_719] : memref<16384xf32, #tpu.memory_space<hbm>> -> memref<128xf32, #tpu.memory_space<hbm>>
      tpu.wait_dma2 semaphore(%run_scoped3A : memref<!tpu.dma_semaphore, #tpu.memory_space<semaphore_mem>>) src(%arg12 : memref<128xf32, #tpu.memory_space<vmem>>) dst(%dma_wait3A_1390 : memref<128xf32, #tpu.memory_space<hbm>>)
      tpu.yield
    }) : () -> ()
    %dma_start3A_720 = arith.constant 128 : i32
    %dma_start3A_721 = tpu.memref_slice %arg10[%dma_start3A_720] : memref<512xi32, #tpu.memory_space<vmem>> -> memref<128xi32, #tpu.memory_space<vmem>>
    %dma_start3A_722 = arith.constant 0 : i32
    %dma_start3A_723 = arith.constant 0 : i32
    %dma_start3A_724 = tpu.memref_slice %arg3[%dma_start3A_722, %dma_start3A_723] : memref<7936x128xf32, #tpu.memory_space<hbm>> -> memref<7936x128xf32, #tpu.memory_space<hbm>>
    tpu.enqueue_indirect_dma source(%dma_start3A_724 : memref<7936x128xf32, #tpu.memory_space<hbm>>) target(%arg14 : memref<128x128xf32, #tpu.memory_space<vmem>>) offsets(%dma_start3A_721 : memref<128xi32, #tpu.memory_space<vmem>>) semaphore(%arg16 : memref<!tpu.dma_semaphore, #tpu.memory_space<semaphore_mem>>)
    %dma_wait3A_725 = arith.constant 0 : i32
    %dma_wait3A_726 = tpu.memref_slice %arg10[%dma_wait3A_725] : memref<512xi32, #tpu.memory_space<vmem>> -> memref<128xi32, #tpu.memory_space<vmem>>
    %dma_wait3A_727 = arith.constant 0 : i32
    %dma_wait3A_728 = arith.constant 0 : i32
    %dma_wait3A_729 = tpu.memref_slice %arg3[%dma_wait3A_727, %dma_wait3A_728] : memref<7936x128xf32, #tpu.memory_space<hbm>> -> memref<7936x128xf32, #tpu.memory_space<hbm>>
    tpu.wait_indirect_dma semaphore(%arg15 : memref<!tpu.dma_semaphore, #tpu.memory_space<semaphore_mem>>) src(%dma_wait3A_729 : memref<7936x128xf32, #tpu.memory_space<hbm>>) dst(%arg13 : memref<128x128xf32, #tpu.memory_space<vmem>>)
    %iota3A_730 = tpu.iota {dimensions = array<i32: 0>} : vector<16xi32>
    %add3A_731 = arith.constant 0 : i32
    %add3A_732 = vector.broadcast %add3A_731 : i32 to vector<16xi32>
    %add3A_733 = arith.addi %iota3A_730, %add3A_732 : vector<16xi32>
    %get3A_734 = arith.constant 0 : index
    %get3A_735 = tpu.vector_load %arg11[%get3A_734] {strides = array<i32>} : memref<512xi32, #tpu.memory_space<vmem>>, vector<16xi32>,
    %gather3A_736 = tpu.vector_load_idx %arg13[%add3A_733, %get3A_735] : memref<128x128xf32, #tpu.memory_space<vmem>>[vector<16xi32>, vector<16xi32>], vector<16xf32>,
    %swap3A_737 = arith.constant 0 : index
    %swap3A_738 = tpu.vector_load %arg12[%swap3A_737] {strides = array<i32>} : memref<128xf32, #tpu.memory_space<vmem>>, vector<16xf32>,
    tpu.vector_store %arg12[%swap3A_737], %gather3A_736 {strides = array<i32>} : memref<128xf32, #tpu.memory_space<vmem>>, vector<16xf32>,
    %iota3A_739 = tpu.iota {dimensions = array<i32: 0>} : vector<16xi32>
    %add3A_740 = arith.constant 16 : i32
    %add3A_741 = vector.broadcast %add3A_740 : i32 to vector<16xi32>
    %add3A_742 = arith.addi %iota3A_739, %add3A_741 : vector<16xi32>
    %get3A_743 = arith.constant 16 : index
    %get3A_744 = tpu.vector_load %arg11[%get3A_743] {strides = array<i32>} : memref<512xi32, #tpu.memory_space<vmem>>, vector<16xi32>,
    %gather3A_745 = tpu.vector_load_idx %arg13[%add3A_742, %get3A_744] : memref<128x128xf32, #tpu.memory_space<vmem>>[vector<16xi32>, vector<16xi32>], vector<16xf32>,
    %swap3A_746 = arith.constant 16 : index
    %swap3A_747 = tpu.vector_load %arg12[%swap3A_746] {strides = array<i32>} : memref<128xf32, #tpu.memory_space<vmem>>, vector<16xf32>,
    tpu.vector_store %arg12[%swap3A_746], %gather3A_745 {strides = array<i32>} : memref<128xf32, #tpu.memory_space<vmem>>, vector<16xf32>,
    %iota3A_748 = tpu.iota {dimensions = array<i32: 0>} : vector<16xi32>
    %add3A_749 = arith.constant 32 : i32
    %add3A_750 = vector.broadcast %add3A_749 : i32 to vector<16xi32>
    %add3A_751 = arith.addi %iota3A_748, %add3A_750 : vector<16xi32>
    %get3A_752 = arith.constant 32 : index
    %get3A_753 = tpu.vector_load %arg11[%get3A_752] {strides = array<i32>} : memref<512xi32, #tpu.memory_space<vmem>>, vector<16xi32>,
    %gather3A_754 = tpu.vector_load_idx %arg13[%add3A_751, %get3A_753] : memref<128x128xf32, #tpu.memory_space<vmem>>[vector<16xi32>, vector<16xi32>], vector<16xf32>,
    %swap3A_755 = arith.constant 32 : index
    %swap3A_756 = tpu.vector_load %arg12[%swap3A_755] {strides = array<i32>} : memref<128xf32, #tpu.memory_space<vmem>>, vector<16xf32>,
    tpu.vector_store %arg12[%swap3A_755], %gather3A_754 {strides = array<i32>} : memref<128xf32, #tpu.memory_space<vmem>>, vector<16xf32>,
    %iota3A_757 = tpu.iota {dimensions = array<i32: 0>} : vector<16xi32>
    %add3A_758 = arith.constant 48 : i32
    %add3A_759 = vector.broadcast %add3A_758 : i32 to vector<16xi32>
    %add3A_760 = arith.addi %iota3A_757, %add3A_759 : vector<16xi32>
    %get3A_761 = arith.constant 48 : index
    %get3A_762 = tpu.vector_load %arg11[%get3A_761] {strides = array<i32>} : memref<512xi32, #tpu.memory_space<vmem>>, vector<16xi32>,
    %gather3A_763 = tpu.vector_load_idx %arg13[%add3A_760, %get3A_762] : memref<128x128xf32, #tpu.memory_space<vmem>>[vector<16xi32>, vector<16xi32>], vector<16xf32>,
    %swap3A_764 = arith.constant 48 : index
    %swap3A_765 = tpu.vector_load %arg12[%swap3A_764] {strides = array<i32>} : memref<128xf32, #tpu.memory_space<vmem>>, vector<16xf32>,
    tpu.vector_store %arg12[%swap3A_764], %gather3A_763 {strides = array<i32>} : memref<128xf32, #tpu.memory_space<vmem>>, vector<16xf32>,
    %iota3A_766 = tpu.iota {dimensions = array<i32: 0>} : vector<16xi32>
    %add3A_767 = arith.constant 64 : i32
    %add3A_768 = vector.broadcast %add3A_767 : i32 to vector<16xi32>
    %add3A_769 = arith.addi %iota3A_766, %add3A_768 : vector<16xi32>
    %get3A_770 = arith.constant 64 : index
    %get3A_771 = tpu.vector_load %arg11[%get3A_770] {strides = array<i32>} : memref<512xi32, #tpu.memory_space<vmem>>, vector<16xi32>,
    %gather3A_772 = tpu.vector_load_idx %arg13[%add3A_769, %get3A_771] : memref<128x128xf32, #tpu.memory_space<vmem>>[vector<16xi32>, vector<16xi32>], vector<16xf32>,
    %swap3A_773 = arith.constant 64 : index
    %swap3A_774 = tpu.vector_load %arg12[%swap3A_773] {strides = array<i32>} : memref<128xf32, #tpu.memory_space<vmem>>, vector<16xf32>,
    tpu.vector_store %arg12[%swap3A_773], %gather3A_772 {strides = array<i32>} : memref<128xf32, #tpu.memory_space<vmem>>, vector<16xf32>,
    %iota3A_775 = tpu.iota {dimensions = array<i32: 0>} : vector<16xi32>
    %add3A_776 = arith.constant 80 : i32
    %add3A_777 = vector.broadcast %add3A_776 : i32 to vector<16xi32>
    %add3A_778 = arith.addi %iota3A_775, %add3A_777 : vector<16xi32>
    %get3A_779 = arith.constant 80 : index
    %get3A_780 = tpu.vector_load %arg11[%get3A_779] {strides = array<i32>} : memref<512xi32, #tpu.memory_space<vmem>>, vector<16xi32>,
    %gather3A_781 = tpu.vector_load_idx %arg13[%add3A_778, %get3A_780] : memref<128x128xf32, #tpu.memory_space<vmem>>[vector<16xi32>, vector<16xi32>], vector<16xf32>,
    %swap3A_782 = arith.constant 80 : index
    %swap3A_783 = tpu.vector_load %arg12[%swap3A_782] {strides = array<i32>} : memref<128xf32, #tpu.memory_space<vmem>>, vector<16xf32>,
    tpu.vector_store %arg12[%swap3A_782], %gather3A_781 {strides = array<i32>} : memref<128xf32, #tpu.memory_space<vmem>>, vector<16xf32>,
    %iota3A_784 = tpu.iota {dimensions = array<i32: 0>} : vector<16xi32>
    %add3A_785 = arith.constant 96 : i32
    %add3A_786 = vector.broadcast %add3A_785 : i32 to vector<16xi32>
    %add3A_787 = arith.addi %iota3A_784, %add3A_786 : vector<16xi32>
    %get3A_788 = arith.constant 96 : index
    %get3A_789 = tpu.vector_load %arg11[%get3A_788] {strides = array<i32>} : memref<512xi32, #tpu.memory_space<vmem>>, vector<16xi32>,
    %gather3A_790 = tpu.vector_load_idx %arg13[%add3A_787, %get3A_789] : memref<128x128xf32, #tpu.memory_space<vmem>>[vector<16xi32>, vector<16xi32>], vector<16xf32>,
    %swap3A_791 = arith.constant 96 : index
    %swap3A_792 = tpu.vector_load %arg12[%swap3A_791] {strides = array<i32>} : memref<128xf32, #tpu.memory_space<vmem>>, vector<16xf32>,
    tpu.vector_store %arg12[%swap3A_791], %gather3A_790 {strides = array<i32>} : memref<128xf32, #tpu.memory_space<vmem>>, vector<16xf32>,
    %iota3A_793 = tpu.iota {dimensions = array<i32: 0>} : vector<16xi32>
    %add3A_794 = arith.constant 112 : i32
    %add3A_795 = vector.broadcast %add3A_794 : i32 to vector<16xi32>
    %add3A_796 = arith.addi %iota3A_793, %add3A_795 : vector<16xi32>
    %get3A_797 = arith.constant 112 : index
    %get3A_798 = tpu.vector_load %arg11[%get3A_797] {strides = array<i32>} : memref<512xi32, #tpu.memory_space<vmem>>, vector<16xi32>,
    %gather3A_799 = tpu.vector_load_idx %arg13[%add3A_796, %get3A_798] : memref<128x128xf32, #tpu.memory_space<vmem>>[vector<16xi32>, vector<16xi32>], vector<16xf32>,
    %swap3A_800 = arith.constant 112 : index
    %swap3A_801 = tpu.vector_load %arg12[%swap3A_800] {strides = array<i32>} : memref<128xf32, #tpu.memory_space<vmem>>, vector<16xf32>,
    tpu.vector_store %arg12[%swap3A_800], %gather3A_799 {strides = array<i32>} : memref<128xf32, #tpu.memory_space<vmem>>, vector<16xf32>,
    %add3A_802 = arith.constant 0 : i32
    %add3A_803 = arith.addi %mul3A_2, %add3A_802 : i32
    "tpu.region"() ({
      %run_scoped3A = tpu.sem_alloc : memref<!tpu.dma_semaphore, #tpu.memory_space<semaphore_mem>>
      %dma_start3A_1387 = tpu.memref_slice %arg7[%add3A_803] : memref<16384xf32, #tpu.memory_space<hbm>> -> memref<128xf32, #tpu.memory_space<hbm>>
      %dma_start3A_1388 = tpu.memref_slice %arg7[%add3A_803] : memref<16384xf32, #tpu.memory_space<hbm>> -> memref<128xf32, #tpu.memory_space<hbm>>
      tpu.enqueue_dma source(%arg12 : memref<128xf32, #tpu.memory_space<vmem>>) target(%dma_start3A_1388 : memref<128xf32, #tpu.memory_space<hbm>>) target_semaphore(%run_scoped3A : memref<!tpu.dma_semaphore, #tpu.memory_space<semaphore_mem>>)
      %dma_wait3A_1389 = tpu.memref_slice %arg7[%add3A_803] : memref<16384xf32, #tpu.memory_space<hbm>> -> memref<128xf32, #tpu.memory_space<hbm>>
      %dma_wait3A_1390 = tpu.memref_slice %arg7[%add3A_803] : memref<16384xf32, #tpu.memory_space<hbm>> -> memref<128xf32, #tpu.memory_space<hbm>>
      tpu.wait_dma2 semaphore(%run_scoped3A : memref<!tpu.dma_semaphore, #tpu.memory_space<semaphore_mem>>) src(%arg12 : memref<128xf32, #tpu.memory_space<vmem>>) dst(%dma_wait3A_1390 : memref<128xf32, #tpu.memory_space<hbm>>)
      tpu.yield
    }) : () -> ()
    %dma_start3A_804 = arith.constant 256 : i32
    %dma_start3A_805 = tpu.memref_slice %arg10[%dma_start3A_804] : memref<512xi32, #tpu.memory_space<vmem>> -> memref<128xi32, #tpu.memory_space<vmem>>
    %dma_start3A_806 = arith.constant 0 : i32
    %dma_start3A_807 = arith.constant 0 : i32
    %dma_start3A_808 = tpu.memref_slice %arg3[%dma_start3A_806, %dma_start3A_807] : memref<7936x128xf32, #tpu.memory_space<hbm>> -> memref<7936x128xf32, #tpu.memory_space<hbm>>
    tpu.enqueue_indirect_dma source(%dma_start3A_808 : memref<7936x128xf32, #tpu.memory_space<hbm>>) target(%arg13 : memref<128x128xf32, #tpu.memory_space<vmem>>) offsets(%dma_start3A_805 : memref<128xi32, #tpu.memory_space<vmem>>) semaphore(%arg15 : memref<!tpu.dma_semaphore, #tpu.memory_space<semaphore_mem>>)
    %dma_wait3A_809 = arith.constant 128 : i32
    %dma_wait3A_810 = tpu.memref_slice %arg10[%dma_wait3A_809] : memref<512xi32, #tpu.memory_space<vmem>> -> memref<128xi32, #tpu.memory_space<vmem>>
    %dma_wait3A_811 = arith.constant 0 : i32
    %dma_wait3A_812 = arith.constant 0 : i32
    %dma_wait3A_813 = tpu.memref_slice %arg3[%dma_wait3A_811, %dma_wait3A_812] : memref<7936x128xf32, #tpu.memory_space<hbm>> -> memref<7936x128xf32, #tpu.memory_space<hbm>>
    tpu.wait_indirect_dma semaphore(%arg16 : memref<!tpu.dma_semaphore, #tpu.memory_space<semaphore_mem>>) src(%dma_wait3A_813 : memref<7936x128xf32, #tpu.memory_space<hbm>>) dst(%arg14 : memref<128x128xf32, #tpu.memory_space<vmem>>)
    %iota3A_814 = tpu.iota {dimensions = array<i32: 0>} : vector<16xi32>
    %add3A_815 = arith.constant 0 : i32
    %add3A_816 = vector.broadcast %add3A_815 : i32 to vector<16xi32>
    %add3A_817 = arith.addi %iota3A_814, %add3A_816 : vector<16xi32>
    %get3A_818 = arith.constant 128 : index
    %get3A_819 = tpu.vector_load %arg11[%get3A_818] {strides = array<i32>} : memref<512xi32, #tpu.memory_space<vmem>>, vector<16xi32>,
    %gather3A_820 = tpu.vector_load_idx %arg14[%add3A_817, %get3A_819] : memref<128x128xf32, #tpu.memory_space<vmem>>[vector<16xi32>, vector<16xi32>], vector<16xf32>,
    %swap3A_821 = arith.constant 0 : index
    %swap3A_822 = tpu.vector_load %arg12[%swap3A_821] {strides = array<i32>} : memref<128xf32, #tpu.memory_space<vmem>>, vector<16xf32>,
    tpu.vector_store %arg12[%swap3A_821], %gather3A_820 {strides = array<i32>} : memref<128xf32, #tpu.memory_space<vmem>>, vector<16xf32>,
    %iota3A_823 = tpu.iota {dimensions = array<i32: 0>} : vector<16xi32>
    %add3A_824 = arith.constant 16 : i32
    %add3A_825 = vector.broadcast %add3A_824 : i32 to vector<16xi32>
    %add3A_826 = arith.addi %iota3A_823, %add3A_825 : vector<16xi32>
    %get3A_827 = arith.constant 144 : index
    %get3A_828 = tpu.vector_load %arg11[%get3A_827] {strides = array<i32>} : memref<512xi32, #tpu.memory_space<vmem>>, vector<16xi32>,
    %gather3A_829 = tpu.vector_load_idx %arg14[%add3A_826, %get3A_828] : memref<128x128xf32, #tpu.memory_space<vmem>>[vector<16xi32>, vector<16xi32>], vector<16xf32>,
    %swap3A_830 = arith.constant 16 : index
    %swap3A_831 = tpu.vector_load %arg12[%swap3A_830] {strides = array<i32>} : memref<128xf32, #tpu.memory_space<vmem>>, vector<16xf32>,
    tpu.vector_store %arg12[%swap3A_830], %gather3A_829 {strides = array<i32>} : memref<128xf32, #tpu.memory_space<vmem>>, vector<16xf32>,
    %iota3A_832 = tpu.iota {dimensions = array<i32: 0>} : vector<16xi32>
    %add3A_833 = arith.constant 32 : i32
    %add3A_834 = vector.broadcast %add3A_833 : i32 to vector<16xi32>
    %add3A_835 = arith.addi %iota3A_832, %add3A_834 : vector<16xi32>
    %get3A_836 = arith.constant 160 : index
    %get3A_837 = tpu.vector_load %arg11[%get3A_836] {strides = array<i32>} : memref<512xi32, #tpu.memory_space<vmem>>, vector<16xi32>,
    %gather3A_838 = tpu.vector_load_idx %arg14[%add3A_835, %get3A_837] : memref<128x128xf32, #tpu.memory_space<vmem>>[vector<16xi32>, vector<16xi32>], vector<16xf32>,
    %swap3A_839 = arith.constant 32 : index
    %swap3A_840 = tpu.vector_load %arg12[%swap3A_839] {strides = array<i32>} : memref<128xf32, #tpu.memory_space<vmem>>, vector<16xf32>,
    tpu.vector_store %arg12[%swap3A_839], %gather3A_838 {strides = array<i32>} : memref<128xf32, #tpu.memory_space<vmem>>, vector<16xf32>,
    %iota3A_841 = tpu.iota {dimensions = array<i32: 0>} : vector<16xi32>
    %add3A_842 = arith.constant 48 : i32
    %add3A_843 = vector.broadcast %add3A_842 : i32 to vector<16xi32>
    %add3A_844 = arith.addi %iota3A_841, %add3A_843 : vector<16xi32>
    %get3A_845 = arith.constant 176 : index
    %get3A_846 = tpu.vector_load %arg11[%get3A_845] {strides = array<i32>} : memref<512xi32, #tpu.memory_space<vmem>>, vector<16xi32>,
    %gather3A_847 = tpu.vector_load_idx %arg14[%add3A_844, %get3A_846] : memref<128x128xf32, #tpu.memory_space<vmem>>[vector<16xi32>, vector<16xi32>], vector<16xf32>,
    %swap3A_848 = arith.constant 48 : index
    %swap3A_849 = tpu.vector_load %arg12[%swap3A_848] {strides = array<i32>} : memref<128xf32, #tpu.memory_space<vmem>>, vector<16xf32>,
    tpu.vector_store %arg12[%swap3A_848], %gather3A_847 {strides = array<i32>} : memref<128xf32, #tpu.memory_space<vmem>>, vector<16xf32>,
    %iota3A_850 = tpu.iota {dimensions = array<i32: 0>} : vector<16xi32>
    %add3A_851 = arith.constant 64 : i32
    %add3A_852 = vector.broadcast %add3A_851 : i32 to vector<16xi32>
    %add3A_853 = arith.addi %iota3A_850, %add3A_852 : vector<16xi32>
    %get3A_854 = arith.constant 192 : index
    %get3A_855 = tpu.vector_load %arg11[%get3A_854] {strides = array<i32>} : memref<512xi32, #tpu.memory_space<vmem>>, vector<16xi32>,
    %gather3A_856 = tpu.vector_load_idx %arg14[%add3A_853, %get3A_855] : memref<128x128xf32, #tpu.memory_space<vmem>>[vector<16xi32>, vector<16xi32>], vector<16xf32>,
    %swap3A_857 = arith.constant 64 : index
    %swap3A_858 = tpu.vector_load %arg12[%swap3A_857] {strides = array<i32>} : memref<128xf32, #tpu.memory_space<vmem>>, vector<16xf32>,
    tpu.vector_store %arg12[%swap3A_857], %gather3A_856 {strides = array<i32>} : memref<128xf32, #tpu.memory_space<vmem>>, vector<16xf32>,
    %iota3A_859 = tpu.iota {dimensions = array<i32: 0>} : vector<16xi32>
    %add3A_860 = arith.constant 80 : i32
    %add3A_861 = vector.broadcast %add3A_860 : i32 to vector<16xi32>
    %add3A_862 = arith.addi %iota3A_859, %add3A_861 : vector<16xi32>
    %get3A_863 = arith.constant 208 : index
    %get3A_864 = tpu.vector_load %arg11[%get3A_863] {strides = array<i32>} : memref<512xi32, #tpu.memory_space<vmem>>, vector<16xi32>,
    %gather3A_865 = tpu.vector_load_idx %arg14[%add3A_862, %get3A_864] : memref<128x128xf32, #tpu.memory_space<vmem>>[vector<16xi32>, vector<16xi32>], vector<16xf32>,
    %swap3A_866 = arith.constant 80 : index
    %swap3A_867 = tpu.vector_load %arg12[%swap3A_866] {strides = array<i32>} : memref<128xf32, #tpu.memory_space<vmem>>, vector<16xf32>,
    tpu.vector_store %arg12[%swap3A_866], %gather3A_865 {strides = array<i32>} : memref<128xf32, #tpu.memory_space<vmem>>, vector<16xf32>,
    %iota3A_868 = tpu.iota {dimensions = array<i32: 0>} : vector<16xi32>
    %add3A_869 = arith.constant 96 : i32
    %add3A_870 = vector.broadcast %add3A_869 : i32 to vector<16xi32>
    %add3A_871 = arith.addi %iota3A_868, %add3A_870 : vector<16xi32>
    %get3A_872 = arith.constant 224 : index
    %get3A_873 = tpu.vector_load %arg11[%get3A_872] {strides = array<i32>} : memref<512xi32, #tpu.memory_space<vmem>>, vector<16xi32>,
    %gather3A_874 = tpu.vector_load_idx %arg14[%add3A_871, %get3A_873] : memref<128x128xf32, #tpu.memory_space<vmem>>[vector<16xi32>, vector<16xi32>], vector<16xf32>,
    %swap3A_875 = arith.constant 96 : index
    %swap3A_876 = tpu.vector_load %arg12[%swap3A_875] {strides = array<i32>} : memref<128xf32, #tpu.memory_space<vmem>>, vector<16xf32>,
    tpu.vector_store %arg12[%swap3A_875], %gather3A_874 {strides = array<i32>} : memref<128xf32, #tpu.memory_space<vmem>>, vector<16xf32>,
    %iota3A_877 = tpu.iota {dimensions = array<i32: 0>} : vector<16xi32>
    %add3A_878 = arith.constant 112 : i32
    %add3A_879 = vector.broadcast %add3A_878 : i32 to vector<16xi32>
    %add3A_880 = arith.addi %iota3A_877, %add3A_879 : vector<16xi32>
    %get3A_881 = arith.constant 240 : index
    %get3A_882 = tpu.vector_load %arg11[%get3A_881] {strides = array<i32>} : memref<512xi32, #tpu.memory_space<vmem>>, vector<16xi32>,
    %gather3A_883 = tpu.vector_load_idx %arg14[%add3A_880, %get3A_882] : memref<128x128xf32, #tpu.memory_space<vmem>>[vector<16xi32>, vector<16xi32>], vector<16xf32>,
    %swap3A_884 = arith.constant 112 : index
    %swap3A_885 = tpu.vector_load %arg12[%swap3A_884] {strides = array<i32>} : memref<128xf32, #tpu.memory_space<vmem>>, vector<16xf32>,
    tpu.vector_store %arg12[%swap3A_884], %gather3A_883 {strides = array<i32>} : memref<128xf32, #tpu.memory_space<vmem>>, vector<16xf32>,
    %add3A_886 = arith.constant 128 : i32
    %add3A_887 = arith.addi %mul3A_2, %add3A_886 : i32
    "tpu.region"() ({
      %run_scoped3A = tpu.sem_alloc : memref<!tpu.dma_semaphore, #tpu.memory_space<semaphore_mem>>
      %dma_start3A_1387 = tpu.memref_slice %arg7[%add3A_887] : memref<16384xf32, #tpu.memory_space<hbm>> -> memref<128xf32, #tpu.memory_space<hbm>>
      %dma_start3A_1388 = tpu.memref_slice %arg7[%add3A_887] : memref<16384xf32, #tpu.memory_space<hbm>> -> memref<128xf32, #tpu.memory_space<hbm>>
      tpu.enqueue_dma source(%arg12 : memref<128xf32, #tpu.memory_space<vmem>>) target(%dma_start3A_1388 : memref<128xf32, #tpu.memory_space<hbm>>) target_semaphore(%run_scoped3A : memref<!tpu.dma_semaphore, #tpu.memory_space<semaphore_mem>>)
      %dma_wait3A_1389 = tpu.memref_slice %arg7[%add3A_887] : memref<16384xf32, #tpu.memory_space<hbm>> -> memref<128xf32, #tpu.memory_space<hbm>>
      %dma_wait3A_1390 = tpu.memref_slice %arg7[%add3A_887] : memref<16384xf32, #tpu.memory_space<hbm>> -> memref<128xf32, #tpu.memory_space<hbm>>
      tpu.wait_dma2 semaphore(%run_scoped3A : memref<!tpu.dma_semaphore, #tpu.memory_space<semaphore_mem>>) src(%arg12 : memref<128xf32, #tpu.memory_space<vmem>>) dst(%dma_wait3A_1390 : memref<128xf32, #tpu.memory_space<hbm>>)
      tpu.yield
    }) : () -> ()
    %dma_start3A_888 = arith.constant 384 : i32
    %dma_start3A_889 = tpu.memref_slice %arg10[%dma_start3A_888] : memref<512xi32, #tpu.memory_space<vmem>> -> memref<128xi32, #tpu.memory_space<vmem>>
    %dma_start3A_890 = arith.constant 0 : i32
    %dma_start3A_891 = arith.constant 0 : i32
    %dma_start3A_892 = tpu.memref_slice %arg3[%dma_start3A_890, %dma_start3A_891] : memref<7936x128xf32, #tpu.memory_space<hbm>> -> memref<7936x128xf32, #tpu.memory_space<hbm>>
    tpu.enqueue_indirect_dma source(%dma_start3A_892 : memref<7936x128xf32, #tpu.memory_space<hbm>>) target(%arg14 : memref<128x128xf32, #tpu.memory_space<vmem>>) offsets(%dma_start3A_889 : memref<128xi32, #tpu.memory_space<vmem>>) semaphore(%arg16 : memref<!tpu.dma_semaphore, #tpu.memory_space<semaphore_mem>>)
    %dma_wait3A_893 = arith.constant 256 : i32
    %dma_wait3A_894 = tpu.memref_slice %arg10[%dma_wait3A_893] : memref<512xi32, #tpu.memory_space<vmem>> -> memref<128xi32, #tpu.memory_space<vmem>>
    %dma_wait3A_895 = arith.constant 0 : i32
    %dma_wait3A_896 = arith.constant 0 : i32
    %dma_wait3A_897 = tpu.memref_slice %arg3[%dma_wait3A_895, %dma_wait3A_896] : memref<7936x128xf32, #tpu.memory_space<hbm>> -> memref<7936x128xf32, #tpu.memory_space<hbm>>
    tpu.wait_indirect_dma semaphore(%arg15 : memref<!tpu.dma_semaphore, #tpu.memory_space<semaphore_mem>>) src(%dma_wait3A_897 : memref<7936x128xf32, #tpu.memory_space<hbm>>) dst(%arg13 : memref<128x128xf32, #tpu.memory_space<vmem>>)
    %iota3A_898 = tpu.iota {dimensions = array<i32: 0>} : vector<16xi32>
    %add3A_899 = arith.constant 0 : i32
    %add3A_900 = vector.broadcast %add3A_899 : i32 to vector<16xi32>
    %add3A_901 = arith.addi %iota3A_898, %add3A_900 : vector<16xi32>
    %get3A_902 = arith.constant 256 : index
    %get3A_903 = tpu.vector_load %arg11[%get3A_902] {strides = array<i32>} : memref<512xi32, #tpu.memory_space<vmem>>, vector<16xi32>,
    %gather3A_904 = tpu.vector_load_idx %arg13[%add3A_901, %get3A_903] : memref<128x128xf32, #tpu.memory_space<vmem>>[vector<16xi32>, vector<16xi32>], vector<16xf32>,
    %swap3A_905 = arith.constant 0 : index
    %swap3A_906 = tpu.vector_load %arg12[%swap3A_905] {strides = array<i32>} : memref<128xf32, #tpu.memory_space<vmem>>, vector<16xf32>,
    tpu.vector_store %arg12[%swap3A_905], %gather3A_904 {strides = array<i32>} : memref<128xf32, #tpu.memory_space<vmem>>, vector<16xf32>,
    %iota3A_907 = tpu.iota {dimensions = array<i32: 0>} : vector<16xi32>
    %add3A_908 = arith.constant 16 : i32
    %add3A_909 = vector.broadcast %add3A_908 : i32 to vector<16xi32>
    %add3A_910 = arith.addi %iota3A_907, %add3A_909 : vector<16xi32>
    %get3A_911 = arith.constant 272 : index
    %get3A_912 = tpu.vector_load %arg11[%get3A_911] {strides = array<i32>} : memref<512xi32, #tpu.memory_space<vmem>>, vector<16xi32>,
    %gather3A_913 = tpu.vector_load_idx %arg13[%add3A_910, %get3A_912] : memref<128x128xf32, #tpu.memory_space<vmem>>[vector<16xi32>, vector<16xi32>], vector<16xf32>,
    %swap3A_914 = arith.constant 16 : index
    %swap3A_915 = tpu.vector_load %arg12[%swap3A_914] {strides = array<i32>} : memref<128xf32, #tpu.memory_space<vmem>>, vector<16xf32>,
    tpu.vector_store %arg12[%swap3A_914], %gather3A_913 {strides = array<i32>} : memref<128xf32, #tpu.memory_space<vmem>>, vector<16xf32>,
    %iota3A_916 = tpu.iota {dimensions = array<i32: 0>} : vector<16xi32>
    %add3A_917 = arith.constant 32 : i32
    %add3A_918 = vector.broadcast %add3A_917 : i32 to vector<16xi32>
    %add3A_919 = arith.addi %iota3A_916, %add3A_918 : vector<16xi32>
    %get3A_920 = arith.constant 288 : index
    %get3A_921 = tpu.vector_load %arg11[%get3A_920] {strides = array<i32>} : memref<512xi32, #tpu.memory_space<vmem>>, vector<16xi32>,
    %gather3A_922 = tpu.vector_load_idx %arg13[%add3A_919, %get3A_921] : memref<128x128xf32, #tpu.memory_space<vmem>>[vector<16xi32>, vector<16xi32>], vector<16xf32>,
    %swap3A_923 = arith.constant 32 : index
    %swap3A_924 = tpu.vector_load %arg12[%swap3A_923] {strides = array<i32>} : memref<128xf32, #tpu.memory_space<vmem>>, vector<16xf32>,
    tpu.vector_store %arg12[%swap3A_923], %gather3A_922 {strides = array<i32>} : memref<128xf32, #tpu.memory_space<vmem>>, vector<16xf32>,
    %iota3A_925 = tpu.iota {dimensions = array<i32: 0>} : vector<16xi32>
    %add3A_926 = arith.constant 48 : i32
    %add3A_927 = vector.broadcast %add3A_926 : i32 to vector<16xi32>
    %add3A_928 = arith.addi %iota3A_925, %add3A_927 : vector<16xi32>
    %get3A_929 = arith.constant 304 : index
    %get3A_930 = tpu.vector_load %arg11[%get3A_929] {strides = array<i32>} : memref<512xi32, #tpu.memory_space<vmem>>, vector<16xi32>,
    %gather3A_931 = tpu.vector_load_idx %arg13[%add3A_928, %get3A_930] : memref<128x128xf32, #tpu.memory_space<vmem>>[vector<16xi32>, vector<16xi32>], vector<16xf32>,
    %swap3A_932 = arith.constant 48 : index
    %swap3A_933 = tpu.vector_load %arg12[%swap3A_932] {strides = array<i32>} : memref<128xf32, #tpu.memory_space<vmem>>, vector<16xf32>,
    tpu.vector_store %arg12[%swap3A_932], %gather3A_931 {strides = array<i32>} : memref<128xf32, #tpu.memory_space<vmem>>, vector<16xf32>,
    %iota3A_934 = tpu.iota {dimensions = array<i32: 0>} : vector<16xi32>
    %add3A_935 = arith.constant 64 : i32
    %add3A_936 = vector.broadcast %add3A_935 : i32 to vector<16xi32>
    %add3A_937 = arith.addi %iota3A_934, %add3A_936 : vector<16xi32>
    %get3A_938 = arith.constant 320 : index
    %get3A_939 = tpu.vector_load %arg11[%get3A_938] {strides = array<i32>} : memref<512xi32, #tpu.memory_space<vmem>>, vector<16xi32>,
    %gather3A_940 = tpu.vector_load_idx %arg13[%add3A_937, %get3A_939] : memref<128x128xf32, #tpu.memory_space<vmem>>[vector<16xi32>, vector<16xi32>], vector<16xf32>,
    %swap3A_941 = arith.constant 64 : index
    %swap3A_942 = tpu.vector_load %arg12[%swap3A_941] {strides = array<i32>} : memref<128xf32, #tpu.memory_space<vmem>>, vector<16xf32>,
    tpu.vector_store %arg12[%swap3A_941], %gather3A_940 {strides = array<i32>} : memref<128xf32, #tpu.memory_space<vmem>>, vector<16xf32>,
    %iota3A_943 = tpu.iota {dimensions = array<i32: 0>} : vector<16xi32>
    %add3A_944 = arith.constant 80 : i32
    %add3A_945 = vector.broadcast %add3A_944 : i32 to vector<16xi32>
    %add3A_946 = arith.addi %iota3A_943, %add3A_945 : vector<16xi32>
    %get3A_947 = arith.constant 336 : index
    %get3A_948 = tpu.vector_load %arg11[%get3A_947] {strides = array<i32>} : memref<512xi32, #tpu.memory_space<vmem>>, vector<16xi32>,
    %gather3A_949 = tpu.vector_load_idx %arg13[%add3A_946, %get3A_948] : memref<128x128xf32, #tpu.memory_space<vmem>>[vector<16xi32>, vector<16xi32>], vector<16xf32>,
    %swap3A_950 = arith.constant 80 : index
    %swap3A_951 = tpu.vector_load %arg12[%swap3A_950] {strides = array<i32>} : memref<128xf32, #tpu.memory_space<vmem>>, vector<16xf32>,
    tpu.vector_store %arg12[%swap3A_950], %gather3A_949 {strides = array<i32>} : memref<128xf32, #tpu.memory_space<vmem>>, vector<16xf32>,
    %iota3A_952 = tpu.iota {dimensions = array<i32: 0>} : vector<16xi32>
    %add3A_953 = arith.constant 96 : i32
    %add3A_954 = vector.broadcast %add3A_953 : i32 to vector<16xi32>
    %add3A_955 = arith.addi %iota3A_952, %add3A_954 : vector<16xi32>
    %get3A_956 = arith.constant 352 : index
    %get3A_957 = tpu.vector_load %arg11[%get3A_956] {strides = array<i32>} : memref<512xi32, #tpu.memory_space<vmem>>, vector<16xi32>,
    %gather3A_958 = tpu.vector_load_idx %arg13[%add3A_955, %get3A_957] : memref<128x128xf32, #tpu.memory_space<vmem>>[vector<16xi32>, vector<16xi32>], vector<16xf32>,
    %swap3A_959 = arith.constant 96 : index
    %swap3A_960 = tpu.vector_load %arg12[%swap3A_959] {strides = array<i32>} : memref<128xf32, #tpu.memory_space<vmem>>, vector<16xf32>,
    tpu.vector_store %arg12[%swap3A_959], %gather3A_958 {strides = array<i32>} : memref<128xf32, #tpu.memory_space<vmem>>, vector<16xf32>,
    %iota3A_961 = tpu.iota {dimensions = array<i32: 0>} : vector<16xi32>
    %add3A_962 = arith.constant 112 : i32
    %add3A_963 = vector.broadcast %add3A_962 : i32 to vector<16xi32>
    %add3A_964 = arith.addi %iota3A_961, %add3A_963 : vector<16xi32>
    %get3A_965 = arith.constant 368 : index
    %get3A_966 = tpu.vector_load %arg11[%get3A_965] {strides = array<i32>} : memref<512xi32, #tpu.memory_space<vmem>>, vector<16xi32>,
    %gather3A_967 = tpu.vector_load_idx %arg13[%add3A_964, %get3A_966] : memref<128x128xf32, #tpu.memory_space<vmem>>[vector<16xi32>, vector<16xi32>], vector<16xf32>,
    %swap3A_968 = arith.constant 112 : index
    %swap3A_969 = tpu.vector_load %arg12[%swap3A_968] {strides = array<i32>} : memref<128xf32, #tpu.memory_space<vmem>>, vector<16xf32>,
    tpu.vector_store %arg12[%swap3A_968], %gather3A_967 {strides = array<i32>} : memref<128xf32, #tpu.memory_space<vmem>>, vector<16xf32>,
    %add3A_970 = arith.constant 256 : i32
    %add3A_971 = arith.addi %mul3A_2, %add3A_970 : i32
    "tpu.region"() ({
      %run_scoped3A = tpu.sem_alloc : memref<!tpu.dma_semaphore, #tpu.memory_space<semaphore_mem>>
      %dma_start3A_1387 = tpu.memref_slice %arg7[%add3A_971] : memref<16384xf32, #tpu.memory_space<hbm>> -> memref<128xf32, #tpu.memory_space<hbm>>
      %dma_start3A_1388 = tpu.memref_slice %arg7[%add3A_971] : memref<16384xf32, #tpu.memory_space<hbm>> -> memref<128xf32, #tpu.memory_space<hbm>>
      tpu.enqueue_dma source(%arg12 : memref<128xf32, #tpu.memory_space<vmem>>) target(%dma_start3A_1388 : memref<128xf32, #tpu.memory_space<hbm>>) target_semaphore(%run_scoped3A : memref<!tpu.dma_semaphore, #tpu.memory_space<semaphore_mem>>)
      %dma_wait3A_1389 = tpu.memref_slice %arg7[%add3A_971] : memref<16384xf32, #tpu.memory_space<hbm>> -> memref<128xf32, #tpu.memory_space<hbm>>
      %dma_wait3A_1390 = tpu.memref_slice %arg7[%add3A_971] : memref<16384xf32, #tpu.memory_space<hbm>> -> memref<128xf32, #tpu.memory_space<hbm>>
      tpu.wait_dma2 semaphore(%run_scoped3A : memref<!tpu.dma_semaphore, #tpu.memory_space<semaphore_mem>>) src(%arg12 : memref<128xf32, #tpu.memory_space<vmem>>) dst(%dma_wait3A_1390 : memref<128xf32, #tpu.memory_space<hbm>>)
      tpu.yield
    }) : () -> ()
    %dma_start3A_972 = arith.constant 0 : i32
    %dma_start3A_973 = tpu.memref_slice %arg10[%dma_start3A_972] : memref<512xi32, #tpu.memory_space<vmem>> -> memref<128xi32, #tpu.memory_space<vmem>>
    %dma_start3A_974 = arith.constant 0 : i32
    %dma_start3A_975 = arith.constant 0 : i32
    %dma_start3A_976 = tpu.memref_slice %arg4[%dma_start3A_974, %dma_start3A_975] : memref<7936x128xf32, #tpu.memory_space<hbm>> -> memref<7936x128xf32, #tpu.memory_space<hbm>>
    tpu.enqueue_indirect_dma source(%dma_start3A_976 : memref<7936x128xf32, #tpu.memory_space<hbm>>) target(%arg13 : memref<128x128xf32, #tpu.memory_space<vmem>>) offsets(%dma_start3A_973 : memref<128xi32, #tpu.memory_space<vmem>>) semaphore(%arg15 : memref<!tpu.dma_semaphore, #tpu.memory_space<semaphore_mem>>)
    %dma_wait3A_977 = arith.constant 384 : i32
    %dma_wait3A_978 = tpu.memref_slice %arg10[%dma_wait3A_977] : memref<512xi32, #tpu.memory_space<vmem>> -> memref<128xi32, #tpu.memory_space<vmem>>
    %dma_wait3A_979 = arith.constant 0 : i32
    %dma_wait3A_980 = arith.constant 0 : i32
    %dma_wait3A_981 = tpu.memref_slice %arg3[%dma_wait3A_979, %dma_wait3A_980] : memref<7936x128xf32, #tpu.memory_space<hbm>> -> memref<7936x128xf32, #tpu.memory_space<hbm>>
    tpu.wait_indirect_dma semaphore(%arg16 : memref<!tpu.dma_semaphore, #tpu.memory_space<semaphore_mem>>) src(%dma_wait3A_981 : memref<7936x128xf32, #tpu.memory_space<hbm>>) dst(%arg14 : memref<128x128xf32, #tpu.memory_space<vmem>>)
    %iota3A_982 = tpu.iota {dimensions = array<i32: 0>} : vector<16xi32>
    %add3A_983 = arith.constant 0 : i32
    %add3A_984 = vector.broadcast %add3A_983 : i32 to vector<16xi32>
    %add3A_985 = arith.addi %iota3A_982, %add3A_984 : vector<16xi32>
    %get3A_986 = arith.constant 384 : index
    %get3A_987 = tpu.vector_load %arg11[%get3A_986] {strides = array<i32>} : memref<512xi32, #tpu.memory_space<vmem>>, vector<16xi32>,
    %gather3A_988 = tpu.vector_load_idx %arg14[%add3A_985, %get3A_987] : memref<128x128xf32, #tpu.memory_space<vmem>>[vector<16xi32>, vector<16xi32>], vector<16xf32>,
    %swap3A_989 = arith.constant 0 : index
    %swap3A_990 = tpu.vector_load %arg12[%swap3A_989] {strides = array<i32>} : memref<128xf32, #tpu.memory_space<vmem>>, vector<16xf32>,
    tpu.vector_store %arg12[%swap3A_989], %gather3A_988 {strides = array<i32>} : memref<128xf32, #tpu.memory_space<vmem>>, vector<16xf32>,
    %iota3A_991 = tpu.iota {dimensions = array<i32: 0>} : vector<16xi32>
    %add3A_992 = arith.constant 16 : i32
    %add3A_993 = vector.broadcast %add3A_992 : i32 to vector<16xi32>
    %add3A_994 = arith.addi %iota3A_991, %add3A_993 : vector<16xi32>
    %get3A_995 = arith.constant 400 : index
    %get3A_996 = tpu.vector_load %arg11[%get3A_995] {strides = array<i32>} : memref<512xi32, #tpu.memory_space<vmem>>, vector<16xi32>,
    %gather3A_997 = tpu.vector_load_idx %arg14[%add3A_994, %get3A_996] : memref<128x128xf32, #tpu.memory_space<vmem>>[vector<16xi32>, vector<16xi32>], vector<16xf32>,
    %swap3A_998 = arith.constant 16 : index
    %swap3A_999 = tpu.vector_load %arg12[%swap3A_998] {strides = array<i32>} : memref<128xf32, #tpu.memory_space<vmem>>, vector<16xf32>,
    tpu.vector_store %arg12[%swap3A_998], %gather3A_997 {strides = array<i32>} : memref<128xf32, #tpu.memory_space<vmem>>, vector<16xf32>,
    %iota3A_1000 = tpu.iota {dimensions = array<i32: 0>} : vector<16xi32>
    %add3A_1001 = arith.constant 32 : i32
    %add3A_1002 = vector.broadcast %add3A_1001 : i32 to vector<16xi32>
    %add3A_1003 = arith.addi %iota3A_1000, %add3A_1002 : vector<16xi32>
    %get3A_1004 = arith.constant 416 : index
    %get3A_1005 = tpu.vector_load %arg11[%get3A_1004] {strides = array<i32>} : memref<512xi32, #tpu.memory_space<vmem>>, vector<16xi32>,
    %gather3A_1006 = tpu.vector_load_idx %arg14[%add3A_1003, %get3A_1005] : memref<128x128xf32, #tpu.memory_space<vmem>>[vector<16xi32>, vector<16xi32>], vector<16xf32>,
    %swap3A_1007 = arith.constant 32 : index
    %swap3A_1008 = tpu.vector_load %arg12[%swap3A_1007] {strides = array<i32>} : memref<128xf32, #tpu.memory_space<vmem>>, vector<16xf32>,
    tpu.vector_store %arg12[%swap3A_1007], %gather3A_1006 {strides = array<i32>} : memref<128xf32, #tpu.memory_space<vmem>>, vector<16xf32>,
    %iota3A_1009 = tpu.iota {dimensions = array<i32: 0>} : vector<16xi32>
    %add3A_1010 = arith.constant 48 : i32
    %add3A_1011 = vector.broadcast %add3A_1010 : i32 to vector<16xi32>
    %add3A_1012 = arith.addi %iota3A_1009, %add3A_1011 : vector<16xi32>
    %get3A_1013 = arith.constant 432 : index
    %get3A_1014 = tpu.vector_load %arg11[%get3A_1013] {strides = array<i32>} : memref<512xi32, #tpu.memory_space<vmem>>, vector<16xi32>,
    %gather3A_1015 = tpu.vector_load_idx %arg14[%add3A_1012, %get3A_1014] : memref<128x128xf32, #tpu.memory_space<vmem>>[vector<16xi32>, vector<16xi32>], vector<16xf32>,
    %swap3A_1016 = arith.constant 48 : index
    %swap3A_1017 = tpu.vector_load %arg12[%swap3A_1016] {strides = array<i32>} : memref<128xf32, #tpu.memory_space<vmem>>, vector<16xf32>,
    tpu.vector_store %arg12[%swap3A_1016], %gather3A_1015 {strides = array<i32>} : memref<128xf32, #tpu.memory_space<vmem>>, vector<16xf32>,
    %iota3A_1018 = tpu.iota {dimensions = array<i32: 0>} : vector<16xi32>
    %add3A_1019 = arith.constant 64 : i32
    %add3A_1020 = vector.broadcast %add3A_1019 : i32 to vector<16xi32>
    %add3A_1021 = arith.addi %iota3A_1018, %add3A_1020 : vector<16xi32>
    %get3A_1022 = arith.constant 448 : index
    %get3A_1023 = tpu.vector_load %arg11[%get3A_1022] {strides = array<i32>} : memref<512xi32, #tpu.memory_space<vmem>>, vector<16xi32>,
    %gather3A_1024 = tpu.vector_load_idx %arg14[%add3A_1021, %get3A_1023] : memref<128x128xf32, #tpu.memory_space<vmem>>[vector<16xi32>, vector<16xi32>], vector<16xf32>,
    %swap3A_1025 = arith.constant 64 : index
    %swap3A_1026 = tpu.vector_load %arg12[%swap3A_1025] {strides = array<i32>} : memref<128xf32, #tpu.memory_space<vmem>>, vector<16xf32>,
    tpu.vector_store %arg12[%swap3A_1025], %gather3A_1024 {strides = array<i32>} : memref<128xf32, #tpu.memory_space<vmem>>, vector<16xf32>,
    %iota3A_1027 = tpu.iota {dimensions = array<i32: 0>} : vector<16xi32>
    %add3A_1028 = arith.constant 80 : i32
    %add3A_1029 = vector.broadcast %add3A_1028 : i32 to vector<16xi32>
    %add3A_1030 = arith.addi %iota3A_1027, %add3A_1029 : vector<16xi32>
    %get3A_1031 = arith.constant 464 : index
    %get3A_1032 = tpu.vector_load %arg11[%get3A_1031] {strides = array<i32>} : memref<512xi32, #tpu.memory_space<vmem>>, vector<16xi32>,
    %gather3A_1033 = tpu.vector_load_idx %arg14[%add3A_1030, %get3A_1032] : memref<128x128xf32, #tpu.memory_space<vmem>>[vector<16xi32>, vector<16xi32>], vector<16xf32>,
    %swap3A_1034 = arith.constant 80 : index
    %swap3A_1035 = tpu.vector_load %arg12[%swap3A_1034] {strides = array<i32>} : memref<128xf32, #tpu.memory_space<vmem>>, vector<16xf32>,
    tpu.vector_store %arg12[%swap3A_1034], %gather3A_1033 {strides = array<i32>} : memref<128xf32, #tpu.memory_space<vmem>>, vector<16xf32>,
    %iota3A_1036 = tpu.iota {dimensions = array<i32: 0>} : vector<16xi32>
    %add3A_1037 = arith.constant 96 : i32
    %add3A_1038 = vector.broadcast %add3A_1037 : i32 to vector<16xi32>
    %add3A_1039 = arith.addi %iota3A_1036, %add3A_1038 : vector<16xi32>
    %get3A_1040 = arith.constant 480 : index
    %get3A_1041 = tpu.vector_load %arg11[%get3A_1040] {strides = array<i32>} : memref<512xi32, #tpu.memory_space<vmem>>, vector<16xi32>,
    %gather3A_1042 = tpu.vector_load_idx %arg14[%add3A_1039, %get3A_1041] : memref<128x128xf32, #tpu.memory_space<vmem>>[vector<16xi32>, vector<16xi32>], vector<16xf32>,
    %swap3A_1043 = arith.constant 96 : index
    %swap3A_1044 = tpu.vector_load %arg12[%swap3A_1043] {strides = array<i32>} : memref<128xf32, #tpu.memory_space<vmem>>, vector<16xf32>,
    tpu.vector_store %arg12[%swap3A_1043], %gather3A_1042 {strides = array<i32>} : memref<128xf32, #tpu.memory_space<vmem>>, vector<16xf32>,
    %iota3A_1045 = tpu.iota {dimensions = array<i32: 0>} : vector<16xi32>
    %add3A_1046 = arith.constant 112 : i32
    %add3A_1047 = vector.broadcast %add3A_1046 : i32 to vector<16xi32>
    %add3A_1048 = arith.addi %iota3A_1045, %add3A_1047 : vector<16xi32>
    %get3A_1049 = arith.constant 496 : index
    %get3A_1050 = tpu.vector_load %arg11[%get3A_1049] {strides = array<i32>} : memref<512xi32, #tpu.memory_space<vmem>>, vector<16xi32>,
    %gather3A_1051 = tpu.vector_load_idx %arg14[%add3A_1048, %get3A_1050] : memref<128x128xf32, #tpu.memory_space<vmem>>[vector<16xi32>, vector<16xi32>], vector<16xf32>,
    %swap3A_1052 = arith.constant 112 : index
    %swap3A_1053 = tpu.vector_load %arg12[%swap3A_1052] {strides = array<i32>} : memref<128xf32, #tpu.memory_space<vmem>>, vector<16xf32>,
    tpu.vector_store %arg12[%swap3A_1052], %gather3A_1051 {strides = array<i32>} : memref<128xf32, #tpu.memory_space<vmem>>, vector<16xf32>,
    %add3A_1054 = arith.constant 384 : i32
    %add3A_1055 = arith.addi %mul3A_2, %add3A_1054 : i32
    "tpu.region"() ({
      %run_scoped3A = tpu.sem_alloc : memref<!tpu.dma_semaphore, #tpu.memory_space<semaphore_mem>>
      %dma_start3A_1387 = tpu.memref_slice %arg7[%add3A_1055] : memref<16384xf32, #tpu.memory_space<hbm>> -> memref<128xf32, #tpu.memory_space<hbm>>
      %dma_start3A_1388 = tpu.memref_slice %arg7[%add3A_1055] : memref<16384xf32, #tpu.memory_space<hbm>> -> memref<128xf32, #tpu.memory_space<hbm>>
      tpu.enqueue_dma source(%arg12 : memref<128xf32, #tpu.memory_space<vmem>>) target(%dma_start3A_1388 : memref<128xf32, #tpu.memory_space<hbm>>) target_semaphore(%run_scoped3A : memref<!tpu.dma_semaphore, #tpu.memory_space<semaphore_mem>>)
      %dma_wait3A_1389 = tpu.memref_slice %arg7[%add3A_1055] : memref<16384xf32, #tpu.memory_space<hbm>> -> memref<128xf32, #tpu.memory_space<hbm>>
      %dma_wait3A_1390 = tpu.memref_slice %arg7[%add3A_1055] : memref<16384xf32, #tpu.memory_space<hbm>> -> memref<128xf32, #tpu.memory_space<hbm>>
      tpu.wait_dma2 semaphore(%run_scoped3A : memref<!tpu.dma_semaphore, #tpu.memory_space<semaphore_mem>>) src(%arg12 : memref<128xf32, #tpu.memory_space<vmem>>) dst(%dma_wait3A_1390 : memref<128xf32, #tpu.memory_space<hbm>>)
      tpu.yield
    }) : () -> ()
    %dma_start3A_1056 = arith.constant 128 : i32
    %dma_start3A_1057 = tpu.memref_slice %arg10[%dma_start3A_1056] : memref<512xi32, #tpu.memory_space<vmem>> -> memref<128xi32, #tpu.memory_space<vmem>>
    %dma_start3A_1058 = arith.constant 0 : i32
    %dma_start3A_1059 = arith.constant 0 : i32
    %dma_start3A_1060 = tpu.memref_slice %arg4[%dma_start3A_1058, %dma_start3A_1059] : memref<7936x128xf32, #tpu.memory_space<hbm>> -> memref<7936x128xf32, #tpu.memory_space<hbm>>
    tpu.enqueue_indirect_dma source(%dma_start3A_1060 : memref<7936x128xf32, #tpu.memory_space<hbm>>) target(%arg14 : memref<128x128xf32, #tpu.memory_space<vmem>>) offsets(%dma_start3A_1057 : memref<128xi32, #tpu.memory_space<vmem>>) semaphore(%arg16 : memref<!tpu.dma_semaphore, #tpu.memory_space<semaphore_mem>>)
    %dma_wait3A_1061 = arith.constant 0 : i32
    %dma_wait3A_1062 = tpu.memref_slice %arg10[%dma_wait3A_1061] : memref<512xi32, #tpu.memory_space<vmem>> -> memref<128xi32, #tpu.memory_space<vmem>>
    %dma_wait3A_1063 = arith.constant 0 : i32
    %dma_wait3A_1064 = arith.constant 0 : i32
    %dma_wait3A_1065 = tpu.memref_slice %arg4[%dma_wait3A_1063, %dma_wait3A_1064] : memref<7936x128xf32, #tpu.memory_space<hbm>> -> memref<7936x128xf32, #tpu.memory_space<hbm>>
    tpu.wait_indirect_dma semaphore(%arg15 : memref<!tpu.dma_semaphore, #tpu.memory_space<semaphore_mem>>) src(%dma_wait3A_1065 : memref<7936x128xf32, #tpu.memory_space<hbm>>) dst(%arg13 : memref<128x128xf32, #tpu.memory_space<vmem>>)
    %iota3A_1066 = tpu.iota {dimensions = array<i32: 0>} : vector<16xi32>
    %add3A_1067 = arith.constant 0 : i32
    %add3A_1068 = vector.broadcast %add3A_1067 : i32 to vector<16xi32>
    %add3A_1069 = arith.addi %iota3A_1066, %add3A_1068 : vector<16xi32>
    %get3A_1070 = arith.constant 0 : index
    %get3A_1071 = tpu.vector_load %arg11[%get3A_1070] {strides = array<i32>} : memref<512xi32, #tpu.memory_space<vmem>>, vector<16xi32>,
    %gather3A_1072 = tpu.vector_load_idx %arg13[%add3A_1069, %get3A_1071] : memref<128x128xf32, #tpu.memory_space<vmem>>[vector<16xi32>, vector<16xi32>], vector<16xf32>,
    %swap3A_1073 = arith.constant 0 : index
    %swap3A_1074 = tpu.vector_load %arg12[%swap3A_1073] {strides = array<i32>} : memref<128xf32, #tpu.memory_space<vmem>>, vector<16xf32>,
    tpu.vector_store %arg12[%swap3A_1073], %gather3A_1072 {strides = array<i32>} : memref<128xf32, #tpu.memory_space<vmem>>, vector<16xf32>,
    %iota3A_1075 = tpu.iota {dimensions = array<i32: 0>} : vector<16xi32>
    %add3A_1076 = arith.constant 16 : i32
    %add3A_1077 = vector.broadcast %add3A_1076 : i32 to vector<16xi32>
    %add3A_1078 = arith.addi %iota3A_1075, %add3A_1077 : vector<16xi32>
    %get3A_1079 = arith.constant 16 : index
    %get3A_1080 = tpu.vector_load %arg11[%get3A_1079] {strides = array<i32>} : memref<512xi32, #tpu.memory_space<vmem>>, vector<16xi32>,
    %gather3A_1081 = tpu.vector_load_idx %arg13[%add3A_1078, %get3A_1080] : memref<128x128xf32, #tpu.memory_space<vmem>>[vector<16xi32>, vector<16xi32>], vector<16xf32>,
    %swap3A_1082 = arith.constant 16 : index
    %swap3A_1083 = tpu.vector_load %arg12[%swap3A_1082] {strides = array<i32>} : memref<128xf32, #tpu.memory_space<vmem>>, vector<16xf32>,
    tpu.vector_store %arg12[%swap3A_1082], %gather3A_1081 {strides = array<i32>} : memref<128xf32, #tpu.memory_space<vmem>>, vector<16xf32>,
    %iota3A_1084 = tpu.iota {dimensions = array<i32: 0>} : vector<16xi32>
    %add3A_1085 = arith.constant 32 : i32
    %add3A_1086 = vector.broadcast %add3A_1085 : i32 to vector<16xi32>
    %add3A_1087 = arith.addi %iota3A_1084, %add3A_1086 : vector<16xi32>
    %get3A_1088 = arith.constant 32 : index
    %get3A_1089 = tpu.vector_load %arg11[%get3A_1088] {strides = array<i32>} : memref<512xi32, #tpu.memory_space<vmem>>, vector<16xi32>,
    %gather3A_1090 = tpu.vector_load_idx %arg13[%add3A_1087, %get3A_1089] : memref<128x128xf32, #tpu.memory_space<vmem>>[vector<16xi32>, vector<16xi32>], vector<16xf32>,
    %swap3A_1091 = arith.constant 32 : index
    %swap3A_1092 = tpu.vector_load %arg12[%swap3A_1091] {strides = array<i32>} : memref<128xf32, #tpu.memory_space<vmem>>, vector<16xf32>,
    tpu.vector_store %arg12[%swap3A_1091], %gather3A_1090 {strides = array<i32>} : memref<128xf32, #tpu.memory_space<vmem>>, vector<16xf32>,
    %iota3A_1093 = tpu.iota {dimensions = array<i32: 0>} : vector<16xi32>
    %add3A_1094 = arith.constant 48 : i32
    %add3A_1095 = vector.broadcast %add3A_1094 : i32 to vector<16xi32>
    %add3A_1096 = arith.addi %iota3A_1093, %add3A_1095 : vector<16xi32>
    %get3A_1097 = arith.constant 48 : index
    %get3A_1098 = tpu.vector_load %arg11[%get3A_1097] {strides = array<i32>} : memref<512xi32, #tpu.memory_space<vmem>>, vector<16xi32>,
    %gather3A_1099 = tpu.vector_load_idx %arg13[%add3A_1096, %get3A_1098] : memref<128x128xf32, #tpu.memory_space<vmem>>[vector<16xi32>, vector<16xi32>], vector<16xf32>,
    %swap3A_1100 = arith.constant 48 : index
    %swap3A_1101 = tpu.vector_load %arg12[%swap3A_1100] {strides = array<i32>} : memref<128xf32, #tpu.memory_space<vmem>>, vector<16xf32>,
    tpu.vector_store %arg12[%swap3A_1100], %gather3A_1099 {strides = array<i32>} : memref<128xf32, #tpu.memory_space<vmem>>, vector<16xf32>,
    %iota3A_1102 = tpu.iota {dimensions = array<i32: 0>} : vector<16xi32>
    %add3A_1103 = arith.constant 64 : i32
    %add3A_1104 = vector.broadcast %add3A_1103 : i32 to vector<16xi32>
    %add3A_1105 = arith.addi %iota3A_1102, %add3A_1104 : vector<16xi32>
    %get3A_1106 = arith.constant 64 : index
    %get3A_1107 = tpu.vector_load %arg11[%get3A_1106] {strides = array<i32>} : memref<512xi32, #tpu.memory_space<vmem>>, vector<16xi32>,
    %gather3A_1108 = tpu.vector_load_idx %arg13[%add3A_1105, %get3A_1107] : memref<128x128xf32, #tpu.memory_space<vmem>>[vector<16xi32>, vector<16xi32>], vector<16xf32>,
    %swap3A_1109 = arith.constant 64 : index
    %swap3A_1110 = tpu.vector_load %arg12[%swap3A_1109] {strides = array<i32>} : memref<128xf32, #tpu.memory_space<vmem>>, vector<16xf32>,
    tpu.vector_store %arg12[%swap3A_1109], %gather3A_1108 {strides = array<i32>} : memref<128xf32, #tpu.memory_space<vmem>>, vector<16xf32>,
    %iota3A_1111 = tpu.iota {dimensions = array<i32: 0>} : vector<16xi32>
    %add3A_1112 = arith.constant 80 : i32
    %add3A_1113 = vector.broadcast %add3A_1112 : i32 to vector<16xi32>
    %add3A_1114 = arith.addi %iota3A_1111, %add3A_1113 : vector<16xi32>
    %get3A_1115 = arith.constant 80 : index
    %get3A_1116 = tpu.vector_load %arg11[%get3A_1115] {strides = array<i32>} : memref<512xi32, #tpu.memory_space<vmem>>, vector<16xi32>,
    %gather3A_1117 = tpu.vector_load_idx %arg13[%add3A_1114, %get3A_1116] : memref<128x128xf32, #tpu.memory_space<vmem>>[vector<16xi32>, vector<16xi32>], vector<16xf32>,
    %swap3A_1118 = arith.constant 80 : index
    %swap3A_1119 = tpu.vector_load %arg12[%swap3A_1118] {strides = array<i32>} : memref<128xf32, #tpu.memory_space<vmem>>, vector<16xf32>,
    tpu.vector_store %arg12[%swap3A_1118], %gather3A_1117 {strides = array<i32>} : memref<128xf32, #tpu.memory_space<vmem>>, vector<16xf32>,
    %iota3A_1120 = tpu.iota {dimensions = array<i32: 0>} : vector<16xi32>
    %add3A_1121 = arith.constant 96 : i32
    %add3A_1122 = vector.broadcast %add3A_1121 : i32 to vector<16xi32>
    %add3A_1123 = arith.addi %iota3A_1120, %add3A_1122 : vector<16xi32>
    %get3A_1124 = arith.constant 96 : index
    %get3A_1125 = tpu.vector_load %arg11[%get3A_1124] {strides = array<i32>} : memref<512xi32, #tpu.memory_space<vmem>>, vector<16xi32>,
    %gather3A_1126 = tpu.vector_load_idx %arg13[%add3A_1123, %get3A_1125] : memref<128x128xf32, #tpu.memory_space<vmem>>[vector<16xi32>, vector<16xi32>], vector<16xf32>,
    %swap3A_1127 = arith.constant 96 : index
    %swap3A_1128 = tpu.vector_load %arg12[%swap3A_1127] {strides = array<i32>} : memref<128xf32, #tpu.memory_space<vmem>>, vector<16xf32>,
    tpu.vector_store %arg12[%swap3A_1127], %gather3A_1126 {strides = array<i32>} : memref<128xf32, #tpu.memory_space<vmem>>, vector<16xf32>,
    %iota3A_1129 = tpu.iota {dimensions = array<i32: 0>} : vector<16xi32>
    %add3A_1130 = arith.constant 112 : i32
    %add3A_1131 = vector.broadcast %add3A_1130 : i32 to vector<16xi32>
    %add3A_1132 = arith.addi %iota3A_1129, %add3A_1131 : vector<16xi32>
    %get3A_1133 = arith.constant 112 : index
    %get3A_1134 = tpu.vector_load %arg11[%get3A_1133] {strides = array<i32>} : memref<512xi32, #tpu.memory_space<vmem>>, vector<16xi32>,
    %gather3A_1135 = tpu.vector_load_idx %arg13[%add3A_1132, %get3A_1134] : memref<128x128xf32, #tpu.memory_space<vmem>>[vector<16xi32>, vector<16xi32>], vector<16xf32>,
    %swap3A_1136 = arith.constant 112 : index
    %swap3A_1137 = tpu.vector_load %arg12[%swap3A_1136] {strides = array<i32>} : memref<128xf32, #tpu.memory_space<vmem>>, vector<16xf32>,
    tpu.vector_store %arg12[%swap3A_1136], %gather3A_1135 {strides = array<i32>} : memref<128xf32, #tpu.memory_space<vmem>>, vector<16xf32>,
    %add3A_1138 = arith.constant 0 : i32
    %add3A_1139 = arith.addi %mul3A_2, %add3A_1138 : i32
    "tpu.region"() ({
      %run_scoped3A = tpu.sem_alloc : memref<!tpu.dma_semaphore, #tpu.memory_space<semaphore_mem>>
      %dma_start3A_1387 = tpu.memref_slice %arg8[%add3A_1139] : memref<16384xf32, #tpu.memory_space<hbm>> -> memref<128xf32, #tpu.memory_space<hbm>>
      %dma_start3A_1388 = tpu.memref_slice %arg8[%add3A_1139] : memref<16384xf32, #tpu.memory_space<hbm>> -> memref<128xf32, #tpu.memory_space<hbm>>
      tpu.enqueue_dma source(%arg12 : memref<128xf32, #tpu.memory_space<vmem>>) target(%dma_start3A_1388 : memref<128xf32, #tpu.memory_space<hbm>>) target_semaphore(%run_scoped3A : memref<!tpu.dma_semaphore, #tpu.memory_space<semaphore_mem>>)
      %dma_wait3A_1389 = tpu.memref_slice %arg8[%add3A_1139] : memref<16384xf32, #tpu.memory_space<hbm>> -> memref<128xf32, #tpu.memory_space<hbm>>
      %dma_wait3A_1390 = tpu.memref_slice %arg8[%add3A_1139] : memref<16384xf32, #tpu.memory_space<hbm>> -> memref<128xf32, #tpu.memory_space<hbm>>
      tpu.wait_dma2 semaphore(%run_scoped3A : memref<!tpu.dma_semaphore, #tpu.memory_space<semaphore_mem>>) src(%arg12 : memref<128xf32, #tpu.memory_space<vmem>>) dst(%dma_wait3A_1390 : memref<128xf32, #tpu.memory_space<hbm>>)
      tpu.yield
    }) : () -> ()
    %dma_start3A_1140 = arith.constant 256 : i32
    %dma_start3A_1141 = tpu.memref_slice %arg10[%dma_start3A_1140] : memref<512xi32, #tpu.memory_space<vmem>> -> memref<128xi32, #tpu.memory_space<vmem>>
    %dma_start3A_1142 = arith.constant 0 : i32
    %dma_start3A_1143 = arith.constant 0 : i32
    %dma_start3A_1144 = tpu.memref_slice %arg4[%dma_start3A_1142, %dma_start3A_1143] : memref<7936x128xf32, #tpu.memory_space<hbm>> -> memref<7936x128xf32, #tpu.memory_space<hbm>>
    tpu.enqueue_indirect_dma source(%dma_start3A_1144 : memref<7936x128xf32, #tpu.memory_space<hbm>>) target(%arg13 : memref<128x128xf32, #tpu.memory_space<vmem>>) offsets(%dma_start3A_1141 : memref<128xi32, #tpu.memory_space<vmem>>) semaphore(%arg15 : memref<!tpu.dma_semaphore, #tpu.memory_space<semaphore_mem>>)
    %dma_wait3A_1145 = arith.constant 128 : i32
    %dma_wait3A_1146 = tpu.memref_slice %arg10[%dma_wait3A_1145] : memref<512xi32, #tpu.memory_space<vmem>> -> memref<128xi32, #tpu.memory_space<vmem>>
    %dma_wait3A_1147 = arith.constant 0 : i32
    %dma_wait3A_1148 = arith.constant 0 : i32
    %dma_wait3A_1149 = tpu.memref_slice %arg4[%dma_wait3A_1147, %dma_wait3A_1148] : memref<7936x128xf32, #tpu.memory_space<hbm>> -> memref<7936x128xf32, #tpu.memory_space<hbm>>
    tpu.wait_indirect_dma semaphore(%arg16 : memref<!tpu.dma_semaphore, #tpu.memory_space<semaphore_mem>>) src(%dma_wait3A_1149 : memref<7936x128xf32, #tpu.memory_space<hbm>>) dst(%arg14 : memref<128x128xf32, #tpu.memory_space<vmem>>)
    %iota3A_1150 = tpu.iota {dimensions = array<i32: 0>} : vector<16xi32>
    %add3A_1151 = arith.constant 0 : i32
    %add3A_1152 = vector.broadcast %add3A_1151 : i32 to vector<16xi32>
    %add3A_1153 = arith.addi %iota3A_1150, %add3A_1152 : vector<16xi32>
    %get3A_1154 = arith.constant 128 : index
    %get3A_1155 = tpu.vector_load %arg11[%get3A_1154] {strides = array<i32>} : memref<512xi32, #tpu.memory_space<vmem>>, vector<16xi32>,
    %gather3A_1156 = tpu.vector_load_idx %arg14[%add3A_1153, %get3A_1155] : memref<128x128xf32, #tpu.memory_space<vmem>>[vector<16xi32>, vector<16xi32>], vector<16xf32>,
    %swap3A_1157 = arith.constant 0 : index
    %swap3A_1158 = tpu.vector_load %arg12[%swap3A_1157] {strides = array<i32>} : memref<128xf32, #tpu.memory_space<vmem>>, vector<16xf32>,
    tpu.vector_store %arg12[%swap3A_1157], %gather3A_1156 {strides = array<i32>} : memref<128xf32, #tpu.memory_space<vmem>>, vector<16xf32>,
    %iota3A_1159 = tpu.iota {dimensions = array<i32: 0>} : vector<16xi32>
    %add3A_1160 = arith.constant 16 : i32
    %add3A_1161 = vector.broadcast %add3A_1160 : i32 to vector<16xi32>
    %add3A_1162 = arith.addi %iota3A_1159, %add3A_1161 : vector<16xi32>
    %get3A_1163 = arith.constant 144 : index
    %get3A_1164 = tpu.vector_load %arg11[%get3A_1163] {strides = array<i32>} : memref<512xi32, #tpu.memory_space<vmem>>, vector<16xi32>,
    %gather3A_1165 = tpu.vector_load_idx %arg14[%add3A_1162, %get3A_1164] : memref<128x128xf32, #tpu.memory_space<vmem>>[vector<16xi32>, vector<16xi32>], vector<16xf32>,
    %swap3A_1166 = arith.constant 16 : index
    %swap3A_1167 = tpu.vector_load %arg12[%swap3A_1166] {strides = array<i32>} : memref<128xf32, #tpu.memory_space<vmem>>, vector<16xf32>,
    tpu.vector_store %arg12[%swap3A_1166], %gather3A_1165 {strides = array<i32>} : memref<128xf32, #tpu.memory_space<vmem>>, vector<16xf32>,
    %iota3A_1168 = tpu.iota {dimensions = array<i32: 0>} : vector<16xi32>
    %add3A_1169 = arith.constant 32 : i32
    %add3A_1170 = vector.broadcast %add3A_1169 : i32 to vector<16xi32>
    %add3A_1171 = arith.addi %iota3A_1168, %add3A_1170 : vector<16xi32>
    %get3A_1172 = arith.constant 160 : index
    %get3A_1173 = tpu.vector_load %arg11[%get3A_1172] {strides = array<i32>} : memref<512xi32, #tpu.memory_space<vmem>>, vector<16xi32>,
    %gather3A_1174 = tpu.vector_load_idx %arg14[%add3A_1171, %get3A_1173] : memref<128x128xf32, #tpu.memory_space<vmem>>[vector<16xi32>, vector<16xi32>], vector<16xf32>,
    %swap3A_1175 = arith.constant 32 : index
    %swap3A_1176 = tpu.vector_load %arg12[%swap3A_1175] {strides = array<i32>} : memref<128xf32, #tpu.memory_space<vmem>>, vector<16xf32>,
    tpu.vector_store %arg12[%swap3A_1175], %gather3A_1174 {strides = array<i32>} : memref<128xf32, #tpu.memory_space<vmem>>, vector<16xf32>,
    %iota3A_1177 = tpu.iota {dimensions = array<i32: 0>} : vector<16xi32>
    %add3A_1178 = arith.constant 48 : i32
    %add3A_1179 = vector.broadcast %add3A_1178 : i32 to vector<16xi32>
    %add3A_1180 = arith.addi %iota3A_1177, %add3A_1179 : vector<16xi32>
    %get3A_1181 = arith.constant 176 : index
    %get3A_1182 = tpu.vector_load %arg11[%get3A_1181] {strides = array<i32>} : memref<512xi32, #tpu.memory_space<vmem>>, vector<16xi32>,
    %gather3A_1183 = tpu.vector_load_idx %arg14[%add3A_1180, %get3A_1182] : memref<128x128xf32, #tpu.memory_space<vmem>>[vector<16xi32>, vector<16xi32>], vector<16xf32>,
    %swap3A_1184 = arith.constant 48 : index
    %swap3A_1185 = tpu.vector_load %arg12[%swap3A_1184] {strides = array<i32>} : memref<128xf32, #tpu.memory_space<vmem>>, vector<16xf32>,
    tpu.vector_store %arg12[%swap3A_1184], %gather3A_1183 {strides = array<i32>} : memref<128xf32, #tpu.memory_space<vmem>>, vector<16xf32>,
    %iota3A_1186 = tpu.iota {dimensions = array<i32: 0>} : vector<16xi32>
    %add3A_1187 = arith.constant 64 : i32
    %add3A_1188 = vector.broadcast %add3A_1187 : i32 to vector<16xi32>
    %add3A_1189 = arith.addi %iota3A_1186, %add3A_1188 : vector<16xi32>
    %get3A_1190 = arith.constant 192 : index
    %get3A_1191 = tpu.vector_load %arg11[%get3A_1190] {strides = array<i32>} : memref<512xi32, #tpu.memory_space<vmem>>, vector<16xi32>,
    %gather3A_1192 = tpu.vector_load_idx %arg14[%add3A_1189, %get3A_1191] : memref<128x128xf32, #tpu.memory_space<vmem>>[vector<16xi32>, vector<16xi32>], vector<16xf32>,
    %swap3A_1193 = arith.constant 64 : index
    %swap3A_1194 = tpu.vector_load %arg12[%swap3A_1193] {strides = array<i32>} : memref<128xf32, #tpu.memory_space<vmem>>, vector<16xf32>,
    tpu.vector_store %arg12[%swap3A_1193], %gather3A_1192 {strides = array<i32>} : memref<128xf32, #tpu.memory_space<vmem>>, vector<16xf32>,
    %iota3A_1195 = tpu.iota {dimensions = array<i32: 0>} : vector<16xi32>
    %add3A_1196 = arith.constant 80 : i32
    %add3A_1197 = vector.broadcast %add3A_1196 : i32 to vector<16xi32>
    %add3A_1198 = arith.addi %iota3A_1195, %add3A_1197 : vector<16xi32>
    %get3A_1199 = arith.constant 208 : index
    %get3A_1200 = tpu.vector_load %arg11[%get3A_1199] {strides = array<i32>} : memref<512xi32, #tpu.memory_space<vmem>>, vector<16xi32>,
    %gather3A_1201 = tpu.vector_load_idx %arg14[%add3A_1198, %get3A_1200] : memref<128x128xf32, #tpu.memory_space<vmem>>[vector<16xi32>, vector<16xi32>], vector<16xf32>,
    %swap3A_1202 = arith.constant 80 : index
    %swap3A_1203 = tpu.vector_load %arg12[%swap3A_1202] {strides = array<i32>} : memref<128xf32, #tpu.memory_space<vmem>>, vector<16xf32>,
    tpu.vector_store %arg12[%swap3A_1202], %gather3A_1201 {strides = array<i32>} : memref<128xf32, #tpu.memory_space<vmem>>, vector<16xf32>,
    %iota3A_1204 = tpu.iota {dimensions = array<i32: 0>} : vector<16xi32>
    %add3A_1205 = arith.constant 96 : i32
    %add3A_1206 = vector.broadcast %add3A_1205 : i32 to vector<16xi32>
    %add3A_1207 = arith.addi %iota3A_1204, %add3A_1206 : vector<16xi32>
    %get3A_1208 = arith.constant 224 : index
    %get3A_1209 = tpu.vector_load %arg11[%get3A_1208] {strides = array<i32>} : memref<512xi32, #tpu.memory_space<vmem>>, vector<16xi32>,
    %gather3A_1210 = tpu.vector_load_idx %arg14[%add3A_1207, %get3A_1209] : memref<128x128xf32, #tpu.memory_space<vmem>>[vector<16xi32>, vector<16xi32>], vector<16xf32>,
    %swap3A_1211 = arith.constant 96 : index
    %swap3A_1212 = tpu.vector_load %arg12[%swap3A_1211] {strides = array<i32>} : memref<128xf32, #tpu.memory_space<vmem>>, vector<16xf32>,
    tpu.vector_store %arg12[%swap3A_1211], %gather3A_1210 {strides = array<i32>} : memref<128xf32, #tpu.memory_space<vmem>>, vector<16xf32>,
    %iota3A_1213 = tpu.iota {dimensions = array<i32: 0>} : vector<16xi32>
    %add3A_1214 = arith.constant 112 : i32
    %add3A_1215 = vector.broadcast %add3A_1214 : i32 to vector<16xi32>
    %add3A_1216 = arith.addi %iota3A_1213, %add3A_1215 : vector<16xi32>
    %get3A_1217 = arith.constant 240 : index
    %get3A_1218 = tpu.vector_load %arg11[%get3A_1217] {strides = array<i32>} : memref<512xi32, #tpu.memory_space<vmem>>, vector<16xi32>,
    %gather3A_1219 = tpu.vector_load_idx %arg14[%add3A_1216, %get3A_1218] : memref<128x128xf32, #tpu.memory_space<vmem>>[vector<16xi32>, vector<16xi32>], vector<16xf32>,
    %swap3A_1220 = arith.constant 112 : index
    %swap3A_1221 = tpu.vector_load %arg12[%swap3A_1220] {strides = array<i32>} : memref<128xf32, #tpu.memory_space<vmem>>, vector<16xf32>,
    tpu.vector_store %arg12[%swap3A_1220], %gather3A_1219 {strides = array<i32>} : memref<128xf32, #tpu.memory_space<vmem>>, vector<16xf32>,
    %add3A_1222 = arith.constant 128 : i32
    %add3A_1223 = arith.addi %mul3A_2, %add3A_1222 : i32
    "tpu.region"() ({
      %run_scoped3A = tpu.sem_alloc : memref<!tpu.dma_semaphore, #tpu.memory_space<semaphore_mem>>
      %dma_start3A_1387 = tpu.memref_slice %arg8[%add3A_1223] : memref<16384xf32, #tpu.memory_space<hbm>> -> memref<128xf32, #tpu.memory_space<hbm>>
      %dma_start3A_1388 = tpu.memref_slice %arg8[%add3A_1223] : memref<16384xf32, #tpu.memory_space<hbm>> -> memref<128xf32, #tpu.memory_space<hbm>>
      tpu.enqueue_dma source(%arg12 : memref<128xf32, #tpu.memory_space<vmem>>) target(%dma_start3A_1388 : memref<128xf32, #tpu.memory_space<hbm>>) target_semaphore(%run_scoped3A : memref<!tpu.dma_semaphore, #tpu.memory_space<semaphore_mem>>)
      %dma_wait3A_1389 = tpu.memref_slice %arg8[%add3A_1223] : memref<16384xf32, #tpu.memory_space<hbm>> -> memref<128xf32, #tpu.memory_space<hbm>>
      %dma_wait3A_1390 = tpu.memref_slice %arg8[%add3A_1223] : memref<16384xf32, #tpu.memory_space<hbm>> -> memref<128xf32, #tpu.memory_space<hbm>>
      tpu.wait_dma2 semaphore(%run_scoped3A : memref<!tpu.dma_semaphore, #tpu.memory_space<semaphore_mem>>) src(%arg12 : memref<128xf32, #tpu.memory_space<vmem>>) dst(%dma_wait3A_1390 : memref<128xf32, #tpu.memory_space<hbm>>)
      tpu.yield
    }) : () -> ()
    %dma_start3A_1224 = arith.constant 384 : i32
    %dma_start3A_1225 = tpu.memref_slice %arg10[%dma_start3A_1224] : memref<512xi32, #tpu.memory_space<vmem>> -> memref<128xi32, #tpu.memory_space<vmem>>
    %dma_start3A_1226 = arith.constant 0 : i32
    %dma_start3A_1227 = arith.constant 0 : i32
    %dma_start3A_1228 = tpu.memref_slice %arg4[%dma_start3A_1226, %dma_start3A_1227] : memref<7936x128xf32, #tpu.memory_space<hbm>> -> memref<7936x128xf32, #tpu.memory_space<hbm>>
    tpu.enqueue_indirect_dma source(%dma_start3A_1228 : memref<7936x128xf32, #tpu.memory_space<hbm>>) target(%arg14 : memref<128x128xf32, #tpu.memory_space<vmem>>) offsets(%dma_start3A_1225 : memref<128xi32, #tpu.memory_space<vmem>>) semaphore(%arg16 : memref<!tpu.dma_semaphore, #tpu.memory_space<semaphore_mem>>)
    %dma_wait3A_1229 = arith.constant 256 : i32
    %dma_wait3A_1230 = tpu.memref_slice %arg10[%dma_wait3A_1229] : memref<512xi32, #tpu.memory_space<vmem>> -> memref<128xi32, #tpu.memory_space<vmem>>
    %dma_wait3A_1231 = arith.constant 0 : i32
    %dma_wait3A_1232 = arith.constant 0 : i32
    %dma_wait3A_1233 = tpu.memref_slice %arg4[%dma_wait3A_1231, %dma_wait3A_1232] : memref<7936x128xf32, #tpu.memory_space<hbm>> -> memref<7936x128xf32, #tpu.memory_space<hbm>>
    tpu.wait_indirect_dma semaphore(%arg15 : memref<!tpu.dma_semaphore, #tpu.memory_space<semaphore_mem>>) src(%dma_wait3A_1233 : memref<7936x128xf32, #tpu.memory_space<hbm>>) dst(%arg13 : memref<128x128xf32, #tpu.memory_space<vmem>>)
    %iota3A_1234 = tpu.iota {dimensions = array<i32: 0>} : vector<16xi32>
    %add3A_1235 = arith.constant 0 : i32
    %add3A_1236 = vector.broadcast %add3A_1235 : i32 to vector<16xi32>
    %add3A_1237 = arith.addi %iota3A_1234, %add3A_1236 : vector<16xi32>
    %get3A_1238 = arith.constant 256 : index
    %get3A_1239 = tpu.vector_load %arg11[%get3A_1238] {strides = array<i32>} : memref<512xi32, #tpu.memory_space<vmem>>, vector<16xi32>,
    %gather3A_1240 = tpu.vector_load_idx %arg13[%add3A_1237, %get3A_1239] : memref<128x128xf32, #tpu.memory_space<vmem>>[vector<16xi32>, vector<16xi32>], vector<16xf32>,
    %swap3A_1241 = arith.constant 0 : index
    %swap3A_1242 = tpu.vector_load %arg12[%swap3A_1241] {strides = array<i32>} : memref<128xf32, #tpu.memory_space<vmem>>, vector<16xf32>,
    tpu.vector_store %arg12[%swap3A_1241], %gather3A_1240 {strides = array<i32>} : memref<128xf32, #tpu.memory_space<vmem>>, vector<16xf32>,
    %iota3A_1243 = tpu.iota {dimensions = array<i32: 0>} : vector<16xi32>
    %add3A_1244 = arith.constant 16 : i32
    %add3A_1245 = vector.broadcast %add3A_1244 : i32 to vector<16xi32>
    %add3A_1246 = arith.addi %iota3A_1243, %add3A_1245 : vector<16xi32>
    %get3A_1247 = arith.constant 272 : index
    %get3A_1248 = tpu.vector_load %arg11[%get3A_1247] {strides = array<i32>} : memref<512xi32, #tpu.memory_space<vmem>>, vector<16xi32>,
    %gather3A_1249 = tpu.vector_load_idx %arg13[%add3A_1246, %get3A_1248] : memref<128x128xf32, #tpu.memory_space<vmem>>[vector<16xi32>, vector<16xi32>], vector<16xf32>,
    %swap3A_1250 = arith.constant 16 : index
    %swap3A_1251 = tpu.vector_load %arg12[%swap3A_1250] {strides = array<i32>} : memref<128xf32, #tpu.memory_space<vmem>>, vector<16xf32>,
    tpu.vector_store %arg12[%swap3A_1250], %gather3A_1249 {strides = array<i32>} : memref<128xf32, #tpu.memory_space<vmem>>, vector<16xf32>,
    %iota3A_1252 = tpu.iota {dimensions = array<i32: 0>} : vector<16xi32>
    %add3A_1253 = arith.constant 32 : i32
    %add3A_1254 = vector.broadcast %add3A_1253 : i32 to vector<16xi32>
    %add3A_1255 = arith.addi %iota3A_1252, %add3A_1254 : vector<16xi32>
    %get3A_1256 = arith.constant 288 : index
    %get3A_1257 = tpu.vector_load %arg11[%get3A_1256] {strides = array<i32>} : memref<512xi32, #tpu.memory_space<vmem>>, vector<16xi32>,
    %gather3A_1258 = tpu.vector_load_idx %arg13[%add3A_1255, %get3A_1257] : memref<128x128xf32, #tpu.memory_space<vmem>>[vector<16xi32>, vector<16xi32>], vector<16xf32>,
    %swap3A_1259 = arith.constant 32 : index
    %swap3A_1260 = tpu.vector_load %arg12[%swap3A_1259] {strides = array<i32>} : memref<128xf32, #tpu.memory_space<vmem>>, vector<16xf32>,
    tpu.vector_store %arg12[%swap3A_1259], %gather3A_1258 {strides = array<i32>} : memref<128xf32, #tpu.memory_space<vmem>>, vector<16xf32>,
    %iota3A_1261 = tpu.iota {dimensions = array<i32: 0>} : vector<16xi32>
    %add3A_1262 = arith.constant 48 : i32
    %add3A_1263 = vector.broadcast %add3A_1262 : i32 to vector<16xi32>
    %add3A_1264 = arith.addi %iota3A_1261, %add3A_1263 : vector<16xi32>
    %get3A_1265 = arith.constant 304 : index
    %get3A_1266 = tpu.vector_load %arg11[%get3A_1265] {strides = array<i32>} : memref<512xi32, #tpu.memory_space<vmem>>, vector<16xi32>,
    %gather3A_1267 = tpu.vector_load_idx %arg13[%add3A_1264, %get3A_1266] : memref<128x128xf32, #tpu.memory_space<vmem>>[vector<16xi32>, vector<16xi32>], vector<16xf32>,
    %swap3A_1268 = arith.constant 48 : index
    %swap3A_1269 = tpu.vector_load %arg12[%swap3A_1268] {strides = array<i32>} : memref<128xf32, #tpu.memory_space<vmem>>, vector<16xf32>,
    tpu.vector_store %arg12[%swap3A_1268], %gather3A_1267 {strides = array<i32>} : memref<128xf32, #tpu.memory_space<vmem>>, vector<16xf32>,
    %iota3A_1270 = tpu.iota {dimensions = array<i32: 0>} : vector<16xi32>
    %add3A_1271 = arith.constant 64 : i32
    %add3A_1272 = vector.broadcast %add3A_1271 : i32 to vector<16xi32>
    %add3A_1273 = arith.addi %iota3A_1270, %add3A_1272 : vector<16xi32>
    %get3A_1274 = arith.constant 320 : index
    %get3A_1275 = tpu.vector_load %arg11[%get3A_1274] {strides = array<i32>} : memref<512xi32, #tpu.memory_space<vmem>>, vector<16xi32>,
    %gather3A_1276 = tpu.vector_load_idx %arg13[%add3A_1273, %get3A_1275] : memref<128x128xf32, #tpu.memory_space<vmem>>[vector<16xi32>, vector<16xi32>], vector<16xf32>,
    %swap3A_1277 = arith.constant 64 : index
    %swap3A_1278 = tpu.vector_load %arg12[%swap3A_1277] {strides = array<i32>} : memref<128xf32, #tpu.memory_space<vmem>>, vector<16xf32>,
    tpu.vector_store %arg12[%swap3A_1277], %gather3A_1276 {strides = array<i32>} : memref<128xf32, #tpu.memory_space<vmem>>, vector<16xf32>,
    %iota3A_1279 = tpu.iota {dimensions = array<i32: 0>} : vector<16xi32>
    %add3A_1280 = arith.constant 80 : i32
    %add3A_1281 = vector.broadcast %add3A_1280 : i32 to vector<16xi32>
    %add3A_1282 = arith.addi %iota3A_1279, %add3A_1281 : vector<16xi32>
    %get3A_1283 = arith.constant 336 : index
    %get3A_1284 = tpu.vector_load %arg11[%get3A_1283] {strides = array<i32>} : memref<512xi32, #tpu.memory_space<vmem>>, vector<16xi32>,
    %gather3A_1285 = tpu.vector_load_idx %arg13[%add3A_1282, %get3A_1284] : memref<128x128xf32, #tpu.memory_space<vmem>>[vector<16xi32>, vector<16xi32>], vector<16xf32>,
    %swap3A_1286 = arith.constant 80 : index
    %swap3A_1287 = tpu.vector_load %arg12[%swap3A_1286] {strides = array<i32>} : memref<128xf32, #tpu.memory_space<vmem>>, vector<16xf32>,
    tpu.vector_store %arg12[%swap3A_1286], %gather3A_1285 {strides = array<i32>} : memref<128xf32, #tpu.memory_space<vmem>>, vector<16xf32>,
    %iota3A_1288 = tpu.iota {dimensions = array<i32: 0>} : vector<16xi32>
    %add3A_1289 = arith.constant 96 : i32
    %add3A_1290 = vector.broadcast %add3A_1289 : i32 to vector<16xi32>
    %add3A_1291 = arith.addi %iota3A_1288, %add3A_1290 : vector<16xi32>
    %get3A_1292 = arith.constant 352 : index
    %get3A_1293 = tpu.vector_load %arg11[%get3A_1292] {strides = array<i32>} : memref<512xi32, #tpu.memory_space<vmem>>, vector<16xi32>,
    %gather3A_1294 = tpu.vector_load_idx %arg13[%add3A_1291, %get3A_1293] : memref<128x128xf32, #tpu.memory_space<vmem>>[vector<16xi32>, vector<16xi32>], vector<16xf32>,
    %swap3A_1295 = arith.constant 96 : index
    %swap3A_1296 = tpu.vector_load %arg12[%swap3A_1295] {strides = array<i32>} : memref<128xf32, #tpu.memory_space<vmem>>, vector<16xf32>,
    tpu.vector_store %arg12[%swap3A_1295], %gather3A_1294 {strides = array<i32>} : memref<128xf32, #tpu.memory_space<vmem>>, vector<16xf32>,
    %iota3A_1297 = tpu.iota {dimensions = array<i32: 0>} : vector<16xi32>
    %add3A_1298 = arith.constant 112 : i32
    %add3A_1299 = vector.broadcast %add3A_1298 : i32 to vector<16xi32>
    %add3A_1300 = arith.addi %iota3A_1297, %add3A_1299 : vector<16xi32>
    %get3A_1301 = arith.constant 368 : index
    %get3A_1302 = tpu.vector_load %arg11[%get3A_1301] {strides = array<i32>} : memref<512xi32, #tpu.memory_space<vmem>>, vector<16xi32>,
    %gather3A_1303 = tpu.vector_load_idx %arg13[%add3A_1300, %get3A_1302] : memref<128x128xf32, #tpu.memory_space<vmem>>[vector<16xi32>, vector<16xi32>], vector<16xf32>,
    %swap3A_1304 = arith.constant 112 : index
    %swap3A_1305 = tpu.vector_load %arg12[%swap3A_1304] {strides = array<i32>} : memref<128xf32, #tpu.memory_space<vmem>>, vector<16xf32>,
    tpu.vector_store %arg12[%swap3A_1304], %gather3A_1303 {strides = array<i32>} : memref<128xf32, #tpu.memory_space<vmem>>, vector<16xf32>,
    %add3A_1306 = arith.constant 256 : i32
    %add3A_1307 = arith.addi %mul3A_2, %add3A_1306 : i32
    "tpu.region"() ({
      %run_scoped3A = tpu.sem_alloc : memref<!tpu.dma_semaphore, #tpu.memory_space<semaphore_mem>>
      %dma_start3A_1387 = tpu.memref_slice %arg8[%add3A_1307] : memref<16384xf32, #tpu.memory_space<hbm>> -> memref<128xf32, #tpu.memory_space<hbm>>
      %dma_start3A_1388 = tpu.memref_slice %arg8[%add3A_1307] : memref<16384xf32, #tpu.memory_space<hbm>> -> memref<128xf32, #tpu.memory_space<hbm>>
      tpu.enqueue_dma source(%arg12 : memref<128xf32, #tpu.memory_space<vmem>>) target(%dma_start3A_1388 : memref<128xf32, #tpu.memory_space<hbm>>) target_semaphore(%run_scoped3A : memref<!tpu.dma_semaphore, #tpu.memory_space<semaphore_mem>>)
      %dma_wait3A_1389 = tpu.memref_slice %arg8[%add3A_1307] : memref<16384xf32, #tpu.memory_space<hbm>> -> memref<128xf32, #tpu.memory_space<hbm>>
      %dma_wait3A_1390 = tpu.memref_slice %arg8[%add3A_1307] : memref<16384xf32, #tpu.memory_space<hbm>> -> memref<128xf32, #tpu.memory_space<hbm>>
      tpu.wait_dma2 semaphore(%run_scoped3A : memref<!tpu.dma_semaphore, #tpu.memory_space<semaphore_mem>>) src(%arg12 : memref<128xf32, #tpu.memory_space<vmem>>) dst(%dma_wait3A_1390 : memref<128xf32, #tpu.memory_space<hbm>>)
      tpu.yield
    }) : () -> ()
    %dma_wait3A_1308 = arith.constant 384 : i32
    %dma_wait3A_1309 = tpu.memref_slice %arg10[%dma_wait3A_1308] : memref<512xi32, #tpu.memory_space<vmem>> -> memref<128xi32, #tpu.memory_space<vmem>>
    %dma_wait3A_1310 = arith.constant 0 : i32
    %dma_wait3A_1311 = arith.constant 0 : i32
    %dma_wait3A_1312 = tpu.memref_slice %arg4[%dma_wait3A_1310, %dma_wait3A_1311] : memref<7936x128xf32, #tpu.memory_space<hbm>> -> memref<7936x128xf32, #tpu.memory_space<hbm>>
    tpu.wait_indirect_dma semaphore(%arg16 : memref<!tpu.dma_semaphore, #tpu.memory_space<semaphore_mem>>) src(%dma_wait3A_1312 : memref<7936x128xf32, #tpu.memory_space<hbm>>) dst(%arg14 : memref<128x128xf32, #tpu.memory_space<vmem>>)
    %iota3A_1313 = tpu.iota {dimensions = array<i32: 0>} : vector<16xi32>
    %add3A_1314 = arith.constant 0 : i32
    %add3A_1315 = vector.broadcast %add3A_1314 : i32 to vector<16xi32>
    %add3A_1316 = arith.addi %iota3A_1313, %add3A_1315 : vector<16xi32>
    %get3A_1317 = arith.constant 384 : index
    %get3A_1318 = tpu.vector_load %arg11[%get3A_1317] {strides = array<i32>} : memref<512xi32, #tpu.memory_space<vmem>>, vector<16xi32>,
    %gather3A_1319 = tpu.vector_load_idx %arg14[%add3A_1316, %get3A_1318] : memref<128x128xf32, #tpu.memory_space<vmem>>[vector<16xi32>, vector<16xi32>], vector<16xf32>,
    %swap3A_1320 = arith.constant 0 : index
    %swap3A_1321 = tpu.vector_load %arg12[%swap3A_1320] {strides = array<i32>} : memref<128xf32, #tpu.memory_space<vmem>>, vector<16xf32>,
    tpu.vector_store %arg12[%swap3A_1320], %gather3A_1319 {strides = array<i32>} : memref<128xf32, #tpu.memory_space<vmem>>, vector<16xf32>,
    %iota3A_1322 = tpu.iota {dimensions = array<i32: 0>} : vector<16xi32>
    %add3A_1323 = arith.constant 16 : i32
    %add3A_1324 = vector.broadcast %add3A_1323 : i32 to vector<16xi32>
    %add3A_1325 = arith.addi %iota3A_1322, %add3A_1324 : vector<16xi32>
    %get3A_1326 = arith.constant 400 : index
    %get3A_1327 = tpu.vector_load %arg11[%get3A_1326] {strides = array<i32>} : memref<512xi32, #tpu.memory_space<vmem>>, vector<16xi32>,
    %gather3A_1328 = tpu.vector_load_idx %arg14[%add3A_1325, %get3A_1327] : memref<128x128xf32, #tpu.memory_space<vmem>>[vector<16xi32>, vector<16xi32>], vector<16xf32>,
    %swap3A_1329 = arith.constant 16 : index
    %swap3A_1330 = tpu.vector_load %arg12[%swap3A_1329] {strides = array<i32>} : memref<128xf32, #tpu.memory_space<vmem>>, vector<16xf32>,
    tpu.vector_store %arg12[%swap3A_1329], %gather3A_1328 {strides = array<i32>} : memref<128xf32, #tpu.memory_space<vmem>>, vector<16xf32>,
    %iota3A_1331 = tpu.iota {dimensions = array<i32: 0>} : vector<16xi32>
    %add3A_1332 = arith.constant 32 : i32
    %add3A_1333 = vector.broadcast %add3A_1332 : i32 to vector<16xi32>
    %add3A_1334 = arith.addi %iota3A_1331, %add3A_1333 : vector<16xi32>
    %get3A_1335 = arith.constant 416 : index
    %get3A_1336 = tpu.vector_load %arg11[%get3A_1335] {strides = array<i32>} : memref<512xi32, #tpu.memory_space<vmem>>, vector<16xi32>,
    %gather3A_1337 = tpu.vector_load_idx %arg14[%add3A_1334, %get3A_1336] : memref<128x128xf32, #tpu.memory_space<vmem>>[vector<16xi32>, vector<16xi32>], vector<16xf32>,
    %swap3A_1338 = arith.constant 32 : index
    %swap3A_1339 = tpu.vector_load %arg12[%swap3A_1338] {strides = array<i32>} : memref<128xf32, #tpu.memory_space<vmem>>, vector<16xf32>,
    tpu.vector_store %arg12[%swap3A_1338], %gather3A_1337 {strides = array<i32>} : memref<128xf32, #tpu.memory_space<vmem>>, vector<16xf32>,
    %iota3A_1340 = tpu.iota {dimensions = array<i32: 0>} : vector<16xi32>
    %add3A_1341 = arith.constant 48 : i32
    %add3A_1342 = vector.broadcast %add3A_1341 : i32 to vector<16xi32>
    %add3A_1343 = arith.addi %iota3A_1340, %add3A_1342 : vector<16xi32>
    %get3A_1344 = arith.constant 432 : index
    %get3A_1345 = tpu.vector_load %arg11[%get3A_1344] {strides = array<i32>} : memref<512xi32, #tpu.memory_space<vmem>>, vector<16xi32>,
    %gather3A_1346 = tpu.vector_load_idx %arg14[%add3A_1343, %get3A_1345] : memref<128x128xf32, #tpu.memory_space<vmem>>[vector<16xi32>, vector<16xi32>], vector<16xf32>,
    %swap3A_1347 = arith.constant 48 : index
    %swap3A_1348 = tpu.vector_load %arg12[%swap3A_1347] {strides = array<i32>} : memref<128xf32, #tpu.memory_space<vmem>>, vector<16xf32>,
    tpu.vector_store %arg12[%swap3A_1347], %gather3A_1346 {strides = array<i32>} : memref<128xf32, #tpu.memory_space<vmem>>, vector<16xf32>,
    %iota3A_1349 = tpu.iota {dimensions = array<i32: 0>} : vector<16xi32>
    %add3A_1350 = arith.constant 64 : i32
    %add3A_1351 = vector.broadcast %add3A_1350 : i32 to vector<16xi32>
    %add3A_1352 = arith.addi %iota3A_1349, %add3A_1351 : vector<16xi32>
    %get3A_1353 = arith.constant 448 : index
    %get3A_1354 = tpu.vector_load %arg11[%get3A_1353] {strides = array<i32>} : memref<512xi32, #tpu.memory_space<vmem>>, vector<16xi32>,
    %gather3A_1355 = tpu.vector_load_idx %arg14[%add3A_1352, %get3A_1354] : memref<128x128xf32, #tpu.memory_space<vmem>>[vector<16xi32>, vector<16xi32>], vector<16xf32>,
    %swap3A_1356 = arith.constant 64 : index
    %swap3A_1357 = tpu.vector_load %arg12[%swap3A_1356] {strides = array<i32>} : memref<128xf32, #tpu.memory_space<vmem>>, vector<16xf32>,
    tpu.vector_store %arg12[%swap3A_1356], %gather3A_1355 {strides = array<i32>} : memref<128xf32, #tpu.memory_space<vmem>>, vector<16xf32>,
    %iota3A_1358 = tpu.iota {dimensions = array<i32: 0>} : vector<16xi32>
    %add3A_1359 = arith.constant 80 : i32
    %add3A_1360 = vector.broadcast %add3A_1359 : i32 to vector<16xi32>
    %add3A_1361 = arith.addi %iota3A_1358, %add3A_1360 : vector<16xi32>
    %get3A_1362 = arith.constant 464 : index
    %get3A_1363 = tpu.vector_load %arg11[%get3A_1362] {strides = array<i32>} : memref<512xi32, #tpu.memory_space<vmem>>, vector<16xi32>,
    %gather3A_1364 = tpu.vector_load_idx %arg14[%add3A_1361, %get3A_1363] : memref<128x128xf32, #tpu.memory_space<vmem>>[vector<16xi32>, vector<16xi32>], vector<16xf32>,
    %swap3A_1365 = arith.constant 80 : index
    %swap3A_1366 = tpu.vector_load %arg12[%swap3A_1365] {strides = array<i32>} : memref<128xf32, #tpu.memory_space<vmem>>, vector<16xf32>,
    tpu.vector_store %arg12[%swap3A_1365], %gather3A_1364 {strides = array<i32>} : memref<128xf32, #tpu.memory_space<vmem>>, vector<16xf32>,
    %iota3A_1367 = tpu.iota {dimensions = array<i32: 0>} : vector<16xi32>
    %add3A_1368 = arith.constant 96 : i32
    %add3A_1369 = vector.broadcast %add3A_1368 : i32 to vector<16xi32>
    %add3A_1370 = arith.addi %iota3A_1367, %add3A_1369 : vector<16xi32>
    %get3A_1371 = arith.constant 480 : index
    %get3A_1372 = tpu.vector_load %arg11[%get3A_1371] {strides = array<i32>} : memref<512xi32, #tpu.memory_space<vmem>>, vector<16xi32>,
    %gather3A_1373 = tpu.vector_load_idx %arg14[%add3A_1370, %get3A_1372] : memref<128x128xf32, #tpu.memory_space<vmem>>[vector<16xi32>, vector<16xi32>], vector<16xf32>,
    %swap3A_1374 = arith.constant 96 : index
    %swap3A_1375 = tpu.vector_load %arg12[%swap3A_1374] {strides = array<i32>} : memref<128xf32, #tpu.memory_space<vmem>>, vector<16xf32>,
    tpu.vector_store %arg12[%swap3A_1374], %gather3A_1373 {strides = array<i32>} : memref<128xf32, #tpu.memory_space<vmem>>, vector<16xf32>,
    %iota3A_1376 = tpu.iota {dimensions = array<i32: 0>} : vector<16xi32>
    %add3A_1377 = arith.constant 112 : i32
    %add3A_1378 = vector.broadcast %add3A_1377 : i32 to vector<16xi32>
    %add3A_1379 = arith.addi %iota3A_1376, %add3A_1378 : vector<16xi32>
    %get3A_1380 = arith.constant 496 : index
    %get3A_1381 = tpu.vector_load %arg11[%get3A_1380] {strides = array<i32>} : memref<512xi32, #tpu.memory_space<vmem>>, vector<16xi32>,
    %gather3A_1382 = tpu.vector_load_idx %arg14[%add3A_1379, %get3A_1381] : memref<128x128xf32, #tpu.memory_space<vmem>>[vector<16xi32>, vector<16xi32>], vector<16xf32>,
    %swap3A_1383 = arith.constant 112 : index
    %swap3A_1384 = tpu.vector_load %arg12[%swap3A_1383] {strides = array<i32>} : memref<128xf32, #tpu.memory_space<vmem>>, vector<16xf32>,
    tpu.vector_store %arg12[%swap3A_1383], %gather3A_1382 {strides = array<i32>} : memref<128xf32, #tpu.memory_space<vmem>>, vector<16xf32>,
    %add3A_1385 = arith.constant 384 : i32
    %add3A_1386 = arith.addi %mul3A_2, %add3A_1385 : i32
    "tpu.region"() ({
      %run_scoped3A = tpu.sem_alloc : memref<!tpu.dma_semaphore, #tpu.memory_space<semaphore_mem>>
      %dma_start3A_1387 = tpu.memref_slice %arg8[%add3A_1386] : memref<16384xf32, #tpu.memory_space<hbm>> -> memref<128xf32, #tpu.memory_space<hbm>>
      %dma_start3A_1388 = tpu.memref_slice %arg8[%add3A_1386] : memref<16384xf32, #tpu.memory_space<hbm>> -> memref<128xf32, #tpu.memory_space<hbm>>
      tpu.enqueue_dma source(%arg12 : memref<128xf32, #tpu.memory_space<vmem>>) target(%dma_start3A_1388 : memref<128xf32, #tpu.memory_space<hbm>>) target_semaphore(%run_scoped3A : memref<!tpu.dma_semaphore, #tpu.memory_space<semaphore_mem>>)
      %dma_wait3A_1389 = tpu.memref_slice %arg8[%add3A_1386] : memref<16384xf32, #tpu.memory_space<hbm>> -> memref<128xf32, #tpu.memory_space<hbm>>
      %dma_wait3A_1390 = tpu.memref_slice %arg8[%add3A_1386] : memref<16384xf32, #tpu.memory_space<hbm>> -> memref<128xf32, #tpu.memory_space<hbm>>
      tpu.wait_dma2 semaphore(%run_scoped3A : memref<!tpu.dma_semaphore, #tpu.memory_space<semaphore_mem>>) src(%arg12 : memref<128xf32, #tpu.memory_space<vmem>>) dst(%dma_wait3A_1390 : memref<128xf32, #tpu.memory_space<hbm>>)
      tpu.yield
    }) : () -> ()
    return
  }
}

#map = affine_map<(d0, d1) -> (0, 0)>
#map1 = affine_map<(d0, d1) -> (0)>
module attributes {stable_mosaic.version = 14 : i64} {
  func.func @gather_k(%arg0: i32, %arg1: i32, %arg2: memref<1024x128xf32, #tpu.memory_space<hbm>>, %arg3: memref<1024x128xf32, #tpu.memory_space<hbm>>, %arg4: memref<1024x128xf32, #tpu.memory_space<hbm>>, %arg5: memref<16384xi32, #tpu.memory_space<hbm>>, %arg6: memref<16384xf32, #tpu.memory_space<hbm>>, %arg7: memref<16384xf32, #tpu.memory_space<hbm>>, %arg8: memref<16384xf32, #tpu.memory_space<hbm>>, %arg9: memref<512xi32, #tpu.memory_space<vmem>>, %arg10: memref<512xi32, #tpu.memory_space<vmem>>, %arg11: memref<512xi32, #tpu.memory_space<vmem>>, %arg12: memref<128xf32, #tpu.memory_space<vmem>>, %arg13: memref<128x128xf32, #tpu.memory_space<vmem>>, %arg14: memref<128x128xf32, #tpu.memory_space<vmem>>, %arg15: memref<!tpu.dma_semaphore, #tpu.memory_space<semaphore_mem>>, %arg16: memref<!tpu.dma_semaphore, #tpu.memory_space<semaphore_mem>>) attributes {dimension_semantics = [#tpu.dimension_semantics<core_parallel>, #tpu.dimension_semantics<subcore_parallel>], iteration_bounds = array<i64: 2, 16>, scalar_prefetch = 0 : i64, scratch_operands = 8 : i64, tpu.core_type = #tpu.core_type<sc_vector_subcore>, window_params = [{transform_indices = #map}, {transform_indices = #map}, {transform_indices = #map}, {transform_indices = #map1}, {transform_indices = #map1}, {transform_indices = #map1}, {transform_indices = #map1}]} {
    %mul3A = arith.constant 2 : i32
    %mul3A_0 = arith.muli %arg1, %mul3A : i32
    %add3A = arith.addi %mul3A_0, %arg0 : i32
    %mul3A_1 = arith.constant 512 : i32
    %mul3A_2 = arith.muli %add3A, %mul3A_1 : i32
    "tpu.region"() ({
      %run_scoped3A = tpu.sem_alloc : memref<!tpu.dma_semaphore, #tpu.memory_space<semaphore_mem>>
      %dma_start3A_1387 = tpu.memref_slice %arg5[%mul3A_2] : memref<16384xi32, #tpu.memory_space<hbm>> -> memref<512xi32, #tpu.memory_space<hbm>>
      %dma_start3A_1388 = tpu.memref_slice %arg5[%mul3A_2] : memref<16384xi32, #tpu.memory_space<hbm>> -> memref<512xi32, #tpu.memory_space<hbm>>
      tpu.enqueue_dma source(%dma_start3A_1388 : memref<512xi32, #tpu.memory_space<hbm>>) target(%arg9 : memref<512xi32, #tpu.memory_space<vmem>>) target_semaphore(%run_scoped3A : memref<!tpu.dma_semaphore, #tpu.memory_space<semaphore_mem>>)
      %dma_wait3A_1389 = tpu.memref_slice %arg5[%mul3A_2] : memref<16384xi32, #tpu.memory_space<hbm>> -> memref<512xi32, #tpu.memory_space<hbm>>
      %dma_wait3A_1390 = tpu.memref_slice %arg5[%mul3A_2] : memref<16384xi32, #tpu.memory_space<hbm>> -> memref<512xi32, #tpu.memory_space<hbm>>
      tpu.wait_dma2 semaphore(%run_scoped3A : memref<!tpu.dma_semaphore, #tpu.memory_space<semaphore_mem>>) src(%dma_wait3A_1390 : memref<512xi32, #tpu.memory_space<hbm>>) dst(%arg9 : memref<512xi32, #tpu.memory_space<vmem>>)
      tpu.yield
    }) : () -> ()
    %get3A = arith.constant 0 : index
    %get3A_3 = tpu.vector_load %arg9[%get3A] {strides = array<i32>} : memref<512xi32, #tpu.memory_space<vmem>>, vector<16xi32>,
    %shift_right_arithmetic3A = arith.constant 7 : i32
    %shift_right_arithmetic3A_4 = vector.broadcast %shift_right_arithmetic3A : i32 to vector<16xi32>
    %shift_right_arithmetic3A_5 = arith.shrsi %get3A_3, %shift_right_arithmetic3A_4 : vector<16xi32>
    %swap3A = arith.constant 0 : index
    %swap3A_6 = tpu.vector_load %arg10[%swap3A] {strides = array<i32>} : memref<512xi32, #tpu.memory_space<vmem>>, vector<16xi32>,
    tpu.vector_store %arg10[%swap3A], %shift_right_arithmetic3A_5 {strides = array<i32>} : memref<512xi32, #tpu.memory_space<vmem>>, vector<16xi32>,
    %and3A = arith.constant 127 : i32
    %and3A_7 = vector.broadcast %and3A : i32 to vector<16xi32>
    %and3A_8 = arith.andi %get3A_3, %and3A_7 : vector<16xi32>
    %swap3A_9 = arith.constant 0 : index
    %swap3A_10 = tpu.vector_load %arg11[%swap3A_9] {strides = array<i32>} : memref<512xi32, #tpu.memory_space<vmem>>, vector<16xi32>,
    tpu.vector_store %arg11[%swap3A_9], %and3A_8 {strides = array<i32>} : memref<512xi32, #tpu.memory_space<vmem>>, vector<16xi32>,
    %get3A_11 = arith.constant 16 : index
    %get3A_12 = tpu.vector_load %arg9[%get3A_11] {strides = array<i32>} : memref<512xi32, #tpu.memory_space<vmem>>, vector<16xi32>,
    %shift_right_arithmetic3A_13 = arith.constant 7 : i32
    %shift_right_arithmetic3A_14 = vector.broadcast %shift_right_arithmetic3A_13 : i32 to vector<16xi32>
    %shift_right_arithmetic3A_15 = arith.shrsi %get3A_12, %shift_right_arithmetic3A_14 : vector<16xi32>
    %swap3A_16 = arith.constant 16 : index
    %swap3A_17 = tpu.vector_load %arg10[%swap3A_16] {strides = array<i32>} : memref<512xi32, #tpu.memory_space<vmem>>, vector<16xi32>,
    tpu.vector_store %arg10[%swap3A_16], %shift_right_arithmetic3A_15 {strides = array<i32>} : memref<512xi32, #tpu.memory_space<vmem>>, vector<16xi32>,
    %and3A_18 = arith.constant 127 : i32
    %and3A_19 = vector.broadcast %and3A_18 : i32 to vector<16xi32>
    %and3A_20 = arith.andi %get3A_12, %and3A_19 : vector<16xi32>
    %swap3A_21 = arith.constant 16 : index
    %swap3A_22 = tpu.vector_load %arg11[%swap3A_21] {strides = array<i32>} : memref<512xi32, #tpu.memory_space<vmem>>, vector<16xi32>,
    tpu.vector_store %arg11[%swap3A_21], %and3A_20 {strides = array<i32>} : memref<512xi32, #tpu.memory_space<vmem>>, vector<16xi32>,
    %get3A_23 = arith.constant 32 : index
    %get3A_24 = tpu.vector_load %arg9[%get3A_23] {strides = array<i32>} : memref<512xi32, #tpu.memory_space<vmem>>, vector<16xi32>,
    %shift_right_arithmetic3A_25 = arith.constant 7 : i32
    %shift_right_arithmetic3A_26 = vector.broadcast %shift_right_arithmetic3A_25 : i32 to vector<16xi32>
    %shift_right_arithmetic3A_27 = arith.shrsi %get3A_24, %shift_right_arithmetic3A_26 : vector<16xi32>
    %swap3A_28 = arith.constant 32 : index
    %swap3A_29 = tpu.vector_load %arg10[%swap3A_28] {strides = array<i32>} : memref<512xi32, #tpu.memory_space<vmem>>, vector<16xi32>,
    tpu.vector_store %arg10[%swap3A_28], %shift_right_arithmetic3A_27 {strides = array<i32>} : memref<512xi32, #tpu.memory_space<vmem>>, vector<16xi32>,
    %and3A_30 = arith.constant 127 : i32
    %and3A_31 = vector.broadcast %and3A_30 : i32 to vector<16xi32>
    %and3A_32 = arith.andi %get3A_24, %and3A_31 : vector<16xi32>
    %swap3A_33 = arith.constant 32 : index
    %swap3A_34 = tpu.vector_load %arg11[%swap3A_33] {strides = array<i32>} : memref<512xi32, #tpu.memory_space<vmem>>, vector<16xi32>,
    tpu.vector_store %arg11[%swap3A_33], %and3A_32 {strides = array<i32>} : memref<512xi32, #tpu.memory_space<vmem>>, vector<16xi32>,
    %get3A_35 = arith.constant 48 : index
    %get3A_36 = tpu.vector_load %arg9[%get3A_35] {strides = array<i32>} : memref<512xi32, #tpu.memory_space<vmem>>, vector<16xi32>,
    %shift_right_arithmetic3A_37 = arith.constant 7 : i32
    %shift_right_arithmetic3A_38 = vector.broadcast %shift_right_arithmetic3A_37 : i32 to vector<16xi32>
    %shift_right_arithmetic3A_39 = arith.shrsi %get3A_36, %shift_right_arithmetic3A_38 : vector<16xi32>
    %swap3A_40 = arith.constant 48 : index
    %swap3A_41 = tpu.vector_load %arg10[%swap3A_40] {strides = array<i32>} : memref<512xi32, #tpu.memory_space<vmem>>, vector<16xi32>,
    tpu.vector_store %arg10[%swap3A_40], %shift_right_arithmetic3A_39 {strides = array<i32>} : memref<512xi32, #tpu.memory_space<vmem>>, vector<16xi32>,
    %and3A_42 = arith.constant 127 : i32
    %and3A_43 = vector.broadcast %and3A_42 : i32 to vector<16xi32>
    %and3A_44 = arith.andi %get3A_36, %and3A_43 : vector<16xi32>
    %swap3A_45 = arith.constant 48 : index
    %swap3A_46 = tpu.vector_load %arg11[%swap3A_45] {strides = array<i32>} : memref<512xi32, #tpu.memory_space<vmem>>, vector<16xi32>,
    tpu.vector_store %arg11[%swap3A_45], %and3A_44 {strides = array<i32>} : memref<512xi32, #tpu.memory_space<vmem>>, vector<16xi32>,
    %get3A_47 = arith.constant 64 : index
    %get3A_48 = tpu.vector_load %arg9[%get3A_47] {strides = array<i32>} : memref<512xi32, #tpu.memory_space<vmem>>, vector<16xi32>,
    %shift_right_arithmetic3A_49 = arith.constant 7 : i32
    %shift_right_arithmetic3A_50 = vector.broadcast %shift_right_arithmetic3A_49 : i32 to vector<16xi32>
    %shift_right_arithmetic3A_51 = arith.shrsi %get3A_48, %shift_right_arithmetic3A_50 : vector<16xi32>
    %swap3A_52 = arith.constant 64 : index
    %swap3A_53 = tpu.vector_load %arg10[%swap3A_52] {strides = array<i32>} : memref<512xi32, #tpu.memory_space<vmem>>, vector<16xi32>,
    tpu.vector_store %arg10[%swap3A_52], %shift_right_arithmetic3A_51 {strides = array<i32>} : memref<512xi32, #tpu.memory_space<vmem>>, vector<16xi32>,
    %and3A_54 = arith.constant 127 : i32
    %and3A_55 = vector.broadcast %and3A_54 : i32 to vector<16xi32>
    %and3A_56 = arith.andi %get3A_48, %and3A_55 : vector<16xi32>
    %swap3A_57 = arith.constant 64 : index
    %swap3A_58 = tpu.vector_load %arg11[%swap3A_57] {strides = array<i32>} : memref<512xi32, #tpu.memory_space<vmem>>, vector<16xi32>,
    tpu.vector_store %arg11[%swap3A_57], %and3A_56 {strides = array<i32>} : memref<512xi32, #tpu.memory_space<vmem>>, vector<16xi32>,
    %get3A_59 = arith.constant 80 : index
    %get3A_60 = tpu.vector_load %arg9[%get3A_59] {strides = array<i32>} : memref<512xi32, #tpu.memory_space<vmem>>, vector<16xi32>,
    %shift_right_arithmetic3A_61 = arith.constant 7 : i32
    %shift_right_arithmetic3A_62 = vector.broadcast %shift_right_arithmetic3A_61 : i32 to vector<16xi32>
    %shift_right_arithmetic3A_63 = arith.shrsi %get3A_60, %shift_right_arithmetic3A_62 : vector<16xi32>
    %swap3A_64 = arith.constant 80 : index
    %swap3A_65 = tpu.vector_load %arg10[%swap3A_64] {strides = array<i32>} : memref<512xi32, #tpu.memory_space<vmem>>, vector<16xi32>,
    tpu.vector_store %arg10[%swap3A_64], %shift_right_arithmetic3A_63 {strides = array<i32>} : memref<512xi32, #tpu.memory_space<vmem>>, vector<16xi32>,
    %and3A_66 = arith.constant 127 : i32
    %and3A_67 = vector.broadcast %and3A_66 : i32 to vector<16xi32>
    %and3A_68 = arith.andi %get3A_60, %and3A_67 : vector<16xi32>
    %swap3A_69 = arith.constant 80 : index
    %swap3A_70 = tpu.vector_load %arg11[%swap3A_69] {strides = array<i32>} : memref<512xi32, #tpu.memory_space<vmem>>, vector<16xi32>,
    tpu.vector_store %arg11[%swap3A_69], %and3A_68 {strides = array<i32>} : memref<512xi32, #tpu.memory_space<vmem>>, vector<16xi32>,
    %get3A_71 = arith.constant 96 : index
    %get3A_72 = tpu.vector_load %arg9[%get3A_71] {strides = array<i32>} : memref<512xi32, #tpu.memory_space<vmem>>, vector<16xi32>,
    %shift_right_arithmetic3A_73 = arith.constant 7 : i32
    %shift_right_arithmetic3A_74 = vector.broadcast %shift_right_arithmetic3A_73 : i32 to vector<16xi32>
    %shift_right_arithmetic3A_75 = arith.shrsi %get3A_72, %shift_right_arithmetic3A_74 : vector<16xi32>
    %swap3A_76 = arith.constant 96 : index
    %swap3A_77 = tpu.vector_load %arg10[%swap3A_76] {strides = array<i32>} : memref<512xi32, #tpu.memory_space<vmem>>, vector<16xi32>,
    tpu.vector_store %arg10[%swap3A_76], %shift_right_arithmetic3A_75 {strides = array<i32>} : memref<512xi32, #tpu.memory_space<vmem>>, vector<16xi32>,
    %and3A_78 = arith.constant 127 : i32
    %and3A_79 = vector.broadcast %and3A_78 : i32 to vector<16xi32>
    %and3A_80 = arith.andi %get3A_72, %and3A_79 : vector<16xi32>
    %swap3A_81 = arith.constant 96 : index
    %swap3A_82 = tpu.vector_load %arg11[%swap3A_81] {strides = array<i32>} : memref<512xi32, #tpu.memory_space<vmem>>, vector<16xi32>,
    tpu.vector_store %arg11[%swap3A_81], %and3A_80 {strides = array<i32>} : memref<512xi32, #tpu.memory_space<vmem>>, vector<16xi32>,
    %get3A_83 = arith.constant 112 : index
    %get3A_84 = tpu.vector_load %arg9[%get3A_83] {strides = array<i32>} : memref<512xi32, #tpu.memory_space<vmem>>, vector<16xi32>,
    %shift_right_arithmetic3A_85 = arith.constant 7 : i32
    %shift_right_arithmetic3A_86 = vector.broadcast %shift_right_arithmetic3A_85 : i32 to vector<16xi32>
    %shift_right_arithmetic3A_87 = arith.shrsi %get3A_84, %shift_right_arithmetic3A_86 : vector<16xi32>
    %swap3A_88 = arith.constant 112 : index
    %swap3A_89 = tpu.vector_load %arg10[%swap3A_88] {strides = array<i32>} : memref<512xi32, #tpu.memory_space<vmem>>, vector<16xi32>,
    tpu.vector_store %arg10[%swap3A_88], %shift_right_arithmetic3A_87 {strides = array<i32>} : memref<512xi32, #tpu.memory_space<vmem>>, vector<16xi32>,
    %and3A_90 = arith.constant 127 : i32
    %and3A_91 = vector.broadcast %and3A_90 : i32 to vector<16xi32>
    %and3A_92 = arith.andi %get3A_84, %and3A_91 : vector<16xi32>
    %swap3A_93 = arith.constant 112 : index
    %swap3A_94 = tpu.vector_load %arg11[%swap3A_93] {strides = array<i32>} : memref<512xi32, #tpu.memory_space<vmem>>, vector<16xi32>,
    tpu.vector_store %arg11[%swap3A_93], %and3A_92 {strides = array<i32>} : memref<512xi32, #tpu.memory_space<vmem>>, vector<16xi32>,
    %get3A_95 = arith.constant 128 : index
    %get3A_96 = tpu.vector_load %arg9[%get3A_95] {strides = array<i32>} : memref<512xi32, #tpu.memory_space<vmem>>, vector<16xi32>,
    %shift_right_arithmetic3A_97 = arith.constant 7 : i32
    %shift_right_arithmetic3A_98 = vector.broadcast %shift_right_arithmetic3A_97 : i32 to vector<16xi32>
    %shift_right_arithmetic3A_99 = arith.shrsi %get3A_96, %shift_right_arithmetic3A_98 : vector<16xi32>
    %swap3A_100 = arith.constant 128 : index
    %swap3A_101 = tpu.vector_load %arg10[%swap3A_100] {strides = array<i32>} : memref<512xi32, #tpu.memory_space<vmem>>, vector<16xi32>,
    tpu.vector_store %arg10[%swap3A_100], %shift_right_arithmetic3A_99 {strides = array<i32>} : memref<512xi32, #tpu.memory_space<vmem>>, vector<16xi32>,
    %and3A_102 = arith.constant 127 : i32
    %and3A_103 = vector.broadcast %and3A_102 : i32 to vector<16xi32>
    %and3A_104 = arith.andi %get3A_96, %and3A_103 : vector<16xi32>
    %swap3A_105 = arith.constant 128 : index
    %swap3A_106 = tpu.vector_load %arg11[%swap3A_105] {strides = array<i32>} : memref<512xi32, #tpu.memory_space<vmem>>, vector<16xi32>,
    tpu.vector_store %arg11[%swap3A_105], %and3A_104 {strides = array<i32>} : memref<512xi32, #tpu.memory_space<vmem>>, vector<16xi32>,
    %get3A_107 = arith.constant 144 : index
    %get3A_108 = tpu.vector_load %arg9[%get3A_107] {strides = array<i32>} : memref<512xi32, #tpu.memory_space<vmem>>, vector<16xi32>,
    %shift_right_arithmetic3A_109 = arith.constant 7 : i32
    %shift_right_arithmetic3A_110 = vector.broadcast %shift_right_arithmetic3A_109 : i32 to vector<16xi32>
    %shift_right_arithmetic3A_111 = arith.shrsi %get3A_108, %shift_right_arithmetic3A_110 : vector<16xi32>
    %swap3A_112 = arith.constant 144 : index
    %swap3A_113 = tpu.vector_load %arg10[%swap3A_112] {strides = array<i32>} : memref<512xi32, #tpu.memory_space<vmem>>, vector<16xi32>,
    tpu.vector_store %arg10[%swap3A_112], %shift_right_arithmetic3A_111 {strides = array<i32>} : memref<512xi32, #tpu.memory_space<vmem>>, vector<16xi32>,
    %and3A_114 = arith.constant 127 : i32
    %and3A_115 = vector.broadcast %and3A_114 : i32 to vector<16xi32>
    %and3A_116 = arith.andi %get3A_108, %and3A_115 : vector<16xi32>
    %swap3A_117 = arith.constant 144 : index
    %swap3A_118 = tpu.vector_load %arg11[%swap3A_117] {strides = array<i32>} : memref<512xi32, #tpu.memory_space<vmem>>, vector<16xi32>,
    tpu.vector_store %arg11[%swap3A_117], %and3A_116 {strides = array<i32>} : memref<512xi32, #tpu.memory_space<vmem>>, vector<16xi32>,
    %get3A_119 = arith.constant 160 : index
    %get3A_120 = tpu.vector_load %arg9[%get3A_119] {strides = array<i32>} : memref<512xi32, #tpu.memory_space<vmem>>, vector<16xi32>,
    %shift_right_arithmetic3A_121 = arith.constant 7 : i32
    %shift_right_arithmetic3A_122 = vector.broadcast %shift_right_arithmetic3A_121 : i32 to vector<16xi32>
    %shift_right_arithmetic3A_123 = arith.shrsi %get3A_120, %shift_right_arithmetic3A_122 : vector<16xi32>
    %swap3A_124 = arith.constant 160 : index
    %swap3A_125 = tpu.vector_load %arg10[%swap3A_124] {strides = array<i32>} : memref<512xi32, #tpu.memory_space<vmem>>, vector<16xi32>,
    tpu.vector_store %arg10[%swap3A_124], %shift_right_arithmetic3A_123 {strides = array<i32>} : memref<512xi32, #tpu.memory_space<vmem>>, vector<16xi32>,
    %and3A_126 = arith.constant 127 : i32
    %and3A_127 = vector.broadcast %and3A_126 : i32 to vector<16xi32>
    %and3A_128 = arith.andi %get3A_120, %and3A_127 : vector<16xi32>
    %swap3A_129 = arith.constant 160 : index
    %swap3A_130 = tpu.vector_load %arg11[%swap3A_129] {strides = array<i32>} : memref<512xi32, #tpu.memory_space<vmem>>, vector<16xi32>,
    tpu.vector_store %arg11[%swap3A_129], %and3A_128 {strides = array<i32>} : memref<512xi32, #tpu.memory_space<vmem>>, vector<16xi32>,
    %get3A_131 = arith.constant 176 : index
    %get3A_132 = tpu.vector_load %arg9[%get3A_131] {strides = array<i32>} : memref<512xi32, #tpu.memory_space<vmem>>, vector<16xi32>,
    %shift_right_arithmetic3A_133 = arith.constant 7 : i32
    %shift_right_arithmetic3A_134 = vector.broadcast %shift_right_arithmetic3A_133 : i32 to vector<16xi32>
    %shift_right_arithmetic3A_135 = arith.shrsi %get3A_132, %shift_right_arithmetic3A_134 : vector<16xi32>
    %swap3A_136 = arith.constant 176 : index
    %swap3A_137 = tpu.vector_load %arg10[%swap3A_136] {strides = array<i32>} : memref<512xi32, #tpu.memory_space<vmem>>, vector<16xi32>,
    tpu.vector_store %arg10[%swap3A_136], %shift_right_arithmetic3A_135 {strides = array<i32>} : memref<512xi32, #tpu.memory_space<vmem>>, vector<16xi32>,
    %and3A_138 = arith.constant 127 : i32
    %and3A_139 = vector.broadcast %and3A_138 : i32 to vector<16xi32>
    %and3A_140 = arith.andi %get3A_132, %and3A_139 : vector<16xi32>
    %swap3A_141 = arith.constant 176 : index
    %swap3A_142 = tpu.vector_load %arg11[%swap3A_141] {strides = array<i32>} : memref<512xi32, #tpu.memory_space<vmem>>, vector<16xi32>,
    tpu.vector_store %arg11[%swap3A_141], %and3A_140 {strides = array<i32>} : memref<512xi32, #tpu.memory_space<vmem>>, vector<16xi32>,
    %get3A_143 = arith.constant 192 : index
    %get3A_144 = tpu.vector_load %arg9[%get3A_143] {strides = array<i32>} : memref<512xi32, #tpu.memory_space<vmem>>, vector<16xi32>,
    %shift_right_arithmetic3A_145 = arith.constant 7 : i32
    %shift_right_arithmetic3A_146 = vector.broadcast %shift_right_arithmetic3A_145 : i32 to vector<16xi32>
    %shift_right_arithmetic3A_147 = arith.shrsi %get3A_144, %shift_right_arithmetic3A_146 : vector<16xi32>
    %swap3A_148 = arith.constant 192 : index
    %swap3A_149 = tpu.vector_load %arg10[%swap3A_148] {strides = array<i32>} : memref<512xi32, #tpu.memory_space<vmem>>, vector<16xi32>,
    tpu.vector_store %arg10[%swap3A_148], %shift_right_arithmetic3A_147 {strides = array<i32>} : memref<512xi32, #tpu.memory_space<vmem>>, vector<16xi32>,
    %and3A_150 = arith.constant 127 : i32
    %and3A_151 = vector.broadcast %and3A_150 : i32 to vector<16xi32>
    %and3A_152 = arith.andi %get3A_144, %and3A_151 : vector<16xi32>
    %swap3A_153 = arith.constant 192 : index
    %swap3A_154 = tpu.vector_load %arg11[%swap3A_153] {strides = array<i32>} : memref<512xi32, #tpu.memory_space<vmem>>, vector<16xi32>,
    tpu.vector_store %arg11[%swap3A_153], %and3A_152 {strides = array<i32>} : memref<512xi32, #tpu.memory_space<vmem>>, vector<16xi32>,
    %get3A_155 = arith.constant 208 : index
    %get3A_156 = tpu.vector_load %arg9[%get3A_155] {strides = array<i32>} : memref<512xi32, #tpu.memory_space<vmem>>, vector<16xi32>,
    %shift_right_arithmetic3A_157 = arith.constant 7 : i32
    %shift_right_arithmetic3A_158 = vector.broadcast %shift_right_arithmetic3A_157 : i32 to vector<16xi32>
    %shift_right_arithmetic3A_159 = arith.shrsi %get3A_156, %shift_right_arithmetic3A_158 : vector<16xi32>
    %swap3A_160 = arith.constant 208 : index
    %swap3A_161 = tpu.vector_load %arg10[%swap3A_160] {strides = array<i32>} : memref<512xi32, #tpu.memory_space<vmem>>, vector<16xi32>,
    tpu.vector_store %arg10[%swap3A_160], %shift_right_arithmetic3A_159 {strides = array<i32>} : memref<512xi32, #tpu.memory_space<vmem>>, vector<16xi32>,
    %and3A_162 = arith.constant 127 : i32
    %and3A_163 = vector.broadcast %and3A_162 : i32 to vector<16xi32>
    %and3A_164 = arith.andi %get3A_156, %and3A_163 : vector<16xi32>
    %swap3A_165 = arith.constant 208 : index
    %swap3A_166 = tpu.vector_load %arg11[%swap3A_165] {strides = array<i32>} : memref<512xi32, #tpu.memory_space<vmem>>, vector<16xi32>,
    tpu.vector_store %arg11[%swap3A_165], %and3A_164 {strides = array<i32>} : memref<512xi32, #tpu.memory_space<vmem>>, vector<16xi32>,
    %get3A_167 = arith.constant 224 : index
    %get3A_168 = tpu.vector_load %arg9[%get3A_167] {strides = array<i32>} : memref<512xi32, #tpu.memory_space<vmem>>, vector<16xi32>,
    %shift_right_arithmetic3A_169 = arith.constant 7 : i32
    %shift_right_arithmetic3A_170 = vector.broadcast %shift_right_arithmetic3A_169 : i32 to vector<16xi32>
    %shift_right_arithmetic3A_171 = arith.shrsi %get3A_168, %shift_right_arithmetic3A_170 : vector<16xi32>
    %swap3A_172 = arith.constant 224 : index
    %swap3A_173 = tpu.vector_load %arg10[%swap3A_172] {strides = array<i32>} : memref<512xi32, #tpu.memory_space<vmem>>, vector<16xi32>,
    tpu.vector_store %arg10[%swap3A_172], %shift_right_arithmetic3A_171 {strides = array<i32>} : memref<512xi32, #tpu.memory_space<vmem>>, vector<16xi32>,
    %and3A_174 = arith.constant 127 : i32
    %and3A_175 = vector.broadcast %and3A_174 : i32 to vector<16xi32>
    %and3A_176 = arith.andi %get3A_168, %and3A_175 : vector<16xi32>
    %swap3A_177 = arith.constant 224 : index
    %swap3A_178 = tpu.vector_load %arg11[%swap3A_177] {strides = array<i32>} : memref<512xi32, #tpu.memory_space<vmem>>, vector<16xi32>,
    tpu.vector_store %arg11[%swap3A_177], %and3A_176 {strides = array<i32>} : memref<512xi32, #tpu.memory_space<vmem>>, vector<16xi32>,
    %get3A_179 = arith.constant 240 : index
    %get3A_180 = tpu.vector_load %arg9[%get3A_179] {strides = array<i32>} : memref<512xi32, #tpu.memory_space<vmem>>, vector<16xi32>,
    %shift_right_arithmetic3A_181 = arith.constant 7 : i32
    %shift_right_arithmetic3A_182 = vector.broadcast %shift_right_arithmetic3A_181 : i32 to vector<16xi32>
    %shift_right_arithmetic3A_183 = arith.shrsi %get3A_180, %shift_right_arithmetic3A_182 : vector<16xi32>
    %swap3A_184 = arith.constant 240 : index
    %swap3A_185 = tpu.vector_load %arg10[%swap3A_184] {strides = array<i32>} : memref<512xi32, #tpu.memory_space<vmem>>, vector<16xi32>,
    tpu.vector_store %arg10[%swap3A_184], %shift_right_arithmetic3A_183 {strides = array<i32>} : memref<512xi32, #tpu.memory_space<vmem>>, vector<16xi32>,
    %and3A_186 = arith.constant 127 : i32
    %and3A_187 = vector.broadcast %and3A_186 : i32 to vector<16xi32>
    %and3A_188 = arith.andi %get3A_180, %and3A_187 : vector<16xi32>
    %swap3A_189 = arith.constant 240 : index
    %swap3A_190 = tpu.vector_load %arg11[%swap3A_189] {strides = array<i32>} : memref<512xi32, #tpu.memory_space<vmem>>, vector<16xi32>,
    tpu.vector_store %arg11[%swap3A_189], %and3A_188 {strides = array<i32>} : memref<512xi32, #tpu.memory_space<vmem>>, vector<16xi32>,
    %get3A_191 = arith.constant 256 : index
    %get3A_192 = tpu.vector_load %arg9[%get3A_191] {strides = array<i32>} : memref<512xi32, #tpu.memory_space<vmem>>, vector<16xi32>,
    %shift_right_arithmetic3A_193 = arith.constant 7 : i32
    %shift_right_arithmetic3A_194 = vector.broadcast %shift_right_arithmetic3A_193 : i32 to vector<16xi32>
    %shift_right_arithmetic3A_195 = arith.shrsi %get3A_192, %shift_right_arithmetic3A_194 : vector<16xi32>
    %swap3A_196 = arith.constant 256 : index
    %swap3A_197 = tpu.vector_load %arg10[%swap3A_196] {strides = array<i32>} : memref<512xi32, #tpu.memory_space<vmem>>, vector<16xi32>,
    tpu.vector_store %arg10[%swap3A_196], %shift_right_arithmetic3A_195 {strides = array<i32>} : memref<512xi32, #tpu.memory_space<vmem>>, vector<16xi32>,
    %and3A_198 = arith.constant 127 : i32
    %and3A_199 = vector.broadcast %and3A_198 : i32 to vector<16xi32>
    %and3A_200 = arith.andi %get3A_192, %and3A_199 : vector<16xi32>
    %swap3A_201 = arith.constant 256 : index
    %swap3A_202 = tpu.vector_load %arg11[%swap3A_201] {strides = array<i32>} : memref<512xi32, #tpu.memory_space<vmem>>, vector<16xi32>,
    tpu.vector_store %arg11[%swap3A_201], %and3A_200 {strides = array<i32>} : memref<512xi32, #tpu.memory_space<vmem>>, vector<16xi32>,
    %get3A_203 = arith.constant 272 : index
    %get3A_204 = tpu.vector_load %arg9[%get3A_203] {strides = array<i32>} : memref<512xi32, #tpu.memory_space<vmem>>, vector<16xi32>,
    %shift_right_arithmetic3A_205 = arith.constant 7 : i32
    %shift_right_arithmetic3A_206 = vector.broadcast %shift_right_arithmetic3A_205 : i32 to vector<16xi32>
    %shift_right_arithmetic3A_207 = arith.shrsi %get3A_204, %shift_right_arithmetic3A_206 : vector<16xi32>
    %swap3A_208 = arith.constant 272 : index
    %swap3A_209 = tpu.vector_load %arg10[%swap3A_208] {strides = array<i32>} : memref<512xi32, #tpu.memory_space<vmem>>, vector<16xi32>,
    tpu.vector_store %arg10[%swap3A_208], %shift_right_arithmetic3A_207 {strides = array<i32>} : memref<512xi32, #tpu.memory_space<vmem>>, vector<16xi32>,
    %and3A_210 = arith.constant 127 : i32
    %and3A_211 = vector.broadcast %and3A_210 : i32 to vector<16xi32>
    %and3A_212 = arith.andi %get3A_204, %and3A_211 : vector<16xi32>
    %swap3A_213 = arith.constant 272 : index
    %swap3A_214 = tpu.vector_load %arg11[%swap3A_213] {strides = array<i32>} : memref<512xi32, #tpu.memory_space<vmem>>, vector<16xi32>,
    tpu.vector_store %arg11[%swap3A_213], %and3A_212 {strides = array<i32>} : memref<512xi32, #tpu.memory_space<vmem>>, vector<16xi32>,
    %get3A_215 = arith.constant 288 : index
    %get3A_216 = tpu.vector_load %arg9[%get3A_215] {strides = array<i32>} : memref<512xi32, #tpu.memory_space<vmem>>, vector<16xi32>,
    %shift_right_arithmetic3A_217 = arith.constant 7 : i32
    %shift_right_arithmetic3A_218 = vector.broadcast %shift_right_arithmetic3A_217 : i32 to vector<16xi32>
    %shift_right_arithmetic3A_219 = arith.shrsi %get3A_216, %shift_right_arithmetic3A_218 : vector<16xi32>
    %swap3A_220 = arith.constant 288 : index
    %swap3A_221 = tpu.vector_load %arg10[%swap3A_220] {strides = array<i32>} : memref<512xi32, #tpu.memory_space<vmem>>, vector<16xi32>,
    tpu.vector_store %arg10[%swap3A_220], %shift_right_arithmetic3A_219 {strides = array<i32>} : memref<512xi32, #tpu.memory_space<vmem>>, vector<16xi32>,
    %and3A_222 = arith.constant 127 : i32
    %and3A_223 = vector.broadcast %and3A_222 : i32 to vector<16xi32>
    %and3A_224 = arith.andi %get3A_216, %and3A_223 : vector<16xi32>
    %swap3A_225 = arith.constant 288 : index
    %swap3A_226 = tpu.vector_load %arg11[%swap3A_225] {strides = array<i32>} : memref<512xi32, #tpu.memory_space<vmem>>, vector<16xi32>,
    tpu.vector_store %arg11[%swap3A_225], %and3A_224 {strides = array<i32>} : memref<512xi32, #tpu.memory_space<vmem>>, vector<16xi32>,
    %get3A_227 = arith.constant 304 : index
    %get3A_228 = tpu.vector_load %arg9[%get3A_227] {strides = array<i32>} : memref<512xi32, #tpu.memory_space<vmem>>, vector<16xi32>,
    %shift_right_arithmetic3A_229 = arith.constant 7 : i32
    %shift_right_arithmetic3A_230 = vector.broadcast %shift_right_arithmetic3A_229 : i32 to vector<16xi32>
    %shift_right_arithmetic3A_231 = arith.shrsi %get3A_228, %shift_right_arithmetic3A_230 : vector<16xi32>
    %swap3A_232 = arith.constant 304 : index
    %swap3A_233 = tpu.vector_load %arg10[%swap3A_232] {strides = array<i32>} : memref<512xi32, #tpu.memory_space<vmem>>, vector<16xi32>,
    tpu.vector_store %arg10[%swap3A_232], %shift_right_arithmetic3A_231 {strides = array<i32>} : memref<512xi32, #tpu.memory_space<vmem>>, vector<16xi32>,
    %and3A_234 = arith.constant 127 : i32
    %and3A_235 = vector.broadcast %and3A_234 : i32 to vector<16xi32>
    %and3A_236 = arith.andi %get3A_228, %and3A_235 : vector<16xi32>
    %swap3A_237 = arith.constant 304 : index
    %swap3A_238 = tpu.vector_load %arg11[%swap3A_237] {strides = array<i32>} : memref<512xi32, #tpu.memory_space<vmem>>, vector<16xi32>,
    tpu.vector_store %arg11[%swap3A_237], %and3A_236 {strides = array<i32>} : memref<512xi32, #tpu.memory_space<vmem>>, vector<16xi32>,
    %get3A_239 = arith.constant 320 : index
    %get3A_240 = tpu.vector_load %arg9[%get3A_239] {strides = array<i32>} : memref<512xi32, #tpu.memory_space<vmem>>, vector<16xi32>,
    %shift_right_arithmetic3A_241 = arith.constant 7 : i32
    %shift_right_arithmetic3A_242 = vector.broadcast %shift_right_arithmetic3A_241 : i32 to vector<16xi32>
    %shift_right_arithmetic3A_243 = arith.shrsi %get3A_240, %shift_right_arithmetic3A_242 : vector<16xi32>
    %swap3A_244 = arith.constant 320 : index
    %swap3A_245 = tpu.vector_load %arg10[%swap3A_244] {strides = array<i32>} : memref<512xi32, #tpu.memory_space<vmem>>, vector<16xi32>,
    tpu.vector_store %arg10[%swap3A_244], %shift_right_arithmetic3A_243 {strides = array<i32>} : memref<512xi32, #tpu.memory_space<vmem>>, vector<16xi32>,
    %and3A_246 = arith.constant 127 : i32
    %and3A_247 = vector.broadcast %and3A_246 : i32 to vector<16xi32>
    %and3A_248 = arith.andi %get3A_240, %and3A_247 : vector<16xi32>
    %swap3A_249 = arith.constant 320 : index
    %swap3A_250 = tpu.vector_load %arg11[%swap3A_249] {strides = array<i32>} : memref<512xi32, #tpu.memory_space<vmem>>, vector<16xi32>,
    tpu.vector_store %arg11[%swap3A_249], %and3A_248 {strides = array<i32>} : memref<512xi32, #tpu.memory_space<vmem>>, vector<16xi32>,
    %get3A_251 = arith.constant 336 : index
    %get3A_252 = tpu.vector_load %arg9[%get3A_251] {strides = array<i32>} : memref<512xi32, #tpu.memory_space<vmem>>, vector<16xi32>,
    %shift_right_arithmetic3A_253 = arith.constant 7 : i32
    %shift_right_arithmetic3A_254 = vector.broadcast %shift_right_arithmetic3A_253 : i32 to vector<16xi32>
    %shift_right_arithmetic3A_255 = arith.shrsi %get3A_252, %shift_right_arithmetic3A_254 : vector<16xi32>
    %swap3A_256 = arith.constant 336 : index
    %swap3A_257 = tpu.vector_load %arg10[%swap3A_256] {strides = array<i32>} : memref<512xi32, #tpu.memory_space<vmem>>, vector<16xi32>,
    tpu.vector_store %arg10[%swap3A_256], %shift_right_arithmetic3A_255 {strides = array<i32>} : memref<512xi32, #tpu.memory_space<vmem>>, vector<16xi32>,
    %and3A_258 = arith.constant 127 : i32
    %and3A_259 = vector.broadcast %and3A_258 : i32 to vector<16xi32>
    %and3A_260 = arith.andi %get3A_252, %and3A_259 : vector<16xi32>
    %swap3A_261 = arith.constant 336 : index
    %swap3A_262 = tpu.vector_load %arg11[%swap3A_261] {strides = array<i32>} : memref<512xi32, #tpu.memory_space<vmem>>, vector<16xi32>,
    tpu.vector_store %arg11[%swap3A_261], %and3A_260 {strides = array<i32>} : memref<512xi32, #tpu.memory_space<vmem>>, vector<16xi32>,
    %get3A_263 = arith.constant 352 : index
    %get3A_264 = tpu.vector_load %arg9[%get3A_263] {strides = array<i32>} : memref<512xi32, #tpu.memory_space<vmem>>, vector<16xi32>,
    %shift_right_arithmetic3A_265 = arith.constant 7 : i32
    %shift_right_arithmetic3A_266 = vector.broadcast %shift_right_arithmetic3A_265 : i32 to vector<16xi32>
    %shift_right_arithmetic3A_267 = arith.shrsi %get3A_264, %shift_right_arithmetic3A_266 : vector<16xi32>
    %swap3A_268 = arith.constant 352 : index
    %swap3A_269 = tpu.vector_load %arg10[%swap3A_268] {strides = array<i32>} : memref<512xi32, #tpu.memory_space<vmem>>, vector<16xi32>,
    tpu.vector_store %arg10[%swap3A_268], %shift_right_arithmetic3A_267 {strides = array<i32>} : memref<512xi32, #tpu.memory_space<vmem>>, vector<16xi32>,
    %and3A_270 = arith.constant 127 : i32
    %and3A_271 = vector.broadcast %and3A_270 : i32 to vector<16xi32>
    %and3A_272 = arith.andi %get3A_264, %and3A_271 : vector<16xi32>
    %swap3A_273 = arith.constant 352 : index
    %swap3A_274 = tpu.vector_load %arg11[%swap3A_273] {strides = array<i32>} : memref<512xi32, #tpu.memory_space<vmem>>, vector<16xi32>,
    tpu.vector_store %arg11[%swap3A_273], %and3A_272 {strides = array<i32>} : memref<512xi32, #tpu.memory_space<vmem>>, vector<16xi32>,
    %get3A_275 = arith.constant 368 : index
    %get3A_276 = tpu.vector_load %arg9[%get3A_275] {strides = array<i32>} : memref<512xi32, #tpu.memory_space<vmem>>, vector<16xi32>,
    %shift_right_arithmetic3A_277 = arith.constant 7 : i32
    %shift_right_arithmetic3A_278 = vector.broadcast %shift_right_arithmetic3A_277 : i32 to vector<16xi32>
    %shift_right_arithmetic3A_279 = arith.shrsi %get3A_276, %shift_right_arithmetic3A_278 : vector<16xi32>
    %swap3A_280 = arith.constant 368 : index
    %swap3A_281 = tpu.vector_load %arg10[%swap3A_280] {strides = array<i32>} : memref<512xi32, #tpu.memory_space<vmem>>, vector<16xi32>,
    tpu.vector_store %arg10[%swap3A_280], %shift_right_arithmetic3A_279 {strides = array<i32>} : memref<512xi32, #tpu.memory_space<vmem>>, vector<16xi32>,
    %and3A_282 = arith.constant 127 : i32
    %and3A_283 = vector.broadcast %and3A_282 : i32 to vector<16xi32>
    %and3A_284 = arith.andi %get3A_276, %and3A_283 : vector<16xi32>
    %swap3A_285 = arith.constant 368 : index
    %swap3A_286 = tpu.vector_load %arg11[%swap3A_285] {strides = array<i32>} : memref<512xi32, #tpu.memory_space<vmem>>, vector<16xi32>,
    tpu.vector_store %arg11[%swap3A_285], %and3A_284 {strides = array<i32>} : memref<512xi32, #tpu.memory_space<vmem>>, vector<16xi32>,
    %get3A_287 = arith.constant 384 : index
    %get3A_288 = tpu.vector_load %arg9[%get3A_287] {strides = array<i32>} : memref<512xi32, #tpu.memory_space<vmem>>, vector<16xi32>,
    %shift_right_arithmetic3A_289 = arith.constant 7 : i32
    %shift_right_arithmetic3A_290 = vector.broadcast %shift_right_arithmetic3A_289 : i32 to vector<16xi32>
    %shift_right_arithmetic3A_291 = arith.shrsi %get3A_288, %shift_right_arithmetic3A_290 : vector<16xi32>
    %swap3A_292 = arith.constant 384 : index
    %swap3A_293 = tpu.vector_load %arg10[%swap3A_292] {strides = array<i32>} : memref<512xi32, #tpu.memory_space<vmem>>, vector<16xi32>,
    tpu.vector_store %arg10[%swap3A_292], %shift_right_arithmetic3A_291 {strides = array<i32>} : memref<512xi32, #tpu.memory_space<vmem>>, vector<16xi32>,
    %and3A_294 = arith.constant 127 : i32
    %and3A_295 = vector.broadcast %and3A_294 : i32 to vector<16xi32>
    %and3A_296 = arith.andi %get3A_288, %and3A_295 : vector<16xi32>
    %swap3A_297 = arith.constant 384 : index
    %swap3A_298 = tpu.vector_load %arg11[%swap3A_297] {strides = array<i32>} : memref<512xi32, #tpu.memory_space<vmem>>, vector<16xi32>,
    tpu.vector_store %arg11[%swap3A_297], %and3A_296 {strides = array<i32>} : memref<512xi32, #tpu.memory_space<vmem>>, vector<16xi32>,
    %get3A_299 = arith.constant 400 : index
    %get3A_300 = tpu.vector_load %arg9[%get3A_299] {strides = array<i32>} : memref<512xi32, #tpu.memory_space<vmem>>, vector<16xi32>,
    %shift_right_arithmetic3A_301 = arith.constant 7 : i32
    %shift_right_arithmetic3A_302 = vector.broadcast %shift_right_arithmetic3A_301 : i32 to vector<16xi32>
    %shift_right_arithmetic3A_303 = arith.shrsi %get3A_300, %shift_right_arithmetic3A_302 : vector<16xi32>
    %swap3A_304 = arith.constant 400 : index
    %swap3A_305 = tpu.vector_load %arg10[%swap3A_304] {strides = array<i32>} : memref<512xi32, #tpu.memory_space<vmem>>, vector<16xi32>,
    tpu.vector_store %arg10[%swap3A_304], %shift_right_arithmetic3A_303 {strides = array<i32>} : memref<512xi32, #tpu.memory_space<vmem>>, vector<16xi32>,
    %and3A_306 = arith.constant 127 : i32
    %and3A_307 = vector.broadcast %and3A_306 : i32 to vector<16xi32>
    %and3A_308 = arith.andi %get3A_300, %and3A_307 : vector<16xi32>
    %swap3A_309 = arith.constant 400 : index
    %swap3A_310 = tpu.vector_load %arg11[%swap3A_309] {strides = array<i32>} : memref<512xi32, #tpu.memory_space<vmem>>, vector<16xi32>,
    tpu.vector_store %arg11[%swap3A_309], %and3A_308 {strides = array<i32>} : memref<512xi32, #tpu.memory_space<vmem>>, vector<16xi32>,
    %get3A_311 = arith.constant 416 : index
    %get3A_312 = tpu.vector_load %arg9[%get3A_311] {strides = array<i32>} : memref<512xi32, #tpu.memory_space<vmem>>, vector<16xi32>,
    %shift_right_arithmetic3A_313 = arith.constant 7 : i32
    %shift_right_arithmetic3A_314 = vector.broadcast %shift_right_arithmetic3A_313 : i32 to vector<16xi32>
    %shift_right_arithmetic3A_315 = arith.shrsi %get3A_312, %shift_right_arithmetic3A_314 : vector<16xi32>
    %swap3A_316 = arith.constant 416 : index
    %swap3A_317 = tpu.vector_load %arg10[%swap3A_316] {strides = array<i32>} : memref<512xi32, #tpu.memory_space<vmem>>, vector<16xi32>,
    tpu.vector_store %arg10[%swap3A_316], %shift_right_arithmetic3A_315 {strides = array<i32>} : memref<512xi32, #tpu.memory_space<vmem>>, vector<16xi32>,
    %and3A_318 = arith.constant 127 : i32
    %and3A_319 = vector.broadcast %and3A_318 : i32 to vector<16xi32>
    %and3A_320 = arith.andi %get3A_312, %and3A_319 : vector<16xi32>
    %swap3A_321 = arith.constant 416 : index
    %swap3A_322 = tpu.vector_load %arg11[%swap3A_321] {strides = array<i32>} : memref<512xi32, #tpu.memory_space<vmem>>, vector<16xi32>,
    tpu.vector_store %arg11[%swap3A_321], %and3A_320 {strides = array<i32>} : memref<512xi32, #tpu.memory_space<vmem>>, vector<16xi32>,
    %get3A_323 = arith.constant 432 : index
    %get3A_324 = tpu.vector_load %arg9[%get3A_323] {strides = array<i32>} : memref<512xi32, #tpu.memory_space<vmem>>, vector<16xi32>,
    %shift_right_arithmetic3A_325 = arith.constant 7 : i32
    %shift_right_arithmetic3A_326 = vector.broadcast %shift_right_arithmetic3A_325 : i32 to vector<16xi32>
    %shift_right_arithmetic3A_327 = arith.shrsi %get3A_324, %shift_right_arithmetic3A_326 : vector<16xi32>
    %swap3A_328 = arith.constant 432 : index
    %swap3A_329 = tpu.vector_load %arg10[%swap3A_328] {strides = array<i32>} : memref<512xi32, #tpu.memory_space<vmem>>, vector<16xi32>,
    tpu.vector_store %arg10[%swap3A_328], %shift_right_arithmetic3A_327 {strides = array<i32>} : memref<512xi32, #tpu.memory_space<vmem>>, vector<16xi32>,
    %and3A_330 = arith.constant 127 : i32
    %and3A_331 = vector.broadcast %and3A_330 : i32 to vector<16xi32>
    %and3A_332 = arith.andi %get3A_324, %and3A_331 : vector<16xi32>
    %swap3A_333 = arith.constant 432 : index
    %swap3A_334 = tpu.vector_load %arg11[%swap3A_333] {strides = array<i32>} : memref<512xi32, #tpu.memory_space<vmem>>, vector<16xi32>,
    tpu.vector_store %arg11[%swap3A_333], %and3A_332 {strides = array<i32>} : memref<512xi32, #tpu.memory_space<vmem>>, vector<16xi32>,
    %get3A_335 = arith.constant 448 : index
    %get3A_336 = tpu.vector_load %arg9[%get3A_335] {strides = array<i32>} : memref<512xi32, #tpu.memory_space<vmem>>, vector<16xi32>,
    %shift_right_arithmetic3A_337 = arith.constant 7 : i32
    %shift_right_arithmetic3A_338 = vector.broadcast %shift_right_arithmetic3A_337 : i32 to vector<16xi32>
    %shift_right_arithmetic3A_339 = arith.shrsi %get3A_336, %shift_right_arithmetic3A_338 : vector<16xi32>
    %swap3A_340 = arith.constant 448 : index
    %swap3A_341 = tpu.vector_load %arg10[%swap3A_340] {strides = array<i32>} : memref<512xi32, #tpu.memory_space<vmem>>, vector<16xi32>,
    tpu.vector_store %arg10[%swap3A_340], %shift_right_arithmetic3A_339 {strides = array<i32>} : memref<512xi32, #tpu.memory_space<vmem>>, vector<16xi32>,
    %and3A_342 = arith.constant 127 : i32
    %and3A_343 = vector.broadcast %and3A_342 : i32 to vector<16xi32>
    %and3A_344 = arith.andi %get3A_336, %and3A_343 : vector<16xi32>
    %swap3A_345 = arith.constant 448 : index
    %swap3A_346 = tpu.vector_load %arg11[%swap3A_345] {strides = array<i32>} : memref<512xi32, #tpu.memory_space<vmem>>, vector<16xi32>,
    tpu.vector_store %arg11[%swap3A_345], %and3A_344 {strides = array<i32>} : memref<512xi32, #tpu.memory_space<vmem>>, vector<16xi32>,
    %get3A_347 = arith.constant 464 : index
    %get3A_348 = tpu.vector_load %arg9[%get3A_347] {strides = array<i32>} : memref<512xi32, #tpu.memory_space<vmem>>, vector<16xi32>,
    %shift_right_arithmetic3A_349 = arith.constant 7 : i32
    %shift_right_arithmetic3A_350 = vector.broadcast %shift_right_arithmetic3A_349 : i32 to vector<16xi32>
    %shift_right_arithmetic3A_351 = arith.shrsi %get3A_348, %shift_right_arithmetic3A_350 : vector<16xi32>
    %swap3A_352 = arith.constant 464 : index
    %swap3A_353 = tpu.vector_load %arg10[%swap3A_352] {strides = array<i32>} : memref<512xi32, #tpu.memory_space<vmem>>, vector<16xi32>,
    tpu.vector_store %arg10[%swap3A_352], %shift_right_arithmetic3A_351 {strides = array<i32>} : memref<512xi32, #tpu.memory_space<vmem>>, vector<16xi32>,
    %and3A_354 = arith.constant 127 : i32
    %and3A_355 = vector.broadcast %and3A_354 : i32 to vector<16xi32>
    %and3A_356 = arith.andi %get3A_348, %and3A_355 : vector<16xi32>
    %swap3A_357 = arith.constant 464 : index
    %swap3A_358 = tpu.vector_load %arg11[%swap3A_357] {strides = array<i32>} : memref<512xi32, #tpu.memory_space<vmem>>, vector<16xi32>,
    tpu.vector_store %arg11[%swap3A_357], %and3A_356 {strides = array<i32>} : memref<512xi32, #tpu.memory_space<vmem>>, vector<16xi32>,
    %get3A_359 = arith.constant 480 : index
    %get3A_360 = tpu.vector_load %arg9[%get3A_359] {strides = array<i32>} : memref<512xi32, #tpu.memory_space<vmem>>, vector<16xi32>,
    %shift_right_arithmetic3A_361 = arith.constant 7 : i32
    %shift_right_arithmetic3A_362 = vector.broadcast %shift_right_arithmetic3A_361 : i32 to vector<16xi32>
    %shift_right_arithmetic3A_363 = arith.shrsi %get3A_360, %shift_right_arithmetic3A_362 : vector<16xi32>
    %swap3A_364 = arith.constant 480 : index
    %swap3A_365 = tpu.vector_load %arg10[%swap3A_364] {strides = array<i32>} : memref<512xi32, #tpu.memory_space<vmem>>, vector<16xi32>,
    tpu.vector_store %arg10[%swap3A_364], %shift_right_arithmetic3A_363 {strides = array<i32>} : memref<512xi32, #tpu.memory_space<vmem>>, vector<16xi32>,
    %and3A_366 = arith.constant 127 : i32
    %and3A_367 = vector.broadcast %and3A_366 : i32 to vector<16xi32>
    %and3A_368 = arith.andi %get3A_360, %and3A_367 : vector<16xi32>
    %swap3A_369 = arith.constant 480 : index
    %swap3A_370 = tpu.vector_load %arg11[%swap3A_369] {strides = array<i32>} : memref<512xi32, #tpu.memory_space<vmem>>, vector<16xi32>,
    tpu.vector_store %arg11[%swap3A_369], %and3A_368 {strides = array<i32>} : memref<512xi32, #tpu.memory_space<vmem>>, vector<16xi32>,
    %get3A_371 = arith.constant 496 : index
    %get3A_372 = tpu.vector_load %arg9[%get3A_371] {strides = array<i32>} : memref<512xi32, #tpu.memory_space<vmem>>, vector<16xi32>,
    %shift_right_arithmetic3A_373 = arith.constant 7 : i32
    %shift_right_arithmetic3A_374 = vector.broadcast %shift_right_arithmetic3A_373 : i32 to vector<16xi32>
    %shift_right_arithmetic3A_375 = arith.shrsi %get3A_372, %shift_right_arithmetic3A_374 : vector<16xi32>
    %swap3A_376 = arith.constant 496 : index
    %swap3A_377 = tpu.vector_load %arg10[%swap3A_376] {strides = array<i32>} : memref<512xi32, #tpu.memory_space<vmem>>, vector<16xi32>,
    tpu.vector_store %arg10[%swap3A_376], %shift_right_arithmetic3A_375 {strides = array<i32>} : memref<512xi32, #tpu.memory_space<vmem>>, vector<16xi32>,
    %and3A_378 = arith.constant 127 : i32
    %and3A_379 = vector.broadcast %and3A_378 : i32 to vector<16xi32>
    %and3A_380 = arith.andi %get3A_372, %and3A_379 : vector<16xi32>
    %swap3A_381 = arith.constant 496 : index
    %swap3A_382 = tpu.vector_load %arg11[%swap3A_381] {strides = array<i32>} : memref<512xi32, #tpu.memory_space<vmem>>, vector<16xi32>,
    tpu.vector_store %arg11[%swap3A_381], %and3A_380 {strides = array<i32>} : memref<512xi32, #tpu.memory_space<vmem>>, vector<16xi32>,
    %dma_start3A = arith.constant 0 : i32
    %dma_start3A_383 = tpu.memref_slice %arg10[%dma_start3A] : memref<512xi32, #tpu.memory_space<vmem>> -> memref<128xi32, #tpu.memory_space<vmem>>
    %dma_start3A_384 = arith.constant 0 : i32
    %dma_start3A_385 = arith.constant 0 : i32
    %dma_start3A_386 = tpu.memref_slice %arg2[%dma_start3A_384, %dma_start3A_385] : memref<1024x128xf32, #tpu.memory_space<hbm>> -> memref<1024x128xf32, #tpu.memory_space<hbm>>
    tpu.enqueue_indirect_dma source(%dma_start3A_386 : memref<1024x128xf32, #tpu.memory_space<hbm>>) target(%arg13 : memref<128x128xf32, #tpu.memory_space<vmem>>) offsets(%dma_start3A_383 : memref<128xi32, #tpu.memory_space<vmem>>) semaphore(%arg15 : memref<!tpu.dma_semaphore, #tpu.memory_space<semaphore_mem>>)
    %dma_start3A_387 = arith.constant 128 : i32
    %dma_start3A_388 = tpu.memref_slice %arg10[%dma_start3A_387] : memref<512xi32, #tpu.memory_space<vmem>> -> memref<128xi32, #tpu.memory_space<vmem>>
    %dma_start3A_389 = arith.constant 0 : i32
    %dma_start3A_390 = arith.constant 0 : i32
    %dma_start3A_391 = tpu.memref_slice %arg2[%dma_start3A_389, %dma_start3A_390] : memref<1024x128xf32, #tpu.memory_space<hbm>> -> memref<1024x128xf32, #tpu.memory_space<hbm>>
    tpu.enqueue_indirect_dma source(%dma_start3A_391 : memref<1024x128xf32, #tpu.memory_space<hbm>>) target(%arg14 : memref<128x128xf32, #tpu.memory_space<vmem>>) offsets(%dma_start3A_388 : memref<128xi32, #tpu.memory_space<vmem>>) semaphore(%arg16 : memref<!tpu.dma_semaphore, #tpu.memory_space<semaphore_mem>>)
    %dma_wait3A = arith.constant 0 : i32
    %dma_wait3A_392 = tpu.memref_slice %arg10[%dma_wait3A] : memref<512xi32, #tpu.memory_space<vmem>> -> memref<128xi32, #tpu.memory_space<vmem>>
    %dma_wait3A_393 = arith.constant 0 : i32
    %dma_wait3A_394 = arith.constant 0 : i32
    %dma_wait3A_395 = tpu.memref_slice %arg2[%dma_wait3A_393, %dma_wait3A_394] : memref<1024x128xf32, #tpu.memory_space<hbm>> -> memref<1024x128xf32, #tpu.memory_space<hbm>>
    tpu.wait_indirect_dma semaphore(%arg15 : memref<!tpu.dma_semaphore, #tpu.memory_space<semaphore_mem>>) src(%dma_wait3A_395 : memref<1024x128xf32, #tpu.memory_space<hbm>>) dst(%arg13 : memref<128x128xf32, #tpu.memory_space<vmem>>)
    %iota3A = tpu.iota {dimensions = array<i32: 0>} : vector<16xi32>
    %add3A_396 = arith.constant 0 : i32
    %add3A_397 = vector.broadcast %add3A_396 : i32 to vector<16xi32>
    %add3A_398 = arith.addi %iota3A, %add3A_397 : vector<16xi32>
    %get3A_399 = arith.constant 0 : index
    %get3A_400 = tpu.vector_load %arg11[%get3A_399] {strides = array<i32>} : memref<512xi32, #tpu.memory_space<vmem>>, vector<16xi32>,
    %gather3A = tpu.vector_load_idx %arg13[%add3A_398, %get3A_400] : memref<128x128xf32, #tpu.memory_space<vmem>>[vector<16xi32>, vector<16xi32>], vector<16xf32>,
    %swap3A_401 = arith.constant 0 : index
    %swap3A_402 = tpu.vector_load %arg12[%swap3A_401] {strides = array<i32>} : memref<128xf32, #tpu.memory_space<vmem>>, vector<16xf32>,
    tpu.vector_store %arg12[%swap3A_401], %gather3A {strides = array<i32>} : memref<128xf32, #tpu.memory_space<vmem>>, vector<16xf32>,
    %iota3A_403 = tpu.iota {dimensions = array<i32: 0>} : vector<16xi32>
    %add3A_404 = arith.constant 16 : i32
    %add3A_405 = vector.broadcast %add3A_404 : i32 to vector<16xi32>
    %add3A_406 = arith.addi %iota3A_403, %add3A_405 : vector<16xi32>
    %get3A_407 = arith.constant 16 : index
    %get3A_408 = tpu.vector_load %arg11[%get3A_407] {strides = array<i32>} : memref<512xi32, #tpu.memory_space<vmem>>, vector<16xi32>,
    %gather3A_409 = tpu.vector_load_idx %arg13[%add3A_406, %get3A_408] : memref<128x128xf32, #tpu.memory_space<vmem>>[vector<16xi32>, vector<16xi32>], vector<16xf32>,
    %swap3A_410 = arith.constant 16 : index
    %swap3A_411 = tpu.vector_load %arg12[%swap3A_410] {strides = array<i32>} : memref<128xf32, #tpu.memory_space<vmem>>, vector<16xf32>,
    tpu.vector_store %arg12[%swap3A_410], %gather3A_409 {strides = array<i32>} : memref<128xf32, #tpu.memory_space<vmem>>, vector<16xf32>,
    %iota3A_412 = tpu.iota {dimensions = array<i32: 0>} : vector<16xi32>
    %add3A_413 = arith.constant 32 : i32
    %add3A_414 = vector.broadcast %add3A_413 : i32 to vector<16xi32>
    %add3A_415 = arith.addi %iota3A_412, %add3A_414 : vector<16xi32>
    %get3A_416 = arith.constant 32 : index
    %get3A_417 = tpu.vector_load %arg11[%get3A_416] {strides = array<i32>} : memref<512xi32, #tpu.memory_space<vmem>>, vector<16xi32>,
    %gather3A_418 = tpu.vector_load_idx %arg13[%add3A_415, %get3A_417] : memref<128x128xf32, #tpu.memory_space<vmem>>[vector<16xi32>, vector<16xi32>], vector<16xf32>,
    %swap3A_419 = arith.constant 32 : index
    %swap3A_420 = tpu.vector_load %arg12[%swap3A_419] {strides = array<i32>} : memref<128xf32, #tpu.memory_space<vmem>>, vector<16xf32>,
    tpu.vector_store %arg12[%swap3A_419], %gather3A_418 {strides = array<i32>} : memref<128xf32, #tpu.memory_space<vmem>>, vector<16xf32>,
    %iota3A_421 = tpu.iota {dimensions = array<i32: 0>} : vector<16xi32>
    %add3A_422 = arith.constant 48 : i32
    %add3A_423 = vector.broadcast %add3A_422 : i32 to vector<16xi32>
    %add3A_424 = arith.addi %iota3A_421, %add3A_423 : vector<16xi32>
    %get3A_425 = arith.constant 48 : index
    %get3A_426 = tpu.vector_load %arg11[%get3A_425] {strides = array<i32>} : memref<512xi32, #tpu.memory_space<vmem>>, vector<16xi32>,
    %gather3A_427 = tpu.vector_load_idx %arg13[%add3A_424, %get3A_426] : memref<128x128xf32, #tpu.memory_space<vmem>>[vector<16xi32>, vector<16xi32>], vector<16xf32>,
    %swap3A_428 = arith.constant 48 : index
    %swap3A_429 = tpu.vector_load %arg12[%swap3A_428] {strides = array<i32>} : memref<128xf32, #tpu.memory_space<vmem>>, vector<16xf32>,
    tpu.vector_store %arg12[%swap3A_428], %gather3A_427 {strides = array<i32>} : memref<128xf32, #tpu.memory_space<vmem>>, vector<16xf32>,
    %iota3A_430 = tpu.iota {dimensions = array<i32: 0>} : vector<16xi32>
    %add3A_431 = arith.constant 64 : i32
    %add3A_432 = vector.broadcast %add3A_431 : i32 to vector<16xi32>
    %add3A_433 = arith.addi %iota3A_430, %add3A_432 : vector<16xi32>
    %get3A_434 = arith.constant 64 : index
    %get3A_435 = tpu.vector_load %arg11[%get3A_434] {strides = array<i32>} : memref<512xi32, #tpu.memory_space<vmem>>, vector<16xi32>,
    %gather3A_436 = tpu.vector_load_idx %arg13[%add3A_433, %get3A_435] : memref<128x128xf32, #tpu.memory_space<vmem>>[vector<16xi32>, vector<16xi32>], vector<16xf32>,
    %swap3A_437 = arith.constant 64 : index
    %swap3A_438 = tpu.vector_load %arg12[%swap3A_437] {strides = array<i32>} : memref<128xf32, #tpu.memory_space<vmem>>, vector<16xf32>,
    tpu.vector_store %arg12[%swap3A_437], %gather3A_436 {strides = array<i32>} : memref<128xf32, #tpu.memory_space<vmem>>, vector<16xf32>,
    %iota3A_439 = tpu.iota {dimensions = array<i32: 0>} : vector<16xi32>
    %add3A_440 = arith.constant 80 : i32
    %add3A_441 = vector.broadcast %add3A_440 : i32 to vector<16xi32>
    %add3A_442 = arith.addi %iota3A_439, %add3A_441 : vector<16xi32>
    %get3A_443 = arith.constant 80 : index
    %get3A_444 = tpu.vector_load %arg11[%get3A_443] {strides = array<i32>} : memref<512xi32, #tpu.memory_space<vmem>>, vector<16xi32>,
    %gather3A_445 = tpu.vector_load_idx %arg13[%add3A_442, %get3A_444] : memref<128x128xf32, #tpu.memory_space<vmem>>[vector<16xi32>, vector<16xi32>], vector<16xf32>,
    %swap3A_446 = arith.constant 80 : index
    %swap3A_447 = tpu.vector_load %arg12[%swap3A_446] {strides = array<i32>} : memref<128xf32, #tpu.memory_space<vmem>>, vector<16xf32>,
    tpu.vector_store %arg12[%swap3A_446], %gather3A_445 {strides = array<i32>} : memref<128xf32, #tpu.memory_space<vmem>>, vector<16xf32>,
    %iota3A_448 = tpu.iota {dimensions = array<i32: 0>} : vector<16xi32>
    %add3A_449 = arith.constant 96 : i32
    %add3A_450 = vector.broadcast %add3A_449 : i32 to vector<16xi32>
    %add3A_451 = arith.addi %iota3A_448, %add3A_450 : vector<16xi32>
    %get3A_452 = arith.constant 96 : index
    %get3A_453 = tpu.vector_load %arg11[%get3A_452] {strides = array<i32>} : memref<512xi32, #tpu.memory_space<vmem>>, vector<16xi32>,
    %gather3A_454 = tpu.vector_load_idx %arg13[%add3A_451, %get3A_453] : memref<128x128xf32, #tpu.memory_space<vmem>>[vector<16xi32>, vector<16xi32>], vector<16xf32>,
    %swap3A_455 = arith.constant 96 : index
    %swap3A_456 = tpu.vector_load %arg12[%swap3A_455] {strides = array<i32>} : memref<128xf32, #tpu.memory_space<vmem>>, vector<16xf32>,
    tpu.vector_store %arg12[%swap3A_455], %gather3A_454 {strides = array<i32>} : memref<128xf32, #tpu.memory_space<vmem>>, vector<16xf32>,
    %iota3A_457 = tpu.iota {dimensions = array<i32: 0>} : vector<16xi32>
    %add3A_458 = arith.constant 112 : i32
    %add3A_459 = vector.broadcast %add3A_458 : i32 to vector<16xi32>
    %add3A_460 = arith.addi %iota3A_457, %add3A_459 : vector<16xi32>
    %get3A_461 = arith.constant 112 : index
    %get3A_462 = tpu.vector_load %arg11[%get3A_461] {strides = array<i32>} : memref<512xi32, #tpu.memory_space<vmem>>, vector<16xi32>,
    %gather3A_463 = tpu.vector_load_idx %arg13[%add3A_460, %get3A_462] : memref<128x128xf32, #tpu.memory_space<vmem>>[vector<16xi32>, vector<16xi32>], vector<16xf32>,
    %swap3A_464 = arith.constant 112 : index
    %swap3A_465 = tpu.vector_load %arg12[%swap3A_464] {strides = array<i32>} : memref<128xf32, #tpu.memory_space<vmem>>, vector<16xf32>,
    tpu.vector_store %arg12[%swap3A_464], %gather3A_463 {strides = array<i32>} : memref<128xf32, #tpu.memory_space<vmem>>, vector<16xf32>,
    %add3A_466 = arith.constant 0 : i32
    %add3A_467 = arith.addi %mul3A_2, %add3A_466 : i32
    "tpu.region"() ({
      %run_scoped3A = tpu.sem_alloc : memref<!tpu.dma_semaphore, #tpu.memory_space<semaphore_mem>>
      %dma_start3A_1387 = tpu.memref_slice %arg6[%add3A_467] : memref<16384xf32, #tpu.memory_space<hbm>> -> memref<128xf32, #tpu.memory_space<hbm>>
      %dma_start3A_1388 = tpu.memref_slice %arg6[%add3A_467] : memref<16384xf32, #tpu.memory_space<hbm>> -> memref<128xf32, #tpu.memory_space<hbm>>
      tpu.enqueue_dma source(%arg12 : memref<128xf32, #tpu.memory_space<vmem>>) target(%dma_start3A_1388 : memref<128xf32, #tpu.memory_space<hbm>>) target_semaphore(%run_scoped3A : memref<!tpu.dma_semaphore, #tpu.memory_space<semaphore_mem>>)
      %dma_wait3A_1389 = tpu.memref_slice %arg6[%add3A_467] : memref<16384xf32, #tpu.memory_space<hbm>> -> memref<128xf32, #tpu.memory_space<hbm>>
      %dma_wait3A_1390 = tpu.memref_slice %arg6[%add3A_467] : memref<16384xf32, #tpu.memory_space<hbm>> -> memref<128xf32, #tpu.memory_space<hbm>>
      tpu.wait_dma2 semaphore(%run_scoped3A : memref<!tpu.dma_semaphore, #tpu.memory_space<semaphore_mem>>) src(%arg12 : memref<128xf32, #tpu.memory_space<vmem>>) dst(%dma_wait3A_1390 : memref<128xf32, #tpu.memory_space<hbm>>)
      tpu.yield
    }) : () -> ()
    %dma_start3A_468 = arith.constant 256 : i32
    %dma_start3A_469 = tpu.memref_slice %arg10[%dma_start3A_468] : memref<512xi32, #tpu.memory_space<vmem>> -> memref<128xi32, #tpu.memory_space<vmem>>
    %dma_start3A_470 = arith.constant 0 : i32
    %dma_start3A_471 = arith.constant 0 : i32
    %dma_start3A_472 = tpu.memref_slice %arg2[%dma_start3A_470, %dma_start3A_471] : memref<1024x128xf32, #tpu.memory_space<hbm>> -> memref<1024x128xf32, #tpu.memory_space<hbm>>
    tpu.enqueue_indirect_dma source(%dma_start3A_472 : memref<1024x128xf32, #tpu.memory_space<hbm>>) target(%arg13 : memref<128x128xf32, #tpu.memory_space<vmem>>) offsets(%dma_start3A_469 : memref<128xi32, #tpu.memory_space<vmem>>) semaphore(%arg15 : memref<!tpu.dma_semaphore, #tpu.memory_space<semaphore_mem>>)
    %dma_wait3A_473 = arith.constant 128 : i32
    %dma_wait3A_474 = tpu.memref_slice %arg10[%dma_wait3A_473] : memref<512xi32, #tpu.memory_space<vmem>> -> memref<128xi32, #tpu.memory_space<vmem>>
    %dma_wait3A_475 = arith.constant 0 : i32
    %dma_wait3A_476 = arith.constant 0 : i32
    %dma_wait3A_477 = tpu.memref_slice %arg2[%dma_wait3A_475, %dma_wait3A_476] : memref<1024x128xf32, #tpu.memory_space<hbm>> -> memref<1024x128xf32, #tpu.memory_space<hbm>>
    tpu.wait_indirect_dma semaphore(%arg16 : memref<!tpu.dma_semaphore, #tpu.memory_space<semaphore_mem>>) src(%dma_wait3A_477 : memref<1024x128xf32, #tpu.memory_space<hbm>>) dst(%arg14 : memref<128x128xf32, #tpu.memory_space<vmem>>)
    %iota3A_478 = tpu.iota {dimensions = array<i32: 0>} : vector<16xi32>
    %add3A_479 = arith.constant 0 : i32
    %add3A_480 = vector.broadcast %add3A_479 : i32 to vector<16xi32>
    %add3A_481 = arith.addi %iota3A_478, %add3A_480 : vector<16xi32>
    %get3A_482 = arith.constant 128 : index
    %get3A_483 = tpu.vector_load %arg11[%get3A_482] {strides = array<i32>} : memref<512xi32, #tpu.memory_space<vmem>>, vector<16xi32>,
    %gather3A_484 = tpu.vector_load_idx %arg14[%add3A_481, %get3A_483] : memref<128x128xf32, #tpu.memory_space<vmem>>[vector<16xi32>, vector<16xi32>], vector<16xf32>,
    %swap3A_485 = arith.constant 0 : index
    %swap3A_486 = tpu.vector_load %arg12[%swap3A_485] {strides = array<i32>} : memref<128xf32, #tpu.memory_space<vmem>>, vector<16xf32>,
    tpu.vector_store %arg12[%swap3A_485], %gather3A_484 {strides = array<i32>} : memref<128xf32, #tpu.memory_space<vmem>>, vector<16xf32>,
    %iota3A_487 = tpu.iota {dimensions = array<i32: 0>} : vector<16xi32>
    %add3A_488 = arith.constant 16 : i32
    %add3A_489 = vector.broadcast %add3A_488 : i32 to vector<16xi32>
    %add3A_490 = arith.addi %iota3A_487, %add3A_489 : vector<16xi32>
    %get3A_491 = arith.constant 144 : index
    %get3A_492 = tpu.vector_load %arg11[%get3A_491] {strides = array<i32>} : memref<512xi32, #tpu.memory_space<vmem>>, vector<16xi32>,
    %gather3A_493 = tpu.vector_load_idx %arg14[%add3A_490, %get3A_492] : memref<128x128xf32, #tpu.memory_space<vmem>>[vector<16xi32>, vector<16xi32>], vector<16xf32>,
    %swap3A_494 = arith.constant 16 : index
    %swap3A_495 = tpu.vector_load %arg12[%swap3A_494] {strides = array<i32>} : memref<128xf32, #tpu.memory_space<vmem>>, vector<16xf32>,
    tpu.vector_store %arg12[%swap3A_494], %gather3A_493 {strides = array<i32>} : memref<128xf32, #tpu.memory_space<vmem>>, vector<16xf32>,
    %iota3A_496 = tpu.iota {dimensions = array<i32: 0>} : vector<16xi32>
    %add3A_497 = arith.constant 32 : i32
    %add3A_498 = vector.broadcast %add3A_497 : i32 to vector<16xi32>
    %add3A_499 = arith.addi %iota3A_496, %add3A_498 : vector<16xi32>
    %get3A_500 = arith.constant 160 : index
    %get3A_501 = tpu.vector_load %arg11[%get3A_500] {strides = array<i32>} : memref<512xi32, #tpu.memory_space<vmem>>, vector<16xi32>,
    %gather3A_502 = tpu.vector_load_idx %arg14[%add3A_499, %get3A_501] : memref<128x128xf32, #tpu.memory_space<vmem>>[vector<16xi32>, vector<16xi32>], vector<16xf32>,
    %swap3A_503 = arith.constant 32 : index
    %swap3A_504 = tpu.vector_load %arg12[%swap3A_503] {strides = array<i32>} : memref<128xf32, #tpu.memory_space<vmem>>, vector<16xf32>,
    tpu.vector_store %arg12[%swap3A_503], %gather3A_502 {strides = array<i32>} : memref<128xf32, #tpu.memory_space<vmem>>, vector<16xf32>,
    %iota3A_505 = tpu.iota {dimensions = array<i32: 0>} : vector<16xi32>
    %add3A_506 = arith.constant 48 : i32
    %add3A_507 = vector.broadcast %add3A_506 : i32 to vector<16xi32>
    %add3A_508 = arith.addi %iota3A_505, %add3A_507 : vector<16xi32>
    %get3A_509 = arith.constant 176 : index
    %get3A_510 = tpu.vector_load %arg11[%get3A_509] {strides = array<i32>} : memref<512xi32, #tpu.memory_space<vmem>>, vector<16xi32>,
    %gather3A_511 = tpu.vector_load_idx %arg14[%add3A_508, %get3A_510] : memref<128x128xf32, #tpu.memory_space<vmem>>[vector<16xi32>, vector<16xi32>], vector<16xf32>,
    %swap3A_512 = arith.constant 48 : index
    %swap3A_513 = tpu.vector_load %arg12[%swap3A_512] {strides = array<i32>} : memref<128xf32, #tpu.memory_space<vmem>>, vector<16xf32>,
    tpu.vector_store %arg12[%swap3A_512], %gather3A_511 {strides = array<i32>} : memref<128xf32, #tpu.memory_space<vmem>>, vector<16xf32>,
    %iota3A_514 = tpu.iota {dimensions = array<i32: 0>} : vector<16xi32>
    %add3A_515 = arith.constant 64 : i32
    %add3A_516 = vector.broadcast %add3A_515 : i32 to vector<16xi32>
    %add3A_517 = arith.addi %iota3A_514, %add3A_516 : vector<16xi32>
    %get3A_518 = arith.constant 192 : index
    %get3A_519 = tpu.vector_load %arg11[%get3A_518] {strides = array<i32>} : memref<512xi32, #tpu.memory_space<vmem>>, vector<16xi32>,
    %gather3A_520 = tpu.vector_load_idx %arg14[%add3A_517, %get3A_519] : memref<128x128xf32, #tpu.memory_space<vmem>>[vector<16xi32>, vector<16xi32>], vector<16xf32>,
    %swap3A_521 = arith.constant 64 : index
    %swap3A_522 = tpu.vector_load %arg12[%swap3A_521] {strides = array<i32>} : memref<128xf32, #tpu.memory_space<vmem>>, vector<16xf32>,
    tpu.vector_store %arg12[%swap3A_521], %gather3A_520 {strides = array<i32>} : memref<128xf32, #tpu.memory_space<vmem>>, vector<16xf32>,
    %iota3A_523 = tpu.iota {dimensions = array<i32: 0>} : vector<16xi32>
    %add3A_524 = arith.constant 80 : i32
    %add3A_525 = vector.broadcast %add3A_524 : i32 to vector<16xi32>
    %add3A_526 = arith.addi %iota3A_523, %add3A_525 : vector<16xi32>
    %get3A_527 = arith.constant 208 : index
    %get3A_528 = tpu.vector_load %arg11[%get3A_527] {strides = array<i32>} : memref<512xi32, #tpu.memory_space<vmem>>, vector<16xi32>,
    %gather3A_529 = tpu.vector_load_idx %arg14[%add3A_526, %get3A_528] : memref<128x128xf32, #tpu.memory_space<vmem>>[vector<16xi32>, vector<16xi32>], vector<16xf32>,
    %swap3A_530 = arith.constant 80 : index
    %swap3A_531 = tpu.vector_load %arg12[%swap3A_530] {strides = array<i32>} : memref<128xf32, #tpu.memory_space<vmem>>, vector<16xf32>,
    tpu.vector_store %arg12[%swap3A_530], %gather3A_529 {strides = array<i32>} : memref<128xf32, #tpu.memory_space<vmem>>, vector<16xf32>,
    %iota3A_532 = tpu.iota {dimensions = array<i32: 0>} : vector<16xi32>
    %add3A_533 = arith.constant 96 : i32
    %add3A_534 = vector.broadcast %add3A_533 : i32 to vector<16xi32>
    %add3A_535 = arith.addi %iota3A_532, %add3A_534 : vector<16xi32>
    %get3A_536 = arith.constant 224 : index
    %get3A_537 = tpu.vector_load %arg11[%get3A_536] {strides = array<i32>} : memref<512xi32, #tpu.memory_space<vmem>>, vector<16xi32>,
    %gather3A_538 = tpu.vector_load_idx %arg14[%add3A_535, %get3A_537] : memref<128x128xf32, #tpu.memory_space<vmem>>[vector<16xi32>, vector<16xi32>], vector<16xf32>,
    %swap3A_539 = arith.constant 96 : index
    %swap3A_540 = tpu.vector_load %arg12[%swap3A_539] {strides = array<i32>} : memref<128xf32, #tpu.memory_space<vmem>>, vector<16xf32>,
    tpu.vector_store %arg12[%swap3A_539], %gather3A_538 {strides = array<i32>} : memref<128xf32, #tpu.memory_space<vmem>>, vector<16xf32>,
    %iota3A_541 = tpu.iota {dimensions = array<i32: 0>} : vector<16xi32>
    %add3A_542 = arith.constant 112 : i32
    %add3A_543 = vector.broadcast %add3A_542 : i32 to vector<16xi32>
    %add3A_544 = arith.addi %iota3A_541, %add3A_543 : vector<16xi32>
    %get3A_545 = arith.constant 240 : index
    %get3A_546 = tpu.vector_load %arg11[%get3A_545] {strides = array<i32>} : memref<512xi32, #tpu.memory_space<vmem>>, vector<16xi32>,
    %gather3A_547 = tpu.vector_load_idx %arg14[%add3A_544, %get3A_546] : memref<128x128xf32, #tpu.memory_space<vmem>>[vector<16xi32>, vector<16xi32>], vector<16xf32>,
    %swap3A_548 = arith.constant 112 : index
    %swap3A_549 = tpu.vector_load %arg12[%swap3A_548] {strides = array<i32>} : memref<128xf32, #tpu.memory_space<vmem>>, vector<16xf32>,
    tpu.vector_store %arg12[%swap3A_548], %gather3A_547 {strides = array<i32>} : memref<128xf32, #tpu.memory_space<vmem>>, vector<16xf32>,
    %add3A_550 = arith.constant 128 : i32
    %add3A_551 = arith.addi %mul3A_2, %add3A_550 : i32
    "tpu.region"() ({
      %run_scoped3A = tpu.sem_alloc : memref<!tpu.dma_semaphore, #tpu.memory_space<semaphore_mem>>
      %dma_start3A_1387 = tpu.memref_slice %arg6[%add3A_551] : memref<16384xf32, #tpu.memory_space<hbm>> -> memref<128xf32, #tpu.memory_space<hbm>>
      %dma_start3A_1388 = tpu.memref_slice %arg6[%add3A_551] : memref<16384xf32, #tpu.memory_space<hbm>> -> memref<128xf32, #tpu.memory_space<hbm>>
      tpu.enqueue_dma source(%arg12 : memref<128xf32, #tpu.memory_space<vmem>>) target(%dma_start3A_1388 : memref<128xf32, #tpu.memory_space<hbm>>) target_semaphore(%run_scoped3A : memref<!tpu.dma_semaphore, #tpu.memory_space<semaphore_mem>>)
      %dma_wait3A_1389 = tpu.memref_slice %arg6[%add3A_551] : memref<16384xf32, #tpu.memory_space<hbm>> -> memref<128xf32, #tpu.memory_space<hbm>>
      %dma_wait3A_1390 = tpu.memref_slice %arg6[%add3A_551] : memref<16384xf32, #tpu.memory_space<hbm>> -> memref<128xf32, #tpu.memory_space<hbm>>
      tpu.wait_dma2 semaphore(%run_scoped3A : memref<!tpu.dma_semaphore, #tpu.memory_space<semaphore_mem>>) src(%arg12 : memref<128xf32, #tpu.memory_space<vmem>>) dst(%dma_wait3A_1390 : memref<128xf32, #tpu.memory_space<hbm>>)
      tpu.yield
    }) : () -> ()
    %dma_start3A_552 = arith.constant 384 : i32
    %dma_start3A_553 = tpu.memref_slice %arg10[%dma_start3A_552] : memref<512xi32, #tpu.memory_space<vmem>> -> memref<128xi32, #tpu.memory_space<vmem>>
    %dma_start3A_554 = arith.constant 0 : i32
    %dma_start3A_555 = arith.constant 0 : i32
    %dma_start3A_556 = tpu.memref_slice %arg2[%dma_start3A_554, %dma_start3A_555] : memref<1024x128xf32, #tpu.memory_space<hbm>> -> memref<1024x128xf32, #tpu.memory_space<hbm>>
    tpu.enqueue_indirect_dma source(%dma_start3A_556 : memref<1024x128xf32, #tpu.memory_space<hbm>>) target(%arg14 : memref<128x128xf32, #tpu.memory_space<vmem>>) offsets(%dma_start3A_553 : memref<128xi32, #tpu.memory_space<vmem>>) semaphore(%arg16 : memref<!tpu.dma_semaphore, #tpu.memory_space<semaphore_mem>>)
    %dma_wait3A_557 = arith.constant 256 : i32
    %dma_wait3A_558 = tpu.memref_slice %arg10[%dma_wait3A_557] : memref<512xi32, #tpu.memory_space<vmem>> -> memref<128xi32, #tpu.memory_space<vmem>>
    %dma_wait3A_559 = arith.constant 0 : i32
    %dma_wait3A_560 = arith.constant 0 : i32
    %dma_wait3A_561 = tpu.memref_slice %arg2[%dma_wait3A_559, %dma_wait3A_560] : memref<1024x128xf32, #tpu.memory_space<hbm>> -> memref<1024x128xf32, #tpu.memory_space<hbm>>
    tpu.wait_indirect_dma semaphore(%arg15 : memref<!tpu.dma_semaphore, #tpu.memory_space<semaphore_mem>>) src(%dma_wait3A_561 : memref<1024x128xf32, #tpu.memory_space<hbm>>) dst(%arg13 : memref<128x128xf32, #tpu.memory_space<vmem>>)
    %iota3A_562 = tpu.iota {dimensions = array<i32: 0>} : vector<16xi32>
    %add3A_563 = arith.constant 0 : i32
    %add3A_564 = vector.broadcast %add3A_563 : i32 to vector<16xi32>
    %add3A_565 = arith.addi %iota3A_562, %add3A_564 : vector<16xi32>
    %get3A_566 = arith.constant 256 : index
    %get3A_567 = tpu.vector_load %arg11[%get3A_566] {strides = array<i32>} : memref<512xi32, #tpu.memory_space<vmem>>, vector<16xi32>,
    %gather3A_568 = tpu.vector_load_idx %arg13[%add3A_565, %get3A_567] : memref<128x128xf32, #tpu.memory_space<vmem>>[vector<16xi32>, vector<16xi32>], vector<16xf32>,
    %swap3A_569 = arith.constant 0 : index
    %swap3A_570 = tpu.vector_load %arg12[%swap3A_569] {strides = array<i32>} : memref<128xf32, #tpu.memory_space<vmem>>, vector<16xf32>,
    tpu.vector_store %arg12[%swap3A_569], %gather3A_568 {strides = array<i32>} : memref<128xf32, #tpu.memory_space<vmem>>, vector<16xf32>,
    %iota3A_571 = tpu.iota {dimensions = array<i32: 0>} : vector<16xi32>
    %add3A_572 = arith.constant 16 : i32
    %add3A_573 = vector.broadcast %add3A_572 : i32 to vector<16xi32>
    %add3A_574 = arith.addi %iota3A_571, %add3A_573 : vector<16xi32>
    %get3A_575 = arith.constant 272 : index
    %get3A_576 = tpu.vector_load %arg11[%get3A_575] {strides = array<i32>} : memref<512xi32, #tpu.memory_space<vmem>>, vector<16xi32>,
    %gather3A_577 = tpu.vector_load_idx %arg13[%add3A_574, %get3A_576] : memref<128x128xf32, #tpu.memory_space<vmem>>[vector<16xi32>, vector<16xi32>], vector<16xf32>,
    %swap3A_578 = arith.constant 16 : index
    %swap3A_579 = tpu.vector_load %arg12[%swap3A_578] {strides = array<i32>} : memref<128xf32, #tpu.memory_space<vmem>>, vector<16xf32>,
    tpu.vector_store %arg12[%swap3A_578], %gather3A_577 {strides = array<i32>} : memref<128xf32, #tpu.memory_space<vmem>>, vector<16xf32>,
    %iota3A_580 = tpu.iota {dimensions = array<i32: 0>} : vector<16xi32>
    %add3A_581 = arith.constant 32 : i32
    %add3A_582 = vector.broadcast %add3A_581 : i32 to vector<16xi32>
    %add3A_583 = arith.addi %iota3A_580, %add3A_582 : vector<16xi32>
    %get3A_584 = arith.constant 288 : index
    %get3A_585 = tpu.vector_load %arg11[%get3A_584] {strides = array<i32>} : memref<512xi32, #tpu.memory_space<vmem>>, vector<16xi32>,
    %gather3A_586 = tpu.vector_load_idx %arg13[%add3A_583, %get3A_585] : memref<128x128xf32, #tpu.memory_space<vmem>>[vector<16xi32>, vector<16xi32>], vector<16xf32>,
    %swap3A_587 = arith.constant 32 : index
    %swap3A_588 = tpu.vector_load %arg12[%swap3A_587] {strides = array<i32>} : memref<128xf32, #tpu.memory_space<vmem>>, vector<16xf32>,
    tpu.vector_store %arg12[%swap3A_587], %gather3A_586 {strides = array<i32>} : memref<128xf32, #tpu.memory_space<vmem>>, vector<16xf32>,
    %iota3A_589 = tpu.iota {dimensions = array<i32: 0>} : vector<16xi32>
    %add3A_590 = arith.constant 48 : i32
    %add3A_591 = vector.broadcast %add3A_590 : i32 to vector<16xi32>
    %add3A_592 = arith.addi %iota3A_589, %add3A_591 : vector<16xi32>
    %get3A_593 = arith.constant 304 : index
    %get3A_594 = tpu.vector_load %arg11[%get3A_593] {strides = array<i32>} : memref<512xi32, #tpu.memory_space<vmem>>, vector<16xi32>,
    %gather3A_595 = tpu.vector_load_idx %arg13[%add3A_592, %get3A_594] : memref<128x128xf32, #tpu.memory_space<vmem>>[vector<16xi32>, vector<16xi32>], vector<16xf32>,
    %swap3A_596 = arith.constant 48 : index
    %swap3A_597 = tpu.vector_load %arg12[%swap3A_596] {strides = array<i32>} : memref<128xf32, #tpu.memory_space<vmem>>, vector<16xf32>,
    tpu.vector_store %arg12[%swap3A_596], %gather3A_595 {strides = array<i32>} : memref<128xf32, #tpu.memory_space<vmem>>, vector<16xf32>,
    %iota3A_598 = tpu.iota {dimensions = array<i32: 0>} : vector<16xi32>
    %add3A_599 = arith.constant 64 : i32
    %add3A_600 = vector.broadcast %add3A_599 : i32 to vector<16xi32>
    %add3A_601 = arith.addi %iota3A_598, %add3A_600 : vector<16xi32>
    %get3A_602 = arith.constant 320 : index
    %get3A_603 = tpu.vector_load %arg11[%get3A_602] {strides = array<i32>} : memref<512xi32, #tpu.memory_space<vmem>>, vector<16xi32>,
    %gather3A_604 = tpu.vector_load_idx %arg13[%add3A_601, %get3A_603] : memref<128x128xf32, #tpu.memory_space<vmem>>[vector<16xi32>, vector<16xi32>], vector<16xf32>,
    %swap3A_605 = arith.constant 64 : index
    %swap3A_606 = tpu.vector_load %arg12[%swap3A_605] {strides = array<i32>} : memref<128xf32, #tpu.memory_space<vmem>>, vector<16xf32>,
    tpu.vector_store %arg12[%swap3A_605], %gather3A_604 {strides = array<i32>} : memref<128xf32, #tpu.memory_space<vmem>>, vector<16xf32>,
    %iota3A_607 = tpu.iota {dimensions = array<i32: 0>} : vector<16xi32>
    %add3A_608 = arith.constant 80 : i32
    %add3A_609 = vector.broadcast %add3A_608 : i32 to vector<16xi32>
    %add3A_610 = arith.addi %iota3A_607, %add3A_609 : vector<16xi32>
    %get3A_611 = arith.constant 336 : index
    %get3A_612 = tpu.vector_load %arg11[%get3A_611] {strides = array<i32>} : memref<512xi32, #tpu.memory_space<vmem>>, vector<16xi32>,
    %gather3A_613 = tpu.vector_load_idx %arg13[%add3A_610, %get3A_612] : memref<128x128xf32, #tpu.memory_space<vmem>>[vector<16xi32>, vector<16xi32>], vector<16xf32>,
    %swap3A_614 = arith.constant 80 : index
    %swap3A_615 = tpu.vector_load %arg12[%swap3A_614] {strides = array<i32>} : memref<128xf32, #tpu.memory_space<vmem>>, vector<16xf32>,
    tpu.vector_store %arg12[%swap3A_614], %gather3A_613 {strides = array<i32>} : memref<128xf32, #tpu.memory_space<vmem>>, vector<16xf32>,
    %iota3A_616 = tpu.iota {dimensions = array<i32: 0>} : vector<16xi32>
    %add3A_617 = arith.constant 96 : i32
    %add3A_618 = vector.broadcast %add3A_617 : i32 to vector<16xi32>
    %add3A_619 = arith.addi %iota3A_616, %add3A_618 : vector<16xi32>
    %get3A_620 = arith.constant 352 : index
    %get3A_621 = tpu.vector_load %arg11[%get3A_620] {strides = array<i32>} : memref<512xi32, #tpu.memory_space<vmem>>, vector<16xi32>,
    %gather3A_622 = tpu.vector_load_idx %arg13[%add3A_619, %get3A_621] : memref<128x128xf32, #tpu.memory_space<vmem>>[vector<16xi32>, vector<16xi32>], vector<16xf32>,
    %swap3A_623 = arith.constant 96 : index
    %swap3A_624 = tpu.vector_load %arg12[%swap3A_623] {strides = array<i32>} : memref<128xf32, #tpu.memory_space<vmem>>, vector<16xf32>,
    tpu.vector_store %arg12[%swap3A_623], %gather3A_622 {strides = array<i32>} : memref<128xf32, #tpu.memory_space<vmem>>, vector<16xf32>,
    %iota3A_625 = tpu.iota {dimensions = array<i32: 0>} : vector<16xi32>
    %add3A_626 = arith.constant 112 : i32
    %add3A_627 = vector.broadcast %add3A_626 : i32 to vector<16xi32>
    %add3A_628 = arith.addi %iota3A_625, %add3A_627 : vector<16xi32>
    %get3A_629 = arith.constant 368 : index
    %get3A_630 = tpu.vector_load %arg11[%get3A_629] {strides = array<i32>} : memref<512xi32, #tpu.memory_space<vmem>>, vector<16xi32>,
    %gather3A_631 = tpu.vector_load_idx %arg13[%add3A_628, %get3A_630] : memref<128x128xf32, #tpu.memory_space<vmem>>[vector<16xi32>, vector<16xi32>], vector<16xf32>,
    %swap3A_632 = arith.constant 112 : index
    %swap3A_633 = tpu.vector_load %arg12[%swap3A_632] {strides = array<i32>} : memref<128xf32, #tpu.memory_space<vmem>>, vector<16xf32>,
    tpu.vector_store %arg12[%swap3A_632], %gather3A_631 {strides = array<i32>} : memref<128xf32, #tpu.memory_space<vmem>>, vector<16xf32>,
    %add3A_634 = arith.constant 256 : i32
    %add3A_635 = arith.addi %mul3A_2, %add3A_634 : i32
    "tpu.region"() ({
      %run_scoped3A = tpu.sem_alloc : memref<!tpu.dma_semaphore, #tpu.memory_space<semaphore_mem>>
      %dma_start3A_1387 = tpu.memref_slice %arg6[%add3A_635] : memref<16384xf32, #tpu.memory_space<hbm>> -> memref<128xf32, #tpu.memory_space<hbm>>
      %dma_start3A_1388 = tpu.memref_slice %arg6[%add3A_635] : memref<16384xf32, #tpu.memory_space<hbm>> -> memref<128xf32, #tpu.memory_space<hbm>>
      tpu.enqueue_dma source(%arg12 : memref<128xf32, #tpu.memory_space<vmem>>) target(%dma_start3A_1388 : memref<128xf32, #tpu.memory_space<hbm>>) target_semaphore(%run_scoped3A : memref<!tpu.dma_semaphore, #tpu.memory_space<semaphore_mem>>)
      %dma_wait3A_1389 = tpu.memref_slice %arg6[%add3A_635] : memref<16384xf32, #tpu.memory_space<hbm>> -> memref<128xf32, #tpu.memory_space<hbm>>
      %dma_wait3A_1390 = tpu.memref_slice %arg6[%add3A_635] : memref<16384xf32, #tpu.memory_space<hbm>> -> memref<128xf32, #tpu.memory_space<hbm>>
      tpu.wait_dma2 semaphore(%run_scoped3A : memref<!tpu.dma_semaphore, #tpu.memory_space<semaphore_mem>>) src(%arg12 : memref<128xf32, #tpu.memory_space<vmem>>) dst(%dma_wait3A_1390 : memref<128xf32, #tpu.memory_space<hbm>>)
      tpu.yield
    }) : () -> ()
    %dma_start3A_636 = arith.constant 0 : i32
    %dma_start3A_637 = tpu.memref_slice %arg10[%dma_start3A_636] : memref<512xi32, #tpu.memory_space<vmem>> -> memref<128xi32, #tpu.memory_space<vmem>>
    %dma_start3A_638 = arith.constant 0 : i32
    %dma_start3A_639 = arith.constant 0 : i32
    %dma_start3A_640 = tpu.memref_slice %arg3[%dma_start3A_638, %dma_start3A_639] : memref<1024x128xf32, #tpu.memory_space<hbm>> -> memref<1024x128xf32, #tpu.memory_space<hbm>>
    tpu.enqueue_indirect_dma source(%dma_start3A_640 : memref<1024x128xf32, #tpu.memory_space<hbm>>) target(%arg13 : memref<128x128xf32, #tpu.memory_space<vmem>>) offsets(%dma_start3A_637 : memref<128xi32, #tpu.memory_space<vmem>>) semaphore(%arg15 : memref<!tpu.dma_semaphore, #tpu.memory_space<semaphore_mem>>)
    %dma_wait3A_641 = arith.constant 384 : i32
    %dma_wait3A_642 = tpu.memref_slice %arg10[%dma_wait3A_641] : memref<512xi32, #tpu.memory_space<vmem>> -> memref<128xi32, #tpu.memory_space<vmem>>
    %dma_wait3A_643 = arith.constant 0 : i32
    %dma_wait3A_644 = arith.constant 0 : i32
    %dma_wait3A_645 = tpu.memref_slice %arg2[%dma_wait3A_643, %dma_wait3A_644] : memref<1024x128xf32, #tpu.memory_space<hbm>> -> memref<1024x128xf32, #tpu.memory_space<hbm>>
    tpu.wait_indirect_dma semaphore(%arg16 : memref<!tpu.dma_semaphore, #tpu.memory_space<semaphore_mem>>) src(%dma_wait3A_645 : memref<1024x128xf32, #tpu.memory_space<hbm>>) dst(%arg14 : memref<128x128xf32, #tpu.memory_space<vmem>>)
    %iota3A_646 = tpu.iota {dimensions = array<i32: 0>} : vector<16xi32>
    %add3A_647 = arith.constant 0 : i32
    %add3A_648 = vector.broadcast %add3A_647 : i32 to vector<16xi32>
    %add3A_649 = arith.addi %iota3A_646, %add3A_648 : vector<16xi32>
    %get3A_650 = arith.constant 384 : index
    %get3A_651 = tpu.vector_load %arg11[%get3A_650] {strides = array<i32>} : memref<512xi32, #tpu.memory_space<vmem>>, vector<16xi32>,
    %gather3A_652 = tpu.vector_load_idx %arg14[%add3A_649, %get3A_651] : memref<128x128xf32, #tpu.memory_space<vmem>>[vector<16xi32>, vector<16xi32>], vector<16xf32>,
    %swap3A_653 = arith.constant 0 : index
    %swap3A_654 = tpu.vector_load %arg12[%swap3A_653] {strides = array<i32>} : memref<128xf32, #tpu.memory_space<vmem>>, vector<16xf32>,
    tpu.vector_store %arg12[%swap3A_653], %gather3A_652 {strides = array<i32>} : memref<128xf32, #tpu.memory_space<vmem>>, vector<16xf32>,
    %iota3A_655 = tpu.iota {dimensions = array<i32: 0>} : vector<16xi32>
    %add3A_656 = arith.constant 16 : i32
    %add3A_657 = vector.broadcast %add3A_656 : i32 to vector<16xi32>
    %add3A_658 = arith.addi %iota3A_655, %add3A_657 : vector<16xi32>
    %get3A_659 = arith.constant 400 : index
    %get3A_660 = tpu.vector_load %arg11[%get3A_659] {strides = array<i32>} : memref<512xi32, #tpu.memory_space<vmem>>, vector<16xi32>,
    %gather3A_661 = tpu.vector_load_idx %arg14[%add3A_658, %get3A_660] : memref<128x128xf32, #tpu.memory_space<vmem>>[vector<16xi32>, vector<16xi32>], vector<16xf32>,
    %swap3A_662 = arith.constant 16 : index
    %swap3A_663 = tpu.vector_load %arg12[%swap3A_662] {strides = array<i32>} : memref<128xf32, #tpu.memory_space<vmem>>, vector<16xf32>,
    tpu.vector_store %arg12[%swap3A_662], %gather3A_661 {strides = array<i32>} : memref<128xf32, #tpu.memory_space<vmem>>, vector<16xf32>,
    %iota3A_664 = tpu.iota {dimensions = array<i32: 0>} : vector<16xi32>
    %add3A_665 = arith.constant 32 : i32
    %add3A_666 = vector.broadcast %add3A_665 : i32 to vector<16xi32>
    %add3A_667 = arith.addi %iota3A_664, %add3A_666 : vector<16xi32>
    %get3A_668 = arith.constant 416 : index
    %get3A_669 = tpu.vector_load %arg11[%get3A_668] {strides = array<i32>} : memref<512xi32, #tpu.memory_space<vmem>>, vector<16xi32>,
    %gather3A_670 = tpu.vector_load_idx %arg14[%add3A_667, %get3A_669] : memref<128x128xf32, #tpu.memory_space<vmem>>[vector<16xi32>, vector<16xi32>], vector<16xf32>,
    %swap3A_671 = arith.constant 32 : index
    %swap3A_672 = tpu.vector_load %arg12[%swap3A_671] {strides = array<i32>} : memref<128xf32, #tpu.memory_space<vmem>>, vector<16xf32>,
    tpu.vector_store %arg12[%swap3A_671], %gather3A_670 {strides = array<i32>} : memref<128xf32, #tpu.memory_space<vmem>>, vector<16xf32>,
    %iota3A_673 = tpu.iota {dimensions = array<i32: 0>} : vector<16xi32>
    %add3A_674 = arith.constant 48 : i32
    %add3A_675 = vector.broadcast %add3A_674 : i32 to vector<16xi32>
    %add3A_676 = arith.addi %iota3A_673, %add3A_675 : vector<16xi32>
    %get3A_677 = arith.constant 432 : index
    %get3A_678 = tpu.vector_load %arg11[%get3A_677] {strides = array<i32>} : memref<512xi32, #tpu.memory_space<vmem>>, vector<16xi32>,
    %gather3A_679 = tpu.vector_load_idx %arg14[%add3A_676, %get3A_678] : memref<128x128xf32, #tpu.memory_space<vmem>>[vector<16xi32>, vector<16xi32>], vector<16xf32>,
    %swap3A_680 = arith.constant 48 : index
    %swap3A_681 = tpu.vector_load %arg12[%swap3A_680] {strides = array<i32>} : memref<128xf32, #tpu.memory_space<vmem>>, vector<16xf32>,
    tpu.vector_store %arg12[%swap3A_680], %gather3A_679 {strides = array<i32>} : memref<128xf32, #tpu.memory_space<vmem>>, vector<16xf32>,
    %iota3A_682 = tpu.iota {dimensions = array<i32: 0>} : vector<16xi32>
    %add3A_683 = arith.constant 64 : i32
    %add3A_684 = vector.broadcast %add3A_683 : i32 to vector<16xi32>
    %add3A_685 = arith.addi %iota3A_682, %add3A_684 : vector<16xi32>
    %get3A_686 = arith.constant 448 : index
    %get3A_687 = tpu.vector_load %arg11[%get3A_686] {strides = array<i32>} : memref<512xi32, #tpu.memory_space<vmem>>, vector<16xi32>,
    %gather3A_688 = tpu.vector_load_idx %arg14[%add3A_685, %get3A_687] : memref<128x128xf32, #tpu.memory_space<vmem>>[vector<16xi32>, vector<16xi32>], vector<16xf32>,
    %swap3A_689 = arith.constant 64 : index
    %swap3A_690 = tpu.vector_load %arg12[%swap3A_689] {strides = array<i32>} : memref<128xf32, #tpu.memory_space<vmem>>, vector<16xf32>,
    tpu.vector_store %arg12[%swap3A_689], %gather3A_688 {strides = array<i32>} : memref<128xf32, #tpu.memory_space<vmem>>, vector<16xf32>,
    %iota3A_691 = tpu.iota {dimensions = array<i32: 0>} : vector<16xi32>
    %add3A_692 = arith.constant 80 : i32
    %add3A_693 = vector.broadcast %add3A_692 : i32 to vector<16xi32>
    %add3A_694 = arith.addi %iota3A_691, %add3A_693 : vector<16xi32>
    %get3A_695 = arith.constant 464 : index
    %get3A_696 = tpu.vector_load %arg11[%get3A_695] {strides = array<i32>} : memref<512xi32, #tpu.memory_space<vmem>>, vector<16xi32>,
    %gather3A_697 = tpu.vector_load_idx %arg14[%add3A_694, %get3A_696] : memref<128x128xf32, #tpu.memory_space<vmem>>[vector<16xi32>, vector<16xi32>], vector<16xf32>,
    %swap3A_698 = arith.constant 80 : index
    %swap3A_699 = tpu.vector_load %arg12[%swap3A_698] {strides = array<i32>} : memref<128xf32, #tpu.memory_space<vmem>>, vector<16xf32>,
    tpu.vector_store %arg12[%swap3A_698], %gather3A_697 {strides = array<i32>} : memref<128xf32, #tpu.memory_space<vmem>>, vector<16xf32>,
    %iota3A_700 = tpu.iota {dimensions = array<i32: 0>} : vector<16xi32>
    %add3A_701 = arith.constant 96 : i32
    %add3A_702 = vector.broadcast %add3A_701 : i32 to vector<16xi32>
    %add3A_703 = arith.addi %iota3A_700, %add3A_702 : vector<16xi32>
    %get3A_704 = arith.constant 480 : index
    %get3A_705 = tpu.vector_load %arg11[%get3A_704] {strides = array<i32>} : memref<512xi32, #tpu.memory_space<vmem>>, vector<16xi32>,
    %gather3A_706 = tpu.vector_load_idx %arg14[%add3A_703, %get3A_705] : memref<128x128xf32, #tpu.memory_space<vmem>>[vector<16xi32>, vector<16xi32>], vector<16xf32>,
    %swap3A_707 = arith.constant 96 : index
    %swap3A_708 = tpu.vector_load %arg12[%swap3A_707] {strides = array<i32>} : memref<128xf32, #tpu.memory_space<vmem>>, vector<16xf32>,
    tpu.vector_store %arg12[%swap3A_707], %gather3A_706 {strides = array<i32>} : memref<128xf32, #tpu.memory_space<vmem>>, vector<16xf32>,
    %iota3A_709 = tpu.iota {dimensions = array<i32: 0>} : vector<16xi32>
    %add3A_710 = arith.constant 112 : i32
    %add3A_711 = vector.broadcast %add3A_710 : i32 to vector<16xi32>
    %add3A_712 = arith.addi %iota3A_709, %add3A_711 : vector<16xi32>
    %get3A_713 = arith.constant 496 : index
    %get3A_714 = tpu.vector_load %arg11[%get3A_713] {strides = array<i32>} : memref<512xi32, #tpu.memory_space<vmem>>, vector<16xi32>,
    %gather3A_715 = tpu.vector_load_idx %arg14[%add3A_712, %get3A_714] : memref<128x128xf32, #tpu.memory_space<vmem>>[vector<16xi32>, vector<16xi32>], vector<16xf32>,
    %swap3A_716 = arith.constant 112 : index
    %swap3A_717 = tpu.vector_load %arg12[%swap3A_716] {strides = array<i32>} : memref<128xf32, #tpu.memory_space<vmem>>, vector<16xf32>,
    tpu.vector_store %arg12[%swap3A_716], %gather3A_715 {strides = array<i32>} : memref<128xf32, #tpu.memory_space<vmem>>, vector<16xf32>,
    %add3A_718 = arith.constant 384 : i32
    %add3A_719 = arith.addi %mul3A_2, %add3A_718 : i32
    "tpu.region"() ({
      %run_scoped3A = tpu.sem_alloc : memref<!tpu.dma_semaphore, #tpu.memory_space<semaphore_mem>>
      %dma_start3A_1387 = tpu.memref_slice %arg6[%add3A_719] : memref<16384xf32, #tpu.memory_space<hbm>> -> memref<128xf32, #tpu.memory_space<hbm>>
      %dma_start3A_1388 = tpu.memref_slice %arg6[%add3A_719] : memref<16384xf32, #tpu.memory_space<hbm>> -> memref<128xf32, #tpu.memory_space<hbm>>
      tpu.enqueue_dma source(%arg12 : memref<128xf32, #tpu.memory_space<vmem>>) target(%dma_start3A_1388 : memref<128xf32, #tpu.memory_space<hbm>>) target_semaphore(%run_scoped3A : memref<!tpu.dma_semaphore, #tpu.memory_space<semaphore_mem>>)
      %dma_wait3A_1389 = tpu.memref_slice %arg6[%add3A_719] : memref<16384xf32, #tpu.memory_space<hbm>> -> memref<128xf32, #tpu.memory_space<hbm>>
      %dma_wait3A_1390 = tpu.memref_slice %arg6[%add3A_719] : memref<16384xf32, #tpu.memory_space<hbm>> -> memref<128xf32, #tpu.memory_space<hbm>>
      tpu.wait_dma2 semaphore(%run_scoped3A : memref<!tpu.dma_semaphore, #tpu.memory_space<semaphore_mem>>) src(%arg12 : memref<128xf32, #tpu.memory_space<vmem>>) dst(%dma_wait3A_1390 : memref<128xf32, #tpu.memory_space<hbm>>)
      tpu.yield
    }) : () -> ()
    %dma_start3A_720 = arith.constant 128 : i32
    %dma_start3A_721 = tpu.memref_slice %arg10[%dma_start3A_720] : memref<512xi32, #tpu.memory_space<vmem>> -> memref<128xi32, #tpu.memory_space<vmem>>
    %dma_start3A_722 = arith.constant 0 : i32
    %dma_start3A_723 = arith.constant 0 : i32
    %dma_start3A_724 = tpu.memref_slice %arg3[%dma_start3A_722, %dma_start3A_723] : memref<1024x128xf32, #tpu.memory_space<hbm>> -> memref<1024x128xf32, #tpu.memory_space<hbm>>
    tpu.enqueue_indirect_dma source(%dma_start3A_724 : memref<1024x128xf32, #tpu.memory_space<hbm>>) target(%arg14 : memref<128x128xf32, #tpu.memory_space<vmem>>) offsets(%dma_start3A_721 : memref<128xi32, #tpu.memory_space<vmem>>) semaphore(%arg16 : memref<!tpu.dma_semaphore, #tpu.memory_space<semaphore_mem>>)
    %dma_wait3A_725 = arith.constant 0 : i32
    %dma_wait3A_726 = tpu.memref_slice %arg10[%dma_wait3A_725] : memref<512xi32, #tpu.memory_space<vmem>> -> memref<128xi32, #tpu.memory_space<vmem>>
    %dma_wait3A_727 = arith.constant 0 : i32
    %dma_wait3A_728 = arith.constant 0 : i32
    %dma_wait3A_729 = tpu.memref_slice %arg3[%dma_wait3A_727, %dma_wait3A_728] : memref<1024x128xf32, #tpu.memory_space<hbm>> -> memref<1024x128xf32, #tpu.memory_space<hbm>>
    tpu.wait_indirect_dma semaphore(%arg15 : memref<!tpu.dma_semaphore, #tpu.memory_space<semaphore_mem>>) src(%dma_wait3A_729 : memref<1024x128xf32, #tpu.memory_space<hbm>>) dst(%arg13 : memref<128x128xf32, #tpu.memory_space<vmem>>)
    %iota3A_730 = tpu.iota {dimensions = array<i32: 0>} : vector<16xi32>
    %add3A_731 = arith.constant 0 : i32
    %add3A_732 = vector.broadcast %add3A_731 : i32 to vector<16xi32>
    %add3A_733 = arith.addi %iota3A_730, %add3A_732 : vector<16xi32>
    %get3A_734 = arith.constant 0 : index
    %get3A_735 = tpu.vector_load %arg11[%get3A_734] {strides = array<i32>} : memref<512xi32, #tpu.memory_space<vmem>>, vector<16xi32>,
    %gather3A_736 = tpu.vector_load_idx %arg13[%add3A_733, %get3A_735] : memref<128x128xf32, #tpu.memory_space<vmem>>[vector<16xi32>, vector<16xi32>], vector<16xf32>,
    %swap3A_737 = arith.constant 0 : index
    %swap3A_738 = tpu.vector_load %arg12[%swap3A_737] {strides = array<i32>} : memref<128xf32, #tpu.memory_space<vmem>>, vector<16xf32>,
    tpu.vector_store %arg12[%swap3A_737], %gather3A_736 {strides = array<i32>} : memref<128xf32, #tpu.memory_space<vmem>>, vector<16xf32>,
    %iota3A_739 = tpu.iota {dimensions = array<i32: 0>} : vector<16xi32>
    %add3A_740 = arith.constant 16 : i32
    %add3A_741 = vector.broadcast %add3A_740 : i32 to vector<16xi32>
    %add3A_742 = arith.addi %iota3A_739, %add3A_741 : vector<16xi32>
    %get3A_743 = arith.constant 16 : index
    %get3A_744 = tpu.vector_load %arg11[%get3A_743] {strides = array<i32>} : memref<512xi32, #tpu.memory_space<vmem>>, vector<16xi32>,
    %gather3A_745 = tpu.vector_load_idx %arg13[%add3A_742, %get3A_744] : memref<128x128xf32, #tpu.memory_space<vmem>>[vector<16xi32>, vector<16xi32>], vector<16xf32>,
    %swap3A_746 = arith.constant 16 : index
    %swap3A_747 = tpu.vector_load %arg12[%swap3A_746] {strides = array<i32>} : memref<128xf32, #tpu.memory_space<vmem>>, vector<16xf32>,
    tpu.vector_store %arg12[%swap3A_746], %gather3A_745 {strides = array<i32>} : memref<128xf32, #tpu.memory_space<vmem>>, vector<16xf32>,
    %iota3A_748 = tpu.iota {dimensions = array<i32: 0>} : vector<16xi32>
    %add3A_749 = arith.constant 32 : i32
    %add3A_750 = vector.broadcast %add3A_749 : i32 to vector<16xi32>
    %add3A_751 = arith.addi %iota3A_748, %add3A_750 : vector<16xi32>
    %get3A_752 = arith.constant 32 : index
    %get3A_753 = tpu.vector_load %arg11[%get3A_752] {strides = array<i32>} : memref<512xi32, #tpu.memory_space<vmem>>, vector<16xi32>,
    %gather3A_754 = tpu.vector_load_idx %arg13[%add3A_751, %get3A_753] : memref<128x128xf32, #tpu.memory_space<vmem>>[vector<16xi32>, vector<16xi32>], vector<16xf32>,
    %swap3A_755 = arith.constant 32 : index
    %swap3A_756 = tpu.vector_load %arg12[%swap3A_755] {strides = array<i32>} : memref<128xf32, #tpu.memory_space<vmem>>, vector<16xf32>,
    tpu.vector_store %arg12[%swap3A_755], %gather3A_754 {strides = array<i32>} : memref<128xf32, #tpu.memory_space<vmem>>, vector<16xf32>,
    %iota3A_757 = tpu.iota {dimensions = array<i32: 0>} : vector<16xi32>
    %add3A_758 = arith.constant 48 : i32
    %add3A_759 = vector.broadcast %add3A_758 : i32 to vector<16xi32>
    %add3A_760 = arith.addi %iota3A_757, %add3A_759 : vector<16xi32>
    %get3A_761 = arith.constant 48 : index
    %get3A_762 = tpu.vector_load %arg11[%get3A_761] {strides = array<i32>} : memref<512xi32, #tpu.memory_space<vmem>>, vector<16xi32>,
    %gather3A_763 = tpu.vector_load_idx %arg13[%add3A_760, %get3A_762] : memref<128x128xf32, #tpu.memory_space<vmem>>[vector<16xi32>, vector<16xi32>], vector<16xf32>,
    %swap3A_764 = arith.constant 48 : index
    %swap3A_765 = tpu.vector_load %arg12[%swap3A_764] {strides = array<i32>} : memref<128xf32, #tpu.memory_space<vmem>>, vector<16xf32>,
    tpu.vector_store %arg12[%swap3A_764], %gather3A_763 {strides = array<i32>} : memref<128xf32, #tpu.memory_space<vmem>>, vector<16xf32>,
    %iota3A_766 = tpu.iota {dimensions = array<i32: 0>} : vector<16xi32>
    %add3A_767 = arith.constant 64 : i32
    %add3A_768 = vector.broadcast %add3A_767 : i32 to vector<16xi32>
    %add3A_769 = arith.addi %iota3A_766, %add3A_768 : vector<16xi32>
    %get3A_770 = arith.constant 64 : index
    %get3A_771 = tpu.vector_load %arg11[%get3A_770] {strides = array<i32>} : memref<512xi32, #tpu.memory_space<vmem>>, vector<16xi32>,
    %gather3A_772 = tpu.vector_load_idx %arg13[%add3A_769, %get3A_771] : memref<128x128xf32, #tpu.memory_space<vmem>>[vector<16xi32>, vector<16xi32>], vector<16xf32>,
    %swap3A_773 = arith.constant 64 : index
    %swap3A_774 = tpu.vector_load %arg12[%swap3A_773] {strides = array<i32>} : memref<128xf32, #tpu.memory_space<vmem>>, vector<16xf32>,
    tpu.vector_store %arg12[%swap3A_773], %gather3A_772 {strides = array<i32>} : memref<128xf32, #tpu.memory_space<vmem>>, vector<16xf32>,
    %iota3A_775 = tpu.iota {dimensions = array<i32: 0>} : vector<16xi32>
    %add3A_776 = arith.constant 80 : i32
    %add3A_777 = vector.broadcast %add3A_776 : i32 to vector<16xi32>
    %add3A_778 = arith.addi %iota3A_775, %add3A_777 : vector<16xi32>
    %get3A_779 = arith.constant 80 : index
    %get3A_780 = tpu.vector_load %arg11[%get3A_779] {strides = array<i32>} : memref<512xi32, #tpu.memory_space<vmem>>, vector<16xi32>,
    %gather3A_781 = tpu.vector_load_idx %arg13[%add3A_778, %get3A_780] : memref<128x128xf32, #tpu.memory_space<vmem>>[vector<16xi32>, vector<16xi32>], vector<16xf32>,
    %swap3A_782 = arith.constant 80 : index
    %swap3A_783 = tpu.vector_load %arg12[%swap3A_782] {strides = array<i32>} : memref<128xf32, #tpu.memory_space<vmem>>, vector<16xf32>,
    tpu.vector_store %arg12[%swap3A_782], %gather3A_781 {strides = array<i32>} : memref<128xf32, #tpu.memory_space<vmem>>, vector<16xf32>,
    %iota3A_784 = tpu.iota {dimensions = array<i32: 0>} : vector<16xi32>
    %add3A_785 = arith.constant 96 : i32
    %add3A_786 = vector.broadcast %add3A_785 : i32 to vector<16xi32>
    %add3A_787 = arith.addi %iota3A_784, %add3A_786 : vector<16xi32>
    %get3A_788 = arith.constant 96 : index
    %get3A_789 = tpu.vector_load %arg11[%get3A_788] {strides = array<i32>} : memref<512xi32, #tpu.memory_space<vmem>>, vector<16xi32>,
    %gather3A_790 = tpu.vector_load_idx %arg13[%add3A_787, %get3A_789] : memref<128x128xf32, #tpu.memory_space<vmem>>[vector<16xi32>, vector<16xi32>], vector<16xf32>,
    %swap3A_791 = arith.constant 96 : index
    %swap3A_792 = tpu.vector_load %arg12[%swap3A_791] {strides = array<i32>} : memref<128xf32, #tpu.memory_space<vmem>>, vector<16xf32>,
    tpu.vector_store %arg12[%swap3A_791], %gather3A_790 {strides = array<i32>} : memref<128xf32, #tpu.memory_space<vmem>>, vector<16xf32>,
    %iota3A_793 = tpu.iota {dimensions = array<i32: 0>} : vector<16xi32>
    %add3A_794 = arith.constant 112 : i32
    %add3A_795 = vector.broadcast %add3A_794 : i32 to vector<16xi32>
    %add3A_796 = arith.addi %iota3A_793, %add3A_795 : vector<16xi32>
    %get3A_797 = arith.constant 112 : index
    %get3A_798 = tpu.vector_load %arg11[%get3A_797] {strides = array<i32>} : memref<512xi32, #tpu.memory_space<vmem>>, vector<16xi32>,
    %gather3A_799 = tpu.vector_load_idx %arg13[%add3A_796, %get3A_798] : memref<128x128xf32, #tpu.memory_space<vmem>>[vector<16xi32>, vector<16xi32>], vector<16xf32>,
    %swap3A_800 = arith.constant 112 : index
    %swap3A_801 = tpu.vector_load %arg12[%swap3A_800] {strides = array<i32>} : memref<128xf32, #tpu.memory_space<vmem>>, vector<16xf32>,
    tpu.vector_store %arg12[%swap3A_800], %gather3A_799 {strides = array<i32>} : memref<128xf32, #tpu.memory_space<vmem>>, vector<16xf32>,
    %add3A_802 = arith.constant 0 : i32
    %add3A_803 = arith.addi %mul3A_2, %add3A_802 : i32
    "tpu.region"() ({
      %run_scoped3A = tpu.sem_alloc : memref<!tpu.dma_semaphore, #tpu.memory_space<semaphore_mem>>
      %dma_start3A_1387 = tpu.memref_slice %arg7[%add3A_803] : memref<16384xf32, #tpu.memory_space<hbm>> -> memref<128xf32, #tpu.memory_space<hbm>>
      %dma_start3A_1388 = tpu.memref_slice %arg7[%add3A_803] : memref<16384xf32, #tpu.memory_space<hbm>> -> memref<128xf32, #tpu.memory_space<hbm>>
      tpu.enqueue_dma source(%arg12 : memref<128xf32, #tpu.memory_space<vmem>>) target(%dma_start3A_1388 : memref<128xf32, #tpu.memory_space<hbm>>) target_semaphore(%run_scoped3A : memref<!tpu.dma_semaphore, #tpu.memory_space<semaphore_mem>>)
      %dma_wait3A_1389 = tpu.memref_slice %arg7[%add3A_803] : memref<16384xf32, #tpu.memory_space<hbm>> -> memref<128xf32, #tpu.memory_space<hbm>>
      %dma_wait3A_1390 = tpu.memref_slice %arg7[%add3A_803] : memref<16384xf32, #tpu.memory_space<hbm>> -> memref<128xf32, #tpu.memory_space<hbm>>
      tpu.wait_dma2 semaphore(%run_scoped3A : memref<!tpu.dma_semaphore, #tpu.memory_space<semaphore_mem>>) src(%arg12 : memref<128xf32, #tpu.memory_space<vmem>>) dst(%dma_wait3A_1390 : memref<128xf32, #tpu.memory_space<hbm>>)
      tpu.yield
    }) : () -> ()
    %dma_start3A_804 = arith.constant 256 : i32
    %dma_start3A_805 = tpu.memref_slice %arg10[%dma_start3A_804] : memref<512xi32, #tpu.memory_space<vmem>> -> memref<128xi32, #tpu.memory_space<vmem>>
    %dma_start3A_806 = arith.constant 0 : i32
    %dma_start3A_807 = arith.constant 0 : i32
    %dma_start3A_808 = tpu.memref_slice %arg3[%dma_start3A_806, %dma_start3A_807] : memref<1024x128xf32, #tpu.memory_space<hbm>> -> memref<1024x128xf32, #tpu.memory_space<hbm>>
    tpu.enqueue_indirect_dma source(%dma_start3A_808 : memref<1024x128xf32, #tpu.memory_space<hbm>>) target(%arg13 : memref<128x128xf32, #tpu.memory_space<vmem>>) offsets(%dma_start3A_805 : memref<128xi32, #tpu.memory_space<vmem>>) semaphore(%arg15 : memref<!tpu.dma_semaphore, #tpu.memory_space<semaphore_mem>>)
    %dma_wait3A_809 = arith.constant 128 : i32
    %dma_wait3A_810 = tpu.memref_slice %arg10[%dma_wait3A_809] : memref<512xi32, #tpu.memory_space<vmem>> -> memref<128xi32, #tpu.memory_space<vmem>>
    %dma_wait3A_811 = arith.constant 0 : i32
    %dma_wait3A_812 = arith.constant 0 : i32
    %dma_wait3A_813 = tpu.memref_slice %arg3[%dma_wait3A_811, %dma_wait3A_812] : memref<1024x128xf32, #tpu.memory_space<hbm>> -> memref<1024x128xf32, #tpu.memory_space<hbm>>
    tpu.wait_indirect_dma semaphore(%arg16 : memref<!tpu.dma_semaphore, #tpu.memory_space<semaphore_mem>>) src(%dma_wait3A_813 : memref<1024x128xf32, #tpu.memory_space<hbm>>) dst(%arg14 : memref<128x128xf32, #tpu.memory_space<vmem>>)
    %iota3A_814 = tpu.iota {dimensions = array<i32: 0>} : vector<16xi32>
    %add3A_815 = arith.constant 0 : i32
    %add3A_816 = vector.broadcast %add3A_815 : i32 to vector<16xi32>
    %add3A_817 = arith.addi %iota3A_814, %add3A_816 : vector<16xi32>
    %get3A_818 = arith.constant 128 : index
    %get3A_819 = tpu.vector_load %arg11[%get3A_818] {strides = array<i32>} : memref<512xi32, #tpu.memory_space<vmem>>, vector<16xi32>,
    %gather3A_820 = tpu.vector_load_idx %arg14[%add3A_817, %get3A_819] : memref<128x128xf32, #tpu.memory_space<vmem>>[vector<16xi32>, vector<16xi32>], vector<16xf32>,
    %swap3A_821 = arith.constant 0 : index
    %swap3A_822 = tpu.vector_load %arg12[%swap3A_821] {strides = array<i32>} : memref<128xf32, #tpu.memory_space<vmem>>, vector<16xf32>,
    tpu.vector_store %arg12[%swap3A_821], %gather3A_820 {strides = array<i32>} : memref<128xf32, #tpu.memory_space<vmem>>, vector<16xf32>,
    %iota3A_823 = tpu.iota {dimensions = array<i32: 0>} : vector<16xi32>
    %add3A_824 = arith.constant 16 : i32
    %add3A_825 = vector.broadcast %add3A_824 : i32 to vector<16xi32>
    %add3A_826 = arith.addi %iota3A_823, %add3A_825 : vector<16xi32>
    %get3A_827 = arith.constant 144 : index
    %get3A_828 = tpu.vector_load %arg11[%get3A_827] {strides = array<i32>} : memref<512xi32, #tpu.memory_space<vmem>>, vector<16xi32>,
    %gather3A_829 = tpu.vector_load_idx %arg14[%add3A_826, %get3A_828] : memref<128x128xf32, #tpu.memory_space<vmem>>[vector<16xi32>, vector<16xi32>], vector<16xf32>,
    %swap3A_830 = arith.constant 16 : index
    %swap3A_831 = tpu.vector_load %arg12[%swap3A_830] {strides = array<i32>} : memref<128xf32, #tpu.memory_space<vmem>>, vector<16xf32>,
    tpu.vector_store %arg12[%swap3A_830], %gather3A_829 {strides = array<i32>} : memref<128xf32, #tpu.memory_space<vmem>>, vector<16xf32>,
    %iota3A_832 = tpu.iota {dimensions = array<i32: 0>} : vector<16xi32>
    %add3A_833 = arith.constant 32 : i32
    %add3A_834 = vector.broadcast %add3A_833 : i32 to vector<16xi32>
    %add3A_835 = arith.addi %iota3A_832, %add3A_834 : vector<16xi32>
    %get3A_836 = arith.constant 160 : index
    %get3A_837 = tpu.vector_load %arg11[%get3A_836] {strides = array<i32>} : memref<512xi32, #tpu.memory_space<vmem>>, vector<16xi32>,
    %gather3A_838 = tpu.vector_load_idx %arg14[%add3A_835, %get3A_837] : memref<128x128xf32, #tpu.memory_space<vmem>>[vector<16xi32>, vector<16xi32>], vector<16xf32>,
    %swap3A_839 = arith.constant 32 : index
    %swap3A_840 = tpu.vector_load %arg12[%swap3A_839] {strides = array<i32>} : memref<128xf32, #tpu.memory_space<vmem>>, vector<16xf32>,
    tpu.vector_store %arg12[%swap3A_839], %gather3A_838 {strides = array<i32>} : memref<128xf32, #tpu.memory_space<vmem>>, vector<16xf32>,
    %iota3A_841 = tpu.iota {dimensions = array<i32: 0>} : vector<16xi32>
    %add3A_842 = arith.constant 48 : i32
    %add3A_843 = vector.broadcast %add3A_842 : i32 to vector<16xi32>
    %add3A_844 = arith.addi %iota3A_841, %add3A_843 : vector<16xi32>
    %get3A_845 = arith.constant 176 : index
    %get3A_846 = tpu.vector_load %arg11[%get3A_845] {strides = array<i32>} : memref<512xi32, #tpu.memory_space<vmem>>, vector<16xi32>,
    %gather3A_847 = tpu.vector_load_idx %arg14[%add3A_844, %get3A_846] : memref<128x128xf32, #tpu.memory_space<vmem>>[vector<16xi32>, vector<16xi32>], vector<16xf32>,
    %swap3A_848 = arith.constant 48 : index
    %swap3A_849 = tpu.vector_load %arg12[%swap3A_848] {strides = array<i32>} : memref<128xf32, #tpu.memory_space<vmem>>, vector<16xf32>,
    tpu.vector_store %arg12[%swap3A_848], %gather3A_847 {strides = array<i32>} : memref<128xf32, #tpu.memory_space<vmem>>, vector<16xf32>,
    %iota3A_850 = tpu.iota {dimensions = array<i32: 0>} : vector<16xi32>
    %add3A_851 = arith.constant 64 : i32
    %add3A_852 = vector.broadcast %add3A_851 : i32 to vector<16xi32>
    %add3A_853 = arith.addi %iota3A_850, %add3A_852 : vector<16xi32>
    %get3A_854 = arith.constant 192 : index
    %get3A_855 = tpu.vector_load %arg11[%get3A_854] {strides = array<i32>} : memref<512xi32, #tpu.memory_space<vmem>>, vector<16xi32>,
    %gather3A_856 = tpu.vector_load_idx %arg14[%add3A_853, %get3A_855] : memref<128x128xf32, #tpu.memory_space<vmem>>[vector<16xi32>, vector<16xi32>], vector<16xf32>,
    %swap3A_857 = arith.constant 64 : index
    %swap3A_858 = tpu.vector_load %arg12[%swap3A_857] {strides = array<i32>} : memref<128xf32, #tpu.memory_space<vmem>>, vector<16xf32>,
    tpu.vector_store %arg12[%swap3A_857], %gather3A_856 {strides = array<i32>} : memref<128xf32, #tpu.memory_space<vmem>>, vector<16xf32>,
    %iota3A_859 = tpu.iota {dimensions = array<i32: 0>} : vector<16xi32>
    %add3A_860 = arith.constant 80 : i32
    %add3A_861 = vector.broadcast %add3A_860 : i32 to vector<16xi32>
    %add3A_862 = arith.addi %iota3A_859, %add3A_861 : vector<16xi32>
    %get3A_863 = arith.constant 208 : index
    %get3A_864 = tpu.vector_load %arg11[%get3A_863] {strides = array<i32>} : memref<512xi32, #tpu.memory_space<vmem>>, vector<16xi32>,
    %gather3A_865 = tpu.vector_load_idx %arg14[%add3A_862, %get3A_864] : memref<128x128xf32, #tpu.memory_space<vmem>>[vector<16xi32>, vector<16xi32>], vector<16xf32>,
    %swap3A_866 = arith.constant 80 : index
    %swap3A_867 = tpu.vector_load %arg12[%swap3A_866] {strides = array<i32>} : memref<128xf32, #tpu.memory_space<vmem>>, vector<16xf32>,
    tpu.vector_store %arg12[%swap3A_866], %gather3A_865 {strides = array<i32>} : memref<128xf32, #tpu.memory_space<vmem>>, vector<16xf32>,
    %iota3A_868 = tpu.iota {dimensions = array<i32: 0>} : vector<16xi32>
    %add3A_869 = arith.constant 96 : i32
    %add3A_870 = vector.broadcast %add3A_869 : i32 to vector<16xi32>
    %add3A_871 = arith.addi %iota3A_868, %add3A_870 : vector<16xi32>
    %get3A_872 = arith.constant 224 : index
    %get3A_873 = tpu.vector_load %arg11[%get3A_872] {strides = array<i32>} : memref<512xi32, #tpu.memory_space<vmem>>, vector<16xi32>,
    %gather3A_874 = tpu.vector_load_idx %arg14[%add3A_871, %get3A_873] : memref<128x128xf32, #tpu.memory_space<vmem>>[vector<16xi32>, vector<16xi32>], vector<16xf32>,
    %swap3A_875 = arith.constant 96 : index
    %swap3A_876 = tpu.vector_load %arg12[%swap3A_875] {strides = array<i32>} : memref<128xf32, #tpu.memory_space<vmem>>, vector<16xf32>,
    tpu.vector_store %arg12[%swap3A_875], %gather3A_874 {strides = array<i32>} : memref<128xf32, #tpu.memory_space<vmem>>, vector<16xf32>,
    %iota3A_877 = tpu.iota {dimensions = array<i32: 0>} : vector<16xi32>
    %add3A_878 = arith.constant 112 : i32
    %add3A_879 = vector.broadcast %add3A_878 : i32 to vector<16xi32>
    %add3A_880 = arith.addi %iota3A_877, %add3A_879 : vector<16xi32>
    %get3A_881 = arith.constant 240 : index
    %get3A_882 = tpu.vector_load %arg11[%get3A_881] {strides = array<i32>} : memref<512xi32, #tpu.memory_space<vmem>>, vector<16xi32>,
    %gather3A_883 = tpu.vector_load_idx %arg14[%add3A_880, %get3A_882] : memref<128x128xf32, #tpu.memory_space<vmem>>[vector<16xi32>, vector<16xi32>], vector<16xf32>,
    %swap3A_884 = arith.constant 112 : index
    %swap3A_885 = tpu.vector_load %arg12[%swap3A_884] {strides = array<i32>} : memref<128xf32, #tpu.memory_space<vmem>>, vector<16xf32>,
    tpu.vector_store %arg12[%swap3A_884], %gather3A_883 {strides = array<i32>} : memref<128xf32, #tpu.memory_space<vmem>>, vector<16xf32>,
    %add3A_886 = arith.constant 128 : i32
    %add3A_887 = arith.addi %mul3A_2, %add3A_886 : i32
    "tpu.region"() ({
      %run_scoped3A = tpu.sem_alloc : memref<!tpu.dma_semaphore, #tpu.memory_space<semaphore_mem>>
      %dma_start3A_1387 = tpu.memref_slice %arg7[%add3A_887] : memref<16384xf32, #tpu.memory_space<hbm>> -> memref<128xf32, #tpu.memory_space<hbm>>
      %dma_start3A_1388 = tpu.memref_slice %arg7[%add3A_887] : memref<16384xf32, #tpu.memory_space<hbm>> -> memref<128xf32, #tpu.memory_space<hbm>>
      tpu.enqueue_dma source(%arg12 : memref<128xf32, #tpu.memory_space<vmem>>) target(%dma_start3A_1388 : memref<128xf32, #tpu.memory_space<hbm>>) target_semaphore(%run_scoped3A : memref<!tpu.dma_semaphore, #tpu.memory_space<semaphore_mem>>)
      %dma_wait3A_1389 = tpu.memref_slice %arg7[%add3A_887] : memref<16384xf32, #tpu.memory_space<hbm>> -> memref<128xf32, #tpu.memory_space<hbm>>
      %dma_wait3A_1390 = tpu.memref_slice %arg7[%add3A_887] : memref<16384xf32, #tpu.memory_space<hbm>> -> memref<128xf32, #tpu.memory_space<hbm>>
      tpu.wait_dma2 semaphore(%run_scoped3A : memref<!tpu.dma_semaphore, #tpu.memory_space<semaphore_mem>>) src(%arg12 : memref<128xf32, #tpu.memory_space<vmem>>) dst(%dma_wait3A_1390 : memref<128xf32, #tpu.memory_space<hbm>>)
      tpu.yield
    }) : () -> ()
    %dma_start3A_888 = arith.constant 384 : i32
    %dma_start3A_889 = tpu.memref_slice %arg10[%dma_start3A_888] : memref<512xi32, #tpu.memory_space<vmem>> -> memref<128xi32, #tpu.memory_space<vmem>>
    %dma_start3A_890 = arith.constant 0 : i32
    %dma_start3A_891 = arith.constant 0 : i32
    %dma_start3A_892 = tpu.memref_slice %arg3[%dma_start3A_890, %dma_start3A_891] : memref<1024x128xf32, #tpu.memory_space<hbm>> -> memref<1024x128xf32, #tpu.memory_space<hbm>>
    tpu.enqueue_indirect_dma source(%dma_start3A_892 : memref<1024x128xf32, #tpu.memory_space<hbm>>) target(%arg14 : memref<128x128xf32, #tpu.memory_space<vmem>>) offsets(%dma_start3A_889 : memref<128xi32, #tpu.memory_space<vmem>>) semaphore(%arg16 : memref<!tpu.dma_semaphore, #tpu.memory_space<semaphore_mem>>)
    %dma_wait3A_893 = arith.constant 256 : i32
    %dma_wait3A_894 = tpu.memref_slice %arg10[%dma_wait3A_893] : memref<512xi32, #tpu.memory_space<vmem>> -> memref<128xi32, #tpu.memory_space<vmem>>
    %dma_wait3A_895 = arith.constant 0 : i32
    %dma_wait3A_896 = arith.constant 0 : i32
    %dma_wait3A_897 = tpu.memref_slice %arg3[%dma_wait3A_895, %dma_wait3A_896] : memref<1024x128xf32, #tpu.memory_space<hbm>> -> memref<1024x128xf32, #tpu.memory_space<hbm>>
    tpu.wait_indirect_dma semaphore(%arg15 : memref<!tpu.dma_semaphore, #tpu.memory_space<semaphore_mem>>) src(%dma_wait3A_897 : memref<1024x128xf32, #tpu.memory_space<hbm>>) dst(%arg13 : memref<128x128xf32, #tpu.memory_space<vmem>>)
    %iota3A_898 = tpu.iota {dimensions = array<i32: 0>} : vector<16xi32>
    %add3A_899 = arith.constant 0 : i32
    %add3A_900 = vector.broadcast %add3A_899 : i32 to vector<16xi32>
    %add3A_901 = arith.addi %iota3A_898, %add3A_900 : vector<16xi32>
    %get3A_902 = arith.constant 256 : index
    %get3A_903 = tpu.vector_load %arg11[%get3A_902] {strides = array<i32>} : memref<512xi32, #tpu.memory_space<vmem>>, vector<16xi32>,
    %gather3A_904 = tpu.vector_load_idx %arg13[%add3A_901, %get3A_903] : memref<128x128xf32, #tpu.memory_space<vmem>>[vector<16xi32>, vector<16xi32>], vector<16xf32>,
    %swap3A_905 = arith.constant 0 : index
    %swap3A_906 = tpu.vector_load %arg12[%swap3A_905] {strides = array<i32>} : memref<128xf32, #tpu.memory_space<vmem>>, vector<16xf32>,
    tpu.vector_store %arg12[%swap3A_905], %gather3A_904 {strides = array<i32>} : memref<128xf32, #tpu.memory_space<vmem>>, vector<16xf32>,
    %iota3A_907 = tpu.iota {dimensions = array<i32: 0>} : vector<16xi32>
    %add3A_908 = arith.constant 16 : i32
    %add3A_909 = vector.broadcast %add3A_908 : i32 to vector<16xi32>
    %add3A_910 = arith.addi %iota3A_907, %add3A_909 : vector<16xi32>
    %get3A_911 = arith.constant 272 : index
    %get3A_912 = tpu.vector_load %arg11[%get3A_911] {strides = array<i32>} : memref<512xi32, #tpu.memory_space<vmem>>, vector<16xi32>,
    %gather3A_913 = tpu.vector_load_idx %arg13[%add3A_910, %get3A_912] : memref<128x128xf32, #tpu.memory_space<vmem>>[vector<16xi32>, vector<16xi32>], vector<16xf32>,
    %swap3A_914 = arith.constant 16 : index
    %swap3A_915 = tpu.vector_load %arg12[%swap3A_914] {strides = array<i32>} : memref<128xf32, #tpu.memory_space<vmem>>, vector<16xf32>,
    tpu.vector_store %arg12[%swap3A_914], %gather3A_913 {strides = array<i32>} : memref<128xf32, #tpu.memory_space<vmem>>, vector<16xf32>,
    %iota3A_916 = tpu.iota {dimensions = array<i32: 0>} : vector<16xi32>
    %add3A_917 = arith.constant 32 : i32
    %add3A_918 = vector.broadcast %add3A_917 : i32 to vector<16xi32>
    %add3A_919 = arith.addi %iota3A_916, %add3A_918 : vector<16xi32>
    %get3A_920 = arith.constant 288 : index
    %get3A_921 = tpu.vector_load %arg11[%get3A_920] {strides = array<i32>} : memref<512xi32, #tpu.memory_space<vmem>>, vector<16xi32>,
    %gather3A_922 = tpu.vector_load_idx %arg13[%add3A_919, %get3A_921] : memref<128x128xf32, #tpu.memory_space<vmem>>[vector<16xi32>, vector<16xi32>], vector<16xf32>,
    %swap3A_923 = arith.constant 32 : index
    %swap3A_924 = tpu.vector_load %arg12[%swap3A_923] {strides = array<i32>} : memref<128xf32, #tpu.memory_space<vmem>>, vector<16xf32>,
    tpu.vector_store %arg12[%swap3A_923], %gather3A_922 {strides = array<i32>} : memref<128xf32, #tpu.memory_space<vmem>>, vector<16xf32>,
    %iota3A_925 = tpu.iota {dimensions = array<i32: 0>} : vector<16xi32>
    %add3A_926 = arith.constant 48 : i32
    %add3A_927 = vector.broadcast %add3A_926 : i32 to vector<16xi32>
    %add3A_928 = arith.addi %iota3A_925, %add3A_927 : vector<16xi32>
    %get3A_929 = arith.constant 304 : index
    %get3A_930 = tpu.vector_load %arg11[%get3A_929] {strides = array<i32>} : memref<512xi32, #tpu.memory_space<vmem>>, vector<16xi32>,
    %gather3A_931 = tpu.vector_load_idx %arg13[%add3A_928, %get3A_930] : memref<128x128xf32, #tpu.memory_space<vmem>>[vector<16xi32>, vector<16xi32>], vector<16xf32>,
    %swap3A_932 = arith.constant 48 : index
    %swap3A_933 = tpu.vector_load %arg12[%swap3A_932] {strides = array<i32>} : memref<128xf32, #tpu.memory_space<vmem>>, vector<16xf32>,
    tpu.vector_store %arg12[%swap3A_932], %gather3A_931 {strides = array<i32>} : memref<128xf32, #tpu.memory_space<vmem>>, vector<16xf32>,
    %iota3A_934 = tpu.iota {dimensions = array<i32: 0>} : vector<16xi32>
    %add3A_935 = arith.constant 64 : i32
    %add3A_936 = vector.broadcast %add3A_935 : i32 to vector<16xi32>
    %add3A_937 = arith.addi %iota3A_934, %add3A_936 : vector<16xi32>
    %get3A_938 = arith.constant 320 : index
    %get3A_939 = tpu.vector_load %arg11[%get3A_938] {strides = array<i32>} : memref<512xi32, #tpu.memory_space<vmem>>, vector<16xi32>,
    %gather3A_940 = tpu.vector_load_idx %arg13[%add3A_937, %get3A_939] : memref<128x128xf32, #tpu.memory_space<vmem>>[vector<16xi32>, vector<16xi32>], vector<16xf32>,
    %swap3A_941 = arith.constant 64 : index
    %swap3A_942 = tpu.vector_load %arg12[%swap3A_941] {strides = array<i32>} : memref<128xf32, #tpu.memory_space<vmem>>, vector<16xf32>,
    tpu.vector_store %arg12[%swap3A_941], %gather3A_940 {strides = array<i32>} : memref<128xf32, #tpu.memory_space<vmem>>, vector<16xf32>,
    %iota3A_943 = tpu.iota {dimensions = array<i32: 0>} : vector<16xi32>
    %add3A_944 = arith.constant 80 : i32
    %add3A_945 = vector.broadcast %add3A_944 : i32 to vector<16xi32>
    %add3A_946 = arith.addi %iota3A_943, %add3A_945 : vector<16xi32>
    %get3A_947 = arith.constant 336 : index
    %get3A_948 = tpu.vector_load %arg11[%get3A_947] {strides = array<i32>} : memref<512xi32, #tpu.memory_space<vmem>>, vector<16xi32>,
    %gather3A_949 = tpu.vector_load_idx %arg13[%add3A_946, %get3A_948] : memref<128x128xf32, #tpu.memory_space<vmem>>[vector<16xi32>, vector<16xi32>], vector<16xf32>,
    %swap3A_950 = arith.constant 80 : index
    %swap3A_951 = tpu.vector_load %arg12[%swap3A_950] {strides = array<i32>} : memref<128xf32, #tpu.memory_space<vmem>>, vector<16xf32>,
    tpu.vector_store %arg12[%swap3A_950], %gather3A_949 {strides = array<i32>} : memref<128xf32, #tpu.memory_space<vmem>>, vector<16xf32>,
    %iota3A_952 = tpu.iota {dimensions = array<i32: 0>} : vector<16xi32>
    %add3A_953 = arith.constant 96 : i32
    %add3A_954 = vector.broadcast %add3A_953 : i32 to vector<16xi32>
    %add3A_955 = arith.addi %iota3A_952, %add3A_954 : vector<16xi32>
    %get3A_956 = arith.constant 352 : index
    %get3A_957 = tpu.vector_load %arg11[%get3A_956] {strides = array<i32>} : memref<512xi32, #tpu.memory_space<vmem>>, vector<16xi32>,
    %gather3A_958 = tpu.vector_load_idx %arg13[%add3A_955, %get3A_957] : memref<128x128xf32, #tpu.memory_space<vmem>>[vector<16xi32>, vector<16xi32>], vector<16xf32>,
    %swap3A_959 = arith.constant 96 : index
    %swap3A_960 = tpu.vector_load %arg12[%swap3A_959] {strides = array<i32>} : memref<128xf32, #tpu.memory_space<vmem>>, vector<16xf32>,
    tpu.vector_store %arg12[%swap3A_959], %gather3A_958 {strides = array<i32>} : memref<128xf32, #tpu.memory_space<vmem>>, vector<16xf32>,
    %iota3A_961 = tpu.iota {dimensions = array<i32: 0>} : vector<16xi32>
    %add3A_962 = arith.constant 112 : i32
    %add3A_963 = vector.broadcast %add3A_962 : i32 to vector<16xi32>
    %add3A_964 = arith.addi %iota3A_961, %add3A_963 : vector<16xi32>
    %get3A_965 = arith.constant 368 : index
    %get3A_966 = tpu.vector_load %arg11[%get3A_965] {strides = array<i32>} : memref<512xi32, #tpu.memory_space<vmem>>, vector<16xi32>,
    %gather3A_967 = tpu.vector_load_idx %arg13[%add3A_964, %get3A_966] : memref<128x128xf32, #tpu.memory_space<vmem>>[vector<16xi32>, vector<16xi32>], vector<16xf32>,
    %swap3A_968 = arith.constant 112 : index
    %swap3A_969 = tpu.vector_load %arg12[%swap3A_968] {strides = array<i32>} : memref<128xf32, #tpu.memory_space<vmem>>, vector<16xf32>,
    tpu.vector_store %arg12[%swap3A_968], %gather3A_967 {strides = array<i32>} : memref<128xf32, #tpu.memory_space<vmem>>, vector<16xf32>,
    %add3A_970 = arith.constant 256 : i32
    %add3A_971 = arith.addi %mul3A_2, %add3A_970 : i32
    "tpu.region"() ({
      %run_scoped3A = tpu.sem_alloc : memref<!tpu.dma_semaphore, #tpu.memory_space<semaphore_mem>>
      %dma_start3A_1387 = tpu.memref_slice %arg7[%add3A_971] : memref<16384xf32, #tpu.memory_space<hbm>> -> memref<128xf32, #tpu.memory_space<hbm>>
      %dma_start3A_1388 = tpu.memref_slice %arg7[%add3A_971] : memref<16384xf32, #tpu.memory_space<hbm>> -> memref<128xf32, #tpu.memory_space<hbm>>
      tpu.enqueue_dma source(%arg12 : memref<128xf32, #tpu.memory_space<vmem>>) target(%dma_start3A_1388 : memref<128xf32, #tpu.memory_space<hbm>>) target_semaphore(%run_scoped3A : memref<!tpu.dma_semaphore, #tpu.memory_space<semaphore_mem>>)
      %dma_wait3A_1389 = tpu.memref_slice %arg7[%add3A_971] : memref<16384xf32, #tpu.memory_space<hbm>> -> memref<128xf32, #tpu.memory_space<hbm>>
      %dma_wait3A_1390 = tpu.memref_slice %arg7[%add3A_971] : memref<16384xf32, #tpu.memory_space<hbm>> -> memref<128xf32, #tpu.memory_space<hbm>>
      tpu.wait_dma2 semaphore(%run_scoped3A : memref<!tpu.dma_semaphore, #tpu.memory_space<semaphore_mem>>) src(%arg12 : memref<128xf32, #tpu.memory_space<vmem>>) dst(%dma_wait3A_1390 : memref<128xf32, #tpu.memory_space<hbm>>)
      tpu.yield
    }) : () -> ()
    %dma_start3A_972 = arith.constant 0 : i32
    %dma_start3A_973 = tpu.memref_slice %arg10[%dma_start3A_972] : memref<512xi32, #tpu.memory_space<vmem>> -> memref<128xi32, #tpu.memory_space<vmem>>
    %dma_start3A_974 = arith.constant 0 : i32
    %dma_start3A_975 = arith.constant 0 : i32
    %dma_start3A_976 = tpu.memref_slice %arg4[%dma_start3A_974, %dma_start3A_975] : memref<1024x128xf32, #tpu.memory_space<hbm>> -> memref<1024x128xf32, #tpu.memory_space<hbm>>
    tpu.enqueue_indirect_dma source(%dma_start3A_976 : memref<1024x128xf32, #tpu.memory_space<hbm>>) target(%arg13 : memref<128x128xf32, #tpu.memory_space<vmem>>) offsets(%dma_start3A_973 : memref<128xi32, #tpu.memory_space<vmem>>) semaphore(%arg15 : memref<!tpu.dma_semaphore, #tpu.memory_space<semaphore_mem>>)
    %dma_wait3A_977 = arith.constant 384 : i32
    %dma_wait3A_978 = tpu.memref_slice %arg10[%dma_wait3A_977] : memref<512xi32, #tpu.memory_space<vmem>> -> memref<128xi32, #tpu.memory_space<vmem>>
    %dma_wait3A_979 = arith.constant 0 : i32
    %dma_wait3A_980 = arith.constant 0 : i32
    %dma_wait3A_981 = tpu.memref_slice %arg3[%dma_wait3A_979, %dma_wait3A_980] : memref<1024x128xf32, #tpu.memory_space<hbm>> -> memref<1024x128xf32, #tpu.memory_space<hbm>>
    tpu.wait_indirect_dma semaphore(%arg16 : memref<!tpu.dma_semaphore, #tpu.memory_space<semaphore_mem>>) src(%dma_wait3A_981 : memref<1024x128xf32, #tpu.memory_space<hbm>>) dst(%arg14 : memref<128x128xf32, #tpu.memory_space<vmem>>)
    %iota3A_982 = tpu.iota {dimensions = array<i32: 0>} : vector<16xi32>
    %add3A_983 = arith.constant 0 : i32
    %add3A_984 = vector.broadcast %add3A_983 : i32 to vector<16xi32>
    %add3A_985 = arith.addi %iota3A_982, %add3A_984 : vector<16xi32>
    %get3A_986 = arith.constant 384 : index
    %get3A_987 = tpu.vector_load %arg11[%get3A_986] {strides = array<i32>} : memref<512xi32, #tpu.memory_space<vmem>>, vector<16xi32>,
    %gather3A_988 = tpu.vector_load_idx %arg14[%add3A_985, %get3A_987] : memref<128x128xf32, #tpu.memory_space<vmem>>[vector<16xi32>, vector<16xi32>], vector<16xf32>,
    %swap3A_989 = arith.constant 0 : index
    %swap3A_990 = tpu.vector_load %arg12[%swap3A_989] {strides = array<i32>} : memref<128xf32, #tpu.memory_space<vmem>>, vector<16xf32>,
    tpu.vector_store %arg12[%swap3A_989], %gather3A_988 {strides = array<i32>} : memref<128xf32, #tpu.memory_space<vmem>>, vector<16xf32>,
    %iota3A_991 = tpu.iota {dimensions = array<i32: 0>} : vector<16xi32>
    %add3A_992 = arith.constant 16 : i32
    %add3A_993 = vector.broadcast %add3A_992 : i32 to vector<16xi32>
    %add3A_994 = arith.addi %iota3A_991, %add3A_993 : vector<16xi32>
    %get3A_995 = arith.constant 400 : index
    %get3A_996 = tpu.vector_load %arg11[%get3A_995] {strides = array<i32>} : memref<512xi32, #tpu.memory_space<vmem>>, vector<16xi32>,
    %gather3A_997 = tpu.vector_load_idx %arg14[%add3A_994, %get3A_996] : memref<128x128xf32, #tpu.memory_space<vmem>>[vector<16xi32>, vector<16xi32>], vector<16xf32>,
    %swap3A_998 = arith.constant 16 : index
    %swap3A_999 = tpu.vector_load %arg12[%swap3A_998] {strides = array<i32>} : memref<128xf32, #tpu.memory_space<vmem>>, vector<16xf32>,
    tpu.vector_store %arg12[%swap3A_998], %gather3A_997 {strides = array<i32>} : memref<128xf32, #tpu.memory_space<vmem>>, vector<16xf32>,
    %iota3A_1000 = tpu.iota {dimensions = array<i32: 0>} : vector<16xi32>
    %add3A_1001 = arith.constant 32 : i32
    %add3A_1002 = vector.broadcast %add3A_1001 : i32 to vector<16xi32>
    %add3A_1003 = arith.addi %iota3A_1000, %add3A_1002 : vector<16xi32>
    %get3A_1004 = arith.constant 416 : index
    %get3A_1005 = tpu.vector_load %arg11[%get3A_1004] {strides = array<i32>} : memref<512xi32, #tpu.memory_space<vmem>>, vector<16xi32>,
    %gather3A_1006 = tpu.vector_load_idx %arg14[%add3A_1003, %get3A_1005] : memref<128x128xf32, #tpu.memory_space<vmem>>[vector<16xi32>, vector<16xi32>], vector<16xf32>,
    %swap3A_1007 = arith.constant 32 : index
    %swap3A_1008 = tpu.vector_load %arg12[%swap3A_1007] {strides = array<i32>} : memref<128xf32, #tpu.memory_space<vmem>>, vector<16xf32>,
    tpu.vector_store %arg12[%swap3A_1007], %gather3A_1006 {strides = array<i32>} : memref<128xf32, #tpu.memory_space<vmem>>, vector<16xf32>,
    %iota3A_1009 = tpu.iota {dimensions = array<i32: 0>} : vector<16xi32>
    %add3A_1010 = arith.constant 48 : i32
    %add3A_1011 = vector.broadcast %add3A_1010 : i32 to vector<16xi32>
    %add3A_1012 = arith.addi %iota3A_1009, %add3A_1011 : vector<16xi32>
    %get3A_1013 = arith.constant 432 : index
    %get3A_1014 = tpu.vector_load %arg11[%get3A_1013] {strides = array<i32>} : memref<512xi32, #tpu.memory_space<vmem>>, vector<16xi32>,
    %gather3A_1015 = tpu.vector_load_idx %arg14[%add3A_1012, %get3A_1014] : memref<128x128xf32, #tpu.memory_space<vmem>>[vector<16xi32>, vector<16xi32>], vector<16xf32>,
    %swap3A_1016 = arith.constant 48 : index
    %swap3A_1017 = tpu.vector_load %arg12[%swap3A_1016] {strides = array<i32>} : memref<128xf32, #tpu.memory_space<vmem>>, vector<16xf32>,
    tpu.vector_store %arg12[%swap3A_1016], %gather3A_1015 {strides = array<i32>} : memref<128xf32, #tpu.memory_space<vmem>>, vector<16xf32>,
    %iota3A_1018 = tpu.iota {dimensions = array<i32: 0>} : vector<16xi32>
    %add3A_1019 = arith.constant 64 : i32
    %add3A_1020 = vector.broadcast %add3A_1019 : i32 to vector<16xi32>
    %add3A_1021 = arith.addi %iota3A_1018, %add3A_1020 : vector<16xi32>
    %get3A_1022 = arith.constant 448 : index
    %get3A_1023 = tpu.vector_load %arg11[%get3A_1022] {strides = array<i32>} : memref<512xi32, #tpu.memory_space<vmem>>, vector<16xi32>,
    %gather3A_1024 = tpu.vector_load_idx %arg14[%add3A_1021, %get3A_1023] : memref<128x128xf32, #tpu.memory_space<vmem>>[vector<16xi32>, vector<16xi32>], vector<16xf32>,
    %swap3A_1025 = arith.constant 64 : index
    %swap3A_1026 = tpu.vector_load %arg12[%swap3A_1025] {strides = array<i32>} : memref<128xf32, #tpu.memory_space<vmem>>, vector<16xf32>,
    tpu.vector_store %arg12[%swap3A_1025], %gather3A_1024 {strides = array<i32>} : memref<128xf32, #tpu.memory_space<vmem>>, vector<16xf32>,
    %iota3A_1027 = tpu.iota {dimensions = array<i32: 0>} : vector<16xi32>
    %add3A_1028 = arith.constant 80 : i32
    %add3A_1029 = vector.broadcast %add3A_1028 : i32 to vector<16xi32>
    %add3A_1030 = arith.addi %iota3A_1027, %add3A_1029 : vector<16xi32>
    %get3A_1031 = arith.constant 464 : index
    %get3A_1032 = tpu.vector_load %arg11[%get3A_1031] {strides = array<i32>} : memref<512xi32, #tpu.memory_space<vmem>>, vector<16xi32>,
    %gather3A_1033 = tpu.vector_load_idx %arg14[%add3A_1030, %get3A_1032] : memref<128x128xf32, #tpu.memory_space<vmem>>[vector<16xi32>, vector<16xi32>], vector<16xf32>,
    %swap3A_1034 = arith.constant 80 : index
    %swap3A_1035 = tpu.vector_load %arg12[%swap3A_1034] {strides = array<i32>} : memref<128xf32, #tpu.memory_space<vmem>>, vector<16xf32>,
    tpu.vector_store %arg12[%swap3A_1034], %gather3A_1033 {strides = array<i32>} : memref<128xf32, #tpu.memory_space<vmem>>, vector<16xf32>,
    %iota3A_1036 = tpu.iota {dimensions = array<i32: 0>} : vector<16xi32>
    %add3A_1037 = arith.constant 96 : i32
    %add3A_1038 = vector.broadcast %add3A_1037 : i32 to vector<16xi32>
    %add3A_1039 = arith.addi %iota3A_1036, %add3A_1038 : vector<16xi32>
    %get3A_1040 = arith.constant 480 : index
    %get3A_1041 = tpu.vector_load %arg11[%get3A_1040] {strides = array<i32>} : memref<512xi32, #tpu.memory_space<vmem>>, vector<16xi32>,
    %gather3A_1042 = tpu.vector_load_idx %arg14[%add3A_1039, %get3A_1041] : memref<128x128xf32, #tpu.memory_space<vmem>>[vector<16xi32>, vector<16xi32>], vector<16xf32>,
    %swap3A_1043 = arith.constant 96 : index
    %swap3A_1044 = tpu.vector_load %arg12[%swap3A_1043] {strides = array<i32>} : memref<128xf32, #tpu.memory_space<vmem>>, vector<16xf32>,
    tpu.vector_store %arg12[%swap3A_1043], %gather3A_1042 {strides = array<i32>} : memref<128xf32, #tpu.memory_space<vmem>>, vector<16xf32>,
    %iota3A_1045 = tpu.iota {dimensions = array<i32: 0>} : vector<16xi32>
    %add3A_1046 = arith.constant 112 : i32
    %add3A_1047 = vector.broadcast %add3A_1046 : i32 to vector<16xi32>
    %add3A_1048 = arith.addi %iota3A_1045, %add3A_1047 : vector<16xi32>
    %get3A_1049 = arith.constant 496 : index
    %get3A_1050 = tpu.vector_load %arg11[%get3A_1049] {strides = array<i32>} : memref<512xi32, #tpu.memory_space<vmem>>, vector<16xi32>,
    %gather3A_1051 = tpu.vector_load_idx %arg14[%add3A_1048, %get3A_1050] : memref<128x128xf32, #tpu.memory_space<vmem>>[vector<16xi32>, vector<16xi32>], vector<16xf32>,
    %swap3A_1052 = arith.constant 112 : index
    %swap3A_1053 = tpu.vector_load %arg12[%swap3A_1052] {strides = array<i32>} : memref<128xf32, #tpu.memory_space<vmem>>, vector<16xf32>,
    tpu.vector_store %arg12[%swap3A_1052], %gather3A_1051 {strides = array<i32>} : memref<128xf32, #tpu.memory_space<vmem>>, vector<16xf32>,
    %add3A_1054 = arith.constant 384 : i32
    %add3A_1055 = arith.addi %mul3A_2, %add3A_1054 : i32
    "tpu.region"() ({
      %run_scoped3A = tpu.sem_alloc : memref<!tpu.dma_semaphore, #tpu.memory_space<semaphore_mem>>
      %dma_start3A_1387 = tpu.memref_slice %arg7[%add3A_1055] : memref<16384xf32, #tpu.memory_space<hbm>> -> memref<128xf32, #tpu.memory_space<hbm>>
      %dma_start3A_1388 = tpu.memref_slice %arg7[%add3A_1055] : memref<16384xf32, #tpu.memory_space<hbm>> -> memref<128xf32, #tpu.memory_space<hbm>>
      tpu.enqueue_dma source(%arg12 : memref<128xf32, #tpu.memory_space<vmem>>) target(%dma_start3A_1388 : memref<128xf32, #tpu.memory_space<hbm>>) target_semaphore(%run_scoped3A : memref<!tpu.dma_semaphore, #tpu.memory_space<semaphore_mem>>)
      %dma_wait3A_1389 = tpu.memref_slice %arg7[%add3A_1055] : memref<16384xf32, #tpu.memory_space<hbm>> -> memref<128xf32, #tpu.memory_space<hbm>>
      %dma_wait3A_1390 = tpu.memref_slice %arg7[%add3A_1055] : memref<16384xf32, #tpu.memory_space<hbm>> -> memref<128xf32, #tpu.memory_space<hbm>>
      tpu.wait_dma2 semaphore(%run_scoped3A : memref<!tpu.dma_semaphore, #tpu.memory_space<semaphore_mem>>) src(%arg12 : memref<128xf32, #tpu.memory_space<vmem>>) dst(%dma_wait3A_1390 : memref<128xf32, #tpu.memory_space<hbm>>)
      tpu.yield
    }) : () -> ()
    %dma_start3A_1056 = arith.constant 128 : i32
    %dma_start3A_1057 = tpu.memref_slice %arg10[%dma_start3A_1056] : memref<512xi32, #tpu.memory_space<vmem>> -> memref<128xi32, #tpu.memory_space<vmem>>
    %dma_start3A_1058 = arith.constant 0 : i32
    %dma_start3A_1059 = arith.constant 0 : i32
    %dma_start3A_1060 = tpu.memref_slice %arg4[%dma_start3A_1058, %dma_start3A_1059] : memref<1024x128xf32, #tpu.memory_space<hbm>> -> memref<1024x128xf32, #tpu.memory_space<hbm>>
    tpu.enqueue_indirect_dma source(%dma_start3A_1060 : memref<1024x128xf32, #tpu.memory_space<hbm>>) target(%arg14 : memref<128x128xf32, #tpu.memory_space<vmem>>) offsets(%dma_start3A_1057 : memref<128xi32, #tpu.memory_space<vmem>>) semaphore(%arg16 : memref<!tpu.dma_semaphore, #tpu.memory_space<semaphore_mem>>)
    %dma_wait3A_1061 = arith.constant 0 : i32
    %dma_wait3A_1062 = tpu.memref_slice %arg10[%dma_wait3A_1061] : memref<512xi32, #tpu.memory_space<vmem>> -> memref<128xi32, #tpu.memory_space<vmem>>
    %dma_wait3A_1063 = arith.constant 0 : i32
    %dma_wait3A_1064 = arith.constant 0 : i32
    %dma_wait3A_1065 = tpu.memref_slice %arg4[%dma_wait3A_1063, %dma_wait3A_1064] : memref<1024x128xf32, #tpu.memory_space<hbm>> -> memref<1024x128xf32, #tpu.memory_space<hbm>>
    tpu.wait_indirect_dma semaphore(%arg15 : memref<!tpu.dma_semaphore, #tpu.memory_space<semaphore_mem>>) src(%dma_wait3A_1065 : memref<1024x128xf32, #tpu.memory_space<hbm>>) dst(%arg13 : memref<128x128xf32, #tpu.memory_space<vmem>>)
    %iota3A_1066 = tpu.iota {dimensions = array<i32: 0>} : vector<16xi32>
    %add3A_1067 = arith.constant 0 : i32
    %add3A_1068 = vector.broadcast %add3A_1067 : i32 to vector<16xi32>
    %add3A_1069 = arith.addi %iota3A_1066, %add3A_1068 : vector<16xi32>
    %get3A_1070 = arith.constant 0 : index
    %get3A_1071 = tpu.vector_load %arg11[%get3A_1070] {strides = array<i32>} : memref<512xi32, #tpu.memory_space<vmem>>, vector<16xi32>,
    %gather3A_1072 = tpu.vector_load_idx %arg13[%add3A_1069, %get3A_1071] : memref<128x128xf32, #tpu.memory_space<vmem>>[vector<16xi32>, vector<16xi32>], vector<16xf32>,
    %swap3A_1073 = arith.constant 0 : index
    %swap3A_1074 = tpu.vector_load %arg12[%swap3A_1073] {strides = array<i32>} : memref<128xf32, #tpu.memory_space<vmem>>, vector<16xf32>,
    tpu.vector_store %arg12[%swap3A_1073], %gather3A_1072 {strides = array<i32>} : memref<128xf32, #tpu.memory_space<vmem>>, vector<16xf32>,
    %iota3A_1075 = tpu.iota {dimensions = array<i32: 0>} : vector<16xi32>
    %add3A_1076 = arith.constant 16 : i32
    %add3A_1077 = vector.broadcast %add3A_1076 : i32 to vector<16xi32>
    %add3A_1078 = arith.addi %iota3A_1075, %add3A_1077 : vector<16xi32>
    %get3A_1079 = arith.constant 16 : index
    %get3A_1080 = tpu.vector_load %arg11[%get3A_1079] {strides = array<i32>} : memref<512xi32, #tpu.memory_space<vmem>>, vector<16xi32>,
    %gather3A_1081 = tpu.vector_load_idx %arg13[%add3A_1078, %get3A_1080] : memref<128x128xf32, #tpu.memory_space<vmem>>[vector<16xi32>, vector<16xi32>], vector<16xf32>,
    %swap3A_1082 = arith.constant 16 : index
    %swap3A_1083 = tpu.vector_load %arg12[%swap3A_1082] {strides = array<i32>} : memref<128xf32, #tpu.memory_space<vmem>>, vector<16xf32>,
    tpu.vector_store %arg12[%swap3A_1082], %gather3A_1081 {strides = array<i32>} : memref<128xf32, #tpu.memory_space<vmem>>, vector<16xf32>,
    %iota3A_1084 = tpu.iota {dimensions = array<i32: 0>} : vector<16xi32>
    %add3A_1085 = arith.constant 32 : i32
    %add3A_1086 = vector.broadcast %add3A_1085 : i32 to vector<16xi32>
    %add3A_1087 = arith.addi %iota3A_1084, %add3A_1086 : vector<16xi32>
    %get3A_1088 = arith.constant 32 : index
    %get3A_1089 = tpu.vector_load %arg11[%get3A_1088] {strides = array<i32>} : memref<512xi32, #tpu.memory_space<vmem>>, vector<16xi32>,
    %gather3A_1090 = tpu.vector_load_idx %arg13[%add3A_1087, %get3A_1089] : memref<128x128xf32, #tpu.memory_space<vmem>>[vector<16xi32>, vector<16xi32>], vector<16xf32>,
    %swap3A_1091 = arith.constant 32 : index
    %swap3A_1092 = tpu.vector_load %arg12[%swap3A_1091] {strides = array<i32>} : memref<128xf32, #tpu.memory_space<vmem>>, vector<16xf32>,
    tpu.vector_store %arg12[%swap3A_1091], %gather3A_1090 {strides = array<i32>} : memref<128xf32, #tpu.memory_space<vmem>>, vector<16xf32>,
    %iota3A_1093 = tpu.iota {dimensions = array<i32: 0>} : vector<16xi32>
    %add3A_1094 = arith.constant 48 : i32
    %add3A_1095 = vector.broadcast %add3A_1094 : i32 to vector<16xi32>
    %add3A_1096 = arith.addi %iota3A_1093, %add3A_1095 : vector<16xi32>
    %get3A_1097 = arith.constant 48 : index
    %get3A_1098 = tpu.vector_load %arg11[%get3A_1097] {strides = array<i32>} : memref<512xi32, #tpu.memory_space<vmem>>, vector<16xi32>,
    %gather3A_1099 = tpu.vector_load_idx %arg13[%add3A_1096, %get3A_1098] : memref<128x128xf32, #tpu.memory_space<vmem>>[vector<16xi32>, vector<16xi32>], vector<16xf32>,
    %swap3A_1100 = arith.constant 48 : index
    %swap3A_1101 = tpu.vector_load %arg12[%swap3A_1100] {strides = array<i32>} : memref<128xf32, #tpu.memory_space<vmem>>, vector<16xf32>,
    tpu.vector_store %arg12[%swap3A_1100], %gather3A_1099 {strides = array<i32>} : memref<128xf32, #tpu.memory_space<vmem>>, vector<16xf32>,
    %iota3A_1102 = tpu.iota {dimensions = array<i32: 0>} : vector<16xi32>
    %add3A_1103 = arith.constant 64 : i32
    %add3A_1104 = vector.broadcast %add3A_1103 : i32 to vector<16xi32>
    %add3A_1105 = arith.addi %iota3A_1102, %add3A_1104 : vector<16xi32>
    %get3A_1106 = arith.constant 64 : index
    %get3A_1107 = tpu.vector_load %arg11[%get3A_1106] {strides = array<i32>} : memref<512xi32, #tpu.memory_space<vmem>>, vector<16xi32>,
    %gather3A_1108 = tpu.vector_load_idx %arg13[%add3A_1105, %get3A_1107] : memref<128x128xf32, #tpu.memory_space<vmem>>[vector<16xi32>, vector<16xi32>], vector<16xf32>,
    %swap3A_1109 = arith.constant 64 : index
    %swap3A_1110 = tpu.vector_load %arg12[%swap3A_1109] {strides = array<i32>} : memref<128xf32, #tpu.memory_space<vmem>>, vector<16xf32>,
    tpu.vector_store %arg12[%swap3A_1109], %gather3A_1108 {strides = array<i32>} : memref<128xf32, #tpu.memory_space<vmem>>, vector<16xf32>,
    %iota3A_1111 = tpu.iota {dimensions = array<i32: 0>} : vector<16xi32>
    %add3A_1112 = arith.constant 80 : i32
    %add3A_1113 = vector.broadcast %add3A_1112 : i32 to vector<16xi32>
    %add3A_1114 = arith.addi %iota3A_1111, %add3A_1113 : vector<16xi32>
    %get3A_1115 = arith.constant 80 : index
    %get3A_1116 = tpu.vector_load %arg11[%get3A_1115] {strides = array<i32>} : memref<512xi32, #tpu.memory_space<vmem>>, vector<16xi32>,
    %gather3A_1117 = tpu.vector_load_idx %arg13[%add3A_1114, %get3A_1116] : memref<128x128xf32, #tpu.memory_space<vmem>>[vector<16xi32>, vector<16xi32>], vector<16xf32>,
    %swap3A_1118 = arith.constant 80 : index
    %swap3A_1119 = tpu.vector_load %arg12[%swap3A_1118] {strides = array<i32>} : memref<128xf32, #tpu.memory_space<vmem>>, vector<16xf32>,
    tpu.vector_store %arg12[%swap3A_1118], %gather3A_1117 {strides = array<i32>} : memref<128xf32, #tpu.memory_space<vmem>>, vector<16xf32>,
    %iota3A_1120 = tpu.iota {dimensions = array<i32: 0>} : vector<16xi32>
    %add3A_1121 = arith.constant 96 : i32
    %add3A_1122 = vector.broadcast %add3A_1121 : i32 to vector<16xi32>
    %add3A_1123 = arith.addi %iota3A_1120, %add3A_1122 : vector<16xi32>
    %get3A_1124 = arith.constant 96 : index
    %get3A_1125 = tpu.vector_load %arg11[%get3A_1124] {strides = array<i32>} : memref<512xi32, #tpu.memory_space<vmem>>, vector<16xi32>,
    %gather3A_1126 = tpu.vector_load_idx %arg13[%add3A_1123, %get3A_1125] : memref<128x128xf32, #tpu.memory_space<vmem>>[vector<16xi32>, vector<16xi32>], vector<16xf32>,
    %swap3A_1127 = arith.constant 96 : index
    %swap3A_1128 = tpu.vector_load %arg12[%swap3A_1127] {strides = array<i32>} : memref<128xf32, #tpu.memory_space<vmem>>, vector<16xf32>,
    tpu.vector_store %arg12[%swap3A_1127], %gather3A_1126 {strides = array<i32>} : memref<128xf32, #tpu.memory_space<vmem>>, vector<16xf32>,
    %iota3A_1129 = tpu.iota {dimensions = array<i32: 0>} : vector<16xi32>
    %add3A_1130 = arith.constant 112 : i32
    %add3A_1131 = vector.broadcast %add3A_1130 : i32 to vector<16xi32>
    %add3A_1132 = arith.addi %iota3A_1129, %add3A_1131 : vector<16xi32>
    %get3A_1133 = arith.constant 112 : index
    %get3A_1134 = tpu.vector_load %arg11[%get3A_1133] {strides = array<i32>} : memref<512xi32, #tpu.memory_space<vmem>>, vector<16xi32>,
    %gather3A_1135 = tpu.vector_load_idx %arg13[%add3A_1132, %get3A_1134] : memref<128x128xf32, #tpu.memory_space<vmem>>[vector<16xi32>, vector<16xi32>], vector<16xf32>,
    %swap3A_1136 = arith.constant 112 : index
    %swap3A_1137 = tpu.vector_load %arg12[%swap3A_1136] {strides = array<i32>} : memref<128xf32, #tpu.memory_space<vmem>>, vector<16xf32>,
    tpu.vector_store %arg12[%swap3A_1136], %gather3A_1135 {strides = array<i32>} : memref<128xf32, #tpu.memory_space<vmem>>, vector<16xf32>,
    %add3A_1138 = arith.constant 0 : i32
    %add3A_1139 = arith.addi %mul3A_2, %add3A_1138 : i32
    "tpu.region"() ({
      %run_scoped3A = tpu.sem_alloc : memref<!tpu.dma_semaphore, #tpu.memory_space<semaphore_mem>>
      %dma_start3A_1387 = tpu.memref_slice %arg8[%add3A_1139] : memref<16384xf32, #tpu.memory_space<hbm>> -> memref<128xf32, #tpu.memory_space<hbm>>
      %dma_start3A_1388 = tpu.memref_slice %arg8[%add3A_1139] : memref<16384xf32, #tpu.memory_space<hbm>> -> memref<128xf32, #tpu.memory_space<hbm>>
      tpu.enqueue_dma source(%arg12 : memref<128xf32, #tpu.memory_space<vmem>>) target(%dma_start3A_1388 : memref<128xf32, #tpu.memory_space<hbm>>) target_semaphore(%run_scoped3A : memref<!tpu.dma_semaphore, #tpu.memory_space<semaphore_mem>>)
      %dma_wait3A_1389 = tpu.memref_slice %arg8[%add3A_1139] : memref<16384xf32, #tpu.memory_space<hbm>> -> memref<128xf32, #tpu.memory_space<hbm>>
      %dma_wait3A_1390 = tpu.memref_slice %arg8[%add3A_1139] : memref<16384xf32, #tpu.memory_space<hbm>> -> memref<128xf32, #tpu.memory_space<hbm>>
      tpu.wait_dma2 semaphore(%run_scoped3A : memref<!tpu.dma_semaphore, #tpu.memory_space<semaphore_mem>>) src(%arg12 : memref<128xf32, #tpu.memory_space<vmem>>) dst(%dma_wait3A_1390 : memref<128xf32, #tpu.memory_space<hbm>>)
      tpu.yield
    }) : () -> ()
    %dma_start3A_1140 = arith.constant 256 : i32
    %dma_start3A_1141 = tpu.memref_slice %arg10[%dma_start3A_1140] : memref<512xi32, #tpu.memory_space<vmem>> -> memref<128xi32, #tpu.memory_space<vmem>>
    %dma_start3A_1142 = arith.constant 0 : i32
    %dma_start3A_1143 = arith.constant 0 : i32
    %dma_start3A_1144 = tpu.memref_slice %arg4[%dma_start3A_1142, %dma_start3A_1143] : memref<1024x128xf32, #tpu.memory_space<hbm>> -> memref<1024x128xf32, #tpu.memory_space<hbm>>
    tpu.enqueue_indirect_dma source(%dma_start3A_1144 : memref<1024x128xf32, #tpu.memory_space<hbm>>) target(%arg13 : memref<128x128xf32, #tpu.memory_space<vmem>>) offsets(%dma_start3A_1141 : memref<128xi32, #tpu.memory_space<vmem>>) semaphore(%arg15 : memref<!tpu.dma_semaphore, #tpu.memory_space<semaphore_mem>>)
    %dma_wait3A_1145 = arith.constant 128 : i32
    %dma_wait3A_1146 = tpu.memref_slice %arg10[%dma_wait3A_1145] : memref<512xi32, #tpu.memory_space<vmem>> -> memref<128xi32, #tpu.memory_space<vmem>>
    %dma_wait3A_1147 = arith.constant 0 : i32
    %dma_wait3A_1148 = arith.constant 0 : i32
    %dma_wait3A_1149 = tpu.memref_slice %arg4[%dma_wait3A_1147, %dma_wait3A_1148] : memref<1024x128xf32, #tpu.memory_space<hbm>> -> memref<1024x128xf32, #tpu.memory_space<hbm>>
    tpu.wait_indirect_dma semaphore(%arg16 : memref<!tpu.dma_semaphore, #tpu.memory_space<semaphore_mem>>) src(%dma_wait3A_1149 : memref<1024x128xf32, #tpu.memory_space<hbm>>) dst(%arg14 : memref<128x128xf32, #tpu.memory_space<vmem>>)
    %iota3A_1150 = tpu.iota {dimensions = array<i32: 0>} : vector<16xi32>
    %add3A_1151 = arith.constant 0 : i32
    %add3A_1152 = vector.broadcast %add3A_1151 : i32 to vector<16xi32>
    %add3A_1153 = arith.addi %iota3A_1150, %add3A_1152 : vector<16xi32>
    %get3A_1154 = arith.constant 128 : index
    %get3A_1155 = tpu.vector_load %arg11[%get3A_1154] {strides = array<i32>} : memref<512xi32, #tpu.memory_space<vmem>>, vector<16xi32>,
    %gather3A_1156 = tpu.vector_load_idx %arg14[%add3A_1153, %get3A_1155] : memref<128x128xf32, #tpu.memory_space<vmem>>[vector<16xi32>, vector<16xi32>], vector<16xf32>,
    %swap3A_1157 = arith.constant 0 : index
    %swap3A_1158 = tpu.vector_load %arg12[%swap3A_1157] {strides = array<i32>} : memref<128xf32, #tpu.memory_space<vmem>>, vector<16xf32>,
    tpu.vector_store %arg12[%swap3A_1157], %gather3A_1156 {strides = array<i32>} : memref<128xf32, #tpu.memory_space<vmem>>, vector<16xf32>,
    %iota3A_1159 = tpu.iota {dimensions = array<i32: 0>} : vector<16xi32>
    %add3A_1160 = arith.constant 16 : i32
    %add3A_1161 = vector.broadcast %add3A_1160 : i32 to vector<16xi32>
    %add3A_1162 = arith.addi %iota3A_1159, %add3A_1161 : vector<16xi32>
    %get3A_1163 = arith.constant 144 : index
    %get3A_1164 = tpu.vector_load %arg11[%get3A_1163] {strides = array<i32>} : memref<512xi32, #tpu.memory_space<vmem>>, vector<16xi32>,
    %gather3A_1165 = tpu.vector_load_idx %arg14[%add3A_1162, %get3A_1164] : memref<128x128xf32, #tpu.memory_space<vmem>>[vector<16xi32>, vector<16xi32>], vector<16xf32>,
    %swap3A_1166 = arith.constant 16 : index
    %swap3A_1167 = tpu.vector_load %arg12[%swap3A_1166] {strides = array<i32>} : memref<128xf32, #tpu.memory_space<vmem>>, vector<16xf32>,
    tpu.vector_store %arg12[%swap3A_1166], %gather3A_1165 {strides = array<i32>} : memref<128xf32, #tpu.memory_space<vmem>>, vector<16xf32>,
    %iota3A_1168 = tpu.iota {dimensions = array<i32: 0>} : vector<16xi32>
    %add3A_1169 = arith.constant 32 : i32
    %add3A_1170 = vector.broadcast %add3A_1169 : i32 to vector<16xi32>
    %add3A_1171 = arith.addi %iota3A_1168, %add3A_1170 : vector<16xi32>
    %get3A_1172 = arith.constant 160 : index
    %get3A_1173 = tpu.vector_load %arg11[%get3A_1172] {strides = array<i32>} : memref<512xi32, #tpu.memory_space<vmem>>, vector<16xi32>,
    %gather3A_1174 = tpu.vector_load_idx %arg14[%add3A_1171, %get3A_1173] : memref<128x128xf32, #tpu.memory_space<vmem>>[vector<16xi32>, vector<16xi32>], vector<16xf32>,
    %swap3A_1175 = arith.constant 32 : index
    %swap3A_1176 = tpu.vector_load %arg12[%swap3A_1175] {strides = array<i32>} : memref<128xf32, #tpu.memory_space<vmem>>, vector<16xf32>,
    tpu.vector_store %arg12[%swap3A_1175], %gather3A_1174 {strides = array<i32>} : memref<128xf32, #tpu.memory_space<vmem>>, vector<16xf32>,
    %iota3A_1177 = tpu.iota {dimensions = array<i32: 0>} : vector<16xi32>
    %add3A_1178 = arith.constant 48 : i32
    %add3A_1179 = vector.broadcast %add3A_1178 : i32 to vector<16xi32>
    %add3A_1180 = arith.addi %iota3A_1177, %add3A_1179 : vector<16xi32>
    %get3A_1181 = arith.constant 176 : index
    %get3A_1182 = tpu.vector_load %arg11[%get3A_1181] {strides = array<i32>} : memref<512xi32, #tpu.memory_space<vmem>>, vector<16xi32>,
    %gather3A_1183 = tpu.vector_load_idx %arg14[%add3A_1180, %get3A_1182] : memref<128x128xf32, #tpu.memory_space<vmem>>[vector<16xi32>, vector<16xi32>], vector<16xf32>,
    %swap3A_1184 = arith.constant 48 : index
    %swap3A_1185 = tpu.vector_load %arg12[%swap3A_1184] {strides = array<i32>} : memref<128xf32, #tpu.memory_space<vmem>>, vector<16xf32>,
    tpu.vector_store %arg12[%swap3A_1184], %gather3A_1183 {strides = array<i32>} : memref<128xf32, #tpu.memory_space<vmem>>, vector<16xf32>,
    %iota3A_1186 = tpu.iota {dimensions = array<i32: 0>} : vector<16xi32>
    %add3A_1187 = arith.constant 64 : i32
    %add3A_1188 = vector.broadcast %add3A_1187 : i32 to vector<16xi32>
    %add3A_1189 = arith.addi %iota3A_1186, %add3A_1188 : vector<16xi32>
    %get3A_1190 = arith.constant 192 : index
    %get3A_1191 = tpu.vector_load %arg11[%get3A_1190] {strides = array<i32>} : memref<512xi32, #tpu.memory_space<vmem>>, vector<16xi32>,
    %gather3A_1192 = tpu.vector_load_idx %arg14[%add3A_1189, %get3A_1191] : memref<128x128xf32, #tpu.memory_space<vmem>>[vector<16xi32>, vector<16xi32>], vector<16xf32>,
    %swap3A_1193 = arith.constant 64 : index
    %swap3A_1194 = tpu.vector_load %arg12[%swap3A_1193] {strides = array<i32>} : memref<128xf32, #tpu.memory_space<vmem>>, vector<16xf32>,
    tpu.vector_store %arg12[%swap3A_1193], %gather3A_1192 {strides = array<i32>} : memref<128xf32, #tpu.memory_space<vmem>>, vector<16xf32>,
    %iota3A_1195 = tpu.iota {dimensions = array<i32: 0>} : vector<16xi32>
    %add3A_1196 = arith.constant 80 : i32
    %add3A_1197 = vector.broadcast %add3A_1196 : i32 to vector<16xi32>
    %add3A_1198 = arith.addi %iota3A_1195, %add3A_1197 : vector<16xi32>
    %get3A_1199 = arith.constant 208 : index
    %get3A_1200 = tpu.vector_load %arg11[%get3A_1199] {strides = array<i32>} : memref<512xi32, #tpu.memory_space<vmem>>, vector<16xi32>,
    %gather3A_1201 = tpu.vector_load_idx %arg14[%add3A_1198, %get3A_1200] : memref<128x128xf32, #tpu.memory_space<vmem>>[vector<16xi32>, vector<16xi32>], vector<16xf32>,
    %swap3A_1202 = arith.constant 80 : index
    %swap3A_1203 = tpu.vector_load %arg12[%swap3A_1202] {strides = array<i32>} : memref<128xf32, #tpu.memory_space<vmem>>, vector<16xf32>,
    tpu.vector_store %arg12[%swap3A_1202], %gather3A_1201 {strides = array<i32>} : memref<128xf32, #tpu.memory_space<vmem>>, vector<16xf32>,
    %iota3A_1204 = tpu.iota {dimensions = array<i32: 0>} : vector<16xi32>
    %add3A_1205 = arith.constant 96 : i32
    %add3A_1206 = vector.broadcast %add3A_1205 : i32 to vector<16xi32>
    %add3A_1207 = arith.addi %iota3A_1204, %add3A_1206 : vector<16xi32>
    %get3A_1208 = arith.constant 224 : index
    %get3A_1209 = tpu.vector_load %arg11[%get3A_1208] {strides = array<i32>} : memref<512xi32, #tpu.memory_space<vmem>>, vector<16xi32>,
    %gather3A_1210 = tpu.vector_load_idx %arg14[%add3A_1207, %get3A_1209] : memref<128x128xf32, #tpu.memory_space<vmem>>[vector<16xi32>, vector<16xi32>], vector<16xf32>,
    %swap3A_1211 = arith.constant 96 : index
    %swap3A_1212 = tpu.vector_load %arg12[%swap3A_1211] {strides = array<i32>} : memref<128xf32, #tpu.memory_space<vmem>>, vector<16xf32>,
    tpu.vector_store %arg12[%swap3A_1211], %gather3A_1210 {strides = array<i32>} : memref<128xf32, #tpu.memory_space<vmem>>, vector<16xf32>,
    %iota3A_1213 = tpu.iota {dimensions = array<i32: 0>} : vector<16xi32>
    %add3A_1214 = arith.constant 112 : i32
    %add3A_1215 = vector.broadcast %add3A_1214 : i32 to vector<16xi32>
    %add3A_1216 = arith.addi %iota3A_1213, %add3A_1215 : vector<16xi32>
    %get3A_1217 = arith.constant 240 : index
    %get3A_1218 = tpu.vector_load %arg11[%get3A_1217] {strides = array<i32>} : memref<512xi32, #tpu.memory_space<vmem>>, vector<16xi32>,
    %gather3A_1219 = tpu.vector_load_idx %arg14[%add3A_1216, %get3A_1218] : memref<128x128xf32, #tpu.memory_space<vmem>>[vector<16xi32>, vector<16xi32>], vector<16xf32>,
    %swap3A_1220 = arith.constant 112 : index
    %swap3A_1221 = tpu.vector_load %arg12[%swap3A_1220] {strides = array<i32>} : memref<128xf32, #tpu.memory_space<vmem>>, vector<16xf32>,
    tpu.vector_store %arg12[%swap3A_1220], %gather3A_1219 {strides = array<i32>} : memref<128xf32, #tpu.memory_space<vmem>>, vector<16xf32>,
    %add3A_1222 = arith.constant 128 : i32
    %add3A_1223 = arith.addi %mul3A_2, %add3A_1222 : i32
    "tpu.region"() ({
      %run_scoped3A = tpu.sem_alloc : memref<!tpu.dma_semaphore, #tpu.memory_space<semaphore_mem>>
      %dma_start3A_1387 = tpu.memref_slice %arg8[%add3A_1223] : memref<16384xf32, #tpu.memory_space<hbm>> -> memref<128xf32, #tpu.memory_space<hbm>>
      %dma_start3A_1388 = tpu.memref_slice %arg8[%add3A_1223] : memref<16384xf32, #tpu.memory_space<hbm>> -> memref<128xf32, #tpu.memory_space<hbm>>
      tpu.enqueue_dma source(%arg12 : memref<128xf32, #tpu.memory_space<vmem>>) target(%dma_start3A_1388 : memref<128xf32, #tpu.memory_space<hbm>>) target_semaphore(%run_scoped3A : memref<!tpu.dma_semaphore, #tpu.memory_space<semaphore_mem>>)
      %dma_wait3A_1389 = tpu.memref_slice %arg8[%add3A_1223] : memref<16384xf32, #tpu.memory_space<hbm>> -> memref<128xf32, #tpu.memory_space<hbm>>
      %dma_wait3A_1390 = tpu.memref_slice %arg8[%add3A_1223] : memref<16384xf32, #tpu.memory_space<hbm>> -> memref<128xf32, #tpu.memory_space<hbm>>
      tpu.wait_dma2 semaphore(%run_scoped3A : memref<!tpu.dma_semaphore, #tpu.memory_space<semaphore_mem>>) src(%arg12 : memref<128xf32, #tpu.memory_space<vmem>>) dst(%dma_wait3A_1390 : memref<128xf32, #tpu.memory_space<hbm>>)
      tpu.yield
    }) : () -> ()
    %dma_start3A_1224 = arith.constant 384 : i32
    %dma_start3A_1225 = tpu.memref_slice %arg10[%dma_start3A_1224] : memref<512xi32, #tpu.memory_space<vmem>> -> memref<128xi32, #tpu.memory_space<vmem>>
    %dma_start3A_1226 = arith.constant 0 : i32
    %dma_start3A_1227 = arith.constant 0 : i32
    %dma_start3A_1228 = tpu.memref_slice %arg4[%dma_start3A_1226, %dma_start3A_1227] : memref<1024x128xf32, #tpu.memory_space<hbm>> -> memref<1024x128xf32, #tpu.memory_space<hbm>>
    tpu.enqueue_indirect_dma source(%dma_start3A_1228 : memref<1024x128xf32, #tpu.memory_space<hbm>>) target(%arg14 : memref<128x128xf32, #tpu.memory_space<vmem>>) offsets(%dma_start3A_1225 : memref<128xi32, #tpu.memory_space<vmem>>) semaphore(%arg16 : memref<!tpu.dma_semaphore, #tpu.memory_space<semaphore_mem>>)
    %dma_wait3A_1229 = arith.constant 256 : i32
    %dma_wait3A_1230 = tpu.memref_slice %arg10[%dma_wait3A_1229] : memref<512xi32, #tpu.memory_space<vmem>> -> memref<128xi32, #tpu.memory_space<vmem>>
    %dma_wait3A_1231 = arith.constant 0 : i32
    %dma_wait3A_1232 = arith.constant 0 : i32
    %dma_wait3A_1233 = tpu.memref_slice %arg4[%dma_wait3A_1231, %dma_wait3A_1232] : memref<1024x128xf32, #tpu.memory_space<hbm>> -> memref<1024x128xf32, #tpu.memory_space<hbm>>
    tpu.wait_indirect_dma semaphore(%arg15 : memref<!tpu.dma_semaphore, #tpu.memory_space<semaphore_mem>>) src(%dma_wait3A_1233 : memref<1024x128xf32, #tpu.memory_space<hbm>>) dst(%arg13 : memref<128x128xf32, #tpu.memory_space<vmem>>)
    %iota3A_1234 = tpu.iota {dimensions = array<i32: 0>} : vector<16xi32>
    %add3A_1235 = arith.constant 0 : i32
    %add3A_1236 = vector.broadcast %add3A_1235 : i32 to vector<16xi32>
    %add3A_1237 = arith.addi %iota3A_1234, %add3A_1236 : vector<16xi32>
    %get3A_1238 = arith.constant 256 : index
    %get3A_1239 = tpu.vector_load %arg11[%get3A_1238] {strides = array<i32>} : memref<512xi32, #tpu.memory_space<vmem>>, vector<16xi32>,
    %gather3A_1240 = tpu.vector_load_idx %arg13[%add3A_1237, %get3A_1239] : memref<128x128xf32, #tpu.memory_space<vmem>>[vector<16xi32>, vector<16xi32>], vector<16xf32>,
    %swap3A_1241 = arith.constant 0 : index
    %swap3A_1242 = tpu.vector_load %arg12[%swap3A_1241] {strides = array<i32>} : memref<128xf32, #tpu.memory_space<vmem>>, vector<16xf32>,
    tpu.vector_store %arg12[%swap3A_1241], %gather3A_1240 {strides = array<i32>} : memref<128xf32, #tpu.memory_space<vmem>>, vector<16xf32>,
    %iota3A_1243 = tpu.iota {dimensions = array<i32: 0>} : vector<16xi32>
    %add3A_1244 = arith.constant 16 : i32
    %add3A_1245 = vector.broadcast %add3A_1244 : i32 to vector<16xi32>
    %add3A_1246 = arith.addi %iota3A_1243, %add3A_1245 : vector<16xi32>
    %get3A_1247 = arith.constant 272 : index
    %get3A_1248 = tpu.vector_load %arg11[%get3A_1247] {strides = array<i32>} : memref<512xi32, #tpu.memory_space<vmem>>, vector<16xi32>,
    %gather3A_1249 = tpu.vector_load_idx %arg13[%add3A_1246, %get3A_1248] : memref<128x128xf32, #tpu.memory_space<vmem>>[vector<16xi32>, vector<16xi32>], vector<16xf32>,
    %swap3A_1250 = arith.constant 16 : index
    %swap3A_1251 = tpu.vector_load %arg12[%swap3A_1250] {strides = array<i32>} : memref<128xf32, #tpu.memory_space<vmem>>, vector<16xf32>,
    tpu.vector_store %arg12[%swap3A_1250], %gather3A_1249 {strides = array<i32>} : memref<128xf32, #tpu.memory_space<vmem>>, vector<16xf32>,
    %iota3A_1252 = tpu.iota {dimensions = array<i32: 0>} : vector<16xi32>
    %add3A_1253 = arith.constant 32 : i32
    %add3A_1254 = vector.broadcast %add3A_1253 : i32 to vector<16xi32>
    %add3A_1255 = arith.addi %iota3A_1252, %add3A_1254 : vector<16xi32>
    %get3A_1256 = arith.constant 288 : index
    %get3A_1257 = tpu.vector_load %arg11[%get3A_1256] {strides = array<i32>} : memref<512xi32, #tpu.memory_space<vmem>>, vector<16xi32>,
    %gather3A_1258 = tpu.vector_load_idx %arg13[%add3A_1255, %get3A_1257] : memref<128x128xf32, #tpu.memory_space<vmem>>[vector<16xi32>, vector<16xi32>], vector<16xf32>,
    %swap3A_1259 = arith.constant 32 : index
    %swap3A_1260 = tpu.vector_load %arg12[%swap3A_1259] {strides = array<i32>} : memref<128xf32, #tpu.memory_space<vmem>>, vector<16xf32>,
    tpu.vector_store %arg12[%swap3A_1259], %gather3A_1258 {strides = array<i32>} : memref<128xf32, #tpu.memory_space<vmem>>, vector<16xf32>,
    %iota3A_1261 = tpu.iota {dimensions = array<i32: 0>} : vector<16xi32>
    %add3A_1262 = arith.constant 48 : i32
    %add3A_1263 = vector.broadcast %add3A_1262 : i32 to vector<16xi32>
    %add3A_1264 = arith.addi %iota3A_1261, %add3A_1263 : vector<16xi32>
    %get3A_1265 = arith.constant 304 : index
    %get3A_1266 = tpu.vector_load %arg11[%get3A_1265] {strides = array<i32>} : memref<512xi32, #tpu.memory_space<vmem>>, vector<16xi32>,
    %gather3A_1267 = tpu.vector_load_idx %arg13[%add3A_1264, %get3A_1266] : memref<128x128xf32, #tpu.memory_space<vmem>>[vector<16xi32>, vector<16xi32>], vector<16xf32>,
    %swap3A_1268 = arith.constant 48 : index
    %swap3A_1269 = tpu.vector_load %arg12[%swap3A_1268] {strides = array<i32>} : memref<128xf32, #tpu.memory_space<vmem>>, vector<16xf32>,
    tpu.vector_store %arg12[%swap3A_1268], %gather3A_1267 {strides = array<i32>} : memref<128xf32, #tpu.memory_space<vmem>>, vector<16xf32>,
    %iota3A_1270 = tpu.iota {dimensions = array<i32: 0>} : vector<16xi32>
    %add3A_1271 = arith.constant 64 : i32
    %add3A_1272 = vector.broadcast %add3A_1271 : i32 to vector<16xi32>
    %add3A_1273 = arith.addi %iota3A_1270, %add3A_1272 : vector<16xi32>
    %get3A_1274 = arith.constant 320 : index
    %get3A_1275 = tpu.vector_load %arg11[%get3A_1274] {strides = array<i32>} : memref<512xi32, #tpu.memory_space<vmem>>, vector<16xi32>,
    %gather3A_1276 = tpu.vector_load_idx %arg13[%add3A_1273, %get3A_1275] : memref<128x128xf32, #tpu.memory_space<vmem>>[vector<16xi32>, vector<16xi32>], vector<16xf32>,
    %swap3A_1277 = arith.constant 64 : index
    %swap3A_1278 = tpu.vector_load %arg12[%swap3A_1277] {strides = array<i32>} : memref<128xf32, #tpu.memory_space<vmem>>, vector<16xf32>,
    tpu.vector_store %arg12[%swap3A_1277], %gather3A_1276 {strides = array<i32>} : memref<128xf32, #tpu.memory_space<vmem>>, vector<16xf32>,
    %iota3A_1279 = tpu.iota {dimensions = array<i32: 0>} : vector<16xi32>
    %add3A_1280 = arith.constant 80 : i32
    %add3A_1281 = vector.broadcast %add3A_1280 : i32 to vector<16xi32>
    %add3A_1282 = arith.addi %iota3A_1279, %add3A_1281 : vector<16xi32>
    %get3A_1283 = arith.constant 336 : index
    %get3A_1284 = tpu.vector_load %arg11[%get3A_1283] {strides = array<i32>} : memref<512xi32, #tpu.memory_space<vmem>>, vector<16xi32>,
    %gather3A_1285 = tpu.vector_load_idx %arg13[%add3A_1282, %get3A_1284] : memref<128x128xf32, #tpu.memory_space<vmem>>[vector<16xi32>, vector<16xi32>], vector<16xf32>,
    %swap3A_1286 = arith.constant 80 : index
    %swap3A_1287 = tpu.vector_load %arg12[%swap3A_1286] {strides = array<i32>} : memref<128xf32, #tpu.memory_space<vmem>>, vector<16xf32>,
    tpu.vector_store %arg12[%swap3A_1286], %gather3A_1285 {strides = array<i32>} : memref<128xf32, #tpu.memory_space<vmem>>, vector<16xf32>,
    %iota3A_1288 = tpu.iota {dimensions = array<i32: 0>} : vector<16xi32>
    %add3A_1289 = arith.constant 96 : i32
    %add3A_1290 = vector.broadcast %add3A_1289 : i32 to vector<16xi32>
    %add3A_1291 = arith.addi %iota3A_1288, %add3A_1290 : vector<16xi32>
    %get3A_1292 = arith.constant 352 : index
    %get3A_1293 = tpu.vector_load %arg11[%get3A_1292] {strides = array<i32>} : memref<512xi32, #tpu.memory_space<vmem>>, vector<16xi32>,
    %gather3A_1294 = tpu.vector_load_idx %arg13[%add3A_1291, %get3A_1293] : memref<128x128xf32, #tpu.memory_space<vmem>>[vector<16xi32>, vector<16xi32>], vector<16xf32>,
    %swap3A_1295 = arith.constant 96 : index
    %swap3A_1296 = tpu.vector_load %arg12[%swap3A_1295] {strides = array<i32>} : memref<128xf32, #tpu.memory_space<vmem>>, vector<16xf32>,
    tpu.vector_store %arg12[%swap3A_1295], %gather3A_1294 {strides = array<i32>} : memref<128xf32, #tpu.memory_space<vmem>>, vector<16xf32>,
    %iota3A_1297 = tpu.iota {dimensions = array<i32: 0>} : vector<16xi32>
    %add3A_1298 = arith.constant 112 : i32
    %add3A_1299 = vector.broadcast %add3A_1298 : i32 to vector<16xi32>
    %add3A_1300 = arith.addi %iota3A_1297, %add3A_1299 : vector<16xi32>
    %get3A_1301 = arith.constant 368 : index
    %get3A_1302 = tpu.vector_load %arg11[%get3A_1301] {strides = array<i32>} : memref<512xi32, #tpu.memory_space<vmem>>, vector<16xi32>,
    %gather3A_1303 = tpu.vector_load_idx %arg13[%add3A_1300, %get3A_1302] : memref<128x128xf32, #tpu.memory_space<vmem>>[vector<16xi32>, vector<16xi32>], vector<16xf32>,
    %swap3A_1304 = arith.constant 112 : index
    %swap3A_1305 = tpu.vector_load %arg12[%swap3A_1304] {strides = array<i32>} : memref<128xf32, #tpu.memory_space<vmem>>, vector<16xf32>,
    tpu.vector_store %arg12[%swap3A_1304], %gather3A_1303 {strides = array<i32>} : memref<128xf32, #tpu.memory_space<vmem>>, vector<16xf32>,
    %add3A_1306 = arith.constant 256 : i32
    %add3A_1307 = arith.addi %mul3A_2, %add3A_1306 : i32
    "tpu.region"() ({
      %run_scoped3A = tpu.sem_alloc : memref<!tpu.dma_semaphore, #tpu.memory_space<semaphore_mem>>
      %dma_start3A_1387 = tpu.memref_slice %arg8[%add3A_1307] : memref<16384xf32, #tpu.memory_space<hbm>> -> memref<128xf32, #tpu.memory_space<hbm>>
      %dma_start3A_1388 = tpu.memref_slice %arg8[%add3A_1307] : memref<16384xf32, #tpu.memory_space<hbm>> -> memref<128xf32, #tpu.memory_space<hbm>>
      tpu.enqueue_dma source(%arg12 : memref<128xf32, #tpu.memory_space<vmem>>) target(%dma_start3A_1388 : memref<128xf32, #tpu.memory_space<hbm>>) target_semaphore(%run_scoped3A : memref<!tpu.dma_semaphore, #tpu.memory_space<semaphore_mem>>)
      %dma_wait3A_1389 = tpu.memref_slice %arg8[%add3A_1307] : memref<16384xf32, #tpu.memory_space<hbm>> -> memref<128xf32, #tpu.memory_space<hbm>>
      %dma_wait3A_1390 = tpu.memref_slice %arg8[%add3A_1307] : memref<16384xf32, #tpu.memory_space<hbm>> -> memref<128xf32, #tpu.memory_space<hbm>>
      tpu.wait_dma2 semaphore(%run_scoped3A : memref<!tpu.dma_semaphore, #tpu.memory_space<semaphore_mem>>) src(%arg12 : memref<128xf32, #tpu.memory_space<vmem>>) dst(%dma_wait3A_1390 : memref<128xf32, #tpu.memory_space<hbm>>)
      tpu.yield
    }) : () -> ()
    %dma_wait3A_1308 = arith.constant 384 : i32
    %dma_wait3A_1309 = tpu.memref_slice %arg10[%dma_wait3A_1308] : memref<512xi32, #tpu.memory_space<vmem>> -> memref<128xi32, #tpu.memory_space<vmem>>
    %dma_wait3A_1310 = arith.constant 0 : i32
    %dma_wait3A_1311 = arith.constant 0 : i32
    %dma_wait3A_1312 = tpu.memref_slice %arg4[%dma_wait3A_1310, %dma_wait3A_1311] : memref<1024x128xf32, #tpu.memory_space<hbm>> -> memref<1024x128xf32, #tpu.memory_space<hbm>>
    tpu.wait_indirect_dma semaphore(%arg16 : memref<!tpu.dma_semaphore, #tpu.memory_space<semaphore_mem>>) src(%dma_wait3A_1312 : memref<1024x128xf32, #tpu.memory_space<hbm>>) dst(%arg14 : memref<128x128xf32, #tpu.memory_space<vmem>>)
    %iota3A_1313 = tpu.iota {dimensions = array<i32: 0>} : vector<16xi32>
    %add3A_1314 = arith.constant 0 : i32
    %add3A_1315 = vector.broadcast %add3A_1314 : i32 to vector<16xi32>
    %add3A_1316 = arith.addi %iota3A_1313, %add3A_1315 : vector<16xi32>
    %get3A_1317 = arith.constant 384 : index
    %get3A_1318 = tpu.vector_load %arg11[%get3A_1317] {strides = array<i32>} : memref<512xi32, #tpu.memory_space<vmem>>, vector<16xi32>,
    %gather3A_1319 = tpu.vector_load_idx %arg14[%add3A_1316, %get3A_1318] : memref<128x128xf32, #tpu.memory_space<vmem>>[vector<16xi32>, vector<16xi32>], vector<16xf32>,
    %swap3A_1320 = arith.constant 0 : index
    %swap3A_1321 = tpu.vector_load %arg12[%swap3A_1320] {strides = array<i32>} : memref<128xf32, #tpu.memory_space<vmem>>, vector<16xf32>,
    tpu.vector_store %arg12[%swap3A_1320], %gather3A_1319 {strides = array<i32>} : memref<128xf32, #tpu.memory_space<vmem>>, vector<16xf32>,
    %iota3A_1322 = tpu.iota {dimensions = array<i32: 0>} : vector<16xi32>
    %add3A_1323 = arith.constant 16 : i32
    %add3A_1324 = vector.broadcast %add3A_1323 : i32 to vector<16xi32>
    %add3A_1325 = arith.addi %iota3A_1322, %add3A_1324 : vector<16xi32>
    %get3A_1326 = arith.constant 400 : index
    %get3A_1327 = tpu.vector_load %arg11[%get3A_1326] {strides = array<i32>} : memref<512xi32, #tpu.memory_space<vmem>>, vector<16xi32>,
    %gather3A_1328 = tpu.vector_load_idx %arg14[%add3A_1325, %get3A_1327] : memref<128x128xf32, #tpu.memory_space<vmem>>[vector<16xi32>, vector<16xi32>], vector<16xf32>,
    %swap3A_1329 = arith.constant 16 : index
    %swap3A_1330 = tpu.vector_load %arg12[%swap3A_1329] {strides = array<i32>} : memref<128xf32, #tpu.memory_space<vmem>>, vector<16xf32>,
    tpu.vector_store %arg12[%swap3A_1329], %gather3A_1328 {strides = array<i32>} : memref<128xf32, #tpu.memory_space<vmem>>, vector<16xf32>,
    %iota3A_1331 = tpu.iota {dimensions = array<i32: 0>} : vector<16xi32>
    %add3A_1332 = arith.constant 32 : i32
    %add3A_1333 = vector.broadcast %add3A_1332 : i32 to vector<16xi32>
    %add3A_1334 = arith.addi %iota3A_1331, %add3A_1333 : vector<16xi32>
    %get3A_1335 = arith.constant 416 : index
    %get3A_1336 = tpu.vector_load %arg11[%get3A_1335] {strides = array<i32>} : memref<512xi32, #tpu.memory_space<vmem>>, vector<16xi32>,
    %gather3A_1337 = tpu.vector_load_idx %arg14[%add3A_1334, %get3A_1336] : memref<128x128xf32, #tpu.memory_space<vmem>>[vector<16xi32>, vector<16xi32>], vector<16xf32>,
    %swap3A_1338 = arith.constant 32 : index
    %swap3A_1339 = tpu.vector_load %arg12[%swap3A_1338] {strides = array<i32>} : memref<128xf32, #tpu.memory_space<vmem>>, vector<16xf32>,
    tpu.vector_store %arg12[%swap3A_1338], %gather3A_1337 {strides = array<i32>} : memref<128xf32, #tpu.memory_space<vmem>>, vector<16xf32>,
    %iota3A_1340 = tpu.iota {dimensions = array<i32: 0>} : vector<16xi32>
    %add3A_1341 = arith.constant 48 : i32
    %add3A_1342 = vector.broadcast %add3A_1341 : i32 to vector<16xi32>
    %add3A_1343 = arith.addi %iota3A_1340, %add3A_1342 : vector<16xi32>
    %get3A_1344 = arith.constant 432 : index
    %get3A_1345 = tpu.vector_load %arg11[%get3A_1344] {strides = array<i32>} : memref<512xi32, #tpu.memory_space<vmem>>, vector<16xi32>,
    %gather3A_1346 = tpu.vector_load_idx %arg14[%add3A_1343, %get3A_1345] : memref<128x128xf32, #tpu.memory_space<vmem>>[vector<16xi32>, vector<16xi32>], vector<16xf32>,
    %swap3A_1347 = arith.constant 48 : index
    %swap3A_1348 = tpu.vector_load %arg12[%swap3A_1347] {strides = array<i32>} : memref<128xf32, #tpu.memory_space<vmem>>, vector<16xf32>,
    tpu.vector_store %arg12[%swap3A_1347], %gather3A_1346 {strides = array<i32>} : memref<128xf32, #tpu.memory_space<vmem>>, vector<16xf32>,
    %iota3A_1349 = tpu.iota {dimensions = array<i32: 0>} : vector<16xi32>
    %add3A_1350 = arith.constant 64 : i32
    %add3A_1351 = vector.broadcast %add3A_1350 : i32 to vector<16xi32>
    %add3A_1352 = arith.addi %iota3A_1349, %add3A_1351 : vector<16xi32>
    %get3A_1353 = arith.constant 448 : index
    %get3A_1354 = tpu.vector_load %arg11[%get3A_1353] {strides = array<i32>} : memref<512xi32, #tpu.memory_space<vmem>>, vector<16xi32>,
    %gather3A_1355 = tpu.vector_load_idx %arg14[%add3A_1352, %get3A_1354] : memref<128x128xf32, #tpu.memory_space<vmem>>[vector<16xi32>, vector<16xi32>], vector<16xf32>,
    %swap3A_1356 = arith.constant 64 : index
    %swap3A_1357 = tpu.vector_load %arg12[%swap3A_1356] {strides = array<i32>} : memref<128xf32, #tpu.memory_space<vmem>>, vector<16xf32>,
    tpu.vector_store %arg12[%swap3A_1356], %gather3A_1355 {strides = array<i32>} : memref<128xf32, #tpu.memory_space<vmem>>, vector<16xf32>,
    %iota3A_1358 = tpu.iota {dimensions = array<i32: 0>} : vector<16xi32>
    %add3A_1359 = arith.constant 80 : i32
    %add3A_1360 = vector.broadcast %add3A_1359 : i32 to vector<16xi32>
    %add3A_1361 = arith.addi %iota3A_1358, %add3A_1360 : vector<16xi32>
    %get3A_1362 = arith.constant 464 : index
    %get3A_1363 = tpu.vector_load %arg11[%get3A_1362] {strides = array<i32>} : memref<512xi32, #tpu.memory_space<vmem>>, vector<16xi32>,
    %gather3A_1364 = tpu.vector_load_idx %arg14[%add3A_1361, %get3A_1363] : memref<128x128xf32, #tpu.memory_space<vmem>>[vector<16xi32>, vector<16xi32>], vector<16xf32>,
    %swap3A_1365 = arith.constant 80 : index
    %swap3A_1366 = tpu.vector_load %arg12[%swap3A_1365] {strides = array<i32>} : memref<128xf32, #tpu.memory_space<vmem>>, vector<16xf32>,
    tpu.vector_store %arg12[%swap3A_1365], %gather3A_1364 {strides = array<i32>} : memref<128xf32, #tpu.memory_space<vmem>>, vector<16xf32>,
    %iota3A_1367 = tpu.iota {dimensions = array<i32: 0>} : vector<16xi32>
    %add3A_1368 = arith.constant 96 : i32
    %add3A_1369 = vector.broadcast %add3A_1368 : i32 to vector<16xi32>
    %add3A_1370 = arith.addi %iota3A_1367, %add3A_1369 : vector<16xi32>
    %get3A_1371 = arith.constant 480 : index
    %get3A_1372 = tpu.vector_load %arg11[%get3A_1371] {strides = array<i32>} : memref<512xi32, #tpu.memory_space<vmem>>, vector<16xi32>,
    %gather3A_1373 = tpu.vector_load_idx %arg14[%add3A_1370, %get3A_1372] : memref<128x128xf32, #tpu.memory_space<vmem>>[vector<16xi32>, vector<16xi32>], vector<16xf32>,
    %swap3A_1374 = arith.constant 96 : index
    %swap3A_1375 = tpu.vector_load %arg12[%swap3A_1374] {strides = array<i32>} : memref<128xf32, #tpu.memory_space<vmem>>, vector<16xf32>,
    tpu.vector_store %arg12[%swap3A_1374], %gather3A_1373 {strides = array<i32>} : memref<128xf32, #tpu.memory_space<vmem>>, vector<16xf32>,
    %iota3A_1376 = tpu.iota {dimensions = array<i32: 0>} : vector<16xi32>
    %add3A_1377 = arith.constant 112 : i32
    %add3A_1378 = vector.broadcast %add3A_1377 : i32 to vector<16xi32>
    %add3A_1379 = arith.addi %iota3A_1376, %add3A_1378 : vector<16xi32>
    %get3A_1380 = arith.constant 496 : index
    %get3A_1381 = tpu.vector_load %arg11[%get3A_1380] {strides = array<i32>} : memref<512xi32, #tpu.memory_space<vmem>>, vector<16xi32>,
    %gather3A_1382 = tpu.vector_load_idx %arg14[%add3A_1379, %get3A_1381] : memref<128x128xf32, #tpu.memory_space<vmem>>[vector<16xi32>, vector<16xi32>], vector<16xf32>,
    %swap3A_1383 = arith.constant 112 : index
    %swap3A_1384 = tpu.vector_load %arg12[%swap3A_1383] {strides = array<i32>} : memref<128xf32, #tpu.memory_space<vmem>>, vector<16xf32>,
    tpu.vector_store %arg12[%swap3A_1383], %gather3A_1382 {strides = array<i32>} : memref<128xf32, #tpu.memory_space<vmem>>, vector<16xf32>,
    %add3A_1385 = arith.constant 384 : i32
    %add3A_1386 = arith.addi %mul3A_2, %add3A_1385 : i32
    "tpu.region"() ({
      %run_scoped3A = tpu.sem_alloc : memref<!tpu.dma_semaphore, #tpu.memory_space<semaphore_mem>>
      %dma_start3A_1387 = tpu.memref_slice %arg8[%add3A_1386] : memref<16384xf32, #tpu.memory_space<hbm>> -> memref<128xf32, #tpu.memory_space<hbm>>
      %dma_start3A_1388 = tpu.memref_slice %arg8[%add3A_1386] : memref<16384xf32, #tpu.memory_space<hbm>> -> memref<128xf32, #tpu.memory_space<hbm>>
      tpu.enqueue_dma source(%arg12 : memref<128xf32, #tpu.memory_space<vmem>>) target(%dma_start3A_1388 : memref<128xf32, #tpu.memory_space<hbm>>) target_semaphore(%run_scoped3A : memref<!tpu.dma_semaphore, #tpu.memory_space<semaphore_mem>>)
      %dma_wait3A_1389 = tpu.memref_slice %arg8[%add3A_1386] : memref<16384xf32, #tpu.memory_space<hbm>> -> memref<128xf32, #tpu.memory_space<hbm>>
      %dma_wait3A_1390 = tpu.memref_slice %arg8[%add3A_1386] : memref<16384xf32, #tpu.memory_space<hbm>> -> memref<128xf32, #tpu.memory_space<hbm>>
      tpu.wait_dma2 semaphore(%run_scoped3A : memref<!tpu.dma_semaphore, #tpu.memory_space<semaphore_mem>>) src(%arg12 : memref<128xf32, #tpu.memory_space<vmem>>) dst(%dma_wait3A_1390 : memref<128xf32, #tpu.memory_space<hbm>>)
      tpu.yield
    }) : () -> ()
    return
  }
}

module attributes {stable_mosaic.version = 14 : i64} {
  func.func @body(%arg0: i32, %arg1: memref<64x32768xf32, #tpu.memory_space<vmem>>, %arg2: memref<3x64xf32, #tpu.memory_space<vmem>>, %arg3: memref<256x128xf32, #tpu.memory_space<vmem>>, %arg4: memref<256x128xf32, #tpu.memory_space<vmem>>, %arg5: memref<256x128xf32, #tpu.memory_space<vmem>>) attributes {dimension_semantics = [#tpu.dimension_semantics<arbitrary>], iteration_bounds = array<i64: 4>, scalar_prefetch = 0 : i64, scratch_operands = 0 : i64, tpu.core_type = #tpu.core_type<tc>, window_params = [{transform_indices = @transform_0, window_bounds = array<i64: 64, 32768>}, {pipeline_mode = #tpu.pipeline_mode<synchronous>, transform_indices = @transform_1, window_bounds = array<i64: 3, 64>}, {transform_indices = @transform_2, window_bounds = array<i64: 256, 128>}, {transform_indices = @transform_3, window_bounds = array<i64: 256, 128>}, {transform_indices = @transform_4, window_bounds = array<i64: 256, 128>}]} {
    %get3A = arith.constant 0 : index
    %get3A_0 = arith.constant 0 : index
    %get3A_1 = vector.load %arg2[%get3A, %get3A_0] : memref<3x64xf32, #tpu.memory_space<vmem>>, vector<3x64xf32>
    %get3A_2 = arith.constant 0 : index
    %get3A_3 = arith.constant 0 : index
    %get3A_4 = vector.load %arg1[%get3A_2, %get3A_3] : memref<64x32768xf32, #tpu.memory_space<vmem>>, vector<64x32768xf32>
    %dot_general3A = arith.constant dense<0.000000e+00> : vector<3x32768xf32>
    %dot_general3A_5 = tpu.matmul %get3A_1, %get3A_4, %dot_general3A {dimension_numbers = #tpu.dot_dimension_numbers<[1], [0], [0], [1], [0, 0, 1, 1], [], []>, transpose_lhs_hint = false} : vector<3x64xf32>, vector<64x32768xf32>, vector<3x32768xf32> -> vector<3x32768xf32>
    %slice3A = vector.extract_strided_slice %dot_general3A_5 {offsets = [0, 0], sizes = [1, 32768], strides = [1, 1]} : vector<3x32768xf32> to vector<1x32768xf32>
    %reshape3A = vector.shape_cast %slice3A : vector<1x32768xf32> to vector<256x128xf32>
    %swap3A = arith.constant 0 : index
    %swap3A_6 = arith.constant 0 : index
    %swap3A_7 = vector.load %arg3[%swap3A, %swap3A_6] : memref<256x128xf32, #tpu.memory_space<vmem>>, vector<256x128xf32>
    tpu.vector_store %arg3[%swap3A, %swap3A_6], %reshape3A {strides = array<i32>} : memref<256x128xf32, #tpu.memory_space<vmem>>, vector<256x128xf32>,
    %slice3A_8 = vector.extract_strided_slice %dot_general3A_5 {offsets = [1, 0], sizes = [1, 32768], strides = [1, 1]} : vector<3x32768xf32> to vector<1x32768xf32>
    %reshape3A_9 = vector.shape_cast %slice3A_8 : vector<1x32768xf32> to vector<256x128xf32>
    %swap3A_10 = arith.constant 0 : index
    %swap3A_11 = arith.constant 0 : index
    %swap3A_12 = vector.load %arg4[%swap3A_10, %swap3A_11] : memref<256x128xf32, #tpu.memory_space<vmem>>, vector<256x128xf32>
    tpu.vector_store %arg4[%swap3A_10, %swap3A_11], %reshape3A_9 {strides = array<i32>} : memref<256x128xf32, #tpu.memory_space<vmem>>, vector<256x128xf32>,
    %slice3A_13 = vector.extract_strided_slice %dot_general3A_5 {offsets = [2, 0], sizes = [1, 32768], strides = [1, 1]} : vector<3x32768xf32> to vector<1x32768xf32>
    %reshape3A_14 = vector.shape_cast %slice3A_13 : vector<1x32768xf32> to vector<256x128xf32>
    %swap3A_15 = arith.constant 0 : index
    %swap3A_16 = arith.constant 0 : index
    %swap3A_17 = vector.load %arg5[%swap3A_15, %swap3A_16] : memref<256x128xf32, #tpu.memory_space<vmem>>, vector<256x128xf32>
    tpu.vector_store %arg5[%swap3A_15, %swap3A_16], %reshape3A_14 {strides = array<i32>} : memref<256x128xf32, #tpu.memory_space<vmem>>, vector<256x128xf32>,
    return
  }
  func.func @transform_0(%arg0: i32) -> (i32, i32) {
    %c0_i32 = arith.constant 0 : i32
    %c0_i32_0 = arith.constant 0 : i32
    return %c0_i32, %arg0 : i32, i32
  }
  func.func @transform_1(%arg0: i32) -> (i32, i32) {
    %c0_i32 = arith.constant 0 : i32
    %c0_i32_0 = arith.constant 0 : i32
    %c0_i32_1 = arith.constant 0 : i32
    return %c0_i32, %c0_i32_0 : i32, i32
  }
  func.func @transform_2(%arg0: i32) -> (i32, i32) {
    %c0_i32 = arith.constant 0 : i32
    %c0_i32_0 = arith.constant 0 : i32
    return %arg0, %c0_i32 : i32, i32
  }
  func.func @transform_3(%arg0: i32) -> (i32, i32) {
    %c0_i32 = arith.constant 0 : i32
    %c0_i32_0 = arith.constant 0 : i32
    return %arg0, %c0_i32 : i32, i32
  }
  func.func @transform_4(%arg0: i32) -> (i32, i32) {
    %c0_i32 = arith.constant 0 : i32
    %c0_i32_0 = arith.constant 0 : i32
    return %arg0, %c0_i32 : i32, i32
  }
}

module attributes {stable_mosaic.version = 14 : i64} {
  func.func @body(%arg0: i32, %arg1: memref<64x32768xf32, #tpu.memory_space<vmem>>, %arg2: memref<3x64xf32, #tpu.memory_space<vmem>>, %arg3: memref<256x128xf32, #tpu.memory_space<vmem>>, %arg4: memref<256x128xf32, #tpu.memory_space<vmem>>, %arg5: memref<256x128xf32, #tpu.memory_space<vmem>>) attributes {dimension_semantics = [#tpu.dimension_semantics<arbitrary>], iteration_bounds = array<i64: 31>, scalar_prefetch = 0 : i64, scratch_operands = 0 : i64, tpu.core_type = #tpu.core_type<tc>, window_params = [{transform_indices = @transform_0, window_bounds = array<i64: 64, 32768>}, {pipeline_mode = #tpu.pipeline_mode<synchronous>, transform_indices = @transform_1, window_bounds = array<i64: 3, 64>}, {transform_indices = @transform_2, window_bounds = array<i64: 256, 128>}, {transform_indices = @transform_3, window_bounds = array<i64: 256, 128>}, {transform_indices = @transform_4, window_bounds = array<i64: 256, 128>}]} {
    %get3A = arith.constant 0 : index
    %get3A_0 = arith.constant 0 : index
    %get3A_1 = vector.load %arg2[%get3A, %get3A_0] : memref<3x64xf32, #tpu.memory_space<vmem>>, vector<3x64xf32>
    %get3A_2 = arith.constant 0 : index
    %get3A_3 = arith.constant 0 : index
    %get3A_4 = vector.load %arg1[%get3A_2, %get3A_3] : memref<64x32768xf32, #tpu.memory_space<vmem>>, vector<64x32768xf32>
    %dot_general3A = arith.constant dense<0.000000e+00> : vector<3x32768xf32>
    %dot_general3A_5 = tpu.matmul %get3A_1, %get3A_4, %dot_general3A {dimension_numbers = #tpu.dot_dimension_numbers<[1], [0], [0], [1], [0, 0, 1, 1], [], []>, transpose_lhs_hint = false} : vector<3x64xf32>, vector<64x32768xf32>, vector<3x32768xf32> -> vector<3x32768xf32>
    %slice3A = vector.extract_strided_slice %dot_general3A_5 {offsets = [0, 0], sizes = [1, 32768], strides = [1, 1]} : vector<3x32768xf32> to vector<1x32768xf32>
    %reshape3A = vector.shape_cast %slice3A : vector<1x32768xf32> to vector<256x128xf32>
    %swap3A = arith.constant 0 : index
    %swap3A_6 = arith.constant 0 : index
    %swap3A_7 = vector.load %arg3[%swap3A, %swap3A_6] : memref<256x128xf32, #tpu.memory_space<vmem>>, vector<256x128xf32>
    tpu.vector_store %arg3[%swap3A, %swap3A_6], %reshape3A {strides = array<i32>} : memref<256x128xf32, #tpu.memory_space<vmem>>, vector<256x128xf32>,
    %slice3A_8 = vector.extract_strided_slice %dot_general3A_5 {offsets = [1, 0], sizes = [1, 32768], strides = [1, 1]} : vector<3x32768xf32> to vector<1x32768xf32>
    %reshape3A_9 = vector.shape_cast %slice3A_8 : vector<1x32768xf32> to vector<256x128xf32>
    %swap3A_10 = arith.constant 0 : index
    %swap3A_11 = arith.constant 0 : index
    %swap3A_12 = vector.load %arg4[%swap3A_10, %swap3A_11] : memref<256x128xf32, #tpu.memory_space<vmem>>, vector<256x128xf32>
    tpu.vector_store %arg4[%swap3A_10, %swap3A_11], %reshape3A_9 {strides = array<i32>} : memref<256x128xf32, #tpu.memory_space<vmem>>, vector<256x128xf32>,
    %slice3A_13 = vector.extract_strided_slice %dot_general3A_5 {offsets = [2, 0], sizes = [1, 32768], strides = [1, 1]} : vector<3x32768xf32> to vector<1x32768xf32>
    %reshape3A_14 = vector.shape_cast %slice3A_13 : vector<1x32768xf32> to vector<256x128xf32>
    %swap3A_15 = arith.constant 0 : index
    %swap3A_16 = arith.constant 0 : index
    %swap3A_17 = vector.load %arg5[%swap3A_15, %swap3A_16] : memref<256x128xf32, #tpu.memory_space<vmem>>, vector<256x128xf32>
    tpu.vector_store %arg5[%swap3A_15, %swap3A_16], %reshape3A_14 {strides = array<i32>} : memref<256x128xf32, #tpu.memory_space<vmem>>, vector<256x128xf32>,
    return
  }
  func.func @transform_0(%arg0: i32) -> (i32, i32) {
    %c0_i32 = arith.constant 0 : i32
    %c0_i32_0 = arith.constant 0 : i32
    return %c0_i32, %arg0 : i32, i32
  }
  func.func @transform_1(%arg0: i32) -> (i32, i32) {
    %c0_i32 = arith.constant 0 : i32
    %c0_i32_0 = arith.constant 0 : i32
    %c0_i32_1 = arith.constant 0 : i32
    return %c0_i32, %c0_i32_0 : i32, i32
  }
  func.func @transform_2(%arg0: i32) -> (i32, i32) {
    %c0_i32 = arith.constant 0 : i32
    %c0_i32_0 = arith.constant 0 : i32
    return %arg0, %c0_i32 : i32, i32
  }
  func.func @transform_3(%arg0: i32) -> (i32, i32) {
    %c0_i32 = arith.constant 0 : i32
    %c0_i32_0 = arith.constant 0 : i32
    return %arg0, %c0_i32 : i32, i32
  }
  func.func @transform_4(%arg0: i32) -> (i32, i32) {
    %c0_i32 = arith.constant 0 : i32
    %c0_i32_0 = arith.constant 0 : i32
    return %arg0, %c0_i32 : i32, i32
  }
}

module attributes {stable_mosaic.version = 14 : i64} {
  func.func @body(%arg0: i32, %arg1: memref<16x128xf32, #tpu.memory_space<vmem>>, %arg2: memref<16x128xf32, #tpu.memory_space<vmem>>, %arg3: memref<16x128xf32, #tpu.memory_space<vmem>>, %arg4: memref<16x128xf32, #tpu.memory_space<vmem>>, %arg5: memref<16x128xf32, #tpu.memory_space<vmem>>, %arg6: memref<16x128xf32, #tpu.memory_space<vmem>>, %arg7: memref<2048x128xf32, #tpu.memory_space<vmem>>, %arg8: memref<64x128xf32, #tpu.memory_space<vmem>>, %arg9: memref<64x1xf32, #tpu.memory_space<vmem>>, %arg10: memref<3x192xf32, #tpu.memory_space<vmem>>, %arg11: memref<3x1xf32, #tpu.memory_space<vmem>>, %arg12: memref<3x2048xf32, #tpu.memory_space<vmem>>) attributes {dimension_semantics = [#tpu.dimension_semantics<arbitrary>], iteration_bounds = array<i64: 8>, scalar_prefetch = 0 : i64, scratch_operands = 0 : i64, tpu.core_type = #tpu.core_type<tc>, window_params = [{transform_indices = @transform_0, window_bounds = array<i64: 16, 128>}, {transform_indices = @transform_1, window_bounds = array<i64: 16, 128>}, {transform_indices = @transform_2, window_bounds = array<i64: 16, 128>}, {transform_indices = @transform_3, window_bounds = array<i64: 16, 128>}, {transform_indices = @transform_4, window_bounds = array<i64: 16, 128>}, {transform_indices = @transform_5, window_bounds = array<i64: 16, 128>}, {transform_indices = @transform_6, window_bounds = array<i64: 2048, 128>}, {pipeline_mode = #tpu.pipeline_mode<synchronous>, transform_indices = @transform_7, window_bounds = array<i64: 64, 128>}, {pipeline_mode = #tpu.pipeline_mode<synchronous>, transform_indices = @transform_8, window_bounds = array<i64: 64, 1>}, {pipeline_mode = #tpu.pipeline_mode<synchronous>, transform_indices = @transform_9, window_bounds = array<i64: 3, 192>}, {pipeline_mode = #tpu.pipeline_mode<synchronous>, transform_indices = @transform_10, window_bounds = array<i64: 3, 1>}, {transform_indices = @transform_11, window_bounds = array<i64: 3, 2048>}]} {
    %get3A = arith.constant 0 : index
    %get3A_0 = arith.constant 0 : index
    %get3A_1 = vector.load %arg1[%get3A, %get3A_0] : memref<16x128xf32, #tpu.memory_space<vmem>>, vector<16x128xf32>
    %get3A_2 = arith.constant 0 : index
    %get3A_3 = arith.constant 0 : index
    %get3A_4 = vector.load %arg4[%get3A_2, %get3A_3] : memref<16x128xf32, #tpu.memory_space<vmem>>, vector<16x128xf32>
    %add3A = arith.addf %get3A_1, %get3A_4 : vector<16x128xf32>
    %reshape3A = vector.shape_cast %add3A : vector<16x128xf32> to vector<1x2048xf32>
    %get3A_5 = arith.constant 0 : index
    %get3A_6 = arith.constant 0 : index
    %get3A_7 = vector.load %arg2[%get3A_5, %get3A_6] : memref<16x128xf32, #tpu.memory_space<vmem>>, vector<16x128xf32>
    %get3A_8 = arith.constant 0 : index
    %get3A_9 = arith.constant 0 : index
    %get3A_10 = vector.load %arg5[%get3A_8, %get3A_9] : memref<16x128xf32, #tpu.memory_space<vmem>>, vector<16x128xf32>
    %add3A_11 = arith.addf %get3A_7, %get3A_10 : vector<16x128xf32>
    %reshape3A_12 = vector.shape_cast %add3A_11 : vector<16x128xf32> to vector<1x2048xf32>
    %get3A_13 = arith.constant 0 : index
    %get3A_14 = arith.constant 0 : index
    %get3A_15 = vector.load %arg3[%get3A_13, %get3A_14] : memref<16x128xf32, #tpu.memory_space<vmem>>, vector<16x128xf32>
    %get3A_16 = arith.constant 0 : index
    %get3A_17 = arith.constant 0 : index
    %get3A_18 = vector.load %arg6[%get3A_16, %get3A_17] : memref<16x128xf32, #tpu.memory_space<vmem>>, vector<16x128xf32>
    %add3A_19 = arith.addf %get3A_15, %get3A_18 : vector<16x128xf32>
    %reshape3A_20 = vector.shape_cast %add3A_19 : vector<16x128xf32> to vector<1x2048xf32>
    %concatenate3A = tpu.concatenate %reshape3A, %reshape3A_12, %reshape3A_20 in 0 : vector<1x2048xf32>, vector<1x2048xf32>, vector<1x2048xf32> -> vector<3x2048xf32>
    %get3A_21 = arith.constant 0 : index
    %get3A_22 = arith.constant 0 : index
    %get3A_23 = vector.load %arg8[%get3A_21, %get3A_22] : memref<64x128xf32, #tpu.memory_space<vmem>>, vector<64x128xf32>
    %get3A_24 = arith.constant 0 : index
    %get3A_25 = arith.constant 0 : index
    %get3A_26 = vector.load %arg7[%get3A_24, %get3A_25] : memref<2048x128xf32, #tpu.memory_space<vmem>>, vector<2048x128xf32>
    %dot_general3A = arith.constant dense<0.000000e+00> : vector<64x2048xf32>
    %dot_general3A_27 = tpu.matmul %get3A_23, %get3A_26, %dot_general3A {dimension_numbers = #tpu.dot_dimension_numbers<[1], [1], [0], [0], [0, 0, 1, 0], [], []>, transpose_lhs_hint = false} : vector<64x128xf32>, vector<2048x128xf32>, vector<64x2048xf32> -> vector<64x2048xf32>
    %get3A_28 = arith.constant 0 : index
    %get3A_29 = arith.constant 0 : index
    %get3A_30 = vector.load %arg9[%get3A_28, %get3A_29] : memref<64x1xf32, #tpu.memory_space<vmem>>, vector<64x1xf32>
    %add3A_31 = vector.broadcast %get3A_30 : vector<64x1xf32> to vector<64x2048xf32>
    %add3A_32 = arith.addf %dot_general3A_27, %add3A_31 : vector<64x2048xf32>
    %get3A_33 = arith.constant 0 : index
    %get3A_34 = arith.constant 0 : index
    %get3A_35 = vector.load %arg10[%get3A_33, %get3A_34] : memref<3x192xf32, #tpu.memory_space<vmem>>, vector<3x192xf32>
    %slice3A = vector.extract_strided_slice %get3A_35 {offsets = [0, 64], sizes = [3, 64], strides = [1, 1]} : vector<3x192xf32> to vector<3x64xf32>
    %dot_general3A_36 = arith.constant dense<0.000000e+00> : vector<3x2048xf32>
    %dot_general3A_37 = tpu.matmul %slice3A, %add3A_32, %dot_general3A_36 {dimension_numbers = #tpu.dot_dimension_numbers<[1], [0], [0], [1], [0, 0, 1, 1], [], []>, transpose_lhs_hint = false} : vector<3x64xf32>, vector<64x2048xf32>, vector<3x2048xf32> -> vector<3x2048xf32>
    %add3A_38 = arith.addf %concatenate3A, %dot_general3A_37 : vector<3x2048xf32>
    %get3A_39 = arith.constant 0 : index
    %get3A_40 = arith.constant 0 : index
    %get3A_41 = vector.load %arg11[%get3A_39, %get3A_40] : memref<3x1xf32, #tpu.memory_space<vmem>>, vector<3x1xf32>
    %add3A_42 = vector.broadcast %get3A_41 : vector<3x1xf32> to vector<3x2048xf32>
    %add3A_43 = arith.addf %add3A_38, %add3A_42 : vector<3x2048xf32>
    %swap3A = arith.constant 0 : index
    %swap3A_44 = arith.constant 0 : index
    %swap3A_45 = vector.load %arg12[%swap3A, %swap3A_44] : memref<3x2048xf32, #tpu.memory_space<vmem>>, vector<3x2048xf32>
    tpu.vector_store %arg12[%swap3A, %swap3A_44], %add3A_43 {strides = array<i32>} : memref<3x2048xf32, #tpu.memory_space<vmem>>, vector<3x2048xf32>,
    return
  }
  func.func @transform_0(%arg0: i32) -> (i32, i32) {
    %c0_i32 = arith.constant 0 : i32
    %c0_i32_0 = arith.constant 0 : i32
    return %arg0, %c0_i32 : i32, i32
  }
  func.func @transform_1(%arg0: i32) -> (i32, i32) {
    %c0_i32 = arith.constant 0 : i32
    %c0_i32_0 = arith.constant 0 : i32
    return %arg0, %c0_i32 : i32, i32
  }
  func.func @transform_2(%arg0: i32) -> (i32, i32) {
    %c0_i32 = arith.constant 0 : i32
    %c0_i32_0 = arith.constant 0 : i32
    return %arg0, %c0_i32 : i32, i32
  }
  func.func @transform_3(%arg0: i32) -> (i32, i32) {
    %c0_i32 = arith.constant 0 : i32
    %c0_i32_0 = arith.constant 0 : i32
    return %arg0, %c0_i32 : i32, i32
  }
  func.func @transform_4(%arg0: i32) -> (i32, i32) {
    %c0_i32 = arith.constant 0 : i32
    %c0_i32_0 = arith.constant 0 : i32
    return %arg0, %c0_i32 : i32, i32
  }
  func.func @transform_5(%arg0: i32) -> (i32, i32) {
    %c0_i32 = arith.constant 0 : i32
    %c0_i32_0 = arith.constant 0 : i32
    return %arg0, %c0_i32 : i32, i32
  }
  func.func @transform_6(%arg0: i32) -> (i32, i32) {
    %c0_i32 = arith.constant 0 : i32
    %c0_i32_0 = arith.constant 0 : i32
    return %arg0, %c0_i32 : i32, i32
  }
  func.func @transform_7(%arg0: i32) -> (i32, i32) {
    %c0_i32 = arith.constant 0 : i32
    %c0_i32_0 = arith.constant 0 : i32
    %c0_i32_1 = arith.constant 0 : i32
    return %c0_i32, %c0_i32_0 : i32, i32
  }
  func.func @transform_8(%arg0: i32) -> (i32, i32) {
    %c0_i32 = arith.constant 0 : i32
    %c0_i32_0 = arith.constant 0 : i32
    %c0_i32_1 = arith.constant 0 : i32
    return %c0_i32, %c0_i32_0 : i32, i32
  }
  func.func @transform_9(%arg0: i32) -> (i32, i32) {
    %c0_i32 = arith.constant 0 : i32
    %c0_i32_0 = arith.constant 0 : i32
    %c0_i32_1 = arith.constant 0 : i32
    return %c0_i32, %c0_i32_0 : i32, i32
  }
  func.func @transform_10(%arg0: i32) -> (i32, i32) {
    %c0_i32 = arith.constant 0 : i32
    %c0_i32_0 = arith.constant 0 : i32
    %c0_i32_1 = arith.constant 0 : i32
    return %c0_i32, %c0_i32_0 : i32, i32
  }
  func.func @transform_11(%arg0: i32) -> (i32, i32) {
    %c0_i32 = arith.constant 0 : i32
    %c0_i32_0 = arith.constant 0 : i32
    return %c0_i32, %arg0 : i32, i32
  }
}

</mosaic_0001>

<sc_bundles>
// kernel: kernel.10.cloned.1.call-start
scs
__scs_entry_jumppad:
0x0: {  	(pc) =	sbr.rel $0x88, $3  }
0x1: {  	(tag) =	ssettag $0x0;
	lr =	simm.s32 $0x1  }
0x2: {  	[smem:$0x3F98] =	sst lr;
	_ =	strace $0xD0000000  }
0x3: {  	_ = 	snop  }
0x4: {  	_ = 	snop  }
0x5: {  	_ = 	snop  }
0x6: {  	_ = 	snop  }
0x7: {  	_ = 	snop  }
__scs_overlays_trampoline_lowered:
0x8: {  	[smem:$0x3FA7] =	sst s0  }
0x9: {  	[smem:$0x3FA8] =	sst s1  }
0xa: {  	[smem:$0x3FA9] =	sst s2  }
0xb: {  	[smem:$0x3FAA] =	sst s3  }
0xc: {  	[smem:$0x3FAB] =	sst s4  }
0xd: {  	[smem:$0x3FAC] =	sst s5  }
0xe: {  	[smem:$0x3FAD] =	sst s6  }
0xf: {  	[smem:$0x3FAE] =	sst s7  }
0x10: {  	[smem:$0x3FAF] =	sst s8  }
0x11: {  	[smem:$0x3FB0] =	sst s9;
	s0 =	simm.s32 @!p0 $0x0  }
0x12: {  	s1 =	sld [smem:$0x3F96];
	s0 =	simm.s32 @p0 $0x1  }
0x13: {  	[smem:$0x3FB1] =	sst s0;
	s0 =	simm.s32 @!p1 $0x0  }
0x14: {  	s2 =	sld [smem:$0x3F95];
	s0 =	simm.s32 @p1 $0x1  }
0x15: {  	[smem:$0x3FB2] =	sst s0;
	s0 =	simm.s32 @!p2 $0x0  }
0x16: {  	s3 =	sld [smem:$0x3FDB];
	s0 =	simm.s32 @p2 $0x1  }
0x17: {  	s4 =	simm.s32 $0x1BF5;
	[smem:$0x3FB4] =	sst s0  }
0x18: {  	s0 =	sld [smem:$0x3F97];
	_ =	swait.ge [sflag:s4], $0x0  }
0x19: {  	s7 =	sld [smem:$0x3F98]  }
0x1a: {  	s8 =	sadd.s32 $0xFFFFE003, lr  }
0x1b: {  	s9 =	sadd.s32 $0xFFFFFEF7, lr;
	s5 =	simm.s32 $0xFFFFFFFF;
	p2 =	slt.u32 s8, $0xFFFFF086  }
0x1c: {  	p1 =	slt.u32 s9, $0xF7A;
	s5 =	simm.s32 @!p2 $0x0  }
0x1d: {  	s5 =	simm.s32 @p1 $0x1;
	p0 =	seq.s32 s7, s2  }
0x1e: {  	s7 =	smul.u32 @!p0 $0xF7A, s2;
	p2 =	seq.s32 @!p0 s5, $0x0  }
0x1f: {  	s9 =	smul.u32 $0xF7A, s1;
	s8 =	simm.s32 @!p0 $0x1BF5;
	p2 =	por !p2, p0  }
0x20: {  	[sflag:s8] =	ssyncset.s32 @!p0 $0xFFFFF086;
	s6 =	sadd.s32 @!p0 s3, s7;
	s7 =	simm.s32 @!p0 $0x108  }
0x21: {  	s3 =	sadd.s32 s3, s9;
	s6 =	sadd.s32 @!p0 $0x88, s6;
	s7 =	simm.s32 @p2 $0x1082  }
0x22: {  	[simem:s7], [sflag:s8] =	dma.local @!p0 [hbm:s6], $0xF7A  }
0x23: {  	s9 =	sor.u32 $0xD0000000, s2;
	s6 =	simm.s32 $0x108;
	_ =	swait.ge @!p0 [sflag:s8], $0x0  }
0x24: {  	s3 =	sadd.s32 $0x88, s3;
	s6 =	simm.s32 @!p1 $0x1082;
	[sflag:s4] =	ssyncset.s32 $0xFFFFF086  }
0x25: {  	[simem:s6], [sflag:s4] =	dma.local [hbm:s3], $0xF7A  }
0x26: {  	[smem:$0x3F98] =	sst s1;
	(tag) =	ssettag s2;
	_ =	strace s9  }
0x27: {  	s1 =	sld [smem:$0x3FA8]  }
0x28: {  	s2 =	sld [smem:$0x3FA9]  }
0x29: {  	s4 =	sld [smem:$0x3FAB]  }
0x2a: {  	p0 =	seq.s32 s5, $0x0;
	s5 =	sld [smem:$0x3FAC]  }
0x2b: {  	s6 =	sld [smem:$0x3FAD]  }
0x2c: {  	s7 =	sld [smem:$0x3FAE]  }
0x2d: {  	s3 =	simm.s32 $0x108;
	s8 =	sld [smem:$0x3FAF]  }
0x2e: {  	s3 =	simm.s32 @!p0 $0x1082;
	s9 =	sld [smem:$0x3FB0]  }
0x2f: {  	lr =	sadd.s32 s0, s3;
	s0 =	sld [smem:$0x3FA7]  }
0x30: {  	s3 =	sld [smem:$0x3FAA]  }
0x31: {  	[smem:$0x3FB3] =	sst s10  }
0x32: {  	s10 =	sld [smem:$0x3FB1];
	_ =	sdelay $0x3  }
0x33: {  	p0 =	seq.s32 s10, $0x1;
	s10 =	sld [smem:$0x3FB3];
	_ =	sdelay $0x3  }
0x34: {  	[smem:$0x3FB3] =	sst s10  }
0x35: {  	s10 =	sld [smem:$0x3FB2];
	_ =	sdelay $0x3  }
0x36: {  	p1 =	seq.s32 s10, $0x1;
	s10 =	sld [smem:$0x3FB3];
	_ =	sdelay $0x3  }
0x37: {  	[smem:$0x3FB3] =	sst s10  }
0x38: {  	s10 =	sld [smem:$0x3FB4]  }
0x39: {  	_ = 	snop;
	(pc) =	sbr.ind lr, $3  }
0x3a: {  	_ = 	snop  }
0x3b: {  	_ = 	snop  }
0x3c: {  	p2 =	seq.s32 s10, $0x1;
	s10 =	sld [smem:$0x3FB3]  }
0x3d: {  	_ =	shalt  }
0x3e: {  	_ =	shalt  }
0x3f: {  	_ =	shalt  }
0x40: {  	_ =	shalt  }
0x41: {  	_ =	shalt  }
0x42: {  	_ =	shalt  }
0x43: {  	_ =	shalt  }
0x44: {  	_ =	shalt  }
0x45: {  	_ =	shalt  }
0x46: {  	_ =	shalt  }
0x47: {  	_ =	shalt  }
0x48: {  	_ =	shalt  }
0x49: {  	_ =	shalt  }
0x4a: {  	_ =	shalt  }
0x4b: {  	_ =	shalt  }
0x4c: {  	_ =	shalt  }
0x4d: {  	_ =	shalt  }
0x4e: {  	_ =	shalt  }
0x4f: {  	_ =	shalt  }
0x50: {  	_ =	shalt  }
0x51: {  	_ =	shalt  }
0x52: {  	_ =	shalt  }
0x53: {  	_ =	shalt  }
0x54: {  	_ =	shalt  }
0x55: {  	_ =	shalt  }
0x56: {  	_ =	shalt  }
0x57: {  	_ =	shalt  }
0x58: {  	_ =	shalt  }
0x59: {  	_ =	shalt  }
0x5a: {  	_ =	shalt  }
0x5b: {  	_ =	shalt  }
0x5c: {  	_ =	shalt  }
0x5d: {  	_ =	shalt  }
0x5e: {  	_ =	shalt  }
0x5f: {  	_ =	shalt  }
0x60: {  	_ =	shalt  }
0x61: {  	_ =	shalt  }
0x62: {  	_ =	shalt  }
0x63: {  	_ =	shalt  }
0x64: {  	_ =	shalt  }
0x65: {  	_ =	shalt  }
0x66: {  	_ =	shalt  }
0x67: {  	_ =	shalt  }
0x68: {  	_ =	shalt  }
0x69: {  	_ =	shalt  }
0x6a: {  	_ =	shalt  }
0x6b: {  	_ =	shalt  }
0x6c: {  	_ =	shalt  }
0x6d: {  	_ =	shalt  }
0x6e: {  	_ =	shalt  }
0x6f: {  	_ =	shalt  }
0x70: {  	_ =	shalt  }
0x71: {  	_ =	shalt  }
0x72: {  	_ =	shalt  }
0x73: {  	_ =	shalt  }
0x74: {  	_ =	shalt  }
0x75: {  	_ =	shalt  }
0x76: {  	_ =	shalt  }
0x77: {  	_ =	shalt  }
0x78: {  	_ =	shalt  }
0x79: {  	_ =	shalt  }
0x7a: {  	_ =	shalt  }
0x7b: {  	_ =	shalt  }
0x7c: {  	_ =	shalt  }
0x7d: {  	_ =	shalt  }
0x7e: {  	_ =	shalt  }
0x7f: {  	_ =	shalt  }
0x80: {  	_ =	shalt  }
0x81: {  	_ =	shalt  }
0x82: {  	_ =	shalt  }
0x83: {  	_ =	shalt  }
0x84: {  	_ =	shalt  }
0x85: {  	_ =	shalt  }
0x86: {  	_ =	shalt  }
0x87: {  	_ =	shalt  }
.Lfunc_end0:
.L_simem_size_0:
called_computation.1_lowered:
.L_overlay_start_0:
0x88: {  	s2 =	sld [smem:$0x3FD9]  }
0x89: {  	s3 =	sld [smem:$0x3FFE];
	_ =	sdelay $0x1  }
0x8a: {  	s1 =	srdreg.scid  }
0x8b: {  	s0 =	sand.u32 $0x1, s1  }
0x8c: {  	s17 =	sshll.u32 s0, $0xA;
	s2 =	sadd.s32 s3, s2  }
0x8d: {  	s2 =	sadd.s32 s2, s17  }
0x8e: {  	[smem:$0x3FBF] =	sst s2  }
0x8f: {  	_ = 	snop  }
0x90: {  	s2 =	sld [smem:$0x3FC9];
	(tm) =	ssettm $0x1  }
0x91: {  	s18 =	sld [smem:$0x3FFB];
	_ =	sdelay $0x3  }
0x92: {  	_ =	strace s18  }
0x93: {  	s3 =	sld [smem:$0x3FFC];
	_ =	sdelay $0x3  }
0x94: {  	_ =	strace s3  }
0x95: {  	s3 =	sld [smem:$0x3FFD];
	_ =	sdelay $0x3  }
0x96: {  	_ =	strace s3  }
0x97: {  	_ =	strace $0x8FFFFFFF  }
0x98: {  	s19 =	sld [smem:$0x3FDB];
	_ =	sdelay $0x1  }
0x99: {  	s4 =	simm.s32 $_scs_section_size  }
0x9a: {  	s5 =	simm.s32 $_size__tile_overlayer_lowered;
	s6 =	simm.s32 $_tile_overlayer_lowered  }
0x9b: {  	s22 =	simm.s32 $0x1BFF;
	s21 =	sshll.u32 s6, $0x1;
	s3 =	sadd.s32 s4, s19  }
0x9c: {  	s7 =	simm.s32 $0x0;
	s20 =	sshll.u32 s5, $0x1;
	s5 =	sadd.s32 s21, s3  }
0x9d: {  	[timem:s7], [sflag:s22] =	dma.local [hbm:s5], s20  }
0x9e: {  	_ =	swait.ge [sflag:s22], s20  }
0x9f: {  	s4 =	ssub.s32 $0x0, s20;
	[sflag:s22] =	ssyncset.done $0x0  }
0xa0: {  	[sflag:s22] =	ssyncadd.s32 s4;
	_ =	sdelay $0x1  }
0xa1: {  	s23 =	simm.s32 $0x1B8B  }
0xa2: {  	_ =	swait.ge [sflag:s23], $0x1  }
0xa3: {  	[sflag:s23] =	ssyncset.done $0x0  }
0xa4: {  	s25 =	simm.s32 $0x1B8E;
	s24 =	sld [smem:$0x3FFE];
	[sflag:s23] =	ssyncadd.s32 $0xFFFFFFFF  }
0xa5: {  	s26 =	simm.s32 $execute0_lowered;
	[smem:$0x3FD2] =	sst s25  }
0xa6: {  	s5 =	sshll.u32 s26, $0x1;
	_ =	strace $0x80000046;
	[dreg:$0x1] =	wrdreg $0xFFFFFFFF  }
0xa7: {  	s28 =	simm.s32 $_size_execute0_lowered;
	s3 =	sadd.s32 s3, s5;
	[dreg:$0x0] =	wrdreg $0x0  }
0xa8: {  	s5 =	sshll.u32 s28, $0x1;
	[dreg:$0x2] =	wrdreg s3  }
0xa9: {  	[dreg:$0x3] =	wrdreg s5  }
0xaa: {  	[dreg:$0x4] =	wrdreg $0xC0  }
0xab: {  	_ =	task [dreg:s7], $0x5FFFF  }
0xac: {  	[dreg:$0x1] =	wrdreg $0xFFFFFFFF  }
0xad: {  	[dreg:$0x0] =	wrdreg $0x60  }
0xae: {  	[dreg:$0x2] =	wrdreg s24  }
0xaf: {  	[dreg:$0x3] =	wrdreg s2  }
0xb0: {  	[dreg:$0x4] =	wrdreg $0xA  }
0xb1: {  	_ =	task.clear_ibuf [dreg:s7], $0x5FFFF;
	_ =	strace $0x90000046  }
0xb2: {  	s29 =	simm.s32 $0xA;
	_ =	strace $0x80000048  }
0xb3: {  	_ =	swait.ge [sflag:s29], $0x1  }
0xb4: {  	[sflag:s29] =	ssyncadd.s32 $0xFFFFFFFF  }
0xb5: {  	_ =	strace $0x90000048  }
0xb6: {  	_ =	sfence  }
0xb7: {  	s30 =	sld [smem:$0x0];
	_ =	sdelay $0x2  }
0xb8: {  	s31 =	sshll.u32 s1, $0xD;
	s1 =	sshrl.u32 s1, $0x2  }
0xb9: {  	s3 =	sand.u32 $0x4000, s31;
	s1 =	sadd.s32 s1, s30  }
0xba: {  	s0 =	sor.u32 s3, s0;
	s1 =	sshll.u32 s1, $0x11  }
0xbb: {  	s0 =	sor.u32 s1, s0  }
0xbc: {  	s0 =	sadd.s32 $0x8F2B, s0  }
0xbd: {  	[sflag:s0] =	ssyncadd.remote.s32 $0x1  }
0xbe: {  	_ =	sfence.sel $0xFFFF  }
0xbf: {  	[dreg:$0x0] =	wrdreg $0xFFFFFFFF;
	(pc) =	sbr.abs _section_cstart, $3  }
0xc0: {  	[dreg:$0x1] =	wrdreg $0xFFFFFFFF  }
0xc1: {  	_ =	task.clear_ibuf [dreg:s7], $0x2FFFF;
	_ =	strace $0x9FFFFFFF  }
0xc2: {  	(tm) =	ssettm $0x7FFFFFFF  }
0xc3: {  	_ =	shalt  }
tec
execute0_lowered:
.L_overlay_start_1:
0x0: {  	(tag) =	ssettag $0x1  }
0x1: {  	s6 =	rddreg [dreg:$0x0]  }
0x2: {  	s7 =	rddreg [dreg:$0x1]  }
0x3: {  	s0 =	rddreg [dreg:$0x2];
	s1 =	simm.s32 $0x0  }
0x4: {  	s8 =	srdreg.scid;
	s3 =	stileid.u32;
	s21 =	simm.s32 $0x80  }
0x5: {  	s22 =	simm.s32 $0x200;
	s23 =	simm.s32 $0x680;
	s24 =	simm.s32 $0x280  }
0x6: {  	s25 =	simm.s32 $0x4680;
	s26 =	simm.s32 $0x1;
	s28 =	simm.s32 $0x600  }
0x7: {  	s29 =	simm.s32 $0x300;
	s30 =	simm.s32 $0x2;
	s31 =	simm.s32 $0x380  }
0x8: {  	[smem:$0x7FF] =	sst s1;
	s2 =	sadd.s32 $0x3E00, s6;
	s4 =	sadd.s32 $0x22E00, s6  }
0x9: {  	s5 =	sadd.s32 $0x41E00, s6;
	s10 =	sadd.s32 $0x60E00, s6;
	s8 =	sand.u32 $0x1, s8  }
0xa: {  	s11 =	sshll.u32 s3, $0x7;
	s14 =	sadd.s32 $0x61600, s6;
	s9 =	ssub.s32 $0x2, s8  }
0xb: {  	s18 =	sadd.s32 $0x61E00, s6;
	s8 =	sshll.u32 s8, $0x6;
	s12 =	sshrl.u32 s9, $0x1  }
0xc: {  	_ =	strace $0x80000047;
	s15 =	sor.u32 s8, s11;
	s19 =	ssub.s32 s9, s12  }
0xd: {  	v0 =	vlaneseq.u32;
	s6 =	sadd.s32 s7, s15;
	s7 =	sadd.s32 s10, s15;
	s16 =	sor.u32 $0x10, s15  }
0xe: {  	v0 =	vmul.u32 $0x80, v0;
	s17 =	sor.u32 $0x20, s15;
	s20 =	sor.u32 $0x30, s15;
	s11 =	sadd.s32 s14, s15  }
0xf: {  	s15 =	sadd.s32 s18, s15;
	s8 =	sadd.s32 s10, s16;
	s9 =	sadd.s32 s10, s17  }
0x10: {  	v1 =	vor.u32 $0x800, v0;
	s10 =	sadd.s32 s10, s20;
	s12 =	sadd.s32 s14, s16;
	s13 =	sadd.s32 s14, s17  }
0x11: {  	v2 =	vor.u32 $0x1000, v0;
	v3 =	vor.u32 $0x1800, v0;
	v4 =	vor.u32 $0x2000, v0;
	s14 =	sadd.s32 s14, s20;
	s16 =	sadd.s32 s18, s16;
	s17 =	sadd.s32 s18, s17  }
0x12: {  	v5 =	vor.u32 $0x2800, v0;
	v6 =	vor.u32 $0x3000, v0;
	v7 =	vor.u32 $0x3800, v0;
	s18 =	sadd.s32 s18, s20;
	s19 =	smax.u32 s19, $0x1;
	s20 =	simm.s32 $0x3  }
.LBB2_1:
0x13: {  	[tilespmem:s1], [sflag:$0x3] =	stream.linear.gather [hbm4b:s6+s1], $0x200, $0x38;
	[tilespmem:$0x8680] =	vst v63  }
0x14: {  	_ =	swait.ge [sflag:s20], $0x200  }
0x15: {  	[sflag:s20] =	ssyncset.done $0x0  }
0x16: {  	[sflag:s20] =	ssyncadd.s32 $0xFFFFFE00  }
0x17: {  	v8 =	vld [tilespmem:$0x0];
	_ =	sdelay $0x1  }
0x18: {  	v9 =	vld [tilespmem:$0x10];
	_ =	sdelay $0x1  }
0x19: {  	v10 =	vld [tilespmem:$0x20]  }
0x1a: {  	v11 =	vshra.s32 v8, $0x7  }
0x1b: {  	v35 =	vld [tilespmem:$0x30];
	v8 =	vand.u32 $0x7F, v8;
	[tilespmem:$0x200] =	vst v11  }
0x1c: {  	[tilespmem:$0x400] =	vst v8;
	v8 =	vshra.s32 v9, $0x7  }
0x1d: {  	v36 =	vld [tilespmem:$0x40];
	[tilespmem:$0x210] =	vst v8;
	v8 =	vand.u32 $0x7F, v9  }
0x1e: {  	[tilespmem:$0x410] =	vst v8;
	v8 =	vshra.s32 v10, $0x7  }
0x1f: {  	v37 =	vld [tilespmem:$0x50];
	[tilespmem:$0x220] =	vst v8;
	v8 =	vand.u32 $0x7F, v10  }
0x20: {  	[tilespmem:$0x420] =	vst v8;
	v8 =	vshra.s32 v35, $0x7  }
0x21: {  	v38 =	vld [tilespmem:$0x60];
	[tilespmem:$0x230] =	vst v8;
	v8 =	vand.u32 $0x7F, v35  }
0x22: {  	[tilespmem:$0x430] =	vst v8;
	v8 =	vshra.s32 v36, $0x7  }
0x23: {  	v39 =	vld [tilespmem:$0x70];
	[tilespmem:$0x240] =	vst v8;
	v8 =	vand.u32 $0x7F, v36  }
0x24: {  	[tilespmem:$0x440] =	vst v8;
	v8 =	vshra.s32 v37, $0x7  }
0x25: {  	v40 =	vld [tilespmem:$0x80];
	[tilespmem:$0x250] =	vst v8;
	v8 =	vand.u32 $0x7F, v37  }
0x26: {  	[tilespmem:$0x450] =	vst v8;
	v8 =	vshra.s32 v38, $0x7  }
0x27: {  	v41 =	vld [tilespmem:$0x90];
	[tilespmem:$0x260] =	vst v8;
	v8 =	vand.u32 $0x7F, v38  }
0x28: {  	[tilespmem:$0x460] =	vst v8;
	v8 =	vshra.s32 v39, $0x7  }
0x29: {  	v42 =	vld [tilespmem:$0xA0];
	[tilespmem:$0x270] =	vst v8;
	v8 =	vand.u32 $0x7F, v39  }
0x2a: {  	[tilespmem:$0x470] =	vst v8;
	v8 =	vshra.s32 v40, $0x7  }
0x2b: {  	v43 =	vld [tilespmem:$0xB0];
	[tilespmem:$0x280] =	vst v8;
	v8 =	vand.u32 $0x7F, v40  }
0x2c: {  	[tilespmem:$0x480] =	vst v8;
	v8 =	vshra.s32 v41, $0x7  }
0x2d: {  	v44 =	vld [tilespmem:$0xC0];
	[tilespmem:$0x290] =	vst v8;
	v8 =	vand.u32 $0x7F, v41  }
0x2e: {  	[tilespmem:$0x490] =	vst v8;
	v8 =	vshra.s32 v42, $0x7  }
0x2f: {  	v45 =	vld [tilespmem:$0xD0];
	[tilespmem:$0x2A0] =	vst v8;
	v8 =	vand.u32 $0x7F, v42  }
0x30: {  	[tilespmem:$0x4A0] =	vst v8;
	v8 =	vshra.s32 v43, $0x7  }
0x31: {  	v46 =	vld [tilespmem:$0xE0];
	[tilespmem:$0x2B0] =	vst v8;
	v8 =	vand.u32 $0x7F, v43  }
0x32: {  	[tilespmem:$0x4B0] =	vst v8;
	v8 =	vshra.s32 v44, $0x7  }
0x33: {  	v47 =	vld [tilespmem:$0xF0];
	[tilespmem:$0x2C0] =	vst v8;
	v8 =	vand.u32 $0x7F, v44  }
0x34: {  	[tilespmem:$0x4C0] =	vst v8;
	v8 =	vshra.s32 v45, $0x7  }
0x35: {  	v48 =	vld [tilespmem:$0x100];
	[tilespmem:$0x2D0] =	vst v8;
	v8 =	vand.u32 $0x7F, v45  }
0x36: {  	[tilespmem:$0x4D0] =	vst v8;
	v8 =	vshra.s32 v46, $0x7  }
0x37: {  	v49 =	vld [tilespmem:$0x110];
	[tilespmem:$0x2E0] =	vst v8;
	v8 =	vand.u32 $0x7F, v46  }
0x38: {  	[tilespmem:$0x4E0] =	vst v8;
	v8 =	vshra.s32 v47, $0x7  }
0x39: {  	v50 =	vld [tilespmem:$0x120];
	[tilespmem:$0x2F0] =	vst v8;
	v8 =	vand.u32 $0x7F, v47  }
0x3a: {  	[tilespmem:$0x4F0] =	vst v8;
	v8 =	vshra.s32 v48, $0x7  }
0x3b: {  	v51 =	vld [tilespmem:$0x130];
	[tilespmem:$0x300] =	vst v8;
	v8 =	vand.u32 $0x7F, v48  }
0x3c: {  	[tilespmem:$0x500] =	vst v8;
	v8 =	vshra.s32 v49, $0x7  }
0x3d: {  	v52 =	vld [tilespmem:$0x140];
	[tilespmem:$0x310] =	vst v8;
	v8 =	vand.u32 $0x7F, v49  }
0x3e: {  	[tilespmem:$0x510] =	vst v8;
	v8 =	vshra.s32 v50, $0x7  }
0x3f: {  	v53 =	vld [tilespmem:$0x150];
	[tilespmem:$0x320] =	vst v8;
	v8 =	vand.u32 $0x7F, v50  }
0x40: {  	[tilespmem:$0x520] =	vst v8;
	v8 =	vshra.s32 v51, $0x7  }
0x41: {  	v54 =	vld [tilespmem:$0x160];
	[tilespmem:$0x330] =	vst v8;
	v8 =	vand.u32 $0x7F, v51  }
0x42: {  	[tilespmem:$0x530] =	vst v8;
	v8 =	vshra.s32 v52, $0x7  }
0x43: {  	v55 =	vld [tilespmem:$0x170];
	[tilespmem:$0x340] =	vst v8;
	v8 =	vand.u32 $0x7F, v52  }
0x44: {  	[tilespmem:$0x540] =	vst v8;
	v8 =	vshra.s32 v53, $0x7  }
0x45: {  	v56 =	vld [tilespmem:$0x180];
	[tilespmem:$0x350] =	vst v8;
	v8 =	vand.u32 $0x7F, v53  }
0x46: {  	[tilespmem:$0x550] =	vst v8;
	v8 =	vshra.s32 v54, $0x7  }
0x47: {  	v57 =	vld [tilespmem:$0x190];
	[tilespmem:$0x360] =	vst v8;
	v8 =	vand.u32 $0x7F, v54  }
0x48: {  	[tilespmem:$0x560] =	vst v8;
	v8 =	vshra.s32 v55, $0x7  }
0x49: {  	v58 =	vld [tilespmem:$0x1A0];
	[tilespmem:$0x370] =	vst v8;
	v8 =	vand.u32 $0x7F, v55  }
0x4a: {  	[tilespmem:$0x570] =	vst v8;
	v8 =	vshra.s32 v56, $0x7  }
0x4b: {  	v59 =	vld [tilespmem:$0x1B0];
	[tilespmem:$0x380] =	vst v8;
	v8 =	vand.u32 $0x7F, v56  }
0x4c: {  	[tilespmem:$0x580] =	vst v8;
	v8 =	vshra.s32 v57, $0x7  }
0x4d: {  	v60 =	vld [tilespmem:$0x1C0];
	[tilespmem:$0x390] =	vst v8;
	v8 =	vand.u32 $0x7F, v57  }
0x4e: {  	[tilespmem:$0x590] =	vst v8;
	v8 =	vshra.s32 v58, $0x7  }
0x4f: {  	v61 =	vld [tilespmem:$0x1D0];
	[tilespmem:$0x3A0] =	vst v8;
	v8 =	vand.u32 $0x7F, v58  }
0x50: {  	[tilespmem:$0x5A0] =	vst v8;
	v8 =	vshra.s32 v59, $0x7  }
0x51: {  	v62 =	vld [tilespmem:$0x1E0];
	[tilespmem:$0x3B0] =	vst v8;
	v8 =	vand.u32 $0x7F, v59  }
0x52: {  	[tilespmem:$0x5B0] =	vst v8;
	v8 =	vshra.s32 v60, $0x7  }
0x53: {  	v63 =	vld [tilespmem:$0x1F0];
	[tilespmem:$0x3C0] =	vst v8;
	v8 =	vand.u32 $0x7F, v60  }
0x54: {  	[tilespmem:$0x5C0] =	vst v8;
	v8 =	vshra.s32 v61, $0x7  }
0x55: {  	[tilespmem:$0x3D0] =	vst v8;
	v8 =	vand.u32 $0x7F, v61  }
0x56: {  	[tilespmem:$0x5D0] =	vst v8;
	v8 =	vshra.s32 v62, $0x7  }
0x57: {  	[tilespmem:$0x3E0] =	vst v8;
	v8 =	vand.u32 $0x7F, v62  }
0x58: {  	[tilespmem:$0x5E0] =	vst v8;
	v8 =	vshra.s32 v63, $0x7  }
0x59: {  	[tilespmem:$0x3F0] =	vst v8;
	v8 =	vand.u32 $0x7F, v63  }
0x5a: {  	[tilespmem:$0x5F0] =	vst v8  }
0x5b: {  	[tilespmem:s23], [sflag:$0x1] =	stream.indirect.gather [hbm4b:s2+s21], $0x80, s22, s21, $0xb8;
	[tilespmem:$0x8680] =	vst v63  }
0x5c: {  	_ = 	snop  }
0x5d: {  	[tilespmem:s25], [sflag:$0x2] =	stream.indirect.gather [hbm4b:s2+s21], $0x80, s24, s21, $0xb8;
	[tilespmem:$0x8680] =	vst v63  }
0x5e: {  	_ =	swait.ge [sflag:s26], $0x4000  }
0x5f: {  	[sflag:s26] =	ssyncset.done $0x0  }
0x60: {  	[sflag:s26] =	ssyncadd.s32 $0xFFFFC000  }
0x61: {  	v8 =	vld [tilespmem:$0x400];
	_ =	sdelay $0x4  }
0x62: {  	v8 =	vadd.s32 v0, v8  }
0x63: {  	v12 =	vld [tilespmem:$0x410];
	_ =	sdelay $0x3  }
0x64: {  	v8 =	vld.idx.msk [tilespmem:v8+s23+$0x0], $0xffff  }
0x65: {  	v9 =	vadd.s32 v1, v12  }
0x66: {  	v13 =	vld [tilespmem:$0x420];
	_ =	sdelay $0x2  }
0x67: {  	[tilespmem:$0x600] =	vst v8  }
0x68: {  	v8 =	vld.idx.msk [tilespmem:v9+s23+$0x0], $0xffff  }
0x69: {  	v14 =	vadd.s32 v2, v13  }
0x6a: {  	v15 =	vld [tilespmem:$0x430];
	_ =	sdelay $0x2  }
0x6b: {  	[tilespmem:$0x610] =	vst v8  }
0x6c: {  	v8 =	vld.idx.msk [tilespmem:v14+s23+$0x0], $0xffff  }
0x6d: {  	v16 =	vadd.s32 v3, v15  }
0x6e: {  	v17 =	vld [tilespmem:$0x440];
	_ =	sdelay $0x2  }
0x6f: {  	[tilespmem:$0x620] =	vst v8  }
0x70: {  	v8 =	vld.idx.msk [tilespmem:v16+s23+$0x0], $0xffff  }
0x71: {  	v18 =	vadd.s32 v4, v17  }
0x72: {  	v19 =	vld [tilespmem:$0x450];
	_ =	sdelay $0x2  }
0x73: {  	[tilespmem:$0x630] =	vst v8  }
0x74: {  	v8 =	vld.idx.msk [tilespmem:v18+s23+$0x0], $0xffff  }
0x75: {  	v20 =	vadd.s32 v5, v19  }
0x76: {  	v21 =	vld [tilespmem:$0x460];
	_ =	sdelay $0x2  }
0x77: {  	[tilespmem:$0x640] =	vst v8  }
0x78: {  	v8 =	vld.idx.msk [tilespmem:v20+s23+$0x0], $0xffff  }
0x79: {  	v22 =	vadd.s32 v6, v21  }
0x7a: {  	v23 =	vld [tilespmem:$0x470];
	_ =	sdelay $0x2  }
0x7b: {  	[tilespmem:$0x650] =	vst v8  }
0x7c: {  	v8 =	vld.idx.msk [tilespmem:v22+s23+$0x0], $0xffff  }
0x7d: {  	v24 =	vadd.s32 v7, v23;
	_ =	sdelay $0x3  }
0x7e: {  	[tilespmem:$0x660] =	vst v8  }
0x7f: {  	v8 =	vld.idx.msk [tilespmem:v24+s23+$0x0], $0xffff;
	_ =	sdelay $0x4  }
0x80: {  	[tilespmem:$0x670] =	vst v8  }
0x81: {  	[hbm4b:s7+s1] =	stream.linear.scatter [tilespmem:s28], [sflag:$0x3], $0x80, $0x38;
	[tilespmem:$0x8680] =	vst v63  }
0x82: {  	_ =	swait.ge [sflag:s20], $0x80  }
0x83: {  	[sflag:s20] =	ssyncset.done $0x0  }
0x84: {  	[sflag:s20] =	ssyncadd.s32 $0xFFFFFF80  }
0x85: {  	[tilespmem:s23], [sflag:$0x1] =	stream.indirect.gather [hbm4b:s2+s21], $0x80, s29, s21, $0xb8;
	[tilespmem:$0x8680] =	vst v63  }
0x86: {  	_ =	swait.ge [sflag:s30], $0x4000  }
0x87: {  	[sflag:s30] =	ssyncset.done $0x0  }
0x88: {  	[sflag:s30] =	ssyncadd.s32 $0xFFFFC000  }
0x89: {  	v8 =	vld [tilespmem:$0x480];
	_ =	sdelay $0x4  }
0x8a: {  	v8 =	vadd.s32 v0, v8  }
0x8b: {  	v25 =	vld [tilespmem:$0x490];
	_ =	sdelay $0x3  }
0x8c: {  	v8 =	vld.idx.msk [tilespmem:v8+s25+$0x0], $0xffff  }
0x8d: {  	v9 =	vadd.s32 v1, v25  }
0x8e: {  	v26 =	vld [tilespmem:$0x4A0];
	_ =	sdelay $0x2  }
0x8f: {  	[tilespmem:$0x600] =	vst v8  }
0x90: {  	v8 =	vld.idx.msk [tilespmem:v9+s25+$0x0], $0xffff  }
0x91: {  	v27 =	vadd.s32 v2, v26  }
0x92: {  	v28 =	vld [tilespmem:$0x4B0];
	_ =	sdelay $0x2  }
0x93: {  	[tilespmem:$0x610] =	vst v8  }
0x94: {  	v8 =	vld.idx.msk [tilespmem:v27+s25+$0x0], $0xffff  }
0x95: {  	v29 =	vadd.s32 v3, v28  }
0x96: {  	v30 =	vld [tilespmem:$0x4C0];
	_ =	sdelay $0x2  }
0x97: {  	[tilespmem:$0x620] =	vst v8  }
0x98: {  	v8 =	vld.idx.msk [tilespmem:v29+s25+$0x0], $0xffff  }
0x99: {  	v31 =	vadd.s32 v4, v30  }
0x9a: {  	v32 =	vld [tilespmem:$0x4D0];
	_ =	sdelay $0x2  }
0x9b: {  	[tilespmem:$0x630] =	vst v8  }
0x9c: {  	v8 =	vld.idx.msk [tilespmem:v31+s25+$0x0], $0xffff  }
0x9d: {  	v33 =	vadd.s32 v5, v32  }
0x9e: {  	v34 =	vld [tilespmem:$0x4E0];
	_ =	sdelay $0x2  }
0x9f: {  	[tilespmem:$0x640] =	vst v8  }
0xa0: {  	v8 =	vld.idx.msk [tilespmem:v33+s25+$0x0], $0xffff  }
0xa1: {  	v35 =	vadd.s32 v6, v34  }
0xa2: {  	v36 =	vld [tilespmem:$0x4F0];
	_ =	sdelay $0x2  }
0xa3: {  	[tilespmem:$0x650] =	vst v8  }
0xa4: {  	v8 =	vld.idx.msk [tilespmem:v35+s25+$0x0], $0xffff  }
0xa5: {  	v37 =	vadd.s32 v7, v36;
	_ =	sdelay $0x3  }
0xa6: {  	[tilespmem:$0x660] =	vst v8  }
0xa7: {  	v8 =	vld.idx.msk [tilespmem:v37+s25+$0x0], $0xffff;
	_ =	sdelay $0x4  }
0xa8: {  	[tilespmem:$0x670] =	vst v8  }
0xa9: {  	[hbm4b:s8+s1] =	stream.linear.scatter [tilespmem:s28], [sflag:$0x3], $0x80, $0x38;
	[tilespmem:$0x8680] =	vst v63  }
0xaa: {  	_ =	swait.ge [sflag:s20], $0x80  }
0xab: {  	[sflag:s20] =	ssyncset.done $0x0  }
0xac: {  	[sflag:s20] =	ssyncadd.s32 $0xFFFFFF80  }
0xad: {  	[tilespmem:s25], [sflag:$0x2] =	stream.indirect.gather [hbm4b:s2+s21], $0x80, s31, s21, $0xb8;
	[tilespmem:$0x8680] =	vst v63  }
0xae: {  	_ =	swait.ge [sflag:s26], $0x4000  }
0xaf: {  	[sflag:s26] =	ssyncset.done $0x0  }
0xb0: {  	[sflag:s26] =	ssyncadd.s32 $0xFFFFC000  }
0xb1: {  	v8 =	vld [tilespmem:$0x500];
	_ =	sdelay $0x4  }
0xb2: {  	v8 =	vadd.s32 v0, v8  }
0xb3: {  	v38 =	vld [tilespmem:$0x510];
	_ =	sdelay $0x3  }
0xb4: {  	v8 =	vld.idx.msk [tilespmem:v8+s23+$0x0], $0xffff  }
0xb5: {  	v9 =	vadd.s32 v1, v38  }
0xb6: {  	v39 =	vld [tilespmem:$0x520];
	_ =	sdelay $0x2  }
0xb7: {  	[tilespmem:$0x600] =	vst v8  }
0xb8: {  	v8 =	vld.idx.msk [tilespmem:v9+s23+$0x0], $0xffff  }
0xb9: {  	v40 =	vadd.s32 v2, v39  }
0xba: {  	v41 =	vld [tilespmem:$0x530];
	_ =	sdelay $0x2  }
0xbb: {  	[tilespmem:$0x610] =	vst v8  }
0xbc: {  	v8 =	vld.idx.msk [tilespmem:v40+s23+$0x0], $0xffff  }
0xbd: {  	v42 =	vadd.s32 v3, v41  }
0xbe: {  	v43 =	vld [tilespmem:$0x540];
	_ =	sdelay $0x2  }
0xbf: {  	[tilespmem:$0x620] =	vst v8  }
0xc0: {  	v8 =	vld.idx.msk [tilespmem:v42+s23+$0x0], $0xffff  }
0xc1: {  	v44 =	vadd.s32 v4, v43  }
0xc2: {  	v45 =	vld [tilespmem:$0x550];
	_ =	sdelay $0x2  }
0xc3: {  	[tilespmem:$0x630] =	vst v8  }
0xc4: {  	v8 =	vld.idx.msk [tilespmem:v44+s23+$0x0], $0xffff  }
0xc5: {  	v46 =	vadd.s32 v5, v45  }
0xc6: {  	v47 =	vld [tilespmem:$0x560];
	_ =	sdelay $0x2  }
0xc7: {  	[tilespmem:$0x640] =	vst v8  }
0xc8: {  	v8 =	vld.idx.msk [tilespmem:v46+s23+$0x0], $0xffff  }
0xc9: {  	v48 =	vadd.s32 v6, v47  }
0xca: {  	v49 =	vld [tilespmem:$0x570];
	_ =	sdelay $0x2  }
0xcb: {  	[tilespmem:$0x650] =	vst v8  }
0xcc: {  	v8 =	vld.idx.msk [tilespmem:v48+s23+$0x0], $0xffff  }
0xcd: {  	v50 =	vadd.s32 v7, v49;
	_ =	sdelay $0x3  }
0xce: {  	[tilespmem:$0x660] =	vst v8  }
0xcf: {  	v8 =	vld.idx.msk [tilespmem:v50+s23+$0x0], $0xffff;
	_ =	sdelay $0x4  }
0xd0: {  	[tilespmem:$0x670] =	vst v8  }
0xd1: {  	[hbm4b:s9+s1] =	stream.linear.scatter [tilespmem:s28], [sflag:$0x3], $0x80, $0x38;
	[tilespmem:$0x8680] =	vst v63  }
0xd2: {  	_ =	swait.ge [sflag:s20], $0x80  }
0xd3: {  	[sflag:s20] =	ssyncset.done $0x0  }
0xd4: {  	[sflag:s20] =	ssyncadd.s32 $0xFFFFFF80  }
0xd5: {  	[tilespmem:s23], [sflag:$0x1] =	stream.indirect.gather [hbm4b:s4+s21], $0x80, s22, s21, $0xb8;
	[tilespmem:$0x8680] =	vst v63  }
0xd6: {  	_ =	swait.ge [sflag:s30], $0x4000  }
0xd7: {  	[sflag:s30] =	ssyncset.done $0x0  }
0xd8: {  	[sflag:s30] =	ssyncadd.s32 $0xFFFFC000  }
0xd9: {  	v8 =	vld [tilespmem:$0x580];
	_ =	sdelay $0x4  }
0xda: {  	v8 =	vadd.s32 v0, v8  }
0xdb: {  	v51 =	vld [tilespmem:$0x590];
	_ =	sdelay $0x3  }
0xdc: {  	v8 =	vld.idx.msk [tilespmem:v8+s25+$0x0], $0xffff  }
0xdd: {  	v9 =	vadd.s32 v1, v51  }
0xde: {  	v52 =	vld [tilespmem:$0x5A0];
	_ =	sdelay $0x2  }
0xdf: {  	[tilespmem:$0x600] =	vst v8  }
0xe0: {  	v8 =	vld.idx.msk [tilespmem:v9+s25+$0x0], $0xffff  }
0xe1: {  	v53 =	vadd.s32 v2, v52  }
0xe2: {  	v54 =	vld [tilespmem:$0x5B0];
	_ =	sdelay $0x2  }
0xe3: {  	[tilespmem:$0x610] =	vst v8  }
0xe4: {  	v8 =	vld.idx.msk [tilespmem:v53+s25+$0x0], $0xffff  }
0xe5: {  	v55 =	vadd.s32 v3, v54  }
0xe6: {  	v56 =	vld [tilespmem:$0x5C0];
	_ =	sdelay $0x2  }
0xe7: {  	[tilespmem:$0x620] =	vst v8  }
0xe8: {  	v8 =	vld.idx.msk [tilespmem:v55+s25+$0x0], $0xffff  }
0xe9: {  	v57 =	vadd.s32 v4, v56  }
0xea: {  	v58 =	vld [tilespmem:$0x5D0];
	_ =	sdelay $0x2  }
0xeb: {  	[tilespmem:$0x630] =	vst v8  }
0xec: {  	v8 =	vld.idx.msk [tilespmem:v57+s25+$0x0], $0xffff  }
0xed: {  	v59 =	vadd.s32 v5, v58  }
0xee: {  	v60 =	vld [tilespmem:$0x5E0];
	_ =	sdelay $0x2  }
0xef: {  	[tilespmem:$0x640] =	vst v8  }
0xf0: {  	v8 =	vld.idx.msk [tilespmem:v59+s25+$0x0], $0xffff  }
0xf1: {  	v61 =	vadd.s32 v6, v60  }
0xf2: {  	v62 =	vld [tilespmem:$0x5F0];
	_ =	sdelay $0x2  }
0xf3: {  	[tilespmem:$0x650] =	vst v8  }
0xf4: {  	v8 =	vld.idx.msk [tilespmem:v61+s25+$0x0], $0xffff  }
0xf5: {  	v63 =	vadd.s32 v7, v62;
	_ =	sdelay $0x3  }
0xf6: {  	[tilespmem:$0x660] =	vst v8  }
0xf7: {  	v8 =	vld.idx.msk [tilespmem:v63+s25+$0x0], $0xffff;
	_ =	sdelay $0x4  }
0xf8: {  	[tilespmem:$0x670] =	vst v8  }
0xf9: {  	[hbm4b:s10+s1] =	stream.linear.scatter [tilespmem:s28], [sflag:$0x3], $0x80, $0x38;
	[tilespmem:$0x8680] =	vst v63  }
0xfa: {  	_ =	swait.ge [sflag:s20], $0x80  }
0xfb: {  	[sflag:s20] =	ssyncset.done $0x0  }
0xfc: {  	[sflag:s20] =	ssyncadd.s32 $0xFFFFFF80  }
0xfd: {  	[tilespmem:s25], [sflag:$0x2] =	stream.indirect.gather [hbm4b:s4+s21], $0x80, s24, s21, $0xb8;
	[tilespmem:$0x8680] =	vst v63  }
0xfe: {  	_ =	swait.ge [sflag:s26], $0x4000  }
0xff: {  	[sflag:s26] =	ssyncset.done $0x0  }
0x100: {  	[sflag:s26] =	ssyncadd.s32 $0xFFFFC000  }
0x101: {  	v8 =	vld [tilespmem:$0x400];
	_ =	sdelay $0x4  }
0x102: {  	v8 =	vadd.s32 v0, v8  }
0x103: {  	v12 =	vld [tilespmem:$0x410];
	_ =	sdelay $0x3  }
0x104: {  	v8 =	vld.idx.msk [tilespmem:v8+s23+$0x0], $0xffff  }
0x105: {  	v9 =	vadd.s32 v1, v12  }
0x106: {  	v13 =	vld [tilespmem:$0x420];
	_ =	sdelay $0x2  }
0x107: {  	[tilespmem:$0x600] =	vst v8  }
0x108: {  	v8 =	vld.idx.msk [tilespmem:v9+s23+$0x0], $0xffff  }
0x109: {  	v14 =	vadd.s32 v2, v13  }
0x10a: {  	v15 =	vld [tilespmem:$0x430];
	_ =	sdelay $0x2  }
0x10b: {  	[tilespmem:$0x610] =	vst v8  }
0x10c: {  	v8 =	vld.idx.msk [tilespmem:v14+s23+$0x0], $0xffff  }
0x10d: {  	v16 =	vadd.s32 v3, v15  }
0x10e: {  	v17 =	vld [tilespmem:$0x440];
	_ =	sdelay $0x2  }
0x10f: {  	[tilespmem:$0x620] =	vst v8  }
0x110: {  	v8 =	vld.idx.msk [tilespmem:v16+s23+$0x0], $0xffff  }
0x111: {  	v18 =	vadd.s32 v4, v17  }
0x112: {  	v19 =	vld [tilespmem:$0x450];
	_ =	sdelay $0x2  }
0x113: {  	[tilespmem:$0x630] =	vst v8  }
0x114: {  	v8 =	vld.idx.msk [tilespmem:v18+s23+$0x0], $0xffff  }
0x115: {  	v20 =	vadd.s32 v5, v19  }
0x116: {  	v21 =	vld [tilespmem:$0x460];
	_ =	sdelay $0x2  }
0x117: {  	[tilespmem:$0x640] =	vst v8  }
0x118: {  	v8 =	vld.idx.msk [tilespmem:v20+s23+$0x0], $0xffff  }
0x119: {  	v22 =	vadd.s32 v6, v21  }
0x11a: {  	v23 =	vld [tilespmem:$0x470];
	_ =	sdelay $0x2  }
0x11b: {  	[tilespmem:$0x650] =	vst v8  }
0x11c: {  	v8 =	vld.idx.msk [tilespmem:v22+s23+$0x0], $0xffff  }
0x11d: {  	v24 =	vadd.s32 v7, v23;
	_ =	sdelay $0x3  }
0x11e: {  	[tilespmem:$0x660] =	vst v8  }
0x11f: {  	v8 =	vld.idx.msk [tilespmem:v24+s23+$0x0], $0xffff;
	_ =	sdelay $0x4  }
0x120: {  	[tilespmem:$0x670] =	vst v8  }
0x121: {  	[hbm4b:s11+s1] =	stream.linear.scatter [tilespmem:s28], [sflag:$0x3], $0x80, $0x38;
	[tilespmem:$0x8680] =	vst v63  }
0x122: {  	_ =	swait.ge [sflag:s20], $0x80  }
0x123: {  	[sflag:s20] =	ssyncset.done $0x0  }
0x124: {  	[sflag:s20] =	ssyncadd.s32 $0xFFFFFF80  }
0x125: {  	[tilespmem:s23], [sflag:$0x1] =	stream.indirect.gather [hbm4b:s4+s21], $0x80, s29, s21, $0xb8;
	[tilespmem:$0x8680] =	vst v63  }
0x126: {  	_ =	swait.ge [sflag:s30], $0x4000  }
0x127: {  	[sflag:s30] =	ssyncset.done $0x0  }
0x128: {  	[sflag:s30] =	ssyncadd.s32 $0xFFFFC000  }
0x129: {  	v8 =	vld [tilespmem:$0x480];
	_ =	sdelay $0x4  }
0x12a: {  	v8 =	vadd.s32 v0, v8  }
0x12b: {  	v25 =	vld [tilespmem:$0x490];
	_ =	sdelay $0x3  }
0x12c: {  	v8 =	vld.idx.msk [tilespmem:v8+s25+$0x0], $0xffff  }
0x12d: {  	v9 =	vadd.s32 v1, v25  }
0x12e: {  	v26 =	vld [tilespmem:$0x4A0];
	_ =	sdelay $0x2  }
0x12f: {  	[tilespmem:$0x600] =	vst v8  }
0x130: {  	v8 =	vld.idx.msk [tilespmem:v9+s25+$0x0], $0xffff  }
0x131: {  	v27 =	vadd.s32 v2, v26  }
0x132: {  	v28 =	vld [tilespmem:$0x4B0];
	_ =	sdelay $0x2  }
0x133: {  	[tilespmem:$0x610] =	vst v8  }
0x134: {  	v8 =	vld.idx.msk [tilespmem:v27+s25+$0x0], $0xffff  }
0x135: {  	v29 =	vadd.s32 v3, v28  }
0x136: {  	v30 =	vld [tilespmem:$0x4C0];
	_ =	sdelay $0x2  }
0x137: {  	[tilespmem:$0x620] =	vst v8  }
0x138: {  	v8 =	vld.idx.msk [tilespmem:v29+s25+$0x0], $0xffff  }
0x139: {  	v31 =	vadd.s32 v4, v30  }
0x13a: {  	v32 =	vld [tilespmem:$0x4D0];
	_ =	sdelay $0x2  }
0x13b: {  	[tilespmem:$0x630] =	vst v8  }
0x13c: {  	v8 =	vld.idx.msk [tilespmem:v31+s25+$0x0], $0xffff  }
0x13d: {  	v33 =	vadd.s32 v5, v32  }
0x13e: {  	v34 =	vld [tilespmem:$0x4E0];
	_ =	sdelay $0x2  }
0x13f: {  	[tilespmem:$0x640] =	vst v8  }
0x140: {  	v8 =	vld.idx.msk [tilespmem:v33+s25+$0x0], $0xffff  }
0x141: {  	v35 =	vadd.s32 v6, v34  }
0x142: {  	v36 =	vld [tilespmem:$0x4F0];
	_ =	sdelay $0x2  }
0x143: {  	[tilespmem:$0x650] =	vst v8  }
0x144: {  	v8 =	vld.idx.msk [tilespmem:v35+s25+$0x0], $0xffff  }
0x145: {  	v37 =	vadd.s32 v7, v36;
	_ =	sdelay $0x3  }
0x146: {  	[tilespmem:$0x660] =	vst v8  }
0x147: {  	v8 =	vld.idx.msk [tilespmem:v37+s25+$0x0], $0xffff;
	_ =	sdelay $0x4  }
0x148: {  	[tilespmem:$0x670] =	vst v8  }
0x149: {  	[hbm4b:s12+s1] =	stream.linear.scatter [tilespmem:s28], [sflag:$0x3], $0x80, $0x38;
	[tilespmem:$0x8680] =	vst v63  }
0x14a: {  	_ =	swait.ge [sflag:s20], $0x80  }
0x14b: {  	[sflag:s20] =	ssyncset.done $0x0  }
0x14c: {  	[sflag:s20] =	ssyncadd.s32 $0xFFFFFF80  }
0x14d: {  	[tilespmem:s25], [sflag:$0x2] =	stream.indirect.gather [hbm4b:s4+s21], $0x80, s31, s21, $0xb8;
	[tilespmem:$0x8680] =	vst v63  }
0x14e: {  	_ =	swait.ge [sflag:s26], $0x4000  }
0x14f: {  	[sflag:s26] =	ssyncset.done $0x0  }
0x150: {  	[sflag:s26] =	ssyncadd.s32 $0xFFFFC000  }
0x151: {  	v8 =	vld [tilespmem:$0x500];
	_ =	sdelay $0x4  }
0x152: {  	v8 =	vadd.s32 v0, v8  }
0x153: {  	v38 =	vld [tilespmem:$0x510];
	_ =	sdelay $0x3  }
0x154: {  	v8 =	vld.idx.msk [tilespmem:v8+s23+$0x0], $0xffff  }
0x155: {  	v9 =	vadd.s32 v1, v38  }
0x156: {  	v39 =	vld [tilespmem:$0x520];
	_ =	sdelay $0x2  }
0x157: {  	[tilespmem:$0x600] =	vst v8  }
0x158: {  	v8 =	vld.idx.msk [tilespmem:v9+s23+$0x0], $0xffff  }
0x159: {  	v40 =	vadd.s32 v2, v39  }
0x15a: {  	v41 =	vld [tilespmem:$0x530];
	_ =	sdelay $0x2  }
0x15b: {  	[tilespmem:$0x610] =	vst v8  }
0x15c: {  	v8 =	vld.idx.msk [tilespmem:v40+s23+$0x0], $0xffff  }
0x15d: {  	v42 =	vadd.s32 v3, v41  }
0x15e: {  	v43 =	vld [tilespmem:$0x540];
	_ =	sdelay $0x2  }
0x15f: {  	[tilespmem:$0x620] =	vst v8  }
0x160: {  	v8 =	vld.idx.msk [tilespmem:v42+s23+$0x0], $0xffff  }
0x161: {  	v44 =	vadd.s32 v4, v43  }
0x162: {  	v45 =	vld [tilespmem:$0x550];
	_ =	sdelay $0x2  }
0x163: {  	[tilespmem:$0x630] =	vst v8  }
0x164: {  	v8 =	vld.idx.msk [tilespmem:v44+s23+$0x0], $0xffff  }
0x165: {  	v46 =	vadd.s32 v5, v45  }
0x166: {  	v47 =	vld [tilespmem:$0x560];
	_ =	sdelay $0x2  }
0x167: {  	[tilespmem:$0x640] =	vst v8  }
0x168: {  	v8 =	vld.idx.msk [tilespmem:v46+s23+$0x0], $0xffff  }
0x169: {  	v48 =	vadd.s32 v6, v47  }
0x16a: {  	v49 =	vld [tilespmem:$0x570];
	_ =	sdelay $0x2  }
0x16b: {  	[tilespmem:$0x650] =	vst v8  }
0x16c: {  	v8 =	vld.idx.msk [tilespmem:v48+s23+$0x0], $0xffff  }
0x16d: {  	v50 =	vadd.s32 v7, v49;
	_ =	sdelay $0x3  }
0x16e: {  	[tilespmem:$0x660] =	vst v8  }
0x16f: {  	v8 =	vld.idx.msk [tilespmem:v50+s23+$0x0], $0xffff;
	_ =	sdelay $0x4  }
0x170: {  	[tilespmem:$0x670] =	vst v8  }
0x171: {  	[hbm4b:s13+s1] =	stream.linear.scatter [tilespmem:s28], [sflag:$0x3], $0x80, $0x38;
	[tilespmem:$0x8680] =	vst v63  }
0x172: {  	_ =	swait.ge [sflag:s20], $0x80  }
0x173: {  	[sflag:s20] =	ssyncset.done $0x0  }
0x174: {  	[sflag:s20] =	ssyncadd.s32 $0xFFFFFF80  }
0x175: {  	[tilespmem:s23], [sflag:$0x1] =	stream.indirect.gather [hbm4b:s5+s21], $0x80, s22, s21, $0xb8;
	[tilespmem:$0x8680] =	vst v63  }
0x176: {  	_ =	swait.ge [sflag:s30], $0x4000  }
0x177: {  	[sflag:s30] =	ssyncset.done $0x0  }
0x178: {  	[sflag:s30] =	ssyncadd.s32 $0xFFFFC000  }
0x179: {  	v8 =	vld [tilespmem:$0x580];
	_ =	sdelay $0x4  }
0x17a: {  	v8 =	vadd.s32 v0, v8  }
0x17b: {  	v51 =	vld [tilespmem:$0x590];
	_ =	sdelay $0x3  }
0x17c: {  	v8 =	vld.idx.msk [tilespmem:v8+s25+$0x0], $0xffff  }
0x17d: {  	v9 =	vadd.s32 v1, v51  }
0x17e: {  	v52 =	vld [tilespmem:$0x5A0];
	_ =	sdelay $0x2  }
0x17f: {  	[tilespmem:$0x600] =	vst v8  }
0x180: {  	v8 =	vld.idx.msk [tilespmem:v9+s25+$0x0], $0xffff  }
0x181: {  	v53 =	vadd.s32 v2, v52  }
0x182: {  	v54 =	vld [tilespmem:$0x5B0];
	_ =	sdelay $0x2  }
0x183: {  	[tilespmem:$0x610] =	vst v8  }
0x184: {  	v8 =	vld.idx.msk [tilespmem:v53+s25+$0x0], $0xffff  }
0x185: {  	v55 =	vadd.s32 v3, v54  }
0x186: {  	v56 =	vld [tilespmem:$0x5C0];
	_ =	sdelay $0x2  }
0x187: {  	[tilespmem:$0x620] =	vst v8  }
0x188: {  	v8 =	vld.idx.msk [tilespmem:v55+s25+$0x0], $0xffff  }
0x189: {  	v57 =	vadd.s32 v4, v56  }
0x18a: {  	v58 =	vld [tilespmem:$0x5D0];
	_ =	sdelay $0x2  }
0x18b: {  	[tilespmem:$0x630] =	vst v8  }
0x18c: {  	v8 =	vld.idx.msk [tilespmem:v57+s25+$0x0], $0xffff  }
0x18d: {  	v59 =	vadd.s32 v5, v58  }
0x18e: {  	v60 =	vld [tilespmem:$0x5E0];
	_ =	sdelay $0x2  }
0x18f: {  	[tilespmem:$0x640] =	vst v8  }
0x190: {  	v8 =	vld.idx.msk [tilespmem:v59+s25+$0x0], $0xffff  }
0x191: {  	v61 =	vadd.s32 v6, v60  }
0x192: {  	v62 =	vld [tilespmem:$0x5F0];
	_ =	sdelay $0x2  }
0x193: {  	[tilespmem:$0x650] =	vst v8  }
0x194: {  	v8 =	vld.idx.msk [tilespmem:v61+s25+$0x0], $0xffff  }
0x195: {  	v63 =	vadd.s32 v7, v62;
	_ =	sdelay $0x3  }
0x196: {  	[tilespmem:$0x660] =	vst v8  }
0x197: {  	v8 =	vld.idx.msk [tilespmem:v63+s25+$0x0], $0xffff;
	_ =	sdelay $0x4  }
0x198: {  	[tilespmem:$0x670] =	vst v8  }
0x199: {  	[hbm4b:s14+s1] =	stream.linear.scatter [tilespmem:s28], [sflag:$0x3], $0x80, $0x38;
	[tilespmem:$0x8680] =	vst v63  }
0x19a: {  	_ =	swait.ge [sflag:s20], $0x80  }
0x19b: {  	[sflag:s20] =	ssyncset.done $0x0  }
0x19c: {  	[sflag:s20] =	ssyncadd.s32 $0xFFFFFF80  }
0x19d: {  	[tilespmem:s25], [sflag:$0x2] =	stream.indirect.gather [hbm4b:s5+s21], $0x80, s24, s21, $0xb8;
	[tilespmem:$0x8680] =	vst v63  }
0x19e: {  	_ =	swait.ge [sflag:s26], $0x4000  }
0x19f: {  	[sflag:s26] =	ssyncset.done $0x0  }
0x1a0: {  	[sflag:s26] =	ssyncadd.s32 $0xFFFFC000  }
0x1a1: {  	v8 =	vld [tilespmem:$0x400];
	_ =	sdelay $0x4  }
0x1a2: {  	v8 =	vadd.s32 v0, v8  }
0x1a3: {  	v12 =	vld [tilespmem:$0x410];
	_ =	sdelay $0x3  }
0x1a4: {  	v8 =	vld.idx.msk [tilespmem:v8+s23+$0x0], $0xffff  }
0x1a5: {  	v9 =	vadd.s32 v1, v12  }
0x1a6: {  	v13 =	vld [tilespmem:$0x420];
	_ =	sdelay $0x2  }
0x1a7: {  	[tilespmem:$0x600] =	vst v8  }
0x1a8: {  	v8 =	vld.idx.msk [tilespmem:v9+s23+$0x0], $0xffff  }
0x1a9: {  	v14 =	vadd.s32 v2, v13  }
0x1aa: {  	v15 =	vld [tilespmem:$0x430];
	_ =	sdelay $0x2  }
0x1ab: {  	[tilespmem:$0x610] =	vst v8  }
0x1ac: {  	v8 =	vld.idx.msk [tilespmem:v14+s23+$0x0], $0xffff  }
0x1ad: {  	v16 =	vadd.s32 v3, v15  }
0x1ae: {  	v17 =	vld [tilespmem:$0x440];
	_ =	sdelay $0x2  }
0x1af: {  	[tilespmem:$0x620] =	vst v8  }
0x1b0: {  	v8 =	vld.idx.msk [tilespmem:v16+s23+$0x0], $0xffff  }
0x1b1: {  	v18 =	vadd.s32 v4, v17  }
0x1b2: {  	v19 =	vld [tilespmem:$0x450];
	_ =	sdelay $0x2  }
0x1b3: {  	[tilespmem:$0x630] =	vst v8  }
0x1b4: {  	v8 =	vld.idx.msk [tilespmem:v18+s23+$0x0], $0xffff  }
0x1b5: {  	v20 =	vadd.s32 v5, v19  }
0x1b6: {  	v21 =	vld [tilespmem:$0x460];
	_ =	sdelay $0x2  }
0x1b7: {  	[tilespmem:$0x640] =	vst v8  }
0x1b8: {  	v8 =	vld.idx.msk [tilespmem:v20+s23+$0x0], $0xffff  }
0x1b9: {  	v22 =	vadd.s32 v6, v21  }
0x1ba: {  	v23 =	vld [tilespmem:$0x470];
	_ =	sdelay $0x2  }
0x1bb: {  	[tilespmem:$0x650] =	vst v8  }
0x1bc: {  	v8 =	vld.idx.msk [tilespmem:v22+s23+$0x0], $0xffff  }
0x1bd: {  	v24 =	vadd.s32 v7, v23;
	_ =	sdelay $0x3  }
0x1be: {  	[tilespmem:$0x660] =	vst v8  }
0x1bf: {  	v8 =	vld.idx.msk [tilespmem:v24+s23+$0x0], $0xffff;
	_ =	sdelay $0x4  }
0x1c0: {  	[tilespmem:$0x670] =	vst v8  }
0x1c1: {  	[hbm4b:s15+s1] =	stream.linear.scatter [tilespmem:s28], [sflag:$0x3], $0x80, $0x38;
	[tilespmem:$0x8680] =	vst v63  }
0x1c2: {  	_ =	swait.ge [sflag:s20], $0x80  }
0x1c3: {  	[sflag:s20] =	ssyncset.done $0x0  }
0x1c4: {  	[sflag:s20] =	ssyncadd.s32 $0xFFFFFF80  }
0x1c5: {  	[tilespmem:s23], [sflag:$0x1] =	stream.indirect.gather [hbm4b:s5+s21], $0x80, s29, s21, $0xb8;
	[tilespmem:$0x8680] =	vst v63  }
0x1c6: {  	_ =	swait.ge [sflag:s30], $0x4000  }
0x1c7: {  	[sflag:s30] =	ssyncset.done $0x0  }
0x1c8: {  	[sflag:s30] =	ssyncadd.s32 $0xFFFFC000  }
0x1c9: {  	v8 =	vld [tilespmem:$0x480];
	_ =	sdelay $0x4  }
0x1ca: {  	v8 =	vadd.s32 v0, v8  }
0x1cb: {  	v25 =	vld [tilespmem:$0x490];
	_ =	sdelay $0x3  }
0x1cc: {  	v8 =	vld.idx.msk [tilespmem:v8+s25+$0x0], $0xffff  }
0x1cd: {  	v9 =	vadd.s32 v1, v25  }
0x1ce: {  	v26 =	vld [tilespmem:$0x4A0];
	_ =	sdelay $0x2  }
0x1cf: {  	[tilespmem:$0x600] =	vst v8  }
0x1d0: {  	v8 =	vld.idx.msk [tilespmem:v9+s25+$0x0], $0xffff  }
0x1d1: {  	v27 =	vadd.s32 v2, v26  }
0x1d2: {  	v28 =	vld [tilespmem:$0x4B0];
	_ =	sdelay $0x2  }
0x1d3: {  	[tilespmem:$0x610] =	vst v8  }
0x1d4: {  	v8 =	vld.idx.msk [tilespmem:v27+s25+$0x0], $0xffff  }
0x1d5: {  	v29 =	vadd.s32 v3, v28  }
0x1d6: {  	v30 =	vld [tilespmem:$0x4C0];
	_ =	sdelay $0x2  }
0x1d7: {  	[tilespmem:$0x620] =	vst v8  }
0x1d8: {  	v8 =	vld.idx.msk [tilespmem:v29+s25+$0x0], $0xffff  }
0x1d9: {  	v31 =	vadd.s32 v4, v30  }
0x1da: {  	v32 =	vld [tilespmem:$0x4D0];
	_ =	sdelay $0x2  }
0x1db: {  	[tilespmem:$0x630] =	vst v8  }
0x1dc: {  	v8 =	vld.idx.msk [tilespmem:v31+s25+$0x0], $0xffff  }
0x1dd: {  	v33 =	vadd.s32 v5, v32  }
0x1de: {  	v34 =	vld [tilespmem:$0x4E0];
	_ =	sdelay $0x2  }
0x1df: {  	[tilespmem:$0x640] =	vst v8  }
0x1e0: {  	v8 =	vld.idx.msk [tilespmem:v33+s25+$0x0], $0xffff  }
0x1e1: {  	v35 =	vadd.s32 v6, v34  }
0x1e2: {  	v36 =	vld [tilespmem:$0x4F0];
	_ =	sdelay $0x2  }
0x1e3: {  	[tilespmem:$0x650] =	vst v8  }
0x1e4: {  	v8 =	vld.idx.msk [tilespmem:v35+s25+$0x0], $0xffff  }
0x1e5: {  	v37 =	vadd.s32 v7, v36;
	_ =	sdelay $0x3  }
0x1e6: {  	[tilespmem:$0x660] =	vst v8  }
0x1e7: {  	v8 =	vld.idx.msk [tilespmem:v37+s25+$0x0], $0xffff;
	_ =	sdelay $0x4  }
0x1e8: {  	[tilespmem:$0x670] =	vst v8  }
0x1e9: {  	[hbm4b:s16+s1] =	stream.linear.scatter [tilespmem:s28], [sflag:$0x3], $0x80, $0x38;
	[tilespmem:$0x8680] =	vst v63  }
0x1ea: {  	_ =	swait.ge [sflag:s20], $0x80  }
0x1eb: {  	[sflag:s20] =	ssyncset.done $0x0  }
0x1ec: {  	[sflag:s20] =	ssyncadd.s32 $0xFFFFFF80  }
0x1ed: {  	[tilespmem:s25], [sflag:$0x2] =	stream.indirect.gather [hbm4b:s5+s21], $0x80, s31, s21, $0xb8;
	[tilespmem:$0x8680] =	vst v63  }
0x1ee: {  	_ =	swait.ge [sflag:s26], $0x4000  }
0x1ef: {  	[sflag:s26] =	ssyncset.done $0x0  }
0x1f0: {  	[sflag:s26] =	ssyncadd.s32 $0xFFFFC000  }
0x1f1: {  	v8 =	vld [tilespmem:$0x500];
	_ =	sdelay $0x4  }
0x1f2: {  	v8 =	vadd.s32 v0, v8  }
0x1f3: {  	v38 =	vld [tilespmem:$0x510];
	_ =	sdelay $0x3  }
0x1f4: {  	v8 =	vld.idx.msk [tilespmem:v8+s23+$0x0], $0xffff  }
0x1f5: {  	v9 =	vadd.s32 v1, v38  }
0x1f6: {  	v39 =	vld [tilespmem:$0x520];
	_ =	sdelay $0x2  }
0x1f7: {  	[tilespmem:$0x600] =	vst v8  }
0x1f8: {  	v8 =	vld.idx.msk [tilespmem:v9+s23+$0x0], $0xffff  }
0x1f9: {  	v40 =	vadd.s32 v2, v39  }
0x1fa: {  	v41 =	vld [tilespmem:$0x530];
	_ =	sdelay $0x2  }
0x1fb: {  	[tilespmem:$0x610] =	vst v8  }
0x1fc: {  	v8 =	vld.idx.msk [tilespmem:v40+s23+$0x0], $0xffff  }
0x1fd: {  	v42 =	vadd.s32 v3, v41  }
0x1fe: {  	v43 =	vld [tilespmem:$0x540];
	_ =	sdelay $0x2  }
0x1ff: {  	[tilespmem:$0x620] =	vst v8  }
0x200: {  	v8 =	vld.idx.msk [tilespmem:v42+s23+$0x0], $0xffff  }
0x201: {  	v44 =	vadd.s32 v4, v43  }
0x202: {  	v45 =	vld [tilespmem:$0x550];
	_ =	sdelay $0x2  }
0x203: {  	[tilespmem:$0x630] =	vst v8  }
0x204: {  	v8 =	vld.idx.msk [tilespmem:v44+s23+$0x0], $0xffff  }
0x205: {  	v46 =	vadd.s32 v5, v45  }
0x206: {  	v47 =	vld [tilespmem:$0x560];
	_ =	sdelay $0x2  }
0x207: {  	[tilespmem:$0x640] =	vst v8  }
0x208: {  	v8 =	vld.idx.msk [tilespmem:v46+s23+$0x0], $0xffff  }
0x209: {  	v48 =	vadd.s32 v6, v47  }
0x20a: {  	v49 =	vld [tilespmem:$0x570];
	_ =	sdelay $0x2  }
0x20b: {  	[tilespmem:$0x650] =	vst v8  }
0x20c: {  	v8 =	vld.idx.msk [tilespmem:v48+s23+$0x0], $0xffff  }
0x20d: {  	v50 =	vadd.s32 v7, v49;
	_ =	sdelay $0x3  }
0x20e: {  	[tilespmem:$0x660] =	vst v8  }
0x20f: {  	v8 =	vld.idx.msk [tilespmem:v50+s23+$0x0], $0xffff;
	_ =	sdelay $0x4  }
0x210: {  	[tilespmem:$0x670] =	vst v8  }
0x211: {  	[hbm4b:s17+s1] =	stream.linear.scatter [tilespmem:s28], [sflag:$0x3], $0x80, $0x38;
	[tilespmem:$0x8680] =	vst v63  }
0x212: {  	_ =	swait.ge [sflag:s20], $0x80  }
0x213: {  	[sflag:s20] =	ssyncset.done $0x0  }
0x214: {  	[sflag:s20] =	ssyncadd.s32 $0xFFFFFF80  }
0x215: {  	_ =	swait.ge [sflag:s30], $0x4000  }
0x216: {  	[sflag:s30] =	ssyncset.done $0x0  }
0x217: {  	[sflag:s30] =	ssyncadd.s32 $0xFFFFC000  }
0x218: {  	v8 =	vld [tilespmem:$0x580];
	_ =	sdelay $0x4  }
0x219: {  	v8 =	vadd.s32 v0, v8  }
0x21a: {  	v51 =	vld [tilespmem:$0x590];
	_ =	sdelay $0x3  }
0x21b: {  	v8 =	vld.idx.msk [tilespmem:v8+s25+$0x0], $0xffff  }
0x21c: {  	v9 =	vadd.s32 v1, v51  }
0x21d: {  	v52 =	vld [tilespmem:$0x5A0];
	_ =	sdelay $0x2  }
0x21e: {  	[tilespmem:$0x600] =	vst v8  }
0x21f: {  	v8 =	vld.idx.msk [tilespmem:v9+s25+$0x0], $0xffff  }
0x220: {  	v53 =	vadd.s32 v2, v52  }
0x221: {  	v54 =	vld [tilespmem:$0x5B0];
	_ =	sdelay $0x2  }
0x222: {  	[tilespmem:$0x610] =	vst v8  }
0x223: {  	v8 =	vld.idx.msk [tilespmem:v53+s25+$0x0], $0xffff  }
0x224: {  	v55 =	vadd.s32 v3, v54  }
0x225: {  	v56 =	vld [tilespmem:$0x5C0];
	_ =	sdelay $0x2  }
0x226: {  	[tilespmem:$0x620] =	vst v8  }
0x227: {  	v8 =	vld.idx.msk [tilespmem:v55+s25+$0x0], $0xffff  }
0x228: {  	v57 =	vadd.s32 v4, v56  }
0x229: {  	v58 =	vld [tilespmem:$0x5D0];
	_ =	sdelay $0x2  }
0x22a: {  	[tilespmem:$0x630] =	vst v8  }
0x22b: {  	v8 =	vld.idx.msk [tilespmem:v57+s25+$0x0], $0xffff  }
0x22c: {  	v59 =	vadd.s32 v5, v58  }
0x22d: {  	v60 =	vld [tilespmem:$0x5E0];
	_ =	sdelay $0x2  }
0x22e: {  	[tilespmem:$0x640] =	vst v8  }
0x22f: {  	v8 =	vld.idx.msk [tilespmem:v59+s25+$0x0], $0xffff  }
0x230: {  	v61 =	vadd.s32 v6, v60  }
0x231: {  	v62 =	vld [tilespmem:$0x5F0];
	_ =	sdelay $0x2  }
0x232: {  	[tilespmem:$0x650] =	vst v8  }
0x233: {  	v8 =	vld.idx.msk [tilespmem:v61+s25+$0x0], $0xffff  }
0x234: {  	v63 =	vadd.s32 v7, v62;
	_ =	sdelay $0x3  }
0x235: {  	[tilespmem:$0x660] =	vst v8  }
0x236: {  	v8 =	vld.idx.msk [tilespmem:v63+s25+$0x0], $0xffff;
	_ =	sdelay $0x3  }
0x237: {  	p0 =	sne.s32 s19, $0x1  }
.Ltmp0:
0x238: {  	[tilespmem:$0x670] =	vst v8;
	(pc) =	sbr.rel @p0 .LBB2_1-.Ltmp0, $4  }
0x239: {  	[hbm4b:s18+s1] =	stream.linear.scatter [tilespmem:s28], [sflag:$0x3], $0x80, $0x38;
	[tilespmem:$0x8680] =	vst v63  }
0x23a: {  	_ =	swait.ge [sflag:s20], $0x80  }
0x23b: {  	[sflag:s20] =	ssyncset.done $0x0  }
0x23c: {  	s19 =	sadd.s32 $0xFFFFFFFF, s19;
	[sflag:s20] =	ssyncadd.s32 $0xFFFFFF80  }
0x23d: {  	_ =	sfence.sel $0x180000  }
0x23e: {  	[bflag:$0x0] =	sbarrier.arrive $0xFFFF  }
0x23f: {  	p0 =	sne.s32 s3, $0x0;
	_ =	strace $0x90000047  }
0x240: {  	s0 =	sadd.s32 @!p0 $0x100000, s0;
	[bflag:$0x2] =	sbarrier.arrive $0xFFFF  }
0x241: {  	[sflag:s0] =	ssyncadd.tile.s32 @!p0 $0x1;
	_ =	shalt  }
.Lfunc_end2:
_tile_overlayer_lowered:
.L_overlay_start_2:
0x242: {  	(tag) =	ssettag $0x2  }
0x243: {  	s0 =	rddreg [dreg:$0x0];
	s2 =	stileid.u32  }
0x244: {  	s1 =	rddreg [dreg:$0x1];
	p0 =	sne.s32 s2, $0x0  }
0x245: {  	s3 =	rddreg [dreg:$0x2];
	[bflag:$0x3] =	sbarrier.arrive $0xFFFF;
	s2 =	simm.s32 @!p0 $0x1C03  }
0x246: {  	[timem:s3], [sflag:s2] =	dma.local @!p0 [hbm:s0], s1  }
0x247: {  	s0 =	simm.s32 @!p0 $0x3  }
0x248: {  	_ =	swait.ge @!p0 [sflag:s0], s1  }
0x249: {  	s1 =	ssub.s32 @!p0 $0x0, s1;
	[sflag:s0] =	ssyncset.done @!p0 $0x0  }
0x24a: {  	[sflag:s0] =	ssyncadd.s32 @!p0 s1  }
0x24b: {  	[bflag:$0x3] =	sbarrier.arrive $0xFFFF  }
0x24c: {  	_ =	shalt  }

// kernel: kernel.7.cloned.1.call-start
scs
__scs_entry_jumppad:
0x0: {  	(pc) =	sbr.rel $0x88, $3  }
0x1: {  	(tag) =	ssettag $0x0;
	lr =	simm.s32 $0x1  }
0x2: {  	[smem:$0x3F98] =	sst lr;
	_ =	strace $0xD0000000  }
0x3: {  	_ = 	snop  }
0x4: {  	_ = 	snop  }
0x5: {  	_ = 	snop  }
0x6: {  	_ = 	snop  }
0x7: {  	_ = 	snop  }
__scs_overlays_trampoline_lowered:
0x8: {  	[smem:$0x3FA7] =	sst s0  }
0x9: {  	[smem:$0x3FA8] =	sst s1  }
0xa: {  	[smem:$0x3FA9] =	sst s2  }
0xb: {  	[smem:$0x3FAA] =	sst s3  }
0xc: {  	[smem:$0x3FAB] =	sst s4  }
0xd: {  	[smem:$0x3FAC] =	sst s5  }
0xe: {  	[smem:$0x3FAD] =	sst s6  }
0xf: {  	[smem:$0x3FAE] =	sst s7  }
0x10: {  	[smem:$0x3FAF] =	sst s8  }
0x11: {  	[smem:$0x3FB0] =	sst s9;
	s0 =	simm.s32 @!p0 $0x0  }
0x12: {  	s1 =	sld [smem:$0x3F96];
	s0 =	simm.s32 @p0 $0x1  }
0x13: {  	[smem:$0x3FB1] =	sst s0;
	s0 =	simm.s32 @!p1 $0x0  }
0x14: {  	s2 =	sld [smem:$0x3F95];
	s0 =	simm.s32 @p1 $0x1  }
0x15: {  	[smem:$0x3FB2] =	sst s0;
	s0 =	simm.s32 @!p2 $0x0  }
0x16: {  	s3 =	sld [smem:$0x3FDB];
	s0 =	simm.s32 @p2 $0x1  }
0x17: {  	s4 =	simm.s32 $0x1BF5;
	[smem:$0x3FB4] =	sst s0  }
0x18: {  	s0 =	sld [smem:$0x3F97];
	_ =	swait.ge [sflag:s4], $0x0  }
0x19: {  	s7 =	sld [smem:$0x3F98]  }
0x1a: {  	s8 =	sadd.s32 $0xFFFFE003, lr  }
0x1b: {  	s9 =	sadd.s32 $0xFFFFFEF7, lr;
	s5 =	simm.s32 $0xFFFFFFFF;
	p2 =	slt.u32 s8, $0xFFFFF086  }
0x1c: {  	p1 =	slt.u32 s9, $0xF7A;
	s5 =	simm.s32 @!p2 $0x0  }
0x1d: {  	s5 =	simm.s32 @p1 $0x1;
	p0 =	seq.s32 s7, s2  }
0x1e: {  	s7 =	smul.u32 @!p0 $0xF7A, s2;
	p2 =	seq.s32 @!p0 s5, $0x0  }
0x1f: {  	s9 =	smul.u32 $0xF7A, s1;
	s8 =	simm.s32 @!p0 $0x1BF5;
	p2 =	por !p2, p0  }
0x20: {  	[sflag:s8] =	ssyncset.s32 @!p0 $0xFFFFF086;
	s6 =	sadd.s32 @!p0 s3, s7;
	s7 =	simm.s32 @!p0 $0x108  }
0x21: {  	s3 =	sadd.s32 s3, s9;
	s6 =	sadd.s32 @!p0 $0x88, s6;
	s7 =	simm.s32 @p2 $0x1082  }
0x22: {  	[simem:s7], [sflag:s8] =	dma.local @!p0 [hbm:s6], $0xF7A  }
0x23: {  	s9 =	sor.u32 $0xD0000000, s2;
	s6 =	simm.s32 $0x108;
	_ =	swait.ge @!p0 [sflag:s8], $0x0  }
0x24: {  	s3 =	sadd.s32 $0x88, s3;
	s6 =	simm.s32 @!p1 $0x1082;
	[sflag:s4] =	ssyncset.s32 $0xFFFFF086  }
0x25: {  	[simem:s6], [sflag:s4] =	dma.local [hbm:s3], $0xF7A  }
0x26: {  	[smem:$0x3F98] =	sst s1;
	(tag) =	ssettag s2;
	_ =	strace s9  }
0x27: {  	s1 =	sld [smem:$0x3FA8]  }
0x28: {  	s2 =	sld [smem:$0x3FA9]  }
0x29: {  	s4 =	sld [smem:$0x3FAB]  }
0x2a: {  	p0 =	seq.s32 s5, $0x0;
	s5 =	sld [smem:$0x3FAC]  }
0x2b: {  	s6 =	sld [smem:$0x3FAD]  }
0x2c: {  	s7 =	sld [smem:$0x3FAE]  }
0x2d: {  	s3 =	simm.s32 $0x108;
	s8 =	sld [smem:$0x3FAF]  }
0x2e: {  	s3 =	simm.s32 @!p0 $0x1082;
	s9 =	sld [smem:$0x3FB0]  }
0x2f: {  	lr =	sadd.s32 s0, s3;
	s0 =	sld [smem:$0x3FA7]  }
0x30: {  	s3 =	sld [smem:$0x3FAA]  }
0x31: {  	[smem:$0x3FB3] =	sst s10  }
0x32: {  	s10 =	sld [smem:$0x3FB1];
	_ =	sdelay $0x3  }
0x33: {  	p0 =	seq.s32 s10, $0x1;
	s10 =	sld [smem:$0x3FB3];
	_ =	sdelay $0x3  }
0x34: {  	[smem:$0x3FB3] =	sst s10  }
0x35: {  	s10 =	sld [smem:$0x3FB2];
	_ =	sdelay $0x3  }
0x36: {  	p1 =	seq.s32 s10, $0x1;
	s10 =	sld [smem:$0x3FB3];
	_ =	sdelay $0x3  }
0x37: {  	[smem:$0x3FB3] =	sst s10  }
0x38: {  	s10 =	sld [smem:$0x3FB4]  }
0x39: {  	_ = 	snop;
	(pc) =	sbr.ind lr, $3  }
0x3a: {  	_ = 	snop  }
0x3b: {  	_ = 	snop  }
0x3c: {  	p2 =	seq.s32 s10, $0x1;
	s10 =	sld [smem:$0x3FB3]  }
0x3d: {  	_ =	shalt  }
0x3e: {  	_ =	shalt  }
0x3f: {  	_ =	shalt  }
0x40: {  	_ =	shalt  }
0x41: {  	_ =	shalt  }
0x42: {  	_ =	shalt  }
0x43: {  	_ =	shalt  }
0x44: {  	_ =	shalt  }
0x45: {  	_ =	shalt  }
0x46: {  	_ =	shalt  }
0x47: {  	_ =	shalt  }
0x48: {  	_ =	shalt  }
0x49: {  	_ =	shalt  }
0x4a: {  	_ =	shalt  }
0x4b: {  	_ =	shalt  }
0x4c: {  	_ =	shalt  }
0x4d: {  	_ =	shalt  }
0x4e: {  	_ =	shalt  }
0x4f: {  	_ =	shalt  }
0x50: {  	_ =	shalt  }
0x51: {  	_ =	shalt  }
0x52: {  	_ =	shalt  }
0x53: {  	_ =	shalt  }
0x54: {  	_ =	shalt  }
0x55: {  	_ =	shalt  }
0x56: {  	_ =	shalt  }
0x57: {  	_ =	shalt  }
0x58: {  	_ =	shalt  }
0x59: {  	_ =	shalt  }
0x5a: {  	_ =	shalt  }
0x5b: {  	_ =	shalt  }
0x5c: {  	_ =	shalt  }
0x5d: {  	_ =	shalt  }
0x5e: {  	_ =	shalt  }
0x5f: {  	_ =	shalt  }
0x60: {  	_ =	shalt  }
0x61: {  	_ =	shalt  }
0x62: {  	_ =	shalt  }
0x63: {  	_ =	shalt  }
0x64: {  	_ =	shalt  }
0x65: {  	_ =	shalt  }
0x66: {  	_ =	shalt  }
0x67: {  	_ =	shalt  }
0x68: {  	_ =	shalt  }
0x69: {  	_ =	shalt  }
0x6a: {  	_ =	shalt  }
0x6b: {  	_ =	shalt  }
0x6c: {  	_ =	shalt  }
0x6d: {  	_ =	shalt  }
0x6e: {  	_ =	shalt  }
0x6f: {  	_ =	shalt  }
0x70: {  	_ =	shalt  }
0x71: {  	_ =	shalt  }
0x72: {  	_ =	shalt  }
0x73: {  	_ =	shalt  }
0x74: {  	_ =	shalt  }
0x75: {  	_ =	shalt  }
0x76: {  	_ =	shalt  }
0x77: {  	_ =	shalt  }
0x78: {  	_ =	shalt  }
0x79: {  	_ =	shalt  }
0x7a: {  	_ =	shalt  }
0x7b: {  	_ =	shalt  }
0x7c: {  	_ =	shalt  }
0x7d: {  	_ =	shalt  }
0x7e: {  	_ =	shalt  }
0x7f: {  	_ =	shalt  }
0x80: {  	_ =	shalt  }
0x81: {  	_ =	shalt  }
0x82: {  	_ =	shalt  }
0x83: {  	_ =	shalt  }
0x84: {  	_ =	shalt  }
0x85: {  	_ =	shalt  }
0x86: {  	_ =	shalt  }
0x87: {  	_ =	shalt  }
.Lfunc_end0:
.L_simem_size_0:
called_computation_lowered:
.L_overlay_start_0:
0x88: {  	s2 =	sld [smem:$0x3FD9]  }
0x89: {  	s3 =	sld [smem:$0x3FFE];
	_ =	sdelay $0x1  }
0x8a: {  	s1 =	srdreg.scid  }
0x8b: {  	s0 =	sand.u32 $0x1, s1  }
0x8c: {  	s17 =	sshll.u32 s0, $0xA;
	s2 =	sadd.s32 s3, s2  }
0x8d: {  	s2 =	sadd.s32 s2, s17  }
0x8e: {  	[smem:$0x3FBF] =	sst s2  }
0x8f: {  	_ = 	snop  }
0x90: {  	s18 =	sld [smem:$0x3FC7]  }
0x91: {  	s4 =	sld [smem:$0x3FD0];
	(tm) =	ssettm $0x1  }
0x92: {  	s19 =	sld [smem:$0x3FFB];
	_ =	sdelay $0x3  }
0x93: {  	_ =	strace s19  }
0x94: {  	s2 =	sld [smem:$0x3FFC];
	_ =	sdelay $0x3  }
0x95: {  	_ =	strace s2  }
0x96: {  	s2 =	sld [smem:$0x3FFD];
	_ =	sdelay $0x3  }
0x97: {  	_ =	strace s2  }
0x98: {  	_ =	strace $0x8FFFFFFF  }
0x99: {  	s20 =	sld [smem:$0x3FDB];
	_ =	sdelay $0x1  }
0x9a: {  	s5 =	simm.s32 $_scs_section_size  }
0x9b: {  	s6 =	simm.s32 $_size__tile_overlayer_lowered;
	s7 =	simm.s32 $_tile_overlayer_lowered  }
0x9c: {  	s8 =	simm.s32 $0x1BFF;
	s21 =	sshll.u32 s7, $0x1;
	s5 =	sadd.s32 s5, s20  }
0x9d: {  	s22 =	simm.s32 $0x0;
	s6 =	sshll.u32 s6, $0x1;
	s7 =	sadd.s32 s21, s5  }
0x9e: {  	[timem:s22], [sflag:s8] =	dma.local [hbm:s7], s6  }
0x9f: {  	_ =	swait.ge [sflag:s8], s6  }
0xa0: {  	s6 =	ssub.s32 $0x0, s6;
	[sflag:s8] =	ssyncset.done $0x0  }
0xa1: {  	[sflag:s8] =	ssyncadd.s32 s6;
	_ =	sdelay $0x1  }
0xa2: {  	s23 =	simm.s32 $0x1B8B  }
0xa3: {  	_ =	swait.ge [sflag:s23], $0x1  }
0xa4: {  	[sflag:s23] =	ssyncset.done $0x0  }
0xa5: {  	[sflag:s23] =	ssyncadd.s32 $0xFFFFFFFF  }
0xa6: {  	s6 =	sld [smem:$0x0]  }
0xa7: {  	s7 =	sand.u32 $0xFFFFFFFE, s1  }
0xa8: {  	p0 =	sne.s32 s1, s7  }
0xa9: {  	s7 =	sshll.u32 @p0 s7, $0xE  }
0xaa: {  	s7 =	sadd.s32 @p0 $0x11B8D, s7;
	s8 =	sshll.u32 @p0 s6, $0x11  }
0xab: {  	s7 =	sor.u32 @p0 s8, s7  }
0xac: {  	[sflag:s7] =	ssyncadd.remote.s32 @p0 $0x1;
	_ =	sdelay $0x1  }
0xad: {  	s7 =	simm.s32 @p0 $0x1B8D  }
0xae: {  	_ =	swait.eq @p0 [sflag:s7], $0x1  }
0xaf: {  	[sflag:s7] =	ssyncadd.s32 @p0 $0xFFFFFFFF  }
0xb0: {  	s8 =	sshll.u32 @!p0 s1, $0xE  }
0xb1: {  	s8 =	sor.u32 @!p0 $0x4000, s8;
	s7 =	simm.s32 @!p0 $0x1B8D  }
0xb2: {  	s6 =	sshll.u32 @!p0 s6, $0x11;
	s8 =	sadd.s32 @!p0 $0x11B8D, s8;
	_ =	swait.eq @!p0 [sflag:s7], $0x1  }
0xb3: {  	s6 =	sor.u32 @!p0 s6, s8;
	[sflag:s7] =	ssyncadd.s32 @!p0 $0xFFFFFFFF  }
0xb4: {  	s25 =	simm.s32 $0x1B8E;
	s24 =	sld [smem:$0x3FFE];
	[sflag:s6] =	ssyncadd.remote.s32 @!p0 $0x1  }
0xb5: {  	s26 =	simm.s32 $execute0_lowered;
	[smem:$0x3FD2] =	sst s25  }
0xb6: {  	s7 =	sshll.u32 s26, $0x1;
	_ =	strace $0x80000049;
	[dreg:$0x1] =	wrdreg $0xFFFFFFFF  }
0xb7: {  	s28 =	simm.s32 $_size_execute0_lowered;
	s5 =	sadd.s32 s5, s7;
	[dreg:$0x0] =	wrdreg $0x0  }
0xb8: {  	s7 =	sshll.u32 s28, $0x1;
	[dreg:$0x2] =	wrdreg s5  }
0xb9: {  	[dreg:$0x3] =	wrdreg s7  }
0xba: {  	[dreg:$0x4] =	wrdreg $0xC0  }
0xbb: {  	_ =	task [dreg:s22], $0x5FFFF  }
0xbc: {  	[dreg:$0x1] =	wrdreg $0xFFFFFFFF  }
0xbd: {  	[dreg:$0x0] =	wrdreg $0x60  }
0xbe: {  	[dreg:$0x2] =	wrdreg s24  }
0xbf: {  	[dreg:$0x3] =	wrdreg s18  }
0xc0: {  	[dreg:$0x4] =	wrdreg s4  }
0xc1: {  	[dreg:$0x5] =	wrdreg $0x9  }
0xc2: {  	_ =	task.clear_ibuf [dreg:s22], $0x6FFFF;
	_ =	strace $0x90000049  }
0xc3: {  	s29 =	simm.s32 $0x9;
	_ =	strace $0x8000004B  }
0xc4: {  	_ =	swait.ge [sflag:s29], $0x1  }
0xc5: {  	[sflag:s29] =	ssyncadd.s32 $0xFFFFFFFF  }
0xc6: {  	_ =	strace $0x9000004B  }
0xc7: {  	_ =	sfence  }
0xc8: {  	s30 =	sld [smem:$0x0];
	_ =	sdelay $0x2  }
0xc9: {  	s31 =	sshll.u32 s1, $0xD;
	s1 =	sshrl.u32 s1, $0x2  }
0xca: {  	s4 =	sand.u32 $0x4000, s31;
	s1 =	sadd.s32 s1, s30  }
0xcb: {  	s0 =	sor.u32 s4, s0;
	s1 =	sshll.u32 s1, $0x11  }
0xcc: {  	s0 =	sor.u32 s1, s0  }
0xcd: {  	s0 =	sadd.s32 $0x8F2B, s0  }
0xce: {  	[sflag:s0] =	ssyncadd.remote.s32 $0x1  }
0xcf: {  	_ =	sfence.sel $0xFFFF  }
0xd0: {  	[dreg:$0x0] =	wrdreg $0xFFFFFFFF;
	(pc) =	sbr.abs _section_cstart, $3  }
0xd1: {  	[dreg:$0x1] =	wrdreg $0xFFFFFFFF  }
0xd2: {  	_ =	task.clear_ibuf [dreg:s22], $0x2FFFF;
	_ =	strace $0x9FFFFFFF  }
0xd3: {  	(tm) =	ssettm $0x7FFFFFFF  }
tec
execute0_lowered:
.L_overlay_start_1:
0x0: {  	(tag) =	ssettag $0x1  }
0x1: {  	s6 =	rddreg [dreg:$0x0]  }
0x2: {  	s7 =	rddreg [dreg:$0x1]  }
0x3: {  	s10 =	rddreg [dreg:$0x2]  }
0x4: {  	s0 =	rddreg [dreg:$0x3]  }
0x5: {  	s1 =	simm.s32 $0x0;
	s8 =	srdreg.scid;
	s2 =	stileid.u32  }
0x6: {  	s21 =	simm.s32 $0x80;
	s22 =	simm.s32 $0x200;
	s23 =	simm.s32 $0x680  }
0x7: {  	s24 =	simm.s32 $0x280;
	s25 =	simm.s32 $0x4680;
	s26 =	simm.s32 $0x1  }
0x8: {  	s28 =	simm.s32 $0x600;
	s29 =	simm.s32 $0x300;
	s30 =	simm.s32 $0x2  }
0x9: {  	s31 =	simm.s32 $0x380;
	[smem:$0x7FF] =	sst s1;
	s3 =	sadd.s32 $0x62600, s6  }
0xa: {  	s4 =	sadd.s32 $0x66600, s6;
	s5 =	sadd.s32 $0x6A600, s6;
	s8 =	sand.u32 $0x1, s8  }
0xb: {  	s11 =	sshll.u32 s2, $0x7;
	s14 =	sadd.s32 $0x6E600, s6;
	s9 =	ssub.s32 $0x2, s8  }
0xc: {  	s18 =	sadd.s32 $0x6EE00, s6;
	s8 =	sshll.u32 s8, $0x6;
	s12 =	sshrl.u32 s9, $0x1  }
0xd: {  	_ =	strace $0x8000004A;
	s15 =	sor.u32 s8, s11;
	s19 =	ssub.s32 s9, s12  }
0xe: {  	v0 =	vlaneseq.u32;
	s6 =	sadd.s32 s7, s15;
	s7 =	sadd.s32 s10, s15;
	s16 =	sor.u32 $0x10, s15  }
0xf: {  	v0 =	vmul.u32 $0x80, v0;
	s17 =	sor.u32 $0x20, s15;
	s20 =	sor.u32 $0x30, s15;
	s11 =	sadd.s32 s14, s15  }
0x10: {  	s15 =	sadd.s32 s18, s15;
	s8 =	sadd.s32 s10, s16;
	s9 =	sadd.s32 s10, s17  }
0x11: {  	v1 =	vor.u32 $0x800, v0;
	s10 =	sadd.s32 s10, s20;
	s12 =	sadd.s32 s14, s16;
	s13 =	sadd.s32 s14, s17  }
0x12: {  	v2 =	vor.u32 $0x1000, v0;
	v3 =	vor.u32 $0x1800, v0;
	v4 =	vor.u32 $0x2000, v0;
	s14 =	sadd.s32 s14, s20;
	s16 =	sadd.s32 s18, s16;
	s17 =	sadd.s32 s18, s17  }
0x13: {  	v5 =	vor.u32 $0x2800, v0;
	v6 =	vor.u32 $0x3000, v0;
	v7 =	vor.u32 $0x3800, v0;
	s18 =	sadd.s32 s18, s20;
	s19 =	smax.u32 s19, $0x1;
	s20 =	simm.s32 $0x3  }
.LBB2_1:
0x14: {  	[tilespmem:s1], [sflag:$0x3] =	stream.linear.gather [hbm4b:s6+s1], $0x200, $0x38;
	[tilespmem:$0x8680] =	vst v63  }
0x15: {  	_ =	swait.ge [sflag:s20], $0x200  }
0x16: {  	[sflag:s20] =	ssyncset.done $0x0  }
0x17: {  	[sflag:s20] =	ssyncadd.s32 $0xFFFFFE00  }
0x18: {  	v8 =	vld [tilespmem:$0x0];
	_ =	sdelay $0x1  }
0x19: {  	v9 =	vld [tilespmem:$0x10];
	_ =	sdelay $0x1  }
0x1a: {  	v10 =	vld [tilespmem:$0x20]  }
0x1b: {  	v11 =	vshra.s32 v8, $0x7  }
0x1c: {  	v35 =	vld [tilespmem:$0x30];
	v8 =	vand.u32 $0x7F, v8;
	[tilespmem:$0x200] =	vst v11  }
0x1d: {  	[tilespmem:$0x400] =	vst v8;
	v8 =	vshra.s32 v9, $0x7  }
0x1e: {  	v36 =	vld [tilespmem:$0x40];
	[tilespmem:$0x210] =	vst v8;
	v8 =	vand.u32 $0x7F, v9  }
0x1f: {  	[tilespmem:$0x410] =	vst v8;
	v8 =	vshra.s32 v10, $0x7  }
0x20: {  	v37 =	vld [tilespmem:$0x50];
	[tilespmem:$0x220] =	vst v8;
	v8 =	vand.u32 $0x7F, v10  }
0x21: {  	[tilespmem:$0x420] =	vst v8;
	v8 =	vshra.s32 v35, $0x7  }
0x22: {  	v38 =	vld [tilespmem:$0x60];
	[tilespmem:$0x230] =	vst v8;
	v8 =	vand.u32 $0x7F, v35  }
0x23: {  	[tilespmem:$0x430] =	vst v8;
	v8 =	vshra.s32 v36, $0x7  }
0x24: {  	v39 =	vld [tilespmem:$0x70];
	[tilespmem:$0x240] =	vst v8;
	v8 =	vand.u32 $0x7F, v36  }
0x25: {  	[tilespmem:$0x440] =	vst v8;
	v8 =	vshra.s32 v37, $0x7  }
0x26: {  	v40 =	vld [tilespmem:$0x80];
	[tilespmem:$0x250] =	vst v8;
	v8 =	vand.u32 $0x7F, v37  }
0x27: {  	[tilespmem:$0x450] =	vst v8;
	v8 =	vshra.s32 v38, $0x7  }
0x28: {  	v41 =	vld [tilespmem:$0x90];
	[tilespmem:$0x260] =	vst v8;
	v8 =	vand.u32 $0x7F, v38  }
0x29: {  	[tilespmem:$0x460] =	vst v8;
	v8 =	vshra.s32 v39, $0x7  }
0x2a: {  	v42 =	vld [tilespmem:$0xA0];
	[tilespmem:$0x270] =	vst v8;
	v8 =	vand.u32 $0x7F, v39  }
0x2b: {  	[tilespmem:$0x470] =	vst v8;
	v8 =	vshra.s32 v40, $0x7  }
0x2c: {  	v43 =	vld [tilespmem:$0xB0];
	[tilespmem:$0x280] =	vst v8;
	v8 =	vand.u32 $0x7F, v40  }
0x2d: {  	[tilespmem:$0x480] =	vst v8;
	v8 =	vshra.s32 v41, $0x7  }
0x2e: {  	v44 =	vld [tilespmem:$0xC0];
	[tilespmem:$0x290] =	vst v8;
	v8 =	vand.u32 $0x7F, v41  }
0x2f: {  	[tilespmem:$0x490] =	vst v8;
	v8 =	vshra.s32 v42, $0x7  }
0x30: {  	v45 =	vld [tilespmem:$0xD0];
	[tilespmem:$0x2A0] =	vst v8;
	v8 =	vand.u32 $0x7F, v42  }
0x31: {  	[tilespmem:$0x4A0] =	vst v8;
	v8 =	vshra.s32 v43, $0x7  }
0x32: {  	v46 =	vld [tilespmem:$0xE0];
	[tilespmem:$0x2B0] =	vst v8;
	v8 =	vand.u32 $0x7F, v43  }
0x33: {  	[tilespmem:$0x4B0] =	vst v8;
	v8 =	vshra.s32 v44, $0x7  }
0x34: {  	v47 =	vld [tilespmem:$0xF0];
	[tilespmem:$0x2C0] =	vst v8;
	v8 =	vand.u32 $0x7F, v44  }
0x35: {  	[tilespmem:$0x4C0] =	vst v8;
	v8 =	vshra.s32 v45, $0x7  }
0x36: {  	v48 =	vld [tilespmem:$0x100];
	[tilespmem:$0x2D0] =	vst v8;
	v8 =	vand.u32 $0x7F, v45  }
0x37: {  	[tilespmem:$0x4D0] =	vst v8;
	v8 =	vshra.s32 v46, $0x7  }
0x38: {  	v49 =	vld [tilespmem:$0x110];
	[tilespmem:$0x2E0] =	vst v8;
	v8 =	vand.u32 $0x7F, v46  }
0x39: {  	[tilespmem:$0x4E0] =	vst v8;
	v8 =	vshra.s32 v47, $0x7  }
0x3a: {  	v50 =	vld [tilespmem:$0x120];
	[tilespmem:$0x2F0] =	vst v8;
	v8 =	vand.u32 $0x7F, v47  }
0x3b: {  	[tilespmem:$0x4F0] =	vst v8;
	v8 =	vshra.s32 v48, $0x7  }
0x3c: {  	v51 =	vld [tilespmem:$0x130];
	[tilespmem:$0x300] =	vst v8;
	v8 =	vand.u32 $0x7F, v48  }
0x3d: {  	[tilespmem:$0x500] =	vst v8;
	v8 =	vshra.s32 v49, $0x7  }
0x3e: {  	v52 =	vld [tilespmem:$0x140];
	[tilespmem:$0x310] =	vst v8;
	v8 =	vand.u32 $0x7F, v49  }
0x3f: {  	[tilespmem:$0x510] =	vst v8;
	v8 =	vshra.s32 v50, $0x7  }
0x40: {  	v53 =	vld [tilespmem:$0x150];
	[tilespmem:$0x320] =	vst v8;
	v8 =	vand.u32 $0x7F, v50  }
0x41: {  	[tilespmem:$0x520] =	vst v8;
	v8 =	vshra.s32 v51, $0x7  }
0x42: {  	v54 =	vld [tilespmem:$0x160];
	[tilespmem:$0x330] =	vst v8;
	v8 =	vand.u32 $0x7F, v51  }
0x43: {  	[tilespmem:$0x530] =	vst v8;
	v8 =	vshra.s32 v52, $0x7  }
0x44: {  	v55 =	vld [tilespmem:$0x170];
	[tilespmem:$0x340] =	vst v8;
	v8 =	vand.u32 $0x7F, v52  }
0x45: {  	[tilespmem:$0x540] =	vst v8;
	v8 =	vshra.s32 v53, $0x7  }
0x46: {  	v56 =	vld [tilespmem:$0x180];
	[tilespmem:$0x350] =	vst v8;
	v8 =	vand.u32 $0x7F, v53  }
0x47: {  	[tilespmem:$0x550] =	vst v8;
	v8 =	vshra.s32 v54, $0x7  }
0x48: {  	v57 =	vld [tilespmem:$0x190];
	[tilespmem:$0x360] =	vst v8;
	v8 =	vand.u32 $0x7F, v54  }
0x49: {  	[tilespmem:$0x560] =	vst v8;
	v8 =	vshra.s32 v55, $0x7  }
0x4a: {  	v58 =	vld [tilespmem:$0x1A0];
	[tilespmem:$0x370] =	vst v8;
	v8 =	vand.u32 $0x7F, v55  }
0x4b: {  	[tilespmem:$0x570] =	vst v8;
	v8 =	vshra.s32 v56, $0x7  }
0x4c: {  	v59 =	vld [tilespmem:$0x1B0];
	[tilespmem:$0x380] =	vst v8;
	v8 =	vand.u32 $0x7F, v56  }
0x4d: {  	[tilespmem:$0x580] =	vst v8;
	v8 =	vshra.s32 v57, $0x7  }
0x4e: {  	v60 =	vld [tilespmem:$0x1C0];
	[tilespmem:$0x390] =	vst v8;
	v8 =	vand.u32 $0x7F, v57  }
0x4f: {  	[tilespmem:$0x590] =	vst v8;
	v8 =	vshra.s32 v58, $0x7  }
0x50: {  	v61 =	vld [tilespmem:$0x1D0];
	[tilespmem:$0x3A0] =	vst v8;
	v8 =	vand.u32 $0x7F, v58  }
0x51: {  	[tilespmem:$0x5A0] =	vst v8;
	v8 =	vshra.s32 v59, $0x7  }
0x52: {  	v62 =	vld [tilespmem:$0x1E0];
	[tilespmem:$0x3B0] =	vst v8;
	v8 =	vand.u32 $0x7F, v59  }
0x53: {  	[tilespmem:$0x5B0] =	vst v8;
	v8 =	vshra.s32 v60, $0x7  }
0x54: {  	v63 =	vld [tilespmem:$0x1F0];
	[tilespmem:$0x3C0] =	vst v8;
	v8 =	vand.u32 $0x7F, v60  }
0x55: {  	[tilespmem:$0x5C0] =	vst v8;
	v8 =	vshra.s32 v61, $0x7  }
0x56: {  	[tilespmem:$0x3D0] =	vst v8;
	v8 =	vand.u32 $0x7F, v61  }
0x57: {  	[tilespmem:$0x5D0] =	vst v8;
	v8 =	vshra.s32 v62, $0x7  }
0x58: {  	[tilespmem:$0x3E0] =	vst v8;
	v8 =	vand.u32 $0x7F, v62  }
0x59: {  	[tilespmem:$0x5E0] =	vst v8;
	v8 =	vshra.s32 v63, $0x7  }
0x5a: {  	[tilespmem:$0x3F0] =	vst v8;
	v8 =	vand.u32 $0x7F, v63  }
0x5b: {  	[tilespmem:$0x5F0] =	vst v8  }
0x5c: {  	[tilespmem:s23], [sflag:$0x1] =	stream.indirect.gather [hbm4b:s3+s21], $0x80, s22, s21, $0xb8;
	[tilespmem:$0x8680] =	vst v63  }
0x5d: {  	_ = 	snop  }
0x5e: {  	[tilespmem:s25], [sflag:$0x2] =	stream.indirect.gather [hbm4b:s3+s21], $0x80, s24, s21, $0xb8;
	[tilespmem:$0x8680] =	vst v63  }
0x5f: {  	_ =	swait.ge [sflag:s26], $0x4000  }
0x60: {  	[sflag:s26] =	ssyncset.done $0x0  }
0x61: {  	[sflag:s26] =	ssyncadd.s32 $0xFFFFC000  }
0x62: {  	v8 =	vld [tilespmem:$0x400];
	_ =	sdelay $0x4  }
0x63: {  	v8 =	vadd.s32 v0, v8  }
0x64: {  	v12 =	vld [tilespmem:$0x410];
	_ =	sdelay $0x3  }
0x65: {  	v8 =	vld.idx.msk [tilespmem:v8+s23+$0x0], $0xffff  }
0x66: {  	v9 =	vadd.s32 v1, v12  }
0x67: {  	v13 =	vld [tilespmem:$0x420];
	_ =	sdelay $0x2  }
0x68: {  	[tilespmem:$0x600] =	vst v8  }
0x69: {  	v8 =	vld.idx.msk [tilespmem:v9+s23+$0x0], $0xffff  }
0x6a: {  	v14 =	vadd.s32 v2, v13  }
0x6b: {  	v15 =	vld [tilespmem:$0x430];
	_ =	sdelay $0x2  }
0x6c: {  	[tilespmem:$0x610] =	vst v8  }
0x6d: {  	v8 =	vld.idx.msk [tilespmem:v14+s23+$0x0], $0xffff  }
0x6e: {  	v16 =	vadd.s32 v3, v15  }
0x6f: {  	v17 =	vld [tilespmem:$0x440];
	_ =	sdelay $0x2  }
0x70: {  	[tilespmem:$0x620] =	vst v8  }
0x71: {  	v8 =	vld.idx.msk [tilespmem:v16+s23+$0x0], $0xffff  }
0x72: {  	v18 =	vadd.s32 v4, v17  }
0x73: {  	v19 =	vld [tilespmem:$0x450];
	_ =	sdelay $0x2  }
0x74: {  	[tilespmem:$0x630] =	vst v8  }
0x75: {  	v8 =	vld.idx.msk [tilespmem:v18+s23+$0x0], $0xffff  }
0x76: {  	v20 =	vadd.s32 v5, v19  }
0x77: {  	v21 =	vld [tilespmem:$0x460];
	_ =	sdelay $0x2  }
0x78: {  	[tilespmem:$0x640] =	vst v8  }
0x79: {  	v8 =	vld.idx.msk [tilespmem:v20+s23+$0x0], $0xffff  }
0x7a: {  	v22 =	vadd.s32 v6, v21  }
0x7b: {  	v23 =	vld [tilespmem:$0x470];
	_ =	sdelay $0x2  }
0x7c: {  	[tilespmem:$0x650] =	vst v8  }
0x7d: {  	v8 =	vld.idx.msk [tilespmem:v22+s23+$0x0], $0xffff  }
0x7e: {  	v24 =	vadd.s32 v7, v23;
	_ =	sdelay $0x3  }
0x7f: {  	[tilespmem:$0x660] =	vst v8  }
0x80: {  	v8 =	vld.idx.msk [tilespmem:v24+s23+$0x0], $0xffff;
	_ =	sdelay $0x4  }
0x81: {  	[tilespmem:$0x670] =	vst v8  }
0x82: {  	[hbm4b:s7+s1] =	stream.linear.scatter [tilespmem:s28], [sflag:$0x3], $0x80, $0x38;
	[tilespmem:$0x8680] =	vst v63  }
0x83: {  	_ =	swait.ge [sflag:s20], $0x80  }
0x84: {  	[sflag:s20] =	ssyncset.done $0x0  }
0x85: {  	[sflag:s20] =	ssyncadd.s32 $0xFFFFFF80  }
0x86: {  	[tilespmem:s23], [sflag:$0x1] =	stream.indirect.gather [hbm4b:s3+s21], $0x80, s29, s21, $0xb8;
	[tilespmem:$0x8680] =	vst v63  }
0x87: {  	_ =	swait.ge [sflag:s30], $0x4000  }
0x88: {  	[sflag:s30] =	ssyncset.done $0x0  }
0x89: {  	[sflag:s30] =	ssyncadd.s32 $0xFFFFC000  }
0x8a: {  	v8 =	vld [tilespmem:$0x480];
	_ =	sdelay $0x4  }
0x8b: {  	v8 =	vadd.s32 v0, v8  }
0x8c: {  	v25 =	vld [tilespmem:$0x490];
	_ =	sdelay $0x3  }
0x8d: {  	v8 =	vld.idx.msk [tilespmem:v8+s25+$0x0], $0xffff  }
0x8e: {  	v9 =	vadd.s32 v1, v25  }
0x8f: {  	v26 =	vld [tilespmem:$0x4A0];
	_ =	sdelay $0x2  }
0x90: {  	[tilespmem:$0x600] =	vst v8  }
0x91: {  	v8 =	vld.idx.msk [tilespmem:v9+s25+$0x0], $0xffff  }
0x92: {  	v27 =	vadd.s32 v2, v26  }
0x93: {  	v28 =	vld [tilespmem:$0x4B0];
	_ =	sdelay $0x2  }
0x94: {  	[tilespmem:$0x610] =	vst v8  }
0x95: {  	v8 =	vld.idx.msk [tilespmem:v27+s25+$0x0], $0xffff  }
0x96: {  	v29 =	vadd.s32 v3, v28  }
0x97: {  	v30 =	vld [tilespmem:$0x4C0];
	_ =	sdelay $0x2  }
0x98: {  	[tilespmem:$0x620] =	vst v8  }
0x99: {  	v8 =	vld.idx.msk [tilespmem:v29+s25+$0x0], $0xffff  }
0x9a: {  	v31 =	vadd.s32 v4, v30  }
0x9b: {  	v32 =	vld [tilespmem:$0x4D0];
	_ =	sdelay $0x2  }
0x9c: {  	[tilespmem:$0x630] =	vst v8  }
0x9d: {  	v8 =	vld.idx.msk [tilespmem:v31+s25+$0x0], $0xffff  }
0x9e: {  	v33 =	vadd.s32 v5, v32  }
0x9f: {  	v34 =	vld [tilespmem:$0x4E0];
	_ =	sdelay $0x2  }
0xa0: {  	[tilespmem:$0x640] =	vst v8  }
0xa1: {  	v8 =	vld.idx.msk [tilespmem:v33+s25+$0x0], $0xffff  }
0xa2: {  	v35 =	vadd.s32 v6, v34  }
0xa3: {  	v36 =	vld [tilespmem:$0x4F0];
	_ =	sdelay $0x2  }
0xa4: {  	[tilespmem:$0x650] =	vst v8  }
0xa5: {  	v8 =	vld.idx.msk [tilespmem:v35+s25+$0x0], $0xffff  }
0xa6: {  	v37 =	vadd.s32 v7, v36;
	_ =	sdelay $0x3  }
0xa7: {  	[tilespmem:$0x660] =	vst v8  }
0xa8: {  	v8 =	vld.idx.msk [tilespmem:v37+s25+$0x0], $0xffff;
	_ =	sdelay $0x4  }
0xa9: {  	[tilespmem:$0x670] =	vst v8  }
0xaa: {  	[hbm4b:s8+s1] =	stream.linear.scatter [tilespmem:s28], [sflag:$0x3], $0x80, $0x38;
	[tilespmem:$0x8680] =	vst v63  }
0xab: {  	_ =	swait.ge [sflag:s20], $0x80  }
0xac: {  	[sflag:s20] =	ssyncset.done $0x0  }
0xad: {  	[sflag:s20] =	ssyncadd.s32 $0xFFFFFF80  }
0xae: {  	[tilespmem:s25], [sflag:$0x2] =	stream.indirect.gather [hbm4b:s3+s21], $0x80, s31, s21, $0xb8;
	[tilespmem:$0x8680] =	vst v63  }
0xaf: {  	_ =	swait.ge [sflag:s26], $0x4000  }
0xb0: {  	[sflag:s26] =	ssyncset.done $0x0  }
0xb1: {  	[sflag:s26] =	ssyncadd.s32 $0xFFFFC000  }
0xb2: {  	v8 =	vld [tilespmem:$0x500];
	_ =	sdelay $0x4  }
0xb3: {  	v8 =	vadd.s32 v0, v8  }
0xb4: {  	v38 =	vld [tilespmem:$0x510];
	_ =	sdelay $0x3  }
0xb5: {  	v8 =	vld.idx.msk [tilespmem:v8+s23+$0x0], $0xffff  }
0xb6: {  	v9 =	vadd.s32 v1, v38  }
0xb7: {  	v39 =	vld [tilespmem:$0x520];
	_ =	sdelay $0x2  }
0xb8: {  	[tilespmem:$0x600] =	vst v8  }
0xb9: {  	v8 =	vld.idx.msk [tilespmem:v9+s23+$0x0], $0xffff  }
0xba: {  	v40 =	vadd.s32 v2, v39  }
0xbb: {  	v41 =	vld [tilespmem:$0x530];
	_ =	sdelay $0x2  }
0xbc: {  	[tilespmem:$0x610] =	vst v8  }
0xbd: {  	v8 =	vld.idx.msk [tilespmem:v40+s23+$0x0], $0xffff  }
0xbe: {  	v42 =	vadd.s32 v3, v41  }
0xbf: {  	v43 =	vld [tilespmem:$0x540];
	_ =	sdelay $0x2  }
0xc0: {  	[tilespmem:$0x620] =	vst v8  }
0xc1: {  	v8 =	vld.idx.msk [tilespmem:v42+s23+$0x0], $0xffff  }
0xc2: {  	v44 =	vadd.s32 v4, v43  }
0xc3: {  	v45 =	vld [tilespmem:$0x550];
	_ =	sdelay $0x2  }
0xc4: {  	[tilespmem:$0x630] =	vst v8  }
0xc5: {  	v8 =	vld.idx.msk [tilespmem:v44+s23+$0x0], $0xffff  }
0xc6: {  	v46 =	vadd.s32 v5, v45  }
0xc7: {  	v47 =	vld [tilespmem:$0x560];
	_ =	sdelay $0x2  }
0xc8: {  	[tilespmem:$0x640] =	vst v8  }
0xc9: {  	v8 =	vld.idx.msk [tilespmem:v46+s23+$0x0], $0xffff  }
0xca: {  	v48 =	vadd.s32 v6, v47  }
0xcb: {  	v49 =	vld [tilespmem:$0x570];
	_ =	sdelay $0x2  }
0xcc: {  	[tilespmem:$0x650] =	vst v8  }
0xcd: {  	v8 =	vld.idx.msk [tilespmem:v48+s23+$0x0], $0xffff  }
0xce: {  	v50 =	vadd.s32 v7, v49;
	_ =	sdelay $0x3  }
0xcf: {  	[tilespmem:$0x660] =	vst v8  }
0xd0: {  	v8 =	vld.idx.msk [tilespmem:v50+s23+$0x0], $0xffff;
	_ =	sdelay $0x4  }
0xd1: {  	[tilespmem:$0x670] =	vst v8  }
0xd2: {  	[hbm4b:s9+s1] =	stream.linear.scatter [tilespmem:s28], [sflag:$0x3], $0x80, $0x38;
	[tilespmem:$0x8680] =	vst v63  }
0xd3: {  	_ =	swait.ge [sflag:s20], $0x80  }
0xd4: {  	[sflag:s20] =	ssyncset.done $0x0  }
0xd5: {  	[sflag:s20] =	ssyncadd.s32 $0xFFFFFF80  }
0xd6: {  	[tilespmem:s23], [sflag:$0x1] =	stream.indirect.gather [hbm4b:s4+s21], $0x80, s22, s21, $0xb8;
	[tilespmem:$0x8680] =	vst v63  }
0xd7: {  	_ =	swait.ge [sflag:s30], $0x4000  }
0xd8: {  	[sflag:s30] =	ssyncset.done $0x0  }
0xd9: {  	[sflag:s30] =	ssyncadd.s32 $0xFFFFC000  }
0xda: {  	v8 =	vld [tilespmem:$0x580];
	_ =	sdelay $0x4  }
0xdb: {  	v8 =	vadd.s32 v0, v8  }
0xdc: {  	v51 =	vld [tilespmem:$0x590];
	_ =	sdelay $0x3  }
0xdd: {  	v8 =	vld.idx.msk [tilespmem:v8+s25+$0x0], $0xffff  }
0xde: {  	v9 =	vadd.s32 v1, v51  }
0xdf: {  	v52 =	vld [tilespmem:$0x5A0];
	_ =	sdelay $0x2  }
0xe0: {  	[tilespmem:$0x600] =	vst v8  }
0xe1: {  	v8 =	vld.idx.msk [tilespmem:v9+s25+$0x0], $0xffff  }
0xe2: {  	v53 =	vadd.s32 v2, v52  }
0xe3: {  	v54 =	vld [tilespmem:$0x5B0];
	_ =	sdelay $0x2  }
0xe4: {  	[tilespmem:$0x610] =	vst v8  }
0xe5: {  	v8 =	vld.idx.msk [tilespmem:v53+s25+$0x0], $0xffff  }
0xe6: {  	v55 =	vadd.s32 v3, v54  }
0xe7: {  	v56 =	vld [tilespmem:$0x5C0];
	_ =	sdelay $0x2  }
0xe8: {  	[tilespmem:$0x620] =	vst v8  }
0xe9: {  	v8 =	vld.idx.msk [tilespmem:v55+s25+$0x0], $0xffff  }
0xea: {  	v57 =	vadd.s32 v4, v56  }
0xeb: {  	v58 =	vld [tilespmem:$0x5D0];
	_ =	sdelay $0x2  }
0xec: {  	[tilespmem:$0x630] =	vst v8  }
0xed: {  	v8 =	vld.idx.msk [tilespmem:v57+s25+$0x0], $0xffff  }
0xee: {  	v59 =	vadd.s32 v5, v58  }
0xef: {  	v60 =	vld [tilespmem:$0x5E0];
	_ =	sdelay $0x2  }
0xf0: {  	[tilespmem:$0x640] =	vst v8  }
0xf1: {  	v8 =	vld.idx.msk [tilespmem:v59+s25+$0x0], $0xffff  }
0xf2: {  	v61 =	vadd.s32 v6, v60  }
0xf3: {  	v62 =	vld [tilespmem:$0x5F0];
	_ =	sdelay $0x2  }
0xf4: {  	[tilespmem:$0x650] =	vst v8  }
0xf5: {  	v8 =	vld.idx.msk [tilespmem:v61+s25+$0x0], $0xffff  }
0xf6: {  	v63 =	vadd.s32 v7, v62;
	_ =	sdelay $0x3  }
0xf7: {  	[tilespmem:$0x660] =	vst v8  }
0xf8: {  	v8 =	vld.idx.msk [tilespmem:v63+s25+$0x0], $0xffff;
	_ =	sdelay $0x4  }
0xf9: {  	[tilespmem:$0x670] =	vst v8  }
0xfa: {  	[hbm4b:s10+s1] =	stream.linear.scatter [tilespmem:s28], [sflag:$0x3], $0x80, $0x38;
	[tilespmem:$0x8680] =	vst v63  }
0xfb: {  	_ =	swait.ge [sflag:s20], $0x80  }
0xfc: {  	[sflag:s20] =	ssyncset.done $0x0  }
0xfd: {  	[sflag:s20] =	ssyncadd.s32 $0xFFFFFF80  }
0xfe: {  	[tilespmem:s25], [sflag:$0x2] =	stream.indirect.gather [hbm4b:s4+s21], $0x80, s24, s21, $0xb8;
	[tilespmem:$0x8680] =	vst v63  }
0xff: {  	_ =	swait.ge [sflag:s26], $0x4000  }
0x100: {  	[sflag:s26] =	ssyncset.done $0x0  }
0x101: {  	[sflag:s26] =	ssyncadd.s32 $0xFFFFC000  }
0x102: {  	v8 =	vld [tilespmem:$0x400];
	_ =	sdelay $0x4  }
0x103: {  	v8 =	vadd.s32 v0, v8  }
0x104: {  	v12 =	vld [tilespmem:$0x410];
	_ =	sdelay $0x3  }
0x105: {  	v8 =	vld.idx.msk [tilespmem:v8+s23+$0x0], $0xffff  }
0x106: {  	v9 =	vadd.s32 v1, v12  }
0x107: {  	v13 =	vld [tilespmem:$0x420];
	_ =	sdelay $0x2  }
0x108: {  	[tilespmem:$0x600] =	vst v8  }
0x109: {  	v8 =	vld.idx.msk [tilespmem:v9+s23+$0x0], $0xffff  }
0x10a: {  	v14 =	vadd.s32 v2, v13  }
0x10b: {  	v15 =	vld [tilespmem:$0x430];
	_ =	sdelay $0x2  }
0x10c: {  	[tilespmem:$0x610] =	vst v8  }
0x10d: {  	v8 =	vld.idx.msk [tilespmem:v14+s23+$0x0], $0xffff  }
0x10e: {  	v16 =	vadd.s32 v3, v15  }
0x10f: {  	v17 =	vld [tilespmem:$0x440];
	_ =	sdelay $0x2  }
0x110: {  	[tilespmem:$0x620] =	vst v8  }
0x111: {  	v8 =	vld.idx.msk [tilespmem:v16+s23+$0x0], $0xffff  }
0x112: {  	v18 =	vadd.s32 v4, v17  }
0x113: {  	v19 =	vld [tilespmem:$0x450];
	_ =	sdelay $0x2  }
0x114: {  	[tilespmem:$0x630] =	vst v8  }
0x115: {  	v8 =	vld.idx.msk [tilespmem:v18+s23+$0x0], $0xffff  }
0x116: {  	v20 =	vadd.s32 v5, v19  }
0x117: {  	v21 =	vld [tilespmem:$0x460];
	_ =	sdelay $0x2  }
0x118: {  	[tilespmem:$0x640] =	vst v8  }
0x119: {  	v8 =	vld.idx.msk [tilespmem:v20+s23+$0x0], $0xffff  }
0x11a: {  	v22 =	vadd.s32 v6, v21  }
0x11b: {  	v23 =	vld [tilespmem:$0x470];
	_ =	sdelay $0x2  }
0x11c: {  	[tilespmem:$0x650] =	vst v8  }
0x11d: {  	v8 =	vld.idx.msk [tilespmem:v22+s23+$0x0], $0xffff  }
0x11e: {  	v24 =	vadd.s32 v7, v23;
	_ =	sdelay $0x3  }
0x11f: {  	[tilespmem:$0x660] =	vst v8  }
0x120: {  	v8 =	vld.idx.msk [tilespmem:v24+s23+$0x0], $0xffff;
	_ =	sdelay $0x4  }
0x121: {  	[tilespmem:$0x670] =	vst v8  }
0x122: {  	[hbm4b:s11+s1] =	stream.linear.scatter [tilespmem:s28], [sflag:$0x3], $0x80, $0x38;
	[tilespmem:$0x8680] =	vst v63  }
0x123: {  	_ =	swait.ge [sflag:s20], $0x80  }
0x124: {  	[sflag:s20] =	ssyncset.done $0x0  }
0x125: {  	[sflag:s20] =	ssyncadd.s32 $0xFFFFFF80  }
0x126: {  	[tilespmem:s23], [sflag:$0x1] =	stream.indirect.gather [hbm4b:s4+s21], $0x80, s29, s21, $0xb8;
	[tilespmem:$0x8680] =	vst v63  }
0x127: {  	_ =	swait.ge [sflag:s30], $0x4000  }
0x128: {  	[sflag:s30] =	ssyncset.done $0x0  }
0x129: {  	[sflag:s30] =	ssyncadd.s32 $0xFFFFC000  }
0x12a: {  	v8 =	vld [tilespmem:$0x480];
	_ =	sdelay $0x4  }
0x12b: {  	v8 =	vadd.s32 v0, v8  }
0x12c: {  	v25 =	vld [tilespmem:$0x490];
	_ =	sdelay $0x3  }
0x12d: {  	v8 =	vld.idx.msk [tilespmem:v8+s25+$0x0], $0xffff  }
0x12e: {  	v9 =	vadd.s32 v1, v25  }
0x12f: {  	v26 =	vld [tilespmem:$0x4A0];
	_ =	sdelay $0x2  }
0x130: {  	[tilespmem:$0x600] =	vst v8  }
0x131: {  	v8 =	vld.idx.msk [tilespmem:v9+s25+$0x0], $0xffff  }
0x132: {  	v27 =	vadd.s32 v2, v26  }
0x133: {  	v28 =	vld [tilespmem:$0x4B0];
	_ =	sdelay $0x2  }
0x134: {  	[tilespmem:$0x610] =	vst v8  }
0x135: {  	v8 =	vld.idx.msk [tilespmem:v27+s25+$0x0], $0xffff  }
0x136: {  	v29 =	vadd.s32 v3, v28  }
0x137: {  	v30 =	vld [tilespmem:$0x4C0];
	_ =	sdelay $0x2  }
0x138: {  	[tilespmem:$0x620] =	vst v8  }
0x139: {  	v8 =	vld.idx.msk [tilespmem:v29+s25+$0x0], $0xffff  }
0x13a: {  	v31 =	vadd.s32 v4, v30  }
0x13b: {  	v32 =	vld [tilespmem:$0x4D0];
	_ =	sdelay $0x2  }
0x13c: {  	[tilespmem:$0x630] =	vst v8  }
0x13d: {  	v8 =	vld.idx.msk [tilespmem:v31+s25+$0x0], $0xffff  }
0x13e: {  	v33 =	vadd.s32 v5, v32  }
0x13f: {  	v34 =	vld [tilespmem:$0x4E0];
	_ =	sdelay $0x2  }
0x140: {  	[tilespmem:$0x640] =	vst v8  }
0x141: {  	v8 =	vld.idx.msk [tilespmem:v33+s25+$0x0], $0xffff  }
0x142: {  	v35 =	vadd.s32 v6, v34  }
0x143: {  	v36 =	vld [tilespmem:$0x4F0];
	_ =	sdelay $0x2  }
0x144: {  	[tilespmem:$0x650] =	vst v8  }
0x145: {  	v8 =	vld.idx.msk [tilespmem:v35+s25+$0x0], $0xffff  }
0x146: {  	v37 =	vadd.s32 v7, v36;
	_ =	sdelay $0x3  }
0x147: {  	[tilespmem:$0x660] =	vst v8  }
0x148: {  	v8 =	vld.idx.msk [tilespmem:v37+s25+$0x0], $0xffff;
	_ =	sdelay $0x4  }
0x149: {  	[tilespmem:$0x670] =	vst v8  }
0x14a: {  	[hbm4b:s12+s1] =	stream.linear.scatter [tilespmem:s28], [sflag:$0x3], $0x80, $0x38;
	[tilespmem:$0x8680] =	vst v63  }
0x14b: {  	_ =	swait.ge [sflag:s20], $0x80  }
0x14c: {  	[sflag:s20] =	ssyncset.done $0x0  }
0x14d: {  	[sflag:s20] =	ssyncadd.s32 $0xFFFFFF80  }
0x14e: {  	[tilespmem:s25], [sflag:$0x2] =	stream.indirect.gather [hbm4b:s4+s21], $0x80, s31, s21, $0xb8;
	[tilespmem:$0x8680] =	vst v63  }
0x14f: {  	_ =	swait.ge [sflag:s26], $0x4000  }
0x150: {  	[sflag:s26] =	ssyncset.done $0x0  }
0x151: {  	[sflag:s26] =	ssyncadd.s32 $0xFFFFC000  }
0x152: {  	v8 =	vld [tilespmem:$0x500];
	_ =	sdelay $0x4  }
0x153: {  	v8 =	vadd.s32 v0, v8  }
0x154: {  	v38 =	vld [tilespmem:$0x510];
	_ =	sdelay $0x3  }
0x155: {  	v8 =	vld.idx.msk [tilespmem:v8+s23+$0x0], $0xffff  }
0x156: {  	v9 =	vadd.s32 v1, v38  }
0x157: {  	v39 =	vld [tilespmem:$0x520];
	_ =	sdelay $0x2  }
0x158: {  	[tilespmem:$0x600] =	vst v8  }
0x159: {  	v8 =	vld.idx.msk [tilespmem:v9+s23+$0x0], $0xffff  }
0x15a: {  	v40 =	vadd.s32 v2, v39  }
0x15b: {  	v41 =	vld [tilespmem:$0x530];
	_ =	sdelay $0x2  }
0x15c: {  	[tilespmem:$0x610] =	vst v8  }
0x15d: {  	v8 =	vld.idx.msk [tilespmem:v40+s23+$0x0], $0xffff  }
0x15e: {  	v42 =	vadd.s32 v3, v41  }
0x15f: {  	v43 =	vld [tilespmem:$0x540];
	_ =	sdelay $0x2  }
0x160: {  	[tilespmem:$0x620] =	vst v8  }
0x161: {  	v8 =	vld.idx.msk [tilespmem:v42+s23+$0x0], $0xffff  }
0x162: {  	v44 =	vadd.s32 v4, v43  }
0x163: {  	v45 =	vld [tilespmem:$0x550];
	_ =	sdelay $0x2  }
0x164: {  	[tilespmem:$0x630] =	vst v8  }
0x165: {  	v8 =	vld.idx.msk [tilespmem:v44+s23+$0x0], $0xffff  }
0x166: {  	v46 =	vadd.s32 v5, v45  }
0x167: {  	v47 =	vld [tilespmem:$0x560];
	_ =	sdelay $0x2  }
0x168: {  	[tilespmem:$0x640] =	vst v8  }
0x169: {  	v8 =	vld.idx.msk [tilespmem:v46+s23+$0x0], $0xffff  }
0x16a: {  	v48 =	vadd.s32 v6, v47  }
0x16b: {  	v49 =	vld [tilespmem:$0x570];
	_ =	sdelay $0x2  }
0x16c: {  	[tilespmem:$0x650] =	vst v8  }
0x16d: {  	v8 =	vld.idx.msk [tilespmem:v48+s23+$0x0], $0xffff  }
0x16e: {  	v50 =	vadd.s32 v7, v49;
	_ =	sdelay $0x3  }
0x16f: {  	[tilespmem:$0x660] =	vst v8  }
0x170: {  	v8 =	vld.idx.msk [tilespmem:v50+s23+$0x0], $0xffff;
	_ =	sdelay $0x4  }
0x171: {  	[tilespmem:$0x670] =	vst v8  }
0x172: {  	[hbm4b:s13+s1] =	stream.linear.scatter [tilespmem:s28], [sflag:$0x3], $0x80, $0x38;
	[tilespmem:$0x8680] =	vst v63  }
0x173: {  	_ =	swait.ge [sflag:s20], $0x80  }
0x174: {  	[sflag:s20] =	ssyncset.done $0x0  }
0x175: {  	[sflag:s20] =	ssyncadd.s32 $0xFFFFFF80  }
0x176: {  	[tilespmem:s23], [sflag:$0x1] =	stream.indirect.gather [hbm4b:s5+s21], $0x80, s22, s21, $0xb8;
	[tilespmem:$0x8680] =	vst v63  }
0x177: {  	_ =	swait.ge [sflag:s30], $0x4000  }
0x178: {  	[sflag:s30] =	ssyncset.done $0x0  }
0x179: {  	[sflag:s30] =	ssyncadd.s32 $0xFFFFC000  }
0x17a: {  	v8 =	vld [tilespmem:$0x580];
	_ =	sdelay $0x4  }
0x17b: {  	v8 =	vadd.s32 v0, v8  }
0x17c: {  	v51 =	vld [tilespmem:$0x590];
	_ =	sdelay $0x3  }
0x17d: {  	v8 =	vld.idx.msk [tilespmem:v8+s25+$0x0], $0xffff  }
0x17e: {  	v9 =	vadd.s32 v1, v51  }
0x17f: {  	v52 =	vld [tilespmem:$0x5A0];
	_ =	sdelay $0x2  }
0x180: {  	[tilespmem:$0x600] =	vst v8  }
0x181: {  	v8 =	vld.idx.msk [tilespmem:v9+s25+$0x0], $0xffff  }
0x182: {  	v53 =	vadd.s32 v2, v52  }
0x183: {  	v54 =	vld [tilespmem:$0x5B0];
	_ =	sdelay $0x2  }
0x184: {  	[tilespmem:$0x610] =	vst v8  }
0x185: {  	v8 =	vld.idx.msk [tilespmem:v53+s25+$0x0], $0xffff  }
0x186: {  	v55 =	vadd.s32 v3, v54  }
0x187: {  	v56 =	vld [tilespmem:$0x5C0];
	_ =	sdelay $0x2  }
0x188: {  	[tilespmem:$0x620] =	vst v8  }
0x189: {  	v8 =	vld.idx.msk [tilespmem:v55+s25+$0x0], $0xffff  }
0x18a: {  	v57 =	vadd.s32 v4, v56  }
0x18b: {  	v58 =	vld [tilespmem:$0x5D0];
	_ =	sdelay $0x2  }
0x18c: {  	[tilespmem:$0x630] =	vst v8  }
0x18d: {  	v8 =	vld.idx.msk [tilespmem:v57+s25+$0x0], $0xffff  }
0x18e: {  	v59 =	vadd.s32 v5, v58  }
0x18f: {  	v60 =	vld [tilespmem:$0x5E0];
	_ =	sdelay $0x2  }
0x190: {  	[tilespmem:$0x640] =	vst v8  }
0x191: {  	v8 =	vld.idx.msk [tilespmem:v59+s25+$0x0], $0xffff  }
0x192: {  	v61 =	vadd.s32 v6, v60  }
0x193: {  	v62 =	vld [tilespmem:$0x5F0];
	_ =	sdelay $0x2  }
0x194: {  	[tilespmem:$0x650] =	vst v8  }
0x195: {  	v8 =	vld.idx.msk [tilespmem:v61+s25+$0x0], $0xffff  }
0x196: {  	v63 =	vadd.s32 v7, v62;
	_ =	sdelay $0x3  }
0x197: {  	[tilespmem:$0x660] =	vst v8  }
0x198: {  	v8 =	vld.idx.msk [tilespmem:v63+s25+$0x0], $0xffff;
	_ =	sdelay $0x4  }
0x199: {  	[tilespmem:$0x670] =	vst v8  }
0x19a: {  	[hbm4b:s14+s1] =	stream.linear.scatter [tilespmem:s28], [sflag:$0x3], $0x80, $0x38;
	[tilespmem:$0x8680] =	vst v63  }
0x19b: {  	_ =	swait.ge [sflag:s20], $0x80  }
0x19c: {  	[sflag:s20] =	ssyncset.done $0x0  }
0x19d: {  	[sflag:s20] =	ssyncadd.s32 $0xFFFFFF80  }
0x19e: {  	[tilespmem:s25], [sflag:$0x2] =	stream.indirect.gather [hbm4b:s5+s21], $0x80, s24, s21, $0xb8;
	[tilespmem:$0x8680] =	vst v63  }
0x19f: {  	_ =	swait.ge [sflag:s26], $0x4000  }
0x1a0: {  	[sflag:s26] =	ssyncset.done $0x0  }
0x1a1: {  	[sflag:s26] =	ssyncadd.s32 $0xFFFFC000  }
0x1a2: {  	v8 =	vld [tilespmem:$0x400];
	_ =	sdelay $0x4  }
0x1a3: {  	v8 =	vadd.s32 v0, v8  }
0x1a4: {  	v12 =	vld [tilespmem:$0x410];
	_ =	sdelay $0x3  }
0x1a5: {  	v8 =	vld.idx.msk [tilespmem:v8+s23+$0x0], $0xffff  }
0x1a6: {  	v9 =	vadd.s32 v1, v12  }
0x1a7: {  	v13 =	vld [tilespmem:$0x420];
	_ =	sdelay $0x2  }
0x1a8: {  	[tilespmem:$0x600] =	vst v8  }
0x1a9: {  	v8 =	vld.idx.msk [tilespmem:v9+s23+$0x0], $0xffff  }
0x1aa: {  	v14 =	vadd.s32 v2, v13  }
0x1ab: {  	v15 =	vld [tilespmem:$0x430];
	_ =	sdelay $0x2  }
0x1ac: {  	[tilespmem:$0x610] =	vst v8  }
0x1ad: {  	v8 =	vld.idx.msk [tilespmem:v14+s23+$0x0], $0xffff  }
0x1ae: {  	v16 =	vadd.s32 v3, v15  }
0x1af: {  	v17 =	vld [tilespmem:$0x440];
	_ =	sdelay $0x2  }
0x1b0: {  	[tilespmem:$0x620] =	vst v8  }
0x1b1: {  	v8 =	vld.idx.msk [tilespmem:v16+s23+$0x0], $0xffff  }
0x1b2: {  	v18 =	vadd.s32 v4, v17  }
0x1b3: {  	v19 =	vld [tilespmem:$0x450];
	_ =	sdelay $0x2  }
0x1b4: {  	[tilespmem:$0x630] =	vst v8  }
0x1b5: {  	v8 =	vld.idx.msk [tilespmem:v18+s23+$0x0], $0xffff  }
0x1b6: {  	v20 =	vadd.s32 v5, v19  }
0x1b7: {  	v21 =	vld [tilespmem:$0x460];
	_ =	sdelay $0x2  }
0x1b8: {  	[tilespmem:$0x640] =	vst v8  }
0x1b9: {  	v8 =	vld.idx.msk [tilespmem:v20+s23+$0x0], $0xffff  }
0x1ba: {  	v22 =	vadd.s32 v6, v21  }
0x1bb: {  	v23 =	vld [tilespmem:$0x470];
	_ =	sdelay $0x2  }
0x1bc: {  	[tilespmem:$0x650] =	vst v8  }
0x1bd: {  	v8 =	vld.idx.msk [tilespmem:v22+s23+$0x0], $0xffff  }
0x1be: {  	v24 =	vadd.s32 v7, v23;
	_ =	sdelay $0x3  }
0x1bf: {  	[tilespmem:$0x660] =	vst v8  }
0x1c0: {  	v8 =	vld.idx.msk [tilespmem:v24+s23+$0x0], $0xffff;
	_ =	sdelay $0x4  }
0x1c1: {  	[tilespmem:$0x670] =	vst v8  }
0x1c2: {  	[hbm4b:s15+s1] =	stream.linear.scatter [tilespmem:s28], [sflag:$0x3], $0x80, $0x38;
	[tilespmem:$0x8680] =	vst v63  }
0x1c3: {  	_ =	swait.ge [sflag:s20], $0x80  }
0x1c4: {  	[sflag:s20] =	ssyncset.done $0x0  }
0x1c5: {  	[sflag:s20] =	ssyncadd.s32 $0xFFFFFF80  }
0x1c6: {  	[tilespmem:s23], [sflag:$0x1] =	stream.indirect.gather [hbm4b:s5+s21], $0x80, s29, s21, $0xb8;
	[tilespmem:$0x8680] =	vst v63  }
0x1c7: {  	_ =	swait.ge [sflag:s30], $0x4000  }
0x1c8: {  	[sflag:s30] =	ssyncset.done $0x0  }
0x1c9: {  	[sflag:s30] =	ssyncadd.s32 $0xFFFFC000  }
0x1ca: {  	v8 =	vld [tilespmem:$0x480];
	_ =	sdelay $0x4  }
0x1cb: {  	v8 =	vadd.s32 v0, v8  }
0x1cc: {  	v25 =	vld [tilespmem:$0x490];
	_ =	sdelay $0x3  }
0x1cd: {  	v8 =	vld.idx.msk [tilespmem:v8+s25+$0x0], $0xffff  }
0x1ce: {  	v9 =	vadd.s32 v1, v25  }
0x1cf: {  	v26 =	vld [tilespmem:$0x4A0];
	_ =	sdelay $0x2  }
0x1d0: {  	[tilespmem:$0x600] =	vst v8  }
0x1d1: {  	v8 =	vld.idx.msk [tilespmem:v9+s25+$0x0], $0xffff  }
0x1d2: {  	v27 =	vadd.s32 v2, v26  }
0x1d3: {  	v28 =	vld [tilespmem:$0x4B0];
	_ =	sdelay $0x2  }
0x1d4: {  	[tilespmem:$0x610] =	vst v8  }
0x1d5: {  	v8 =	vld.idx.msk [tilespmem:v27+s25+$0x0], $0xffff  }
0x1d6: {  	v29 =	vadd.s32 v3, v28  }
0x1d7: {  	v30 =	vld [tilespmem:$0x4C0];
	_ =	sdelay $0x2  }
0x1d8: {  	[tilespmem:$0x620] =	vst v8  }
0x1d9: {  	v8 =	vld.idx.msk [tilespmem:v29+s25+$0x0], $0xffff  }
0x1da: {  	v31 =	vadd.s32 v4, v30  }
0x1db: {  	v32 =	vld [tilespmem:$0x4D0];
	_ =	sdelay $0x2  }
0x1dc: {  	[tilespmem:$0x630] =	vst v8  }
0x1dd: {  	v8 =	vld.idx.msk [tilespmem:v31+s25+$0x0], $0xffff  }
0x1de: {  	v33 =	vadd.s32 v5, v32  }
0x1df: {  	v34 =	vld [tilespmem:$0x4E0];
	_ =	sdelay $0x2  }
0x1e0: {  	[tilespmem:$0x640] =	vst v8  }
0x1e1: {  	v8 =	vld.idx.msk [tilespmem:v33+s25+$0x0], $0xffff  }
0x1e2: {  	v35 =	vadd.s32 v6, v34  }
0x1e3: {  	v36 =	vld [tilespmem:$0x4F0];
	_ =	sdelay $0x2  }
0x1e4: {  	[tilespmem:$0x650] =	vst v8  }
0x1e5: {  	v8 =	vld.idx.msk [tilespmem:v35+s25+$0x0], $0xffff  }
0x1e6: {  	v37 =	vadd.s32 v7, v36;
	_ =	sdelay $0x3  }
0x1e7: {  	[tilespmem:$0x660] =	vst v8  }
0x1e8: {  	v8 =	vld.idx.msk [tilespmem:v37+s25+$0x0], $0xffff;
	_ =	sdelay $0x4  }
0x1e9: {  	[tilespmem:$0x670] =	vst v8  }
0x1ea: {  	[hbm4b:s16+s1] =	stream.linear.scatter [tilespmem:s28], [sflag:$0x3], $0x80, $0x38;
	[tilespmem:$0x8680] =	vst v63  }
0x1eb: {  	_ =	swait.ge [sflag:s20], $0x80  }
0x1ec: {  	[sflag:s20] =	ssyncset.done $0x0  }
0x1ed: {  	[sflag:s20] =	ssyncadd.s32 $0xFFFFFF80  }
0x1ee: {  	[tilespmem:s25], [sflag:$0x2] =	stream.indirect.gather [hbm4b:s5+s21], $0x80, s31, s21, $0xb8;
	[tilespmem:$0x8680] =	vst v63  }
0x1ef: {  	_ =	swait.ge [sflag:s26], $0x4000  }
0x1f0: {  	[sflag:s26] =	ssyncset.done $0x0  }
0x1f1: {  	[sflag:s26] =	ssyncadd.s32 $0xFFFFC000  }
0x1f2: {  	v8 =	vld [tilespmem:$0x500];
	_ =	sdelay $0x4  }
0x1f3: {  	v8 =	vadd.s32 v0, v8  }
0x1f4: {  	v38 =	vld [tilespmem:$0x510];
	_ =	sdelay $0x3  }
0x1f5: {  	v8 =	vld.idx.msk [tilespmem:v8+s23+$0x0], $0xffff  }
0x1f6: {  	v9 =	vadd.s32 v1, v38  }
0x1f7: {  	v39 =	vld [tilespmem:$0x520];
	_ =	sdelay $0x2  }
0x1f8: {  	[tilespmem:$0x600] =	vst v8  }
0x1f9: {  	v8 =	vld.idx.msk [tilespmem:v9+s23+$0x0], $0xffff  }
0x1fa: {  	v40 =	vadd.s32 v2, v39  }
0x1fb: {  	v41 =	vld [tilespmem:$0x530];
	_ =	sdelay $0x2  }
0x1fc: {  	[tilespmem:$0x610] =	vst v8  }
0x1fd: {  	v8 =	vld.idx.msk [tilespmem:v40+s23+$0x0], $0xffff  }
0x1fe: {  	v42 =	vadd.s32 v3, v41  }
0x1ff: {  	v43 =	vld [tilespmem:$0x540];
	_ =	sdelay $0x2  }
0x200: {  	[tilespmem:$0x620] =	vst v8  }
0x201: {  	v8 =	vld.idx.msk [tilespmem:v42+s23+$0x0], $0xffff  }
0x202: {  	v44 =	vadd.s32 v4, v43  }
0x203: {  	v45 =	vld [tilespmem:$0x550];
	_ =	sdelay $0x2  }
0x204: {  	[tilespmem:$0x630] =	vst v8  }
0x205: {  	v8 =	vld.idx.msk [tilespmem:v44+s23+$0x0], $0xffff  }
0x206: {  	v46 =	vadd.s32 v5, v45  }
0x207: {  	v47 =	vld [tilespmem:$0x560];
	_ =	sdelay $0x2  }
0x208: {  	[tilespmem:$0x640] =	vst v8  }
0x209: {  	v8 =	vld.idx.msk [tilespmem:v46+s23+$0x0], $0xffff  }
0x20a: {  	v48 =	vadd.s32 v6, v47  }
0x20b: {  	v49 =	vld [tilespmem:$0x570];
	_ =	sdelay $0x2  }
0x20c: {  	[tilespmem:$0x650] =	vst v8  }
0x20d: {  	v8 =	vld.idx.msk [tilespmem:v48+s23+$0x0], $0xffff  }
0x20e: {  	v50 =	vadd.s32 v7, v49;
	_ =	sdelay $0x3  }
0x20f: {  	[tilespmem:$0x660] =	vst v8  }
0x210: {  	v8 =	vld.idx.msk [tilespmem:v50+s23+$0x0], $0xffff;
	_ =	sdelay $0x4  }
0x211: {  	[tilespmem:$0x670] =	vst v8  }
0x212: {  	[hbm4b:s17+s1] =	stream.linear.scatter [tilespmem:s28], [sflag:$0x3], $0x80, $0x38;
	[tilespmem:$0x8680] =	vst v63  }
0x213: {  	_ =	swait.ge [sflag:s20], $0x80  }
0x214: {  	[sflag:s20] =	ssyncset.done $0x0  }
0x215: {  	[sflag:s20] =	ssyncadd.s32 $0xFFFFFF80  }
0x216: {  	_ =	swait.ge [sflag:s30], $0x4000  }
0x217: {  	[sflag:s30] =	ssyncset.done $0x0  }
0x218: {  	[sflag:s30] =	ssyncadd.s32 $0xFFFFC000  }
0x219: {  	v8 =	vld [tilespmem:$0x580];
	_ =	sdelay $0x4  }
0x21a: {  	v8 =	vadd.s32 v0, v8  }
0x21b: {  	v51 =	vld [tilespmem:$0x590];
	_ =	sdelay $0x3  }
0x21c: {  	v8 =	vld.idx.msk [tilespmem:v8+s25+$0x0], $0xffff  }
0x21d: {  	v9 =	vadd.s32 v1, v51  }
0x21e: {  	v52 =	vld [tilespmem:$0x5A0];
	_ =	sdelay $0x2  }
0x21f: {  	[tilespmem:$0x600] =	vst v8  }
0x220: {  	v8 =	vld.idx.msk [tilespmem:v9+s25+$0x0], $0xffff  }
0x221: {  	v53 =	vadd.s32 v2, v52  }
0x222: {  	v54 =	vld [tilespmem:$0x5B0];
	_ =	sdelay $0x2  }
0x223: {  	[tilespmem:$0x610] =	vst v8  }
0x224: {  	v8 =	vld.idx.msk [tilespmem:v53+s25+$0x0], $0xffff  }
0x225: {  	v55 =	vadd.s32 v3, v54  }
0x226: {  	v56 =	vld [tilespmem:$0x5C0];
	_ =	sdelay $0x2  }
0x227: {  	[tilespmem:$0x620] =	vst v8  }
0x228: {  	v8 =	vld.idx.msk [tilespmem:v55+s25+$0x0], $0xffff  }
0x229: {  	v57 =	vadd.s32 v4, v56  }
0x22a: {  	v58 =	vld [tilespmem:$0x5D0];
	_ =	sdelay $0x2  }
0x22b: {  	[tilespmem:$0x630] =	vst v8  }
0x22c: {  	v8 =	vld.idx.msk [tilespmem:v57+s25+$0x0], $0xffff  }
0x22d: {  	v59 =	vadd.s32 v5, v58  }
0x22e: {  	v60 =	vld [tilespmem:$0x5E0];
	_ =	sdelay $0x2  }
0x22f: {  	[tilespmem:$0x640] =	vst v8  }
0x230: {  	v8 =	vld.idx.msk [tilespmem:v59+s25+$0x0], $0xffff  }
0x231: {  	v61 =	vadd.s32 v6, v60  }
0x232: {  	v62 =	vld [tilespmem:$0x5F0];
	_ =	sdelay $0x2  }
0x233: {  	[tilespmem:$0x650] =	vst v8  }
0x234: {  	v8 =	vld.idx.msk [tilespmem:v61+s25+$0x0], $0xffff  }
0x235: {  	v63 =	vadd.s32 v7, v62;
	_ =	sdelay $0x3  }
0x236: {  	[tilespmem:$0x660] =	vst v8  }
0x237: {  	v8 =	vld.idx.msk [tilespmem:v63+s25+$0x0], $0xffff;
	_ =	sdelay $0x3  }
0x238: {  	p0 =	sne.s32 s19, $0x1  }
.Ltmp0:
0x239: {  	[tilespmem:$0x670] =	vst v8;
	(pc) =	sbr.rel @p0 .LBB2_1-.Ltmp0, $4  }
0x23a: {  	[hbm4b:s18+s1] =	stream.linear.scatter [tilespmem:s28], [sflag:$0x3], $0x80, $0x38;
	[tilespmem:$0x8680] =	vst v63  }
0x23b: {  	_ =	swait.ge [sflag:s20], $0x80  }
0x23c: {  	[sflag:s20] =	ssyncset.done $0x0  }
0x23d: {  	s19 =	sadd.s32 $0xFFFFFFFF, s19;
	[sflag:s20] =	ssyncadd.s32 $0xFFFFFF80  }
0x23e: {  	_ =	sfence.sel $0x180000  }
0x23f: {  	[bflag:$0x0] =	sbarrier.arrive $0xFFFF  }
0x240: {  	p0 =	sne.s32 s2, $0x0;
	_ =	strace $0x9000004A  }
0x241: {  	s0 =	sadd.s32 @!p0 $0x100000, s0;
	[bflag:$0x2] =	sbarrier.arrive $0xFFFF  }
0x242: {  	[sflag:s0] =	ssyncadd.tile.s32 @!p0 $0x1;
	_ =	shalt  }
.Lfunc_end2:
_tile_overlayer_lowered:
.L_overlay_start_2:
0x243: {  	(tag) =	ssettag $0x2  }
0x244: {  	s0 =	rddreg [dreg:$0x0];
	s2 =	stileid.u32  }
0x245: {  	s1 =	rddreg [dreg:$0x1];
	p0 =	sne.s32 s2, $0x0  }
0x246: {  	s3 =	rddreg [dreg:$0x2];
	[bflag:$0x3] =	sbarrier.arrive $0xFFFF;
	s2 =	simm.s32 @!p0 $0x1C03  }
0x247: {  	[timem:s3], [sflag:s2] =	dma.local @!p0 [hbm:s0], s1  }
0x248: {  	s0 =	simm.s32 @!p0 $0x3  }
0x249: {  	_ =	swait.ge @!p0 [sflag:s0], s1  }
0x24a: {  	s1 =	ssub.s32 @!p0 $0x0, s1;
	[sflag:s0] =	ssyncset.done @!p0 $0x0  }
0x24b: {  	[sflag:s0] =	ssyncadd.s32 @!p0 s1  }
0x24c: {  	[bflag:$0x3] =	sbarrier.arrive $0xFFFF  }
0x24d: {  	_ =	shalt  }

</sc_bundles>
